<compile_context>
chip_gen: v7x
topology: tpu7x:2x2x1
jax: 0.10.2.dev20260603
libtpu: 0.0.44.dev20260713+nightly
codegen_flags: <defaults>
</compile_context>

<pallas_src>
import functools

import jax
import jax.numpy as jnp
from jax import lax
from jax.experimental import pallas as pl
from jax.experimental.pallas import tpu as pltpu
from jax.experimental.pallas import tpu_sc as plsc

N = 10000
E = 160000
D = 256
H = 4
C = 64

NC = 2
NS = 16
NW = NC * NS

ACC_W = 128
CHUNK = 128
NHALF = N // NC
AUXN = NHALF + 8
ART = 320

NCH = E // CHUNK
G_FULL = NCH // NW
G_EXTRA = NCH - G_FULL * NW
S_FULL = NCH // NS
S_EXTRA = NCH - S_FULL * NS

RPT = 632

_MESH = plsc.VectorSubcoreMesh(
    core_axis_name="c", subcore_axis_name="s", num_cores=NC, num_subcores=NS
)


@functools.partial(
    pl.kernel,
    out_type=(
        jax.ShapeDtypeStruct((E, D), jnp.float32),
        jax.ShapeDtypeStruct((E, D), jnp.float32),
    ),
    mesh=_MESH,
    scratch_types=[
        pltpu.VMEM((CHUNK,), jnp.int32),
        pltpu.VMEM((CHUNK, D), jnp.float32),
        pltpu.SemaphoreType.DMA,
    ],
)
def _sc_gather(xl_tab, xr_tab, src, dst, xj_out, xi_out, idx_v, rows_v, sem):
    cid = lax.axis_index("c")
    sid = lax.axis_index("s")
    wid = sid * NC + cid

    def do(idxsrc, tab, out, off, idxbuf, rowbuf):
        pltpu.sync_copy(idxsrc.at[pl.ds(off, CHUNK)], idxbuf)
        pltpu.async_copy(tab.at[idxbuf], rowbuf, sem).wait()
        pltpu.sync_copy(rowbuf, out.at[pl.ds(off, CHUNK)])

    def both(chunk_id):
        off = chunk_id * CHUNK
        do(src, xl_tab, xj_out, off, idx_v, rows_v)
        do(dst, xr_tab, xi_out, off, idx_v, rows_v)

    def step(i, carry):
        both(wid + i * NW)
        return carry

    lax.fori_loop(0, G_FULL, step, 0)

    @pl.when(wid < G_EXTRA)
    def _():
        both(G_FULL * NW + wid)


@functools.partial(
    pl.kernel,
    out_type=(
        jax.ShapeDtypeStruct((2, N, ACC_W), jnp.float32),
        jax.ShapeDtypeStruct((2, AUXN, ACC_W), jnp.float32),
    ),
    mesh=_MESH,
    scratch_types=[
        pltpu.VMEM((CHUNK,), jnp.int32),
        pltpu.VMEM((CHUNK,), jnp.int32),
        pltpu.VMEM((CHUNK, ACC_W), jnp.float32),
        pltpu.VMEM_SHARED((N, ACC_W), jnp.float32),
        pltpu.SemaphoreType.DMA,
    ],
)
def _sc_scatter(contrib0, contrib1, caux, dst, zeros, acc_out, aux_out,
                idx_v, lidx_v, crow_v, acc_s, sem):
    cid = lax.axis_index("c")
    sid = lax.axis_index("s")
    rbase = jnp.minimum(sid * RPT, N - RPT)
    abase = jnp.minimum(sid * ART, AUXN - ART)
    nlo = cid * NHALF

    def edge_loop(body):
        def step(i, carry):
            body((sid + i * NS) * CHUNK, idx_v, lidx_v, crow_v, CHUNK)
            return carry

        lax.fori_loop(0, S_FULL, step, 0)

        @pl.when(sid < S_EXTRA)
        def _():
            body((S_FULL * NS + sid) * CHUNK, idx_v, lidx_v, crow_v, CHUNK)

    def run(contrib, plane):
        pltpu.sync_copy(zeros.at[pl.ds(rbase, RPT)], acc_s.at[pl.ds(rbase, RPT)])
        plsc.subcore_barrier()

        def msg_chunk(off, idxbuf, lidxbuf, crowbuf, sz):
            pltpu.sync_copy(dst.at[pl.ds(off, sz)], idxbuf)
            pltpu.sync_copy(contrib.at[pl.ds(off, sz)], crowbuf)
            pltpu.sync_copy(crowbuf, acc_s.at[idxbuf], add=True)

        edge_loop(msg_chunk)
        plsc.subcore_barrier()
        pltpu.sync_copy(acc_s.at[pl.ds(rbase, RPT)],
                        acc_out.at[plane, pl.ds(rbase, RPT)])
        plsc.subcore_barrier()

        pltpu.sync_copy(zeros.at[pl.ds(abase, ART)], acc_s.at[pl.ds(abase, ART)])
        plsc.subcore_barrier()

        def aux_chunk(off, idxbuf, lidxbuf, crowbuf, sz):
            pltpu.sync_copy(dst.at[pl.ds(off, sz)], idxbuf)
            for j in range(sz // 16):
                v = idxbuf[pl.ds(j * 16, 16)] - nlo
                ok = (v >= 0) & (v < NHALF)
                lidxbuf[pl.ds(j * 16, 16)] = jnp.where(ok, v, NHALF)
            pltpu.sync_copy(caux.at[pl.ds(off, sz)], crowbuf)
            pltpu.sync_copy(crowbuf, acc_s.at[lidxbuf], add=True)

        edge_loop(aux_chunk)
        plsc.subcore_barrier()
        pltpu.sync_copy(acc_s.at[pl.ds(abase, ART)],
                        aux_out.at[plane, pl.ds(abase, ART)])

    @pl.when(cid == 0)
    def _():
        run(contrib0, 0)

    @pl.when(cid == 1)
    def _():
        run(contrib1, 1)


_RB = 1000
_EB = 2000


def _enc_body(x_ref, w1_ref, b1_ref, g1_ref, be1_ref, w2_ref, b2_ref, o_ref):
    a = jnp.dot(x_ref[...], w1_ref[...], preferred_element_type=jnp.float32)
    a = a + b1_ref[...]
    mu = jnp.mean(a, axis=-1, keepdims=True)
    var = jnp.mean((a - mu) * (a - mu), axis=-1, keepdims=True)
    a = (a - mu) * lax.rsqrt(var + 1e-5) * g1_ref[...] + be1_ref[...]
    a = jnp.maximum(a, 0.0)
    b = jnp.dot(a, w2_ref[...], preferred_element_type=jnp.float32)
    o_ref[...] = jnp.maximum(b + b2_ref[...], 0.0)


def _encoder(x, w1t, b1, g1, be1, w2t, b2):
    k = pl.pallas_call(
        _enc_body,
        grid=(N // _RB,),
        in_specs=[
            pl.BlockSpec((_RB, D), lambda i: (i, 0)),
            pl.BlockSpec((D, 512), lambda i: (0, 0)),
            pl.BlockSpec((1, 512), lambda i: (0, 0)),
            pl.BlockSpec((1, 512), lambda i: (0, 0)),
            pl.BlockSpec((1, 512), lambda i: (0, 0)),
            pl.BlockSpec((512, D), lambda i: (0, 0)),
            pl.BlockSpec((1, D), lambda i: (0, 0)),
        ],
        out_specs=pl.BlockSpec((_RB, D), lambda i: (i, 0)),
        out_shape=jax.ShapeDtypeStruct((N, D), jnp.float32),
    )
    return k(x, w1t, b1, g1, be1, w2t, b2)


def _proj_body(h_ref, wl_ref, bl_ref, wr_ref, br_ref, xl_ref, xr_ref):
    hv = h_ref[...]
    xl_ref[...] = jnp.dot(hv, wl_ref[...], preferred_element_type=jnp.float32) + bl_ref[...]
    xr_ref[...] = jnp.dot(hv, wr_ref[...], preferred_element_type=jnp.float32) + br_ref[...]


def _proj(h, wlt, bl, wrt, br):
    k = pl.pallas_call(
        _proj_body,
        grid=(N // _RB,),
        in_specs=[
            pl.BlockSpec((_RB, D), lambda i: (i, 0)),
            pl.BlockSpec((D, D), lambda i: (0, 0)),
            pl.BlockSpec((1, D), lambda i: (0, 0)),
            pl.BlockSpec((D, D), lambda i: (0, 0)),
            pl.BlockSpec((1, D), lambda i: (0, 0)),
        ],
        out_specs=[
            pl.BlockSpec((_RB, D), lambda i: (i, 0)),
            pl.BlockSpec((_RB, D), lambda i: (i, 0)),
        ],
        out_shape=[
            jax.ShapeDtypeStruct((N, D), jnp.float32),
            jax.ShapeDtypeStruct((N, D), jnp.float32),
        ],
    )
    return k(h, wlt, bl, wrt, br)


def _edge_body(xj_ref, xi_ref, w_ref, wev_ref, att_ref, c0_ref, c1_ref, ca_ref):
    xj = xj_ref[...]
    w = w_ref[...]
    s = xj + xi_ref[...] + w * wev_ref[...]
    m = jnp.where(s > 0.0, s, 0.2 * s)
    am = m * att_ref[...]
    ones = jnp.ones_like(w)
    pad = jnp.zeros((xj.shape[0], ACC_W - 6), dtype=jnp.float32)

    ex = []
    for h in range(H):
        ah = jnp.sum(am[:, h * C:(h + 1) * C], axis=-1, keepdims=True)
        ex.append(jnp.exp(ah))
    c0_ref[...] = jnp.concatenate(
        [xj[:, 0:C] * ex[0], xj[:, C:2 * C] * ex[1]], axis=-1)
    c1_ref[...] = jnp.concatenate(
        [xj[:, 2 * C:3 * C] * ex[2], xj[:, 3 * C:4 * C] * ex[3]], axis=-1)
    ca_ref[...] = jnp.concatenate(ex + [ones, w, pad], axis=-1)


def _edge_stage(xj, xi, w, wev, attv):
    k = pl.pallas_call(
        _edge_body,
        grid=(E // _EB,),
        in_specs=[
            pl.BlockSpec((_EB, D), lambda i: (i, 0)),
            pl.BlockSpec((_EB, D), lambda i: (i, 0)),
            pl.BlockSpec((_EB, 1), lambda i: (i, 0)),
            pl.BlockSpec((1, D), lambda i: (0, 0)),
            pl.BlockSpec((1, D), lambda i: (0, 0)),
        ],
        out_specs=[
            pl.BlockSpec((_EB, ACC_W), lambda i: (i, 0)),
            pl.BlockSpec((_EB, ACC_W), lambda i: (i, 0)),
            pl.BlockSpec((_EB, ACC_W), lambda i: (i, 0)),
        ],
        out_shape=[
            jax.ShapeDtypeStruct((E, ACC_W), jnp.float32),
            jax.ShapeDtypeStruct((E, ACC_W), jnp.float32),
            jax.ShapeDtypeStruct((E, ACC_W), jnp.float32),
        ],
    )
    return k(xj, xi, w, wev, attv)


def _fin_body(a0_ref, a1_ref, aux_ref, xl_ref, xr_ref, wev_ref, att_ref,
              bias_ref, o_ref):
    a0 = a0_ref[...]
    a1 = a1_ref[...]
    aux = aux_ref[...]
    xl = xl_ref[...]
    cnt = aux[:, 4:5]
    wsum = aux[:, 5:6]
    loop_attr = wsum / jnp.maximum(cnt, 1.0)
    s = xl + xr_ref[...] + loop_attr * wev_ref[...]
    m = jnp.where(s > 0.0, s, 0.2 * s)
    am = m * att_ref[...]

    outs = []
    for h in range(H):
        acc = a0 if h < 2 else a1
        al = jnp.sum(am[:, h * C:(h + 1) * C], axis=-1, keepdims=True)
        exl = jnp.exp(al)
        num = acc[:, (h % 2) * C:(h % 2 + 1) * C] + xl[:, h * C:(h + 1) * C] * exl
        den = aux[:, h:h + 1] + exl
        outs.append(num / jnp.maximum(den, 1e-16))
    o_ref[...] = jnp.concatenate(outs, axis=-1) + bias_ref[...]


def _finalize(acc0, acc1, aux, xl, xr, wev, attv, bias):
    k = pl.pallas_call(
        _fin_body,
        grid=(N // _RB,),
        in_specs=[
            pl.BlockSpec((_RB, ACC_W), lambda i: (i, 0)),
            pl.BlockSpec((_RB, ACC_W), lambda i: (i, 0)),
            pl.BlockSpec((_RB, ACC_W), lambda i: (i, 0)),
            pl.BlockSpec((_RB, D), lambda i: (i, 0)),
            pl.BlockSpec((_RB, D), lambda i: (i, 0)),
            pl.BlockSpec((1, D), lambda i: (0, 0)),
            pl.BlockSpec((1, D), lambda i: (0, 0)),
            pl.BlockSpec((1, D), lambda i: (0, 0)),
        ],
        out_specs=pl.BlockSpec((_RB, D), lambda i: (i, 0)),
        out_shape=jax.ShapeDtypeStruct((N, D), jnp.float32),
    )
    return k(acc0, acc1, aux, xl, xr, wev, attv, bias)


def _dec_body(h_ref, w1_ref, b1_ref, g1_ref, be1_ref, w2_ref, b2_ref, o_ref):
    a = jnp.dot(h_ref[...], w1_ref[...], preferred_element_type=jnp.float32)
    a = a + b1_ref[...]
    mu = jnp.mean(a, axis=-1, keepdims=True)
    var = jnp.mean((a - mu) * (a - mu), axis=-1, keepdims=True)
    a = (a - mu) * lax.rsqrt(var + 1e-5) * g1_ref[...] + be1_ref[...]
    a = jnp.maximum(a, 0.0)
    o_ref[...] = jnp.dot(a, w2_ref[...], preferred_element_type=jnp.float32) + b2_ref[...]


def _decoder(h, w1t, b1, g1, be1, w2t, b2):
    k = pl.pallas_call(
        _dec_body,
        grid=(N // _RB,),
        in_specs=[
            pl.BlockSpec((_RB, D), lambda i: (i, 0)),
            pl.BlockSpec((D, D), lambda i: (0, 0)),
            pl.BlockSpec((1, D), lambda i: (0, 0)),
            pl.BlockSpec((1, D), lambda i: (0, 0)),
            pl.BlockSpec((1, D), lambda i: (0, 0)),
            pl.BlockSpec((D, 128), lambda i: (0, 0)),
            pl.BlockSpec((1, 128), lambda i: (0, 0)),
        ],
        out_specs=pl.BlockSpec((_RB, 128), lambda i: (i, 0)),
        out_shape=jax.ShapeDtypeStruct((N, 128), jnp.float32),
    )
    return k(h, w1t, b1, g1, be1, w2t, b2)


def _gat_layer(h, src, dst, edge_weight, zeros, Wl, bl, Wr, br, We, att, bias):
    wev = We.reshape(1, D)
    attv = att.reshape(1, D)
    xl, xr = _proj(h, Wl.T, bl.reshape(1, D), Wr.T, br.reshape(1, D))
    xj, xi = _sc_gather(xl, xr, src, dst)
    c0, c1, caux = _edge_stage(xj, xi, edge_weight, wev, attv)
    acc, aux = _sc_scatter(c0, c1, caux, dst, zeros)
    aux_full = jnp.concatenate([aux[0, :NHALF], aux[1, :NHALF]], axis=0)
    return _finalize(acc[0], acc[1], aux_full, xl, xr, wev, attv,
                     bias.reshape(1, D))


def kernel(x, edge_index, edge_weight, enc_W1, enc_b1, enc_g1, enc_be1, enc_W2, enc_b2,
           g1_Wl, g1_bl, g1_Wr, g1_br, g1_We, g1_att, g1_bias,
           g2_Wl, g2_bl, g2_Wr, g2_br, g2_We, g2_att, g2_bias,
           dec_W1, dec_b1, dec_g1, dec_be1, dec_W2, dec_b2):
    src = edge_index[0]
    dst = edge_index[1]
    zeros = jnp.zeros((N, ACC_W), dtype=jnp.float32)
    h = _encoder(x, enc_W1.T, enc_b1.reshape(1, 512), enc_g1.reshape(1, 512),
                 enc_be1.reshape(1, 512), enc_W2.T, enc_b2.reshape(1, D))
    h = _gat_layer(h, src, dst, edge_weight, zeros,
                   g1_Wl, g1_bl, g1_Wr, g1_br, g1_We, g1_att, g1_bias)
    h = _gat_layer(h, src, dst, edge_weight, zeros,
                   g2_Wl, g2_bl, g2_Wr, g2_br, g2_We, g2_att, g2_bias)
    return _decoder(h, dec_W1.T, dec_b1.reshape(1, D), dec_g1.reshape(1, D),
                    dec_be1.reshape(1, D), dec_W2.T, dec_b2.reshape(1, 128))

# --- scband reference (transcript-rebuilt; emitter-appended) ---
"""Pipeline reference for scband-cx-ne-deprecated-45732811767853 (READ-ONLY COPY).

The authoritative reference and input builder live on the scoring server;
editing this copy changes nothing except your own understanding.
"""

import jax, jax.numpy as jnp
import numpy as np

N = 10000
E = 160000
D = 256
H = 4
C = 64


def _ln(x, g, b):
    mu = jnp.mean(x, axis=-1, keepdims=True)
    var = jnp.var(x, axis=-1, keepdims=True)
    return (x - mu) / jnp.sqrt(var + 1e-5) * g + b


def _gatv2(x, edge_index, edge_attr, Wl, bl, Wr, br, We, att, bias):
    # PyG GATv2Conv with concat=True, heads=H, edge_dim=1, add_self_loops=True (fill_value='mean')
    src = edge_index[0]
    dst = edge_index[1]
    n = x.shape[0]
    deg = jax.ops.segment_sum(jnp.ones_like(src, dtype=x.dtype), dst, num_segments=n)
    loop_attr = jax.ops.segment_sum(edge_attr, dst, num_segments=n) / jnp.maximum(deg, 1.0)[:, None]
    loop = jnp.arange(n, dtype=src.dtype)
    src2 = jnp.concatenate([src, loop])
    dst2 = jnp.concatenate([dst, loop])
    ea = jnp.concatenate([edge_attr, loop_attr], axis=0)
    x_l = (x @ Wl.T + bl).reshape(n, H, C)
    x_r = (x @ Wr.T + br).reshape(n, H, C)
    xj = x_l[src2]
    xi = x_r[dst2]
    e = (ea @ We.T).reshape(-1, H, C)
    m = jax.nn.leaky_relu(xj + xi + e, negative_slope=0.2)
    alpha = jnp.sum(m * att, axis=-1)
    amax = jax.ops.segment_max(alpha, dst2, num_segments=n)
    amax = jnp.where(jnp.isfinite(amax), amax, 0.0)
    ex = jnp.exp(alpha - amax[dst2])
    denom = jax.ops.segment_sum(ex, dst2, num_segments=n)
    a = ex / jnp.maximum(denom[dst2], 1e-16)
    out = jax.ops.segment_sum(xj * a[:, :, None], dst2, num_segments=n)
    return out.reshape(n, H * C) + bias


def setup_inputs(seed: int = 0):
    key = jax.random.key(seed)
    ks = jax.random.split(key, 32)
    s = 0.05
    inp = {}
    inp["x"] = jax.random.normal(ks[0], (N, D), dtype=jnp.float32)
    inp["edge_index"] = jax.random.randint(ks[1], (2, E), 0, N, dtype=jnp.int32)
    inp["edge_weight"] = jax.random.uniform(ks[2], (E, 1), dtype=jnp.float32)
    # encoder MLP: Linear(256,512) + LN + ReLU + Linear(512,256) + ReLU
    inp["enc_W1"] = jax.random.normal(ks[3], (512, D), dtype=jnp.float32) * s
    inp["enc_b1"] = jnp.zeros((512,), dtype=jnp.float32)
    inp["enc_g1"] = jnp.ones((512,), dtype=jnp.float32)
    inp["enc_be1"] = jnp.zeros((512,), dtype=jnp.float32)
    inp["enc_W2"] = jax.random.normal(ks[4], (256, 512), dtype=jnp.float32) * s
    inp["enc_b2"] = jnp.zeros((256,), dtype=jnp.float32)
    # GATv2 layer 1: in 256, heads 4, out-per-head 64
    inp["g1_Wl"] = jax.random.normal(ks[5], (256, 256), dtype=jnp.float32) * s
    inp["g1_bl"] = jnp.zeros((256,), dtype=jnp.float32)
    inp["g1_Wr"] = jax.random.normal(ks[6], (256, 256), dtype=jnp.float32) * s
    inp["g1_br"] = jnp.zeros((256,), dtype=jnp.float32)
    inp["g1_We"] = jax.random.normal(ks[7], (256, 1), dtype=jnp.float32) * s
    inp["g1_att"] = jax.random.normal(ks[8], (H, C), dtype=jnp.float32) * s
    inp["g1_bias"] = jnp.zeros((256,), dtype=jnp.float32)
    # GATv2 layer 2
    inp["g2_Wl"] = jax.random.normal(ks[9], (256, 256), dtype=jnp.float32) * s
    inp["g2_bl"] = jnp.zeros((256,), dtype=jnp.float32)
    inp["g2_Wr"] = jax.random.normal(ks[10], (256, 256), dtype=jnp.float32) * s
    inp["g2_br"] = jnp.zeros((256,), dtype=jnp.float32)
    inp["g2_We"] = jax.random.normal(ks[11], (256, 1), dtype=jnp.float32) * s
    inp["g2_att"] = jax.random.normal(ks[12], (H, C), dtype=jnp.float32) * s
    inp["g2_bias"] = jnp.zeros((256,), dtype=jnp.float32)
    # decoder MLP: Linear(256,256) + LN + ReLU + Linear(256,128)
    inp["dec_W1"] = jax.random.normal(ks[13], (256, 256), dtype=jnp.float32) * s
    inp["dec_b1"] = jnp.zeros((256,), dtype=jnp.float32)
    inp["dec_g1"] = jnp.ones((256,), dtype=jnp.float32)
    inp["dec_be1"] = jnp.zeros((256,), dtype=jnp.float32)
    inp["dec_W2"] = jax.random.normal(ks[14], (128, 256), dtype=jnp.float32) * s
    inp["dec_b2"] = jnp.zeros((128,), dtype=jnp.float32)
    return inp


def reference(x, edge_index, edge_weight, enc_W1, enc_b1, enc_g1, enc_be1, enc_W2, enc_b2,
              g1_Wl, g1_bl, g1_Wr, g1_br, g1_We, g1_att, g1_bias,
              g2_Wl, g2_bl, g2_Wr, g2_br, g2_We, g2_att, g2_bias,
              dec_W1, dec_b1, dec_g1, dec_be1, dec_W2, dec_b2):
    # encoder
    h = jax.nn.relu(_ln(x @ enc_W1.T + enc_b1, enc_g1, enc_be1))
    h = jax.nn.relu(h @ enc_W2.T + enc_b2)
    # GAT stack (batch_norm flags False -> no norm/act between convs)
    h = _gatv2(h, edge_index, edge_weight, g1_Wl, g1_bl, g1_Wr, g1_br, g1_We, g1_att, g1_bias)
    h = _gatv2(h, edge_index, edge_weight, g2_Wl, g2_bl, g2_Wr, g2_br, g2_We, g2_att, g2_bias)
    # decoder
    h = jax.nn.relu(_ln(h @ dec_W1.T + dec_b1, dec_g1, dec_be1))
    h = h @ dec_W2.T + dec_b2
    return h

if __name__ == "__main__":
    import jax
    _d = setup_inputs()
    print(jax.jit(kernel)(*tuple(_d.values())))

</pallas_src>

<mosaic_0001>
#map = affine_map<(d0, d1) -> (0, 0)>
#map1 = affine_map<(d0, d1) -> (0)>
module attributes {stable_mosaic.version = 14 : i64} {
  func.func @_sc_gather(%arg0: i32, %arg1: i32, %arg2: memref<10000x256xf32, #tpu.memory_space<hbm>>, %arg3: memref<10000x256xf32, #tpu.memory_space<hbm>>, %arg4: memref<160000xi32, #tpu.memory_space<hbm>>, %arg5: memref<160000xi32, #tpu.memory_space<hbm>>, %arg6: memref<160000x256xf32, #tpu.memory_space<hbm>>, %arg7: memref<160000x256xf32, #tpu.memory_space<hbm>>, %arg8: memref<128xi32, #tpu.memory_space<vmem>>, %arg9: memref<128x256xf32, #tpu.memory_space<vmem>>, %arg10: memref<!tpu.dma_semaphore, #tpu.memory_space<semaphore_mem>>) attributes {dimension_semantics = [#tpu.dimension_semantics<core_parallel>, #tpu.dimension_semantics<subcore_parallel>], iteration_bounds = array<i64: 2, 16>, scalar_prefetch = 0 : i64, scratch_operands = 3 : i64, tpu.core_type = #tpu.core_type<sc_vector_subcore>, window_params = [{transform_indices = #map}, {transform_indices = #map}, {transform_indices = #map1}, {transform_indices = #map1}, {transform_indices = #map}, {transform_indices = #map}]} {
    %mul3A = arith.constant 2 : i32
    %mul3A_0 = arith.muli %arg1, %mul3A : i32
    %add3A = arith.addi %mul3A_0, %arg0 : i32
    %scan3A = arith.constant 0 : i32
    %scan3A_1 = arith.constant 0 : i32
    %scan3A_2 = arith.constant 39 : i32
    %scan3A_3 = arith.addi %scan3A_1, %scan3A_2 : i32
    %scan3A_4 = arith.constant 1 : i32
    scf.for %scan3A_8 = %scan3A_1 to %scan3A_3 step %scan3A_4  : i32 {
      %mul3A_9 = arith.constant 32 : i32
      %mul3A_10 = arith.muli %scan3A_8, %mul3A_9 : i32
      %add3A_11 = arith.addi %add3A, %mul3A_10 : i32
      %mul3A_12 = arith.constant 128 : i32
      %mul3A_13 = arith.muli %add3A_11, %mul3A_12 : i32
      "tpu.region"() ({
        %run_scoped3A = tpu.sem_alloc : memref<!tpu.dma_semaphore, #tpu.memory_space<semaphore_mem>>
        %dma_start3A_24 = tpu.memref_slice %arg4[%mul3A_13] : memref<160000xi32, #tpu.memory_space<hbm>> -> memref<128xi32, #tpu.memory_space<hbm>>
        %dma_start3A_25 = tpu.memref_slice %arg4[%mul3A_13] : memref<160000xi32, #tpu.memory_space<hbm>> -> memref<128xi32, #tpu.memory_space<hbm>>
        tpu.enqueue_dma source(%dma_start3A_25 : memref<128xi32, #tpu.memory_space<hbm>>) target(%arg8 : memref<128xi32, #tpu.memory_space<vmem>>) target_semaphore(%run_scoped3A : memref<!tpu.dma_semaphore, #tpu.memory_space<semaphore_mem>>)
        %dma_wait3A_26 = tpu.memref_slice %arg4[%mul3A_13] : memref<160000xi32, #tpu.memory_space<hbm>> -> memref<128xi32, #tpu.memory_space<hbm>>
        %dma_wait3A_27 = tpu.memref_slice %arg4[%mul3A_13] : memref<160000xi32, #tpu.memory_space<hbm>> -> memref<128xi32, #tpu.memory_space<hbm>>
        tpu.wait_dma2 semaphore(%run_scoped3A : memref<!tpu.dma_semaphore, #tpu.memory_space<semaphore_mem>>) src(%dma_wait3A_27 : memref<128xi32, #tpu.memory_space<hbm>>) dst(%arg8 : memref<128xi32, #tpu.memory_space<vmem>>)
        tpu.yield
      }) : () -> ()
      %dma_start3A = arith.constant 0 : i32
      %dma_start3A_14 = arith.constant 0 : i32
      %dma_start3A_15 = tpu.memref_slice %arg2[%dma_start3A, %dma_start3A_14] : memref<10000x256xf32, #tpu.memory_space<hbm>> -> memref<10000x256xf32, #tpu.memory_space<hbm>>
      tpu.enqueue_indirect_dma source(%dma_start3A_15 : memref<10000x256xf32, #tpu.memory_space<hbm>>) target(%arg9 : memref<128x256xf32, #tpu.memory_space<vmem>>) offsets(%arg8 : memref<128xi32, #tpu.memory_space<vmem>>) semaphore(%arg10 : memref<!tpu.dma_semaphore, #tpu.memory_space<semaphore_mem>>)
      %dma_wait3A = arith.constant 0 : i32
      %dma_wait3A_16 = arith.constant 0 : i32
      %dma_wait3A_17 = tpu.memref_slice %arg2[%dma_wait3A, %dma_wait3A_16] : memref<10000x256xf32, #tpu.memory_space<hbm>> -> memref<10000x256xf32, #tpu.memory_space<hbm>>
      tpu.wait_indirect_dma semaphore(%arg10 : memref<!tpu.dma_semaphore, #tpu.memory_space<semaphore_mem>>) src(%dma_wait3A_17 : memref<10000x256xf32, #tpu.memory_space<hbm>>) dst(%arg9 : memref<128x256xf32, #tpu.memory_space<vmem>>)
      "tpu.region"() ({
        %run_scoped3A = tpu.sem_alloc : memref<!tpu.dma_semaphore, #tpu.memory_space<semaphore_mem>>
        %dma_start3A_24 = arith.constant 0 : i32
        %dma_start3A_25 = tpu.memref_slice %arg6[%mul3A_13, %dma_start3A_24] : memref<160000x256xf32, #tpu.memory_space<hbm>> -> memref<128x256xf32, #tpu.memory_space<hbm>>
        %dma_start3A_26 = arith.constant 0 : i32
        %dma_start3A_27 = tpu.memref_slice %arg6[%mul3A_13, %dma_start3A_26] : memref<160000x256xf32, #tpu.memory_space<hbm>> -> memref<128x256xf32, #tpu.memory_space<hbm>>
        tpu.enqueue_dma source(%arg9 : memref<128x256xf32, #tpu.memory_space<vmem>>) target(%dma_start3A_27 : memref<128x256xf32, #tpu.memory_space<hbm>>) target_semaphore(%run_scoped3A : memref<!tpu.dma_semaphore, #tpu.memory_space<semaphore_mem>>)
        %dma_wait3A_28 = arith.constant 0 : i32
        %dma_wait3A_29 = tpu.memref_slice %arg6[%mul3A_13, %dma_wait3A_28] : memref<160000x256xf32, #tpu.memory_space<hbm>> -> memref<128x256xf32, #tpu.memory_space<hbm>>
        %dma_wait3A_30 = arith.constant 0 : i32
        %dma_wait3A_31 = tpu.memref_slice %arg6[%mul3A_13, %dma_wait3A_30] : memref<160000x256xf32, #tpu.memory_space<hbm>> -> memref<128x256xf32, #tpu.memory_space<hbm>>
        tpu.wait_dma2 semaphore(%run_scoped3A : memref<!tpu.dma_semaphore, #tpu.memory_space<semaphore_mem>>) src(%arg9 : memref<128x256xf32, #tpu.memory_space<vmem>>) dst(%dma_wait3A_31 : memref<128x256xf32, #tpu.memory_space<hbm>>)
        tpu.yield
      }) : () -> ()
      "tpu.region"() ({
        %run_scoped3A = tpu.sem_alloc : memref<!tpu.dma_semaphore, #tpu.memory_space<semaphore_mem>>
        %dma_start3A_24 = tpu.memref_slice %arg5[%mul3A_13] : memref<160000xi32, #tpu.memory_space<hbm>> -> memref<128xi32, #tpu.memory_space<hbm>>
        %dma_start3A_25 = tpu.memref_slice %arg5[%mul3A_13] : memref<160000xi32, #tpu.memory_space<hbm>> -> memref<128xi32, #tpu.memory_space<hbm>>
        tpu.enqueue_dma source(%dma_start3A_25 : memref<128xi32, #tpu.memory_space<hbm>>) target(%arg8 : memref<128xi32, #tpu.memory_space<vmem>>) target_semaphore(%run_scoped3A : memref<!tpu.dma_semaphore, #tpu.memory_space<semaphore_mem>>)
        %dma_wait3A_26 = tpu.memref_slice %arg5[%mul3A_13] : memref<160000xi32, #tpu.memory_space<hbm>> -> memref<128xi32, #tpu.memory_space<hbm>>
        %dma_wait3A_27 = tpu.memref_slice %arg5[%mul3A_13] : memref<160000xi32, #tpu.memory_space<hbm>> -> memref<128xi32, #tpu.memory_space<hbm>>
        tpu.wait_dma2 semaphore(%run_scoped3A : memref<!tpu.dma_semaphore, #tpu.memory_space<semaphore_mem>>) src(%dma_wait3A_27 : memref<128xi32, #tpu.memory_space<hbm>>) dst(%arg8 : memref<128xi32, #tpu.memory_space<vmem>>)
        tpu.yield
      }) : () -> ()
      %dma_start3A_18 = arith.constant 0 : i32
      %dma_start3A_19 = arith.constant 0 : i32
      %dma_start3A_20 = tpu.memref_slice %arg3[%dma_start3A_18, %dma_start3A_19] : memref<10000x256xf32, #tpu.memory_space<hbm>> -> memref<10000x256xf32, #tpu.memory_space<hbm>>
      tpu.enqueue_indirect_dma source(%dma_start3A_20 : memref<10000x256xf32, #tpu.memory_space<hbm>>) target(%arg9 : memref<128x256xf32, #tpu.memory_space<vmem>>) offsets(%arg8 : memref<128xi32, #tpu.memory_space<vmem>>) semaphore(%arg10 : memref<!tpu.dma_semaphore, #tpu.memory_space<semaphore_mem>>)
      %dma_wait3A_21 = arith.constant 0 : i32
      %dma_wait3A_22 = arith.constant 0 : i32
      %dma_wait3A_23 = tpu.memref_slice %arg3[%dma_wait3A_21, %dma_wait3A_22] : memref<10000x256xf32, #tpu.memory_space<hbm>> -> memref<10000x256xf32, #tpu.memory_space<hbm>>
      tpu.wait_indirect_dma semaphore(%arg10 : memref<!tpu.dma_semaphore, #tpu.memory_space<semaphore_mem>>) src(%dma_wait3A_23 : memref<10000x256xf32, #tpu.memory_space<hbm>>) dst(%arg9 : memref<128x256xf32, #tpu.memory_space<vmem>>)
      "tpu.region"() ({
        %run_scoped3A = tpu.sem_alloc : memref<!tpu.dma_semaphore, #tpu.memory_space<semaphore_mem>>
        %dma_start3A_24 = arith.constant 0 : i32
        %dma_start3A_25 = tpu.memref_slice %arg7[%mul3A_13, %dma_start3A_24] : memref<160000x256xf32, #tpu.memory_space<hbm>> -> memref<128x256xf32, #tpu.memory_space<hbm>>
        %dma_start3A_26 = arith.constant 0 : i32
        %dma_start3A_27 = tpu.memref_slice %arg7[%mul3A_13, %dma_start3A_26] : memref<160000x256xf32, #tpu.memory_space<hbm>> -> memref<128x256xf32, #tpu.memory_space<hbm>>
        tpu.enqueue_dma source(%arg9 : memref<128x256xf32, #tpu.memory_space<vmem>>) target(%dma_start3A_27 : memref<128x256xf32, #tpu.memory_space<hbm>>) target_semaphore(%run_scoped3A : memref<!tpu.dma_semaphore, #tpu.memory_space<semaphore_mem>>)
        %dma_wait3A_28 = arith.constant 0 : i32
        %dma_wait3A_29 = tpu.memref_slice %arg7[%mul3A_13, %dma_wait3A_28] : memref<160000x256xf32, #tpu.memory_space<hbm>> -> memref<128x256xf32, #tpu.memory_space<hbm>>
        %dma_wait3A_30 = arith.constant 0 : i32
        %dma_wait3A_31 = tpu.memref_slice %arg7[%mul3A_13, %dma_wait3A_30] : memref<160000x256xf32, #tpu.memory_space<hbm>> -> memref<128x256xf32, #tpu.memory_space<hbm>>
        tpu.wait_dma2 semaphore(%run_scoped3A : memref<!tpu.dma_semaphore, #tpu.memory_space<semaphore_mem>>) src(%arg9 : memref<128x256xf32, #tpu.memory_space<vmem>>) dst(%dma_wait3A_31 : memref<128x256xf32, #tpu.memory_space<hbm>>)
        tpu.yield
      }) : () -> ()
    }
    %scan3A_5 = arith.constant 39 : i32
    %lt3A = arith.constant 2 : i32
    %lt3A_6 = arith.cmpi slt, %add3A, %lt3A : i32
    %convert_element_type3A = arith.extui %lt3A_6 : i1 to i32
    %cond3A = arith.constant 0 : i32
    %cond3A_7 = arith.cmpi ne, %convert_element_type3A, %cond3A : i32
    scf.if %cond3A_7 {
      %add3A_8 = arith.constant 1248 : i32
      %add3A_9 = arith.addi %add3A_8, %add3A : i32
      %mul3A_10 = arith.constant 128 : i32
      %mul3A_11 = arith.muli %add3A_9, %mul3A_10 : i32
      "tpu.region"() ({
        %run_scoped3A = tpu.sem_alloc : memref<!tpu.dma_semaphore, #tpu.memory_space<semaphore_mem>>
        %dma_start3A_22 = tpu.memref_slice %arg4[%mul3A_11] : memref<160000xi32, #tpu.memory_space<hbm>> -> memref<128xi32, #tpu.memory_space<hbm>>
        %dma_start3A_23 = tpu.memref_slice %arg4[%mul3A_11] : memref<160000xi32, #tpu.memory_space<hbm>> -> memref<128xi32, #tpu.memory_space<hbm>>
        tpu.enqueue_dma source(%dma_start3A_23 : memref<128xi32, #tpu.memory_space<hbm>>) target(%arg8 : memref<128xi32, #tpu.memory_space<vmem>>) target_semaphore(%run_scoped3A : memref<!tpu.dma_semaphore, #tpu.memory_space<semaphore_mem>>)
        %dma_wait3A_24 = tpu.memref_slice %arg4[%mul3A_11] : memref<160000xi32, #tpu.memory_space<hbm>> -> memref<128xi32, #tpu.memory_space<hbm>>
        %dma_wait3A_25 = tpu.memref_slice %arg4[%mul3A_11] : memref<160000xi32, #tpu.memory_space<hbm>> -> memref<128xi32, #tpu.memory_space<hbm>>
        tpu.wait_dma2 semaphore(%run_scoped3A : memref<!tpu.dma_semaphore, #tpu.memory_space<semaphore_mem>>) src(%dma_wait3A_25 : memref<128xi32, #tpu.memory_space<hbm>>) dst(%arg8 : memref<128xi32, #tpu.memory_space<vmem>>)
        tpu.yield
      }) : () -> ()
      %dma_start3A = arith.constant 0 : i32
      %dma_start3A_12 = arith.constant 0 : i32
      %dma_start3A_13 = tpu.memref_slice %arg2[%dma_start3A, %dma_start3A_12] : memref<10000x256xf32, #tpu.memory_space<hbm>> -> memref<10000x256xf32, #tpu.memory_space<hbm>>
      tpu.enqueue_indirect_dma source(%dma_start3A_13 : memref<10000x256xf32, #tpu.memory_space<hbm>>) target(%arg9 : memref<128x256xf32, #tpu.memory_space<vmem>>) offsets(%arg8 : memref<128xi32, #tpu.memory_space<vmem>>) semaphore(%arg10 : memref<!tpu.dma_semaphore, #tpu.memory_space<semaphore_mem>>)
      %dma_wait3A = arith.constant 0 : i32
      %dma_wait3A_14 = arith.constant 0 : i32
      %dma_wait3A_15 = tpu.memref_slice %arg2[%dma_wait3A, %dma_wait3A_14] : memref<10000x256xf32, #tpu.memory_space<hbm>> -> memref<10000x256xf32, #tpu.memory_space<hbm>>
      tpu.wait_indirect_dma semaphore(%arg10 : memref<!tpu.dma_semaphore, #tpu.memory_space<semaphore_mem>>) src(%dma_wait3A_15 : memref<10000x256xf32, #tpu.memory_space<hbm>>) dst(%arg9 : memref<128x256xf32, #tpu.memory_space<vmem>>)
      "tpu.region"() ({
        %run_scoped3A = tpu.sem_alloc : memref<!tpu.dma_semaphore, #tpu.memory_space<semaphore_mem>>
        %dma_start3A_22 = arith.constant 0 : i32
        %dma_start3A_23 = tpu.memref_slice %arg6[%mul3A_11, %dma_start3A_22] : memref<160000x256xf32, #tpu.memory_space<hbm>> -> memref<128x256xf32, #tpu.memory_space<hbm>>
        %dma_start3A_24 = arith.constant 0 : i32
        %dma_start3A_25 = tpu.memref_slice %arg6[%mul3A_11, %dma_start3A_24] : memref<160000x256xf32, #tpu.memory_space<hbm>> -> memref<128x256xf32, #tpu.memory_space<hbm>>
        tpu.enqueue_dma source(%arg9 : memref<128x256xf32, #tpu.memory_space<vmem>>) target(%dma_start3A_25 : memref<128x256xf32, #tpu.memory_space<hbm>>) target_semaphore(%run_scoped3A : memref<!tpu.dma_semaphore, #tpu.memory_space<semaphore_mem>>)
        %dma_wait3A_26 = arith.constant 0 : i32
        %dma_wait3A_27 = tpu.memref_slice %arg6[%mul3A_11, %dma_wait3A_26] : memref<160000x256xf32, #tpu.memory_space<hbm>> -> memref<128x256xf32, #tpu.memory_space<hbm>>
        %dma_wait3A_28 = arith.constant 0 : i32
        %dma_wait3A_29 = tpu.memref_slice %arg6[%mul3A_11, %dma_wait3A_28] : memref<160000x256xf32, #tpu.memory_space<hbm>> -> memref<128x256xf32, #tpu.memory_space<hbm>>
        tpu.wait_dma2 semaphore(%run_scoped3A : memref<!tpu.dma_semaphore, #tpu.memory_space<semaphore_mem>>) src(%arg9 : memref<128x256xf32, #tpu.memory_space<vmem>>) dst(%dma_wait3A_29 : memref<128x256xf32, #tpu.memory_space<hbm>>)
        tpu.yield
      }) : () -> ()
      "tpu.region"() ({
        %run_scoped3A = tpu.sem_alloc : memref<!tpu.dma_semaphore, #tpu.memory_space<semaphore_mem>>
        %dma_start3A_22 = tpu.memref_slice %arg5[%mul3A_11] : memref<160000xi32, #tpu.memory_space<hbm>> -> memref<128xi32, #tpu.memory_space<hbm>>
        %dma_start3A_23 = tpu.memref_slice %arg5[%mul3A_11] : memref<160000xi32, #tpu.memory_space<hbm>> -> memref<128xi32, #tpu.memory_space<hbm>>
        tpu.enqueue_dma source(%dma_start3A_23 : memref<128xi32, #tpu.memory_space<hbm>>) target(%arg8 : memref<128xi32, #tpu.memory_space<vmem>>) target_semaphore(%run_scoped3A : memref<!tpu.dma_semaphore, #tpu.memory_space<semaphore_mem>>)
        %dma_wait3A_24 = tpu.memref_slice %arg5[%mul3A_11] : memref<160000xi32, #tpu.memory_space<hbm>> -> memref<128xi32, #tpu.memory_space<hbm>>
        %dma_wait3A_25 = tpu.memref_slice %arg5[%mul3A_11] : memref<160000xi32, #tpu.memory_space<hbm>> -> memref<128xi32, #tpu.memory_space<hbm>>
        tpu.wait_dma2 semaphore(%run_scoped3A : memref<!tpu.dma_semaphore, #tpu.memory_space<semaphore_mem>>) src(%dma_wait3A_25 : memref<128xi32, #tpu.memory_space<hbm>>) dst(%arg8 : memref<128xi32, #tpu.memory_space<vmem>>)
        tpu.yield
      }) : () -> ()
      %dma_start3A_16 = arith.constant 0 : i32
      %dma_start3A_17 = arith.constant 0 : i32
      %dma_start3A_18 = tpu.memref_slice %arg3[%dma_start3A_16, %dma_start3A_17] : memref<10000x256xf32, #tpu.memory_space<hbm>> -> memref<10000x256xf32, #tpu.memory_space<hbm>>
      tpu.enqueue_indirect_dma source(%dma_start3A_18 : memref<10000x256xf32, #tpu.memory_space<hbm>>) target(%arg9 : memref<128x256xf32, #tpu.memory_space<vmem>>) offsets(%arg8 : memref<128xi32, #tpu.memory_space<vmem>>) semaphore(%arg10 : memref<!tpu.dma_semaphore, #tpu.memory_space<semaphore_mem>>)
      %dma_wait3A_19 = arith.constant 0 : i32
      %dma_wait3A_20 = arith.constant 0 : i32
      %dma_wait3A_21 = tpu.memref_slice %arg3[%dma_wait3A_19, %dma_wait3A_20] : memref<10000x256xf32, #tpu.memory_space<hbm>> -> memref<10000x256xf32, #tpu.memory_space<hbm>>
      tpu.wait_indirect_dma semaphore(%arg10 : memref<!tpu.dma_semaphore, #tpu.memory_space<semaphore_mem>>) src(%dma_wait3A_21 : memref<10000x256xf32, #tpu.memory_space<hbm>>) dst(%arg9 : memref<128x256xf32, #tpu.memory_space<vmem>>)
      "tpu.region"() ({
        %run_scoped3A = tpu.sem_alloc : memref<!tpu.dma_semaphore, #tpu.memory_space<semaphore_mem>>
        %dma_start3A_22 = arith.constant 0 : i32
        %dma_start3A_23 = tpu.memref_slice %arg7[%mul3A_11, %dma_start3A_22] : memref<160000x256xf32, #tpu.memory_space<hbm>> -> memref<128x256xf32, #tpu.memory_space<hbm>>
        %dma_start3A_24 = arith.constant 0 : i32
        %dma_start3A_25 = tpu.memref_slice %arg7[%mul3A_11, %dma_start3A_24] : memref<160000x256xf32, #tpu.memory_space<hbm>> -> memref<128x256xf32, #tpu.memory_space<hbm>>
        tpu.enqueue_dma source(%arg9 : memref<128x256xf32, #tpu.memory_space<vmem>>) target(%dma_start3A_25 : memref<128x256xf32, #tpu.memory_space<hbm>>) target_semaphore(%run_scoped3A : memref<!tpu.dma_semaphore, #tpu.memory_space<semaphore_mem>>)
        %dma_wait3A_26 = arith.constant 0 : i32
        %dma_wait3A_27 = tpu.memref_slice %arg7[%mul3A_11, %dma_wait3A_26] : memref<160000x256xf32, #tpu.memory_space<hbm>> -> memref<128x256xf32, #tpu.memory_space<hbm>>
        %dma_wait3A_28 = arith.constant 0 : i32
        %dma_wait3A_29 = tpu.memref_slice %arg7[%mul3A_11, %dma_wait3A_28] : memref<160000x256xf32, #tpu.memory_space<hbm>> -> memref<128x256xf32, #tpu.memory_space<hbm>>
        tpu.wait_dma2 semaphore(%run_scoped3A : memref<!tpu.dma_semaphore, #tpu.memory_space<semaphore_mem>>) src(%arg9 : memref<128x256xf32, #tpu.memory_space<vmem>>) dst(%dma_wait3A_29 : memref<128x256xf32, #tpu.memory_space<hbm>>)
        tpu.yield
      }) : () -> ()
    } else {
    }
    return
  }
}

#map = affine_map<(d0, d1) -> (0, 0)>
#map1 = affine_map<(d0, d1) -> (0)>
module attributes {stable_mosaic.version = 14 : i64} {
  func.func @_sc_gather(%arg0: i32, %arg1: i32, %arg2: memref<10000x256xf32, #tpu.memory_space<hbm>>, %arg3: memref<10000x256xf32, #tpu.memory_space<hbm>>, %arg4: memref<160000xi32, #tpu.memory_space<hbm>>, %arg5: memref<160000xi32, #tpu.memory_space<hbm>>, %arg6: memref<160000x256xf32, #tpu.memory_space<hbm>>, %arg7: memref<160000x256xf32, #tpu.memory_space<hbm>>, %arg8: memref<128xi32, #tpu.memory_space<vmem>>, %arg9: memref<128x256xf32, #tpu.memory_space<vmem>>, %arg10: memref<!tpu.dma_semaphore, #tpu.memory_space<semaphore_mem>>) attributes {dimension_semantics = [#tpu.dimension_semantics<core_parallel>, #tpu.dimension_semantics<subcore_parallel>], iteration_bounds = array<i64: 2, 16>, scalar_prefetch = 0 : i64, scratch_operands = 3 : i64, tpu.core_type = #tpu.core_type<sc_vector_subcore>, window_params = [{transform_indices = #map}, {transform_indices = #map}, {transform_indices = #map1}, {transform_indices = #map1}, {transform_indices = #map}, {transform_indices = #map}]} {
    %mul3A = arith.constant 2 : i32
    %mul3A_0 = arith.muli %arg1, %mul3A : i32
    %add3A = arith.addi %mul3A_0, %arg0 : i32
    %scan3A = arith.constant 0 : i32
    %scan3A_1 = arith.constant 0 : i32
    %scan3A_2 = arith.constant 39 : i32
    %scan3A_3 = arith.addi %scan3A_1, %scan3A_2 : i32
    %scan3A_4 = arith.constant 1 : i32
    scf.for %scan3A_8 = %scan3A_1 to %scan3A_3 step %scan3A_4  : i32 {
      %mul3A_9 = arith.constant 32 : i32
      %mul3A_10 = arith.muli %scan3A_8, %mul3A_9 : i32
      %add3A_11 = arith.addi %add3A, %mul3A_10 : i32
      %mul3A_12 = arith.constant 128 : i32
      %mul3A_13 = arith.muli %add3A_11, %mul3A_12 : i32
      "tpu.region"() ({
        %run_scoped3A = tpu.sem_alloc : memref<!tpu.dma_semaphore, #tpu.memory_space<semaphore_mem>>
        %dma_start3A_24 = tpu.memref_slice %arg4[%mul3A_13] : memref<160000xi32, #tpu.memory_space<hbm>> -> memref<128xi32, #tpu.memory_space<hbm>>
        %dma_start3A_25 = tpu.memref_slice %arg4[%mul3A_13] : memref<160000xi32, #tpu.memory_space<hbm>> -> memref<128xi32, #tpu.memory_space<hbm>>
        tpu.enqueue_dma source(%dma_start3A_25 : memref<128xi32, #tpu.memory_space<hbm>>) target(%arg8 : memref<128xi32, #tpu.memory_space<vmem>>) target_semaphore(%run_scoped3A : memref<!tpu.dma_semaphore, #tpu.memory_space<semaphore_mem>>)
        %dma_wait3A_26 = tpu.memref_slice %arg4[%mul3A_13] : memref<160000xi32, #tpu.memory_space<hbm>> -> memref<128xi32, #tpu.memory_space<hbm>>
        %dma_wait3A_27 = tpu.memref_slice %arg4[%mul3A_13] : memref<160000xi32, #tpu.memory_space<hbm>> -> memref<128xi32, #tpu.memory_space<hbm>>
        tpu.wait_dma2 semaphore(%run_scoped3A : memref<!tpu.dma_semaphore, #tpu.memory_space<semaphore_mem>>) src(%dma_wait3A_27 : memref<128xi32, #tpu.memory_space<hbm>>) dst(%arg8 : memref<128xi32, #tpu.memory_space<vmem>>)
        tpu.yield
      }) : () -> ()
      %dma_start3A = arith.constant 0 : i32
      %dma_start3A_14 = arith.constant 0 : i32
      %dma_start3A_15 = tpu.memref_slice %arg2[%dma_start3A, %dma_start3A_14] : memref<10000x256xf32, #tpu.memory_space<hbm>> -> memref<10000x256xf32, #tpu.memory_space<hbm>>
      tpu.enqueue_indirect_dma source(%dma_start3A_15 : memref<10000x256xf32, #tpu.memory_space<hbm>>) target(%arg9 : memref<128x256xf32, #tpu.memory_space<vmem>>) offsets(%arg8 : memref<128xi32, #tpu.memory_space<vmem>>) semaphore(%arg10 : memref<!tpu.dma_semaphore, #tpu.memory_space<semaphore_mem>>)
      %dma_wait3A = arith.constant 0 : i32
      %dma_wait3A_16 = arith.constant 0 : i32
      %dma_wait3A_17 = tpu.memref_slice %arg2[%dma_wait3A, %dma_wait3A_16] : memref<10000x256xf32, #tpu.memory_space<hbm>> -> memref<10000x256xf32, #tpu.memory_space<hbm>>
      tpu.wait_indirect_dma semaphore(%arg10 : memref<!tpu.dma_semaphore, #tpu.memory_space<semaphore_mem>>) src(%dma_wait3A_17 : memref<10000x256xf32, #tpu.memory_space<hbm>>) dst(%arg9 : memref<128x256xf32, #tpu.memory_space<vmem>>)
      "tpu.region"() ({
        %run_scoped3A = tpu.sem_alloc : memref<!tpu.dma_semaphore, #tpu.memory_space<semaphore_mem>>
        %dma_start3A_24 = arith.constant 0 : i32
        %dma_start3A_25 = tpu.memref_slice %arg6[%mul3A_13, %dma_start3A_24] : memref<160000x256xf32, #tpu.memory_space<hbm>> -> memref<128x256xf32, #tpu.memory_space<hbm>>
        %dma_start3A_26 = arith.constant 0 : i32
        %dma_start3A_27 = tpu.memref_slice %arg6[%mul3A_13, %dma_start3A_26] : memref<160000x256xf32, #tpu.memory_space<hbm>> -> memref<128x256xf32, #tpu.memory_space<hbm>>
        tpu.enqueue_dma source(%arg9 : memref<128x256xf32, #tpu.memory_space<vmem>>) target(%dma_start3A_27 : memref<128x256xf32, #tpu.memory_space<hbm>>) target_semaphore(%run_scoped3A : memref<!tpu.dma_semaphore, #tpu.memory_space<semaphore_mem>>)
        %dma_wait3A_28 = arith.constant 0 : i32
        %dma_wait3A_29 = tpu.memref_slice %arg6[%mul3A_13, %dma_wait3A_28] : memref<160000x256xf32, #tpu.memory_space<hbm>> -> memref<128x256xf32, #tpu.memory_space<hbm>>
        %dma_wait3A_30 = arith.constant 0 : i32
        %dma_wait3A_31 = tpu.memref_slice %arg6[%mul3A_13, %dma_wait3A_30] : memref<160000x256xf32, #tpu.memory_space<hbm>> -> memref<128x256xf32, #tpu.memory_space<hbm>>
        tpu.wait_dma2 semaphore(%run_scoped3A : memref<!tpu.dma_semaphore, #tpu.memory_space<semaphore_mem>>) src(%arg9 : memref<128x256xf32, #tpu.memory_space<vmem>>) dst(%dma_wait3A_31 : memref<128x256xf32, #tpu.memory_space<hbm>>)
        tpu.yield
      }) : () -> ()
      "tpu.region"() ({
        %run_scoped3A = tpu.sem_alloc : memref<!tpu.dma_semaphore, #tpu.memory_space<semaphore_mem>>
        %dma_start3A_24 = tpu.memref_slice %arg5[%mul3A_13] : memref<160000xi32, #tpu.memory_space<hbm>> -> memref<128xi32, #tpu.memory_space<hbm>>
        %dma_start3A_25 = tpu.memref_slice %arg5[%mul3A_13] : memref<160000xi32, #tpu.memory_space<hbm>> -> memref<128xi32, #tpu.memory_space<hbm>>
        tpu.enqueue_dma source(%dma_start3A_25 : memref<128xi32, #tpu.memory_space<hbm>>) target(%arg8 : memref<128xi32, #tpu.memory_space<vmem>>) target_semaphore(%run_scoped3A : memref<!tpu.dma_semaphore, #tpu.memory_space<semaphore_mem>>)
        %dma_wait3A_26 = tpu.memref_slice %arg5[%mul3A_13] : memref<160000xi32, #tpu.memory_space<hbm>> -> memref<128xi32, #tpu.memory_space<hbm>>
        %dma_wait3A_27 = tpu.memref_slice %arg5[%mul3A_13] : memref<160000xi32, #tpu.memory_space<hbm>> -> memref<128xi32, #tpu.memory_space<hbm>>
        tpu.wait_dma2 semaphore(%run_scoped3A : memref<!tpu.dma_semaphore, #tpu.memory_space<semaphore_mem>>) src(%dma_wait3A_27 : memref<128xi32, #tpu.memory_space<hbm>>) dst(%arg8 : memref<128xi32, #tpu.memory_space<vmem>>)
        tpu.yield
      }) : () -> ()
      %dma_start3A_18 = arith.constant 0 : i32
      %dma_start3A_19 = arith.constant 0 : i32
      %dma_start3A_20 = tpu.memref_slice %arg3[%dma_start3A_18, %dma_start3A_19] : memref<10000x256xf32, #tpu.memory_space<hbm>> -> memref<10000x256xf32, #tpu.memory_space<hbm>>
      tpu.enqueue_indirect_dma source(%dma_start3A_20 : memref<10000x256xf32, #tpu.memory_space<hbm>>) target(%arg9 : memref<128x256xf32, #tpu.memory_space<vmem>>) offsets(%arg8 : memref<128xi32, #tpu.memory_space<vmem>>) semaphore(%arg10 : memref<!tpu.dma_semaphore, #tpu.memory_space<semaphore_mem>>)
      %dma_wait3A_21 = arith.constant 0 : i32
      %dma_wait3A_22 = arith.constant 0 : i32
      %dma_wait3A_23 = tpu.memref_slice %arg3[%dma_wait3A_21, %dma_wait3A_22] : memref<10000x256xf32, #tpu.memory_space<hbm>> -> memref<10000x256xf32, #tpu.memory_space<hbm>>
      tpu.wait_indirect_dma semaphore(%arg10 : memref<!tpu.dma_semaphore, #tpu.memory_space<semaphore_mem>>) src(%dma_wait3A_23 : memref<10000x256xf32, #tpu.memory_space<hbm>>) dst(%arg9 : memref<128x256xf32, #tpu.memory_space<vmem>>)
      "tpu.region"() ({
        %run_scoped3A = tpu.sem_alloc : memref<!tpu.dma_semaphore, #tpu.memory_space<semaphore_mem>>
        %dma_start3A_24 = arith.constant 0 : i32
        %dma_start3A_25 = tpu.memref_slice %arg7[%mul3A_13, %dma_start3A_24] : memref<160000x256xf32, #tpu.memory_space<hbm>> -> memref<128x256xf32, #tpu.memory_space<hbm>>
        %dma_start3A_26 = arith.constant 0 : i32
        %dma_start3A_27 = tpu.memref_slice %arg7[%mul3A_13, %dma_start3A_26] : memref<160000x256xf32, #tpu.memory_space<hbm>> -> memref<128x256xf32, #tpu.memory_space<hbm>>
        tpu.enqueue_dma source(%arg9 : memref<128x256xf32, #tpu.memory_space<vmem>>) target(%dma_start3A_27 : memref<128x256xf32, #tpu.memory_space<hbm>>) target_semaphore(%run_scoped3A : memref<!tpu.dma_semaphore, #tpu.memory_space<semaphore_mem>>)
        %dma_wait3A_28 = arith.constant 0 : i32
        %dma_wait3A_29 = tpu.memref_slice %arg7[%mul3A_13, %dma_wait3A_28] : memref<160000x256xf32, #tpu.memory_space<hbm>> -> memref<128x256xf32, #tpu.memory_space<hbm>>
        %dma_wait3A_30 = arith.constant 0 : i32
        %dma_wait3A_31 = tpu.memref_slice %arg7[%mul3A_13, %dma_wait3A_30] : memref<160000x256xf32, #tpu.memory_space<hbm>> -> memref<128x256xf32, #tpu.memory_space<hbm>>
        tpu.wait_dma2 semaphore(%run_scoped3A : memref<!tpu.dma_semaphore, #tpu.memory_space<semaphore_mem>>) src(%arg9 : memref<128x256xf32, #tpu.memory_space<vmem>>) dst(%dma_wait3A_31 : memref<128x256xf32, #tpu.memory_space<hbm>>)
        tpu.yield
      }) : () -> ()
    }
    %scan3A_5 = arith.constant 39 : i32
    %lt3A = arith.constant 2 : i32
    %lt3A_6 = arith.cmpi slt, %add3A, %lt3A : i32
    %convert_element_type3A = arith.extui %lt3A_6 : i1 to i32
    %cond3A = arith.constant 0 : i32
    %cond3A_7 = arith.cmpi ne, %convert_element_type3A, %cond3A : i32
    scf.if %cond3A_7 {
      %add3A_8 = arith.constant 1248 : i32
      %add3A_9 = arith.addi %add3A_8, %add3A : i32
      %mul3A_10 = arith.constant 128 : i32
      %mul3A_11 = arith.muli %add3A_9, %mul3A_10 : i32
      "tpu.region"() ({
        %run_scoped3A = tpu.sem_alloc : memref<!tpu.dma_semaphore, #tpu.memory_space<semaphore_mem>>
        %dma_start3A_22 = tpu.memref_slice %arg4[%mul3A_11] : memref<160000xi32, #tpu.memory_space<hbm>> -> memref<128xi32, #tpu.memory_space<hbm>>
        %dma_start3A_23 = tpu.memref_slice %arg4[%mul3A_11] : memref<160000xi32, #tpu.memory_space<hbm>> -> memref<128xi32, #tpu.memory_space<hbm>>
        tpu.enqueue_dma source(%dma_start3A_23 : memref<128xi32, #tpu.memory_space<hbm>>) target(%arg8 : memref<128xi32, #tpu.memory_space<vmem>>) target_semaphore(%run_scoped3A : memref<!tpu.dma_semaphore, #tpu.memory_space<semaphore_mem>>)
        %dma_wait3A_24 = tpu.memref_slice %arg4[%mul3A_11] : memref<160000xi32, #tpu.memory_space<hbm>> -> memref<128xi32, #tpu.memory_space<hbm>>
        %dma_wait3A_25 = tpu.memref_slice %arg4[%mul3A_11] : memref<160000xi32, #tpu.memory_space<hbm>> -> memref<128xi32, #tpu.memory_space<hbm>>
        tpu.wait_dma2 semaphore(%run_scoped3A : memref<!tpu.dma_semaphore, #tpu.memory_space<semaphore_mem>>) src(%dma_wait3A_25 : memref<128xi32, #tpu.memory_space<hbm>>) dst(%arg8 : memref<128xi32, #tpu.memory_space<vmem>>)
        tpu.yield
      }) : () -> ()
      %dma_start3A = arith.constant 0 : i32
      %dma_start3A_12 = arith.constant 0 : i32
      %dma_start3A_13 = tpu.memref_slice %arg2[%dma_start3A, %dma_start3A_12] : memref<10000x256xf32, #tpu.memory_space<hbm>> -> memref<10000x256xf32, #tpu.memory_space<hbm>>
      tpu.enqueue_indirect_dma source(%dma_start3A_13 : memref<10000x256xf32, #tpu.memory_space<hbm>>) target(%arg9 : memref<128x256xf32, #tpu.memory_space<vmem>>) offsets(%arg8 : memref<128xi32, #tpu.memory_space<vmem>>) semaphore(%arg10 : memref<!tpu.dma_semaphore, #tpu.memory_space<semaphore_mem>>)
      %dma_wait3A = arith.constant 0 : i32
      %dma_wait3A_14 = arith.constant 0 : i32
      %dma_wait3A_15 = tpu.memref_slice %arg2[%dma_wait3A, %dma_wait3A_14] : memref<10000x256xf32, #tpu.memory_space<hbm>> -> memref<10000x256xf32, #tpu.memory_space<hbm>>
      tpu.wait_indirect_dma semaphore(%arg10 : memref<!tpu.dma_semaphore, #tpu.memory_space<semaphore_mem>>) src(%dma_wait3A_15 : memref<10000x256xf32, #tpu.memory_space<hbm>>) dst(%arg9 : memref<128x256xf32, #tpu.memory_space<vmem>>)
      "tpu.region"() ({
        %run_scoped3A = tpu.sem_alloc : memref<!tpu.dma_semaphore, #tpu.memory_space<semaphore_mem>>
        %dma_start3A_22 = arith.constant 0 : i32
        %dma_start3A_23 = tpu.memref_slice %arg6[%mul3A_11, %dma_start3A_22] : memref<160000x256xf32, #tpu.memory_space<hbm>> -> memref<128x256xf32, #tpu.memory_space<hbm>>
        %dma_start3A_24 = arith.constant 0 : i32
        %dma_start3A_25 = tpu.memref_slice %arg6[%mul3A_11, %dma_start3A_24] : memref<160000x256xf32, #tpu.memory_space<hbm>> -> memref<128x256xf32, #tpu.memory_space<hbm>>
        tpu.enqueue_dma source(%arg9 : memref<128x256xf32, #tpu.memory_space<vmem>>) target(%dma_start3A_25 : memref<128x256xf32, #tpu.memory_space<hbm>>) target_semaphore(%run_scoped3A : memref<!tpu.dma_semaphore, #tpu.memory_space<semaphore_mem>>)
        %dma_wait3A_26 = arith.constant 0 : i32
        %dma_wait3A_27 = tpu.memref_slice %arg6[%mul3A_11, %dma_wait3A_26] : memref<160000x256xf32, #tpu.memory_space<hbm>> -> memref<128x256xf32, #tpu.memory_space<hbm>>
        %dma_wait3A_28 = arith.constant 0 : i32
        %dma_wait3A_29 = tpu.memref_slice %arg6[%mul3A_11, %dma_wait3A_28] : memref<160000x256xf32, #tpu.memory_space<hbm>> -> memref<128x256xf32, #tpu.memory_space<hbm>>
        tpu.wait_dma2 semaphore(%run_scoped3A : memref<!tpu.dma_semaphore, #tpu.memory_space<semaphore_mem>>) src(%arg9 : memref<128x256xf32, #tpu.memory_space<vmem>>) dst(%dma_wait3A_29 : memref<128x256xf32, #tpu.memory_space<hbm>>)
        tpu.yield
      }) : () -> ()
      "tpu.region"() ({
        %run_scoped3A = tpu.sem_alloc : memref<!tpu.dma_semaphore, #tpu.memory_space<semaphore_mem>>
        %dma_start3A_22 = tpu.memref_slice %arg5[%mul3A_11] : memref<160000xi32, #tpu.memory_space<hbm>> -> memref<128xi32, #tpu.memory_space<hbm>>
        %dma_start3A_23 = tpu.memref_slice %arg5[%mul3A_11] : memref<160000xi32, #tpu.memory_space<hbm>> -> memref<128xi32, #tpu.memory_space<hbm>>
        tpu.enqueue_dma source(%dma_start3A_23 : memref<128xi32, #tpu.memory_space<hbm>>) target(%arg8 : memref<128xi32, #tpu.memory_space<vmem>>) target_semaphore(%run_scoped3A : memref<!tpu.dma_semaphore, #tpu.memory_space<semaphore_mem>>)
        %dma_wait3A_24 = tpu.memref_slice %arg5[%mul3A_11] : memref<160000xi32, #tpu.memory_space<hbm>> -> memref<128xi32, #tpu.memory_space<hbm>>
        %dma_wait3A_25 = tpu.memref_slice %arg5[%mul3A_11] : memref<160000xi32, #tpu.memory_space<hbm>> -> memref<128xi32, #tpu.memory_space<hbm>>
        tpu.wait_dma2 semaphore(%run_scoped3A : memref<!tpu.dma_semaphore, #tpu.memory_space<semaphore_mem>>) src(%dma_wait3A_25 : memref<128xi32, #tpu.memory_space<hbm>>) dst(%arg8 : memref<128xi32, #tpu.memory_space<vmem>>)
        tpu.yield
      }) : () -> ()
      %dma_start3A_16 = arith.constant 0 : i32
      %dma_start3A_17 = arith.constant 0 : i32
      %dma_start3A_18 = tpu.memref_slice %arg3[%dma_start3A_16, %dma_start3A_17] : memref<10000x256xf32, #tpu.memory_space<hbm>> -> memref<10000x256xf32, #tpu.memory_space<hbm>>
      tpu.enqueue_indirect_dma source(%dma_start3A_18 : memref<10000x256xf32, #tpu.memory_space<hbm>>) target(%arg9 : memref<128x256xf32, #tpu.memory_space<vmem>>) offsets(%arg8 : memref<128xi32, #tpu.memory_space<vmem>>) semaphore(%arg10 : memref<!tpu.dma_semaphore, #tpu.memory_space<semaphore_mem>>)
      %dma_wait3A_19 = arith.constant 0 : i32
      %dma_wait3A_20 = arith.constant 0 : i32
      %dma_wait3A_21 = tpu.memref_slice %arg3[%dma_wait3A_19, %dma_wait3A_20] : memref<10000x256xf32, #tpu.memory_space<hbm>> -> memref<10000x256xf32, #tpu.memory_space<hbm>>
      tpu.wait_indirect_dma semaphore(%arg10 : memref<!tpu.dma_semaphore, #tpu.memory_space<semaphore_mem>>) src(%dma_wait3A_21 : memref<10000x256xf32, #tpu.memory_space<hbm>>) dst(%arg9 : memref<128x256xf32, #tpu.memory_space<vmem>>)
      "tpu.region"() ({
        %run_scoped3A = tpu.sem_alloc : memref<!tpu.dma_semaphore, #tpu.memory_space<semaphore_mem>>
        %dma_start3A_22 = arith.constant 0 : i32
        %dma_start3A_23 = tpu.memref_slice %arg7[%mul3A_11, %dma_start3A_22] : memref<160000x256xf32, #tpu.memory_space<hbm>> -> memref<128x256xf32, #tpu.memory_space<hbm>>
        %dma_start3A_24 = arith.constant 0 : i32
        %dma_start3A_25 = tpu.memref_slice %arg7[%mul3A_11, %dma_start3A_24] : memref<160000x256xf32, #tpu.memory_space<hbm>> -> memref<128x256xf32, #tpu.memory_space<hbm>>
        tpu.enqueue_dma source(%arg9 : memref<128x256xf32, #tpu.memory_space<vmem>>) target(%dma_start3A_25 : memref<128x256xf32, #tpu.memory_space<hbm>>) target_semaphore(%run_scoped3A : memref<!tpu.dma_semaphore, #tpu.memory_space<semaphore_mem>>)
        %dma_wait3A_26 = arith.constant 0 : i32
        %dma_wait3A_27 = tpu.memref_slice %arg7[%mul3A_11, %dma_wait3A_26] : memref<160000x256xf32, #tpu.memory_space<hbm>> -> memref<128x256xf32, #tpu.memory_space<hbm>>
        %dma_wait3A_28 = arith.constant 0 : i32
        %dma_wait3A_29 = tpu.memref_slice %arg7[%mul3A_11, %dma_wait3A_28] : memref<160000x256xf32, #tpu.memory_space<hbm>> -> memref<128x256xf32, #tpu.memory_space<hbm>>
        tpu.wait_dma2 semaphore(%run_scoped3A : memref<!tpu.dma_semaphore, #tpu.memory_space<semaphore_mem>>) src(%arg9 : memref<128x256xf32, #tpu.memory_space<vmem>>) dst(%dma_wait3A_29 : memref<128x256xf32, #tpu.memory_space<hbm>>)
        tpu.yield
      }) : () -> ()
    } else {
    }
    return
  }
}

#map = affine_map<(d0, d1) -> (0, 0)>
#map1 = affine_map<(d0, d1) -> (0)>
#map2 = affine_map<(d0, d1) -> (0, 0, 0)>
module attributes {stable_mosaic.version = 14 : i64} {
  func.func @_sc_scatter(%arg0: i32, %arg1: i32, %arg2: memref<160000x128xf32, #tpu.memory_space<hbm>>, %arg3: memref<160000x128xf32, #tpu.memory_space<hbm>>, %arg4: memref<160000x128xf32, #tpu.memory_space<hbm>>, %arg5: memref<160000xi32, #tpu.memory_space<hbm>>, %arg6: memref<10000x128xf32, #tpu.memory_space<hbm>>, %arg7: memref<2x10000x128xf32, #tpu.memory_space<hbm>>, %arg8: memref<2x5008x128xf32, #tpu.memory_space<hbm>>, %arg9: memref<128xi32, #tpu.memory_space<vmem>>, %arg10: memref<128xi32, #tpu.memory_space<vmem>>, %arg11: memref<128x128xf32, #tpu.memory_space<vmem>>, %arg12: memref<10000x128xf32, #tpu.memory_space<vmem_shared>>, %arg13: memref<!tpu.dma_semaphore, #tpu.memory_space<semaphore_mem>>) attributes {dimension_semantics = [#tpu.dimension_semantics<core_parallel>, #tpu.dimension_semantics<subcore_parallel>], iteration_bounds = array<i64: 2, 16>, scalar_prefetch = 0 : i64, scratch_operands = 5 : i64, tpu.core_type = #tpu.core_type<sc_vector_subcore>, window_params = [{transform_indices = #map}, {transform_indices = #map}, {transform_indices = #map}, {transform_indices = #map1}, {transform_indices = #map}, {transform_indices = #map2}, {transform_indices = #map2}]} {
    %mul3A = arith.constant 632 : i32
    %mul3A_0 = arith.muli %arg1, %mul3A : i32
    %min3A = arith.constant 9368 : i32
    %min3A_1 = arith.minsi %mul3A_0, %min3A : i32
    %mul3A_2 = arith.constant 320 : i32
    %mul3A_3 = arith.muli %arg1, %mul3A_2 : i32
    %min3A_4 = arith.constant 4688 : i32
    %min3A_5 = arith.minsi %mul3A_3, %min3A_4 : i32
    %mul3A_6 = arith.constant 5000 : i32
    %mul3A_7 = arith.muli %arg0, %mul3A_6 : i32
    %eq3A = arith.constant 0 : i32
    %eq3A_8 = arith.cmpi eq, %arg0, %eq3A : i32
    %convert_element_type3A = arith.extui %eq3A_8 : i1 to i32
    %cond3A = arith.constant 0 : i32
    %cond3A_9 = arith.cmpi ne, %convert_element_type3A, %cond3A : i32
    scf.if %cond3A_9 {
      "tpu.region"() ({
        %run_scoped3A_40 = tpu.sem_alloc : memref<!tpu.dma_semaphore, #tpu.memory_space<semaphore_mem>>
        %dma_start3A = arith.constant 0 : i32
        %dma_start3A_41 = tpu.memref_slice %arg12[%min3A_1, %dma_start3A] : memref<10000x128xf32, #tpu.memory_space<vmem_shared>> -> memref<632x128xf32, #tpu.memory_space<vmem_shared>>
        %dma_start3A_42 = arith.constant 0 : i32
        %dma_start3A_43 = tpu.memref_slice %arg6[%min3A_1, %dma_start3A_42] : memref<10000x128xf32, #tpu.memory_space<hbm>> -> memref<632x128xf32, #tpu.memory_space<hbm>>
        tpu.enqueue_dma source(%dma_start3A_43 : memref<632x128xf32, #tpu.memory_space<hbm>>) target(%dma_start3A_41 : memref<632x128xf32, #tpu.memory_space<vmem_shared>>) target_semaphore(%run_scoped3A_40 : memref<!tpu.dma_semaphore, #tpu.memory_space<semaphore_mem>>)
        %dma_wait3A = arith.constant 0 : i32
        %dma_wait3A_44 = tpu.memref_slice %arg12[%min3A_1, %dma_wait3A] : memref<10000x128xf32, #tpu.memory_space<vmem_shared>> -> memref<632x128xf32, #tpu.memory_space<vmem_shared>>
        %dma_wait3A_45 = arith.constant 0 : i32
        %dma_wait3A_46 = tpu.memref_slice %arg6[%min3A_1, %dma_wait3A_45] : memref<10000x128xf32, #tpu.memory_space<hbm>> -> memref<632x128xf32, #tpu.memory_space<hbm>>
        tpu.wait_dma2 semaphore(%run_scoped3A_40 : memref<!tpu.dma_semaphore, #tpu.memory_space<semaphore_mem>>) src(%dma_wait3A_46 : memref<632x128xf32, #tpu.memory_space<hbm>>) dst(%dma_wait3A_44 : memref<632x128xf32, #tpu.memory_space<vmem_shared>>)
        tpu.yield
      }) : () -> ()
      %barrier3A = arith.constant 0 : index
      tpu.barrier barrier_id(%barrier3A)
      %scan3A = arith.constant 0 : i32
      %scan3A_15 = arith.constant 0 : i32
      %scan3A_16 = arith.constant 78 : i32
      %scan3A_17 = arith.addi %scan3A_15, %scan3A_16 : i32
      %scan3A_18 = arith.constant 1 : i32
      scf.for %scan3A_40 = %scan3A_15 to %scan3A_17 step %scan3A_18  : i32 {
        %mul3A_41 = arith.constant 16 : i32
        %mul3A_42 = arith.muli %scan3A_40, %mul3A_41 : i32
        %add3A = arith.addi %arg1, %mul3A_42 : i32
        %mul3A_43 = arith.constant 128 : i32
        %mul3A_44 = arith.muli %add3A, %mul3A_43 : i32
        "tpu.region"() ({
          %run_scoped3A_45 = tpu.sem_alloc : memref<!tpu.dma_semaphore, #tpu.memory_space<semaphore_mem>>
          %dma_start3A = tpu.memref_slice %arg5[%mul3A_44] : memref<160000xi32, #tpu.memory_space<hbm>> -> memref<128xi32, #tpu.memory_space<hbm>>
          %dma_start3A_46 = tpu.memref_slice %arg5[%mul3A_44] : memref<160000xi32, #tpu.memory_space<hbm>> -> memref<128xi32, #tpu.memory_space<hbm>>
          tpu.enqueue_dma source(%dma_start3A_46 : memref<128xi32, #tpu.memory_space<hbm>>) target(%arg9 : memref<128xi32, #tpu.memory_space<vmem>>) target_semaphore(%run_scoped3A_45 : memref<!tpu.dma_semaphore, #tpu.memory_space<semaphore_mem>>)
          %dma_wait3A = tpu.memref_slice %arg5[%mul3A_44] : memref<160000xi32, #tpu.memory_space<hbm>> -> memref<128xi32, #tpu.memory_space<hbm>>
          %dma_wait3A_47 = tpu.memref_slice %arg5[%mul3A_44] : memref<160000xi32, #tpu.memory_space<hbm>> -> memref<128xi32, #tpu.memory_space<hbm>>
          tpu.wait_dma2 semaphore(%run_scoped3A_45 : memref<!tpu.dma_semaphore, #tpu.memory_space<semaphore_mem>>) src(%dma_wait3A_47 : memref<128xi32, #tpu.memory_space<hbm>>) dst(%arg9 : memref<128xi32, #tpu.memory_space<vmem>>)
          tpu.yield
        }) : () -> ()
        "tpu.region"() ({
          %run_scoped3A_45 = tpu.sem_alloc : memref<!tpu.dma_semaphore, #tpu.memory_space<semaphore_mem>>
          %dma_start3A = arith.constant 0 : i32
          %dma_start3A_46 = tpu.memref_slice %arg2[%mul3A_44, %dma_start3A] : memref<160000x128xf32, #tpu.memory_space<hbm>> -> memref<128x128xf32, #tpu.memory_space<hbm>>
          %dma_start3A_47 = arith.constant 0 : i32
          %dma_start3A_48 = tpu.memref_slice %arg2[%mul3A_44, %dma_start3A_47] : memref<160000x128xf32, #tpu.memory_space<hbm>> -> memref<128x128xf32, #tpu.memory_space<hbm>>
          tpu.enqueue_dma source(%dma_start3A_48 : memref<128x128xf32, #tpu.memory_space<hbm>>) target(%arg11 : memref<128x128xf32, #tpu.memory_space<vmem>>) target_semaphore(%run_scoped3A_45 : memref<!tpu.dma_semaphore, #tpu.memory_space<semaphore_mem>>)
          %dma_wait3A = arith.constant 0 : i32
          %dma_wait3A_49 = tpu.memref_slice %arg2[%mul3A_44, %dma_wait3A] : memref<160000x128xf32, #tpu.memory_space<hbm>> -> memref<128x128xf32, #tpu.memory_space<hbm>>
          %dma_wait3A_50 = arith.constant 0 : i32
          %dma_wait3A_51 = tpu.memref_slice %arg2[%mul3A_44, %dma_wait3A_50] : memref<160000x128xf32, #tpu.memory_space<hbm>> -> memref<128x128xf32, #tpu.memory_space<hbm>>
          tpu.wait_dma2 semaphore(%run_scoped3A_45 : memref<!tpu.dma_semaphore, #tpu.memory_space<semaphore_mem>>) src(%dma_wait3A_51 : memref<128x128xf32, #tpu.memory_space<hbm>>) dst(%arg11 : memref<128x128xf32, #tpu.memory_space<vmem>>)
          tpu.yield
        }) : () -> ()
        "tpu.region"() ({
          %run_scoped3A_45 = tpu.sem_alloc : memref<!tpu.dma_semaphore, #tpu.memory_space<semaphore_mem>>
          %dma_start3A = arith.constant 0 : i32
          %dma_start3A_46 = arith.constant 0 : i32
          %dma_start3A_47 = tpu.memref_slice %arg12[%dma_start3A, %dma_start3A_46] : memref<10000x128xf32, #tpu.memory_space<vmem_shared>> -> memref<10000x128xf32, #tpu.memory_space<vmem_shared>>
          tpu.enqueue_indirect_dma source(%arg11 : memref<128x128xf32, #tpu.memory_space<vmem>>) target(%dma_start3A_47 : memref<10000x128xf32, #tpu.memory_space<vmem_shared>>) offsets(%arg9 : memref<128xi32, #tpu.memory_space<vmem>>) semaphore(%run_scoped3A_45 : memref<!tpu.dma_semaphore, #tpu.memory_space<semaphore_mem>>) {add = true}
          %dma_wait3A = arith.constant 0 : i32
          %dma_wait3A_48 = arith.constant 0 : i32
          %dma_wait3A_49 = tpu.memref_slice %arg12[%dma_wait3A, %dma_wait3A_48] : memref<10000x128xf32, #tpu.memory_space<vmem_shared>> -> memref<10000x128xf32, #tpu.memory_space<vmem_shared>>
          tpu.wait_indirect_dma semaphore(%run_scoped3A_45 : memref<!tpu.dma_semaphore, #tpu.memory_space<semaphore_mem>>) src(%arg11 : memref<128x128xf32, #tpu.memory_space<vmem>>) dst(%dma_wait3A_49 : memref<10000x128xf32, #tpu.memory_space<vmem_shared>>)
          tpu.yield
        }) : () -> ()
      }
      %scan3A_19 = arith.constant 78 : i32
      %lt3A = arith.constant 2 : i32
      %lt3A_20 = arith.cmpi slt, %arg1, %lt3A : i32
      %convert_element_type3A_21 = arith.extui %lt3A_20 : i1 to i32
      %cond3A_22 = arith.constant 0 : i32
      %cond3A_23 = arith.cmpi ne, %convert_element_type3A_21, %cond3A_22 : i32
      scf.if %cond3A_23 {
        %add3A = arith.constant 1248 : i32
        %add3A_40 = arith.addi %add3A, %arg1 : i32
        %mul3A_41 = arith.constant 128 : i32
        %mul3A_42 = arith.muli %add3A_40, %mul3A_41 : i32
        "tpu.region"() ({
          %run_scoped3A_43 = tpu.sem_alloc : memref<!tpu.dma_semaphore, #tpu.memory_space<semaphore_mem>>
          %dma_start3A = tpu.memref_slice %arg5[%mul3A_42] : memref<160000xi32, #tpu.memory_space<hbm>> -> memref<128xi32, #tpu.memory_space<hbm>>
          %dma_start3A_44 = tpu.memref_slice %arg5[%mul3A_42] : memref<160000xi32, #tpu.memory_space<hbm>> -> memref<128xi32, #tpu.memory_space<hbm>>
          tpu.enqueue_dma source(%dma_start3A_44 : memref<128xi32, #tpu.memory_space<hbm>>) target(%arg9 : memref<128xi32, #tpu.memory_space<vmem>>) target_semaphore(%run_scoped3A_43 : memref<!tpu.dma_semaphore, #tpu.memory_space<semaphore_mem>>)
          %dma_wait3A = tpu.memref_slice %arg5[%mul3A_42] : memref<160000xi32, #tpu.memory_space<hbm>> -> memref<128xi32, #tpu.memory_space<hbm>>
          %dma_wait3A_45 = tpu.memref_slice %arg5[%mul3A_42] : memref<160000xi32, #tpu.memory_space<hbm>> -> memref<128xi32, #tpu.memory_space<hbm>>
          tpu.wait_dma2 semaphore(%run_scoped3A_43 : memref<!tpu.dma_semaphore, #tpu.memory_space<semaphore_mem>>) src(%dma_wait3A_45 : memref<128xi32, #tpu.memory_space<hbm>>) dst(%arg9 : memref<128xi32, #tpu.memory_space<vmem>>)
          tpu.yield
        }) : () -> ()
        "tpu.region"() ({
          %run_scoped3A_43 = tpu.sem_alloc : memref<!tpu.dma_semaphore, #tpu.memory_space<semaphore_mem>>
          %dma_start3A = arith.constant 0 : i32
          %dma_start3A_44 = tpu.memref_slice %arg2[%mul3A_42, %dma_start3A] : memref<160000x128xf32, #tpu.memory_space<hbm>> -> memref<128x128xf32, #tpu.memory_space<hbm>>
          %dma_start3A_45 = arith.constant 0 : i32
          %dma_start3A_46 = tpu.memref_slice %arg2[%mul3A_42, %dma_start3A_45] : memref<160000x128xf32, #tpu.memory_space<hbm>> -> memref<128x128xf32, #tpu.memory_space<hbm>>
          tpu.enqueue_dma source(%dma_start3A_46 : memref<128x128xf32, #tpu.memory_space<hbm>>) target(%arg11 : memref<128x128xf32, #tpu.memory_space<vmem>>) target_semaphore(%run_scoped3A_43 : memref<!tpu.dma_semaphore, #tpu.memory_space<semaphore_mem>>)
          %dma_wait3A = arith.constant 0 : i32
          %dma_wait3A_47 = tpu.memref_slice %arg2[%mul3A_42, %dma_wait3A] : memref<160000x128xf32, #tpu.memory_space<hbm>> -> memref<128x128xf32, #tpu.memory_space<hbm>>
          %dma_wait3A_48 = arith.constant 0 : i32
          %dma_wait3A_49 = tpu.memref_slice %arg2[%mul3A_42, %dma_wait3A_48] : memref<160000x128xf32, #tpu.memory_space<hbm>> -> memref<128x128xf32, #tpu.memory_space<hbm>>
          tpu.wait_dma2 semaphore(%run_scoped3A_43 : memref<!tpu.dma_semaphore, #tpu.memory_space<semaphore_mem>>) src(%dma_wait3A_49 : memref<128x128xf32, #tpu.memory_space<hbm>>) dst(%arg11 : memref<128x128xf32, #tpu.memory_space<vmem>>)
          tpu.yield
        }) : () -> ()
        "tpu.region"() ({
          %run_scoped3A_43 = tpu.sem_alloc : memref<!tpu.dma_semaphore, #tpu.memory_space<semaphore_mem>>
          %dma_start3A = arith.constant 0 : i32
          %dma_start3A_44 = arith.constant 0 : i32
          %dma_start3A_45 = tpu.memref_slice %arg12[%dma_start3A, %dma_start3A_44] : memref<10000x128xf32, #tpu.memory_space<vmem_shared>> -> memref<10000x128xf32, #tpu.memory_space<vmem_shared>>
          tpu.enqueue_indirect_dma source(%arg11 : memref<128x128xf32, #tpu.memory_space<vmem>>) target(%dma_start3A_45 : memref<10000x128xf32, #tpu.memory_space<vmem_shared>>) offsets(%arg9 : memref<128xi32, #tpu.memory_space<vmem>>) semaphore(%run_scoped3A_43 : memref<!tpu.dma_semaphore, #tpu.memory_space<semaphore_mem>>) {add = true}
          %dma_wait3A = arith.constant 0 : i32
          %dma_wait3A_46 = arith.constant 0 : i32
          %dma_wait3A_47 = tpu.memref_slice %arg12[%dma_wait3A, %dma_wait3A_46] : memref<10000x128xf32, #tpu.memory_space<vmem_shared>> -> memref<10000x128xf32, #tpu.memory_space<vmem_shared>>
          tpu.wait_indirect_dma semaphore(%run_scoped3A_43 : memref<!tpu.dma_semaphore, #tpu.memory_space<semaphore_mem>>) src(%arg11 : memref<128x128xf32, #tpu.memory_space<vmem>>) dst(%dma_wait3A_47 : memref<10000x128xf32, #tpu.memory_space<vmem_shared>>)
          tpu.yield
        }) : () -> ()
      } else {
      }
      %barrier3A_24 = arith.constant 0 : index
      tpu.barrier barrier_id(%barrier3A_24)
      %run_scoped3A = arith.constant 0 : i32
      "tpu.region"() ({
        %run_scoped3A_40 = tpu.sem_alloc : memref<!tpu.dma_semaphore, #tpu.memory_space<semaphore_mem>>
        %dma_start3A = arith.constant 0 : i32
        %dma_start3A_41 = tpu.memref_slice %arg7[%run_scoped3A, %min3A_1, %dma_start3A] : memref<2x10000x128xf32, #tpu.memory_space<hbm>> -> memref<1x632x128xf32, #tpu.memory_space<hbm>>
        %dma_start3A_42 = tpu.memref_squeeze %dma_start3A_41 : memref<1x632x128xf32, #tpu.memory_space<hbm>> -> memref<632x128xf32, #tpu.memory_space<hbm>>
        %dma_start3A_43 = arith.constant 0 : i32
        %dma_start3A_44 = tpu.memref_slice %arg12[%min3A_1, %dma_start3A_43] : memref<10000x128xf32, #tpu.memory_space<vmem_shared>> -> memref<632x128xf32, #tpu.memory_space<vmem_shared>>
        tpu.enqueue_dma source(%dma_start3A_44 : memref<632x128xf32, #tpu.memory_space<vmem_shared>>) target(%dma_start3A_42 : memref<632x128xf32, #tpu.memory_space<hbm>>) target_semaphore(%run_scoped3A_40 : memref<!tpu.dma_semaphore, #tpu.memory_space<semaphore_mem>>)
        %dma_wait3A = arith.constant 0 : i32
        %dma_wait3A_45 = tpu.memref_slice %arg7[%run_scoped3A, %min3A_1, %dma_wait3A] : memref<2x10000x128xf32, #tpu.memory_space<hbm>> -> memref<1x632x128xf32, #tpu.memory_space<hbm>>
        %dma_wait3A_46 = tpu.memref_squeeze %dma_wait3A_45 : memref<1x632x128xf32, #tpu.memory_space<hbm>> -> memref<632x128xf32, #tpu.memory_space<hbm>>
        %dma_wait3A_47 = arith.constant 0 : i32
        %dma_wait3A_48 = tpu.memref_slice %arg12[%min3A_1, %dma_wait3A_47] : memref<10000x128xf32, #tpu.memory_space<vmem_shared>> -> memref<632x128xf32, #tpu.memory_space<vmem_shared>>
        tpu.wait_dma2 semaphore(%run_scoped3A_40 : memref<!tpu.dma_semaphore, #tpu.memory_space<semaphore_mem>>) src(%dma_wait3A_48 : memref<632x128xf32, #tpu.memory_space<vmem_shared>>) dst(%dma_wait3A_46 : memref<632x128xf32, #tpu.memory_space<hbm>>)
        tpu.yield
      }) : () -> ()
      %barrier3A_25 = arith.constant 0 : index
      tpu.barrier barrier_id(%barrier3A_25)
      "tpu.region"() ({
        %run_scoped3A_40 = tpu.sem_alloc : memref<!tpu.dma_semaphore, #tpu.memory_space<semaphore_mem>>
        %dma_start3A = arith.constant 0 : i32
        %dma_start3A_41 = tpu.memref_slice %arg12[%min3A_5, %dma_start3A] : memref<10000x128xf32, #tpu.memory_space<vmem_shared>> -> memref<320x128xf32, #tpu.memory_space<vmem_shared>>
        %dma_start3A_42 = arith.constant 0 : i32
        %dma_start3A_43 = tpu.memref_slice %arg6[%min3A_5, %dma_start3A_42] : memref<10000x128xf32, #tpu.memory_space<hbm>> -> memref<320x128xf32, #tpu.memory_space<hbm>>
        tpu.enqueue_dma source(%dma_start3A_43 : memref<320x128xf32, #tpu.memory_space<hbm>>) target(%dma_start3A_41 : memref<320x128xf32, #tpu.memory_space<vmem_shared>>) target_semaphore(%run_scoped3A_40 : memref<!tpu.dma_semaphore, #tpu.memory_space<semaphore_mem>>)
        %dma_wait3A = arith.constant 0 : i32
        %dma_wait3A_44 = tpu.memref_slice %arg12[%min3A_5, %dma_wait3A] : memref<10000x128xf32, #tpu.memory_space<vmem_shared>> -> memref<320x128xf32, #tpu.memory_space<vmem_shared>>
        %dma_wait3A_45 = arith.constant 0 : i32
        %dma_wait3A_46 = tpu.memref_slice %arg6[%min3A_5, %dma_wait3A_45] : memref<10000x128xf32, #tpu.memory_space<hbm>> -> memref<320x128xf32, #tpu.memory_space<hbm>>
        tpu.wait_dma2 semaphore(%run_scoped3A_40 : memref<!tpu.dma_semaphore, #tpu.memory_space<semaphore_mem>>) src(%dma_wait3A_46 : memref<320x128xf32, #tpu.memory_space<hbm>>) dst(%dma_wait3A_44 : memref<320x128xf32, #tpu.memory_space<vmem_shared>>)
        tpu.yield
      }) : () -> ()
      %barrier3A_26 = arith.constant 0 : index
      tpu.barrier barrier_id(%barrier3A_26)
      %scan3A_27 = arith.constant 0 : i32
      %scan3A_28 = arith.constant 0 : i32
      %scan3A_29 = arith.constant 78 : i32
      %scan3A_30 = arith.addi %scan3A_28, %scan3A_29 : i32
      %scan3A_31 = arith.constant 1 : i32
      scf.for %scan3A_40 = %scan3A_28 to %scan3A_30 step %scan3A_31  : i32 {
        %mul3A_41 = arith.constant 16 : i32
        %mul3A_42 = arith.muli %scan3A_40, %mul3A_41 : i32
        %add3A = arith.addi %arg1, %mul3A_42 : i32
        %mul3A_43 = arith.constant 128 : i32
        %mul3A_44 = arith.muli %add3A, %mul3A_43 : i32
        "tpu.region"() ({
          %run_scoped3A_189 = tpu.sem_alloc : memref<!tpu.dma_semaphore, #tpu.memory_space<semaphore_mem>>
          %dma_start3A = tpu.memref_slice %arg5[%mul3A_44] : memref<160000xi32, #tpu.memory_space<hbm>> -> memref<128xi32, #tpu.memory_space<hbm>>
          %dma_start3A_190 = tpu.memref_slice %arg5[%mul3A_44] : memref<160000xi32, #tpu.memory_space<hbm>> -> memref<128xi32, #tpu.memory_space<hbm>>
          tpu.enqueue_dma source(%dma_start3A_190 : memref<128xi32, #tpu.memory_space<hbm>>) target(%arg9 : memref<128xi32, #tpu.memory_space<vmem>>) target_semaphore(%run_scoped3A_189 : memref<!tpu.dma_semaphore, #tpu.memory_space<semaphore_mem>>)
          %dma_wait3A = tpu.memref_slice %arg5[%mul3A_44] : memref<160000xi32, #tpu.memory_space<hbm>> -> memref<128xi32, #tpu.memory_space<hbm>>
          %dma_wait3A_191 = tpu.memref_slice %arg5[%mul3A_44] : memref<160000xi32, #tpu.memory_space<hbm>> -> memref<128xi32, #tpu.memory_space<hbm>>
          tpu.wait_dma2 semaphore(%run_scoped3A_189 : memref<!tpu.dma_semaphore, #tpu.memory_space<semaphore_mem>>) src(%dma_wait3A_191 : memref<128xi32, #tpu.memory_space<hbm>>) dst(%arg9 : memref<128xi32, #tpu.memory_space<vmem>>)
          tpu.yield
        }) : () -> ()
        %get3A = arith.constant 0 : index
        %get3A_45 = tpu.vector_load %arg9[%get3A] {strides = array<i32>} : memref<128xi32, #tpu.memory_space<vmem>>, vector<16xi32>,
        %get3A_46 = vector.shape_cast %get3A_45 : vector<16xi32> to vector<16xi32>
        %sub3A = vector.broadcast %mul3A_7 : i32 to vector<16xi32>
        %sub3A_47 = arith.subi %get3A_46, %sub3A : vector<16xi32>
        %ge3A = arith.constant 0 : i32
        %ge3A_48 = vector.broadcast %ge3A : i32 to vector<16xi32>
        %ge3A_49 = arith.cmpi sge, %sub3A_47, %ge3A_48 : vector<16xi32>
        %lt3A_50 = arith.constant 5000 : i32
        %lt3A_51 = vector.broadcast %lt3A_50 : i32 to vector<16xi32>
        %lt3A_52 = arith.cmpi slt, %sub3A_47, %lt3A_51 : vector<16xi32>
        %and3A = arith.andi %ge3A_49, %lt3A_52 : vector<16xi1>
        %jit3A = arith.constant 5000 : i32
        %broadcast_in_dim3A = vector.broadcast %jit3A : i32 to vector<16xi32>
        %select_n3A = arith.select %and3A, %sub3A_47, %broadcast_in_dim3A : vector<16xi1>, vector<16xi32>
        %swap3A = arith.constant 0 : index
        %swap3A_53 = tpu.vector_load %arg10[%swap3A] {strides = array<i32>} : memref<128xi32, #tpu.memory_space<vmem>>, vector<16xi32>,
        %swap3A_54 = vector.shape_cast %swap3A_53 : vector<16xi32> to vector<16xi32>
        %swap3A_55 = vector.shape_cast %select_n3A : vector<16xi32> to vector<16xi32>
        tpu.vector_store %arg10[%swap3A], %swap3A_55 {strides = array<i32>} : memref<128xi32, #tpu.memory_space<vmem>>, vector<16xi32>,
        %get3A_56 = arith.constant 16 : index
        %get3A_57 = tpu.vector_load %arg9[%get3A_56] {strides = array<i32>} : memref<128xi32, #tpu.memory_space<vmem>>, vector<16xi32>,
        %get3A_58 = vector.shape_cast %get3A_57 : vector<16xi32> to vector<16xi32>
        %sub3A_59 = vector.broadcast %mul3A_7 : i32 to vector<16xi32>
        %sub3A_60 = arith.subi %get3A_58, %sub3A_59 : vector<16xi32>
        %ge3A_61 = arith.constant 0 : i32
        %ge3A_62 = vector.broadcast %ge3A_61 : i32 to vector<16xi32>
        %ge3A_63 = arith.cmpi sge, %sub3A_60, %ge3A_62 : vector<16xi32>
        %lt3A_64 = arith.constant 5000 : i32
        %lt3A_65 = vector.broadcast %lt3A_64 : i32 to vector<16xi32>
        %lt3A_66 = arith.cmpi slt, %sub3A_60, %lt3A_65 : vector<16xi32>
        %and3A_67 = arith.andi %ge3A_63, %lt3A_66 : vector<16xi1>
        %jit3A_68 = arith.constant 5000 : i32
        %broadcast_in_dim3A_69 = vector.broadcast %jit3A_68 : i32 to vector<16xi32>
        %select_n3A_70 = arith.select %and3A_67, %sub3A_60, %broadcast_in_dim3A_69 : vector<16xi1>, vector<16xi32>
        %swap3A_71 = arith.constant 16 : index
        %swap3A_72 = tpu.vector_load %arg10[%swap3A_71] {strides = array<i32>} : memref<128xi32, #tpu.memory_space<vmem>>, vector<16xi32>,
        %swap3A_73 = vector.shape_cast %swap3A_72 : vector<16xi32> to vector<16xi32>
        %swap3A_74 = vector.shape_cast %select_n3A_70 : vector<16xi32> to vector<16xi32>
        tpu.vector_store %arg10[%swap3A_71], %swap3A_74 {strides = array<i32>} : memref<128xi32, #tpu.memory_space<vmem>>, vector<16xi32>,
        %get3A_75 = arith.constant 32 : index
        %get3A_76 = tpu.vector_load %arg9[%get3A_75] {strides = array<i32>} : memref<128xi32, #tpu.memory_space<vmem>>, vector<16xi32>,
        %get3A_77 = vector.shape_cast %get3A_76 : vector<16xi32> to vector<16xi32>
        %sub3A_78 = vector.broadcast %mul3A_7 : i32 to vector<16xi32>
        %sub3A_79 = arith.subi %get3A_77, %sub3A_78 : vector<16xi32>
        %ge3A_80 = arith.constant 0 : i32
        %ge3A_81 = vector.broadcast %ge3A_80 : i32 to vector<16xi32>
        %ge3A_82 = arith.cmpi sge, %sub3A_79, %ge3A_81 : vector<16xi32>
        %lt3A_83 = arith.constant 5000 : i32
        %lt3A_84 = vector.broadcast %lt3A_83 : i32 to vector<16xi32>
        %lt3A_85 = arith.cmpi slt, %sub3A_79, %lt3A_84 : vector<16xi32>
        %and3A_86 = arith.andi %ge3A_82, %lt3A_85 : vector<16xi1>
        %jit3A_87 = arith.constant 5000 : i32
        %broadcast_in_dim3A_88 = vector.broadcast %jit3A_87 : i32 to vector<16xi32>
        %select_n3A_89 = arith.select %and3A_86, %sub3A_79, %broadcast_in_dim3A_88 : vector<16xi1>, vector<16xi32>
        %swap3A_90 = arith.constant 32 : index
        %swap3A_91 = tpu.vector_load %arg10[%swap3A_90] {strides = array<i32>} : memref<128xi32, #tpu.memory_space<vmem>>, vector<16xi32>,
        %swap3A_92 = vector.shape_cast %swap3A_91 : vector<16xi32> to vector<16xi32>
        %swap3A_93 = vector.shape_cast %select_n3A_89 : vector<16xi32> to vector<16xi32>
        tpu.vector_store %arg10[%swap3A_90], %swap3A_93 {strides = array<i32>} : memref<128xi32, #tpu.memory_space<vmem>>, vector<16xi32>,
        %get3A_94 = arith.constant 48 : index
        %get3A_95 = tpu.vector_load %arg9[%get3A_94] {strides = array<i32>} : memref<128xi32, #tpu.memory_space<vmem>>, vector<16xi32>,
        %get3A_96 = vector.shape_cast %get3A_95 : vector<16xi32> to vector<16xi32>
        %sub3A_97 = vector.broadcast %mul3A_7 : i32 to vector<16xi32>
        %sub3A_98 = arith.subi %get3A_96, %sub3A_97 : vector<16xi32>
        %ge3A_99 = arith.constant 0 : i32
        %ge3A_100 = vector.broadcast %ge3A_99 : i32 to vector<16xi32>
        %ge3A_101 = arith.cmpi sge, %sub3A_98, %ge3A_100 : vector<16xi32>
        %lt3A_102 = arith.constant 5000 : i32
        %lt3A_103 = vector.broadcast %lt3A_102 : i32 to vector<16xi32>
        %lt3A_104 = arith.cmpi slt, %sub3A_98, %lt3A_103 : vector<16xi32>
        %and3A_105 = arith.andi %ge3A_101, %lt3A_104 : vector<16xi1>
        %jit3A_106 = arith.constant 5000 : i32
        %broadcast_in_dim3A_107 = vector.broadcast %jit3A_106 : i32 to vector<16xi32>
        %select_n3A_108 = arith.select %and3A_105, %sub3A_98, %broadcast_in_dim3A_107 : vector<16xi1>, vector<16xi32>
        %swap3A_109 = arith.constant 48 : index
        %swap3A_110 = tpu.vector_load %arg10[%swap3A_109] {strides = array<i32>} : memref<128xi32, #tpu.memory_space<vmem>>, vector<16xi32>,
        %swap3A_111 = vector.shape_cast %swap3A_110 : vector<16xi32> to vector<16xi32>
        %swap3A_112 = vector.shape_cast %select_n3A_108 : vector<16xi32> to vector<16xi32>
        tpu.vector_store %arg10[%swap3A_109], %swap3A_112 {strides = array<i32>} : memref<128xi32, #tpu.memory_space<vmem>>, vector<16xi32>,
        %get3A_113 = arith.constant 64 : index
        %get3A_114 = tpu.vector_load %arg9[%get3A_113] {strides = array<i32>} : memref<128xi32, #tpu.memory_space<vmem>>, vector<16xi32>,
        %get3A_115 = vector.shape_cast %get3A_114 : vector<16xi32> to vector<16xi32>
        %sub3A_116 = vector.broadcast %mul3A_7 : i32 to vector<16xi32>
        %sub3A_117 = arith.subi %get3A_115, %sub3A_116 : vector<16xi32>
        %ge3A_118 = arith.constant 0 : i32
        %ge3A_119 = vector.broadcast %ge3A_118 : i32 to vector<16xi32>
        %ge3A_120 = arith.cmpi sge, %sub3A_117, %ge3A_119 : vector<16xi32>
        %lt3A_121 = arith.constant 5000 : i32
        %lt3A_122 = vector.broadcast %lt3A_121 : i32 to vector<16xi32>
        %lt3A_123 = arith.cmpi slt, %sub3A_117, %lt3A_122 : vector<16xi32>
        %and3A_124 = arith.andi %ge3A_120, %lt3A_123 : vector<16xi1>
        %jit3A_125 = arith.constant 5000 : i32
        %broadcast_in_dim3A_126 = vector.broadcast %jit3A_125 : i32 to vector<16xi32>
        %select_n3A_127 = arith.select %and3A_124, %sub3A_117, %broadcast_in_dim3A_126 : vector<16xi1>, vector<16xi32>
        %swap3A_128 = arith.constant 64 : index
        %swap3A_129 = tpu.vector_load %arg10[%swap3A_128] {strides = array<i32>} : memref<128xi32, #tpu.memory_space<vmem>>, vector<16xi32>,
        %swap3A_130 = vector.shape_cast %swap3A_129 : vector<16xi32> to vector<16xi32>
        %swap3A_131 = vector.shape_cast %select_n3A_127 : vector<16xi32> to vector<16xi32>
        tpu.vector_store %arg10[%swap3A_128], %swap3A_131 {strides = array<i32>} : memref<128xi32, #tpu.memory_space<vmem>>, vector<16xi32>,
        %get3A_132 = arith.constant 80 : index
        %get3A_133 = tpu.vector_load %arg9[%get3A_132] {strides = array<i32>} : memref<128xi32, #tpu.memory_space<vmem>>, vector<16xi32>,
        %get3A_134 = vector.shape_cast %get3A_133 : vector<16xi32> to vector<16xi32>
        %sub3A_135 = vector.broadcast %mul3A_7 : i32 to vector<16xi32>
        %sub3A_136 = arith.subi %get3A_134, %sub3A_135 : vector<16xi32>
        %ge3A_137 = arith.constant 0 : i32
        %ge3A_138 = vector.broadcast %ge3A_137 : i32 to vector<16xi32>
        %ge3A_139 = arith.cmpi sge, %sub3A_136, %ge3A_138 : vector<16xi32>
        %lt3A_140 = arith.constant 5000 : i32
        %lt3A_141 = vector.broadcast %lt3A_140 : i32 to vector<16xi32>
        %lt3A_142 = arith.cmpi slt, %sub3A_136, %lt3A_141 : vector<16xi32>
        %and3A_143 = arith.andi %ge3A_139, %lt3A_142 : vector<16xi1>
        %jit3A_144 = arith.constant 5000 : i32
        %broadcast_in_dim3A_145 = vector.broadcast %jit3A_144 : i32 to vector<16xi32>
        %select_n3A_146 = arith.select %and3A_143, %sub3A_136, %broadcast_in_dim3A_145 : vector<16xi1>, vector<16xi32>
        %swap3A_147 = arith.constant 80 : index
        %swap3A_148 = tpu.vector_load %arg10[%swap3A_147] {strides = array<i32>} : memref<128xi32, #tpu.memory_space<vmem>>, vector<16xi32>,
        %swap3A_149 = vector.shape_cast %swap3A_148 : vector<16xi32> to vector<16xi32>
        %swap3A_150 = vector.shape_cast %select_n3A_146 : vector<16xi32> to vector<16xi32>
        tpu.vector_store %arg10[%swap3A_147], %swap3A_150 {strides = array<i32>} : memref<128xi32, #tpu.memory_space<vmem>>, vector<16xi32>,
        %get3A_151 = arith.constant 96 : index
        %get3A_152 = tpu.vector_load %arg9[%get3A_151] {strides = array<i32>} : memref<128xi32, #tpu.memory_space<vmem>>, vector<16xi32>,
        %get3A_153 = vector.shape_cast %get3A_152 : vector<16xi32> to vector<16xi32>
        %sub3A_154 = vector.broadcast %mul3A_7 : i32 to vector<16xi32>
        %sub3A_155 = arith.subi %get3A_153, %sub3A_154 : vector<16xi32>
        %ge3A_156 = arith.constant 0 : i32
        %ge3A_157 = vector.broadcast %ge3A_156 : i32 to vector<16xi32>
        %ge3A_158 = arith.cmpi sge, %sub3A_155, %ge3A_157 : vector<16xi32>
        %lt3A_159 = arith.constant 5000 : i32
        %lt3A_160 = vector.broadcast %lt3A_159 : i32 to vector<16xi32>
        %lt3A_161 = arith.cmpi slt, %sub3A_155, %lt3A_160 : vector<16xi32>
        %and3A_162 = arith.andi %ge3A_158, %lt3A_161 : vector<16xi1>
        %jit3A_163 = arith.constant 5000 : i32
        %broadcast_in_dim3A_164 = vector.broadcast %jit3A_163 : i32 to vector<16xi32>
        %select_n3A_165 = arith.select %and3A_162, %sub3A_155, %broadcast_in_dim3A_164 : vector<16xi1>, vector<16xi32>
        %swap3A_166 = arith.constant 96 : index
        %swap3A_167 = tpu.vector_load %arg10[%swap3A_166] {strides = array<i32>} : memref<128xi32, #tpu.memory_space<vmem>>, vector<16xi32>,
        %swap3A_168 = vector.shape_cast %swap3A_167 : vector<16xi32> to vector<16xi32>
        %swap3A_169 = vector.shape_cast %select_n3A_165 : vector<16xi32> to vector<16xi32>
        tpu.vector_store %arg10[%swap3A_166], %swap3A_169 {strides = array<i32>} : memref<128xi32, #tpu.memory_space<vmem>>, vector<16xi32>,
        %get3A_170 = arith.constant 112 : index
        %get3A_171 = tpu.vector_load %arg9[%get3A_170] {strides = array<i32>} : memref<128xi32, #tpu.memory_space<vmem>>, vector<16xi32>,
        %get3A_172 = vector.shape_cast %get3A_171 : vector<16xi32> to vector<16xi32>
        %sub3A_173 = vector.broadcast %mul3A_7 : i32 to vector<16xi32>
        %sub3A_174 = arith.subi %get3A_172, %sub3A_173 : vector<16xi32>
        %ge3A_175 = arith.constant 0 : i32
        %ge3A_176 = vector.broadcast %ge3A_175 : i32 to vector<16xi32>
        %ge3A_177 = arith.cmpi sge, %sub3A_174, %ge3A_176 : vector<16xi32>
        %lt3A_178 = arith.constant 5000 : i32
        %lt3A_179 = vector.broadcast %lt3A_178 : i32 to vector<16xi32>
        %lt3A_180 = arith.cmpi slt, %sub3A_174, %lt3A_179 : vector<16xi32>
        %and3A_181 = arith.andi %ge3A_177, %lt3A_180 : vector<16xi1>
        %jit3A_182 = arith.constant 5000 : i32
        %broadcast_in_dim3A_183 = vector.broadcast %jit3A_182 : i32 to vector<16xi32>
        %select_n3A_184 = arith.select %and3A_181, %sub3A_174, %broadcast_in_dim3A_183 : vector<16xi1>, vector<16xi32>
        %swap3A_185 = arith.constant 112 : index
        %swap3A_186 = tpu.vector_load %arg10[%swap3A_185] {strides = array<i32>} : memref<128xi32, #tpu.memory_space<vmem>>, vector<16xi32>,
        %swap3A_187 = vector.shape_cast %swap3A_186 : vector<16xi32> to vector<16xi32>
        %swap3A_188 = vector.shape_cast %select_n3A_184 : vector<16xi32> to vector<16xi32>
        tpu.vector_store %arg10[%swap3A_185], %swap3A_188 {strides = array<i32>} : memref<128xi32, #tpu.memory_space<vmem>>, vector<16xi32>,
        "tpu.region"() ({
          %run_scoped3A_189 = tpu.sem_alloc : memref<!tpu.dma_semaphore, #tpu.memory_space<semaphore_mem>>
          %dma_start3A = arith.constant 0 : i32
          %dma_start3A_190 = tpu.memref_slice %arg4[%mul3A_44, %dma_start3A] : memref<160000x128xf32, #tpu.memory_space<hbm>> -> memref<128x128xf32, #tpu.memory_space<hbm>>
          %dma_start3A_191 = arith.constant 0 : i32
          %dma_start3A_192 = tpu.memref_slice %arg4[%mul3A_44, %dma_start3A_191] : memref<160000x128xf32, #tpu.memory_space<hbm>> -> memref<128x128xf32, #tpu.memory_space<hbm>>
          tpu.enqueue_dma source(%dma_start3A_192 : memref<128x128xf32, #tpu.memory_space<hbm>>) target(%arg11 : memref<128x128xf32, #tpu.memory_space<vmem>>) target_semaphore(%run_scoped3A_189 : memref<!tpu.dma_semaphore, #tpu.memory_space<semaphore_mem>>)
          %dma_wait3A = arith.constant 0 : i32
          %dma_wait3A_193 = tpu.memref_slice %arg4[%mul3A_44, %dma_wait3A] : memref<160000x128xf32, #tpu.memory_space<hbm>> -> memref<128x128xf32, #tpu.memory_space<hbm>>
          %dma_wait3A_194 = arith.constant 0 : i32
          %dma_wait3A_195 = tpu.memref_slice %arg4[%mul3A_44, %dma_wait3A_194] : memref<160000x128xf32, #tpu.memory_space<hbm>> -> memref<128x128xf32, #tpu.memory_space<hbm>>
          tpu.wait_dma2 semaphore(%run_scoped3A_189 : memref<!tpu.dma_semaphore, #tpu.memory_space<semaphore_mem>>) src(%dma_wait3A_195 : memref<128x128xf32, #tpu.memory_space<hbm>>) dst(%arg11 : memref<128x128xf32, #tpu.memory_space<vmem>>)
          tpu.yield
        }) : () -> ()
        "tpu.region"() ({
          %run_scoped3A_189 = tpu.sem_alloc : memref<!tpu.dma_semaphore, #tpu.memory_space<semaphore_mem>>
          %dma_start3A = arith.constant 0 : i32
          %dma_start3A_190 = arith.constant 0 : i32
          %dma_start3A_191 = tpu.memref_slice %arg12[%dma_start3A, %dma_start3A_190] : memref<10000x128xf32, #tpu.memory_space<vmem_shared>> -> memref<10000x128xf32, #tpu.memory_space<vmem_shared>>
          tpu.enqueue_indirect_dma source(%arg11 : memref<128x128xf32, #tpu.memory_space<vmem>>) target(%dma_start3A_191 : memref<10000x128xf32, #tpu.memory_space<vmem_shared>>) offsets(%arg10 : memref<128xi32, #tpu.memory_space<vmem>>) semaphore(%run_scoped3A_189 : memref<!tpu.dma_semaphore, #tpu.memory_space<semaphore_mem>>) {add = true}
          %dma_wait3A = arith.constant 0 : i32
          %dma_wait3A_192 = arith.constant 0 : i32
          %dma_wait3A_193 = tpu.memref_slice %arg12[%dma_wait3A, %dma_wait3A_192] : memref<10000x128xf32, #tpu.memory_space<vmem_shared>> -> memref<10000x128xf32, #tpu.memory_space<vmem_shared>>
          tpu.wait_indirect_dma semaphore(%run_scoped3A_189 : memref<!tpu.dma_semaphore, #tpu.memory_space<semaphore_mem>>) src(%arg11 : memref<128x128xf32, #tpu.memory_space<vmem>>) dst(%dma_wait3A_193 : memref<10000x128xf32, #tpu.memory_space<vmem_shared>>)
          tpu.yield
        }) : () -> ()
      }
      %scan3A_32 = arith.constant 78 : i32
      %lt3A_33 = arith.constant 2 : i32
      %lt3A_34 = arith.cmpi slt, %arg1, %lt3A_33 : i32
      %convert_element_type3A_35 = arith.extui %lt3A_34 : i1 to i32
      %cond3A_36 = arith.constant 0 : i32
      %cond3A_37 = arith.cmpi ne, %convert_element_type3A_35, %cond3A_36 : i32
      scf.if %cond3A_37 {
        %add3A = arith.constant 1248 : i32
        %add3A_40 = arith.addi %add3A, %arg1 : i32
        %mul3A_41 = arith.constant 128 : i32
        %mul3A_42 = arith.muli %add3A_40, %mul3A_41 : i32
        "tpu.region"() ({
          %run_scoped3A_187 = tpu.sem_alloc : memref<!tpu.dma_semaphore, #tpu.memory_space<semaphore_mem>>
          %dma_start3A = tpu.memref_slice %arg5[%mul3A_42] : memref<160000xi32, #tpu.memory_space<hbm>> -> memref<128xi32, #tpu.memory_space<hbm>>
          %dma_start3A_188 = tpu.memref_slice %arg5[%mul3A_42] : memref<160000xi32, #tpu.memory_space<hbm>> -> memref<128xi32, #tpu.memory_space<hbm>>
          tpu.enqueue_dma source(%dma_start3A_188 : memref<128xi32, #tpu.memory_space<hbm>>) target(%arg9 : memref<128xi32, #tpu.memory_space<vmem>>) target_semaphore(%run_scoped3A_187 : memref<!tpu.dma_semaphore, #tpu.memory_space<semaphore_mem>>)
          %dma_wait3A = tpu.memref_slice %arg5[%mul3A_42] : memref<160000xi32, #tpu.memory_space<hbm>> -> memref<128xi32, #tpu.memory_space<hbm>>
          %dma_wait3A_189 = tpu.memref_slice %arg5[%mul3A_42] : memref<160000xi32, #tpu.memory_space<hbm>> -> memref<128xi32, #tpu.memory_space<hbm>>
          tpu.wait_dma2 semaphore(%run_scoped3A_187 : memref<!tpu.dma_semaphore, #tpu.memory_space<semaphore_mem>>) src(%dma_wait3A_189 : memref<128xi32, #tpu.memory_space<hbm>>) dst(%arg9 : memref<128xi32, #tpu.memory_space<vmem>>)
          tpu.yield
        }) : () -> ()
        %get3A = arith.constant 0 : index
        %get3A_43 = tpu.vector_load %arg9[%get3A] {strides = array<i32>} : memref<128xi32, #tpu.memory_space<vmem>>, vector<16xi32>,
        %get3A_44 = vector.shape_cast %get3A_43 : vector<16xi32> to vector<16xi32>
        %sub3A = vector.broadcast %mul3A_7 : i32 to vector<16xi32>
        %sub3A_45 = arith.subi %get3A_44, %sub3A : vector<16xi32>
        %ge3A = arith.constant 0 : i32
        %ge3A_46 = vector.broadcast %ge3A : i32 to vector<16xi32>
        %ge3A_47 = arith.cmpi sge, %sub3A_45, %ge3A_46 : vector<16xi32>
        %lt3A_48 = arith.constant 5000 : i32
        %lt3A_49 = vector.broadcast %lt3A_48 : i32 to vector<16xi32>
        %lt3A_50 = arith.cmpi slt, %sub3A_45, %lt3A_49 : vector<16xi32>
        %and3A = arith.andi %ge3A_47, %lt3A_50 : vector<16xi1>
        %jit3A = arith.constant 5000 : i32
        %broadcast_in_dim3A = vector.broadcast %jit3A : i32 to vector<16xi32>
        %select_n3A = arith.select %and3A, %sub3A_45, %broadcast_in_dim3A : vector<16xi1>, vector<16xi32>
        %swap3A = arith.constant 0 : index
        %swap3A_51 = tpu.vector_load %arg10[%swap3A] {strides = array<i32>} : memref<128xi32, #tpu.memory_space<vmem>>, vector<16xi32>,
        %swap3A_52 = vector.shape_cast %swap3A_51 : vector<16xi32> to vector<16xi32>
        %swap3A_53 = vector.shape_cast %select_n3A : vector<16xi32> to vector<16xi32>
        tpu.vector_store %arg10[%swap3A], %swap3A_53 {strides = array<i32>} : memref<128xi32, #tpu.memory_space<vmem>>, vector<16xi32>,
        %get3A_54 = arith.constant 16 : index
        %get3A_55 = tpu.vector_load %arg9[%get3A_54] {strides = array<i32>} : memref<128xi32, #tpu.memory_space<vmem>>, vector<16xi32>,
        %get3A_56 = vector.shape_cast %get3A_55 : vector<16xi32> to vector<16xi32>
        %sub3A_57 = vector.broadcast %mul3A_7 : i32 to vector<16xi32>
        %sub3A_58 = arith.subi %get3A_56, %sub3A_57 : vector<16xi32>
        %ge3A_59 = arith.constant 0 : i32
        %ge3A_60 = vector.broadcast %ge3A_59 : i32 to vector<16xi32>
        %ge3A_61 = arith.cmpi sge, %sub3A_58, %ge3A_60 : vector<16xi32>
        %lt3A_62 = arith.constant 5000 : i32
        %lt3A_63 = vector.broadcast %lt3A_62 : i32 to vector<16xi32>
        %lt3A_64 = arith.cmpi slt, %sub3A_58, %lt3A_63 : vector<16xi32>
        %and3A_65 = arith.andi %ge3A_61, %lt3A_64 : vector<16xi1>
        %jit3A_66 = arith.constant 5000 : i32
        %broadcast_in_dim3A_67 = vector.broadcast %jit3A_66 : i32 to vector<16xi32>
        %select_n3A_68 = arith.select %and3A_65, %sub3A_58, %broadcast_in_dim3A_67 : vector<16xi1>, vector<16xi32>
        %swap3A_69 = arith.constant 16 : index
        %swap3A_70 = tpu.vector_load %arg10[%swap3A_69] {strides = array<i32>} : memref<128xi32, #tpu.memory_space<vmem>>, vector<16xi32>,
        %swap3A_71 = vector.shape_cast %swap3A_70 : vector<16xi32> to vector<16xi32>
        %swap3A_72 = vector.shape_cast %select_n3A_68 : vector<16xi32> to vector<16xi32>
        tpu.vector_store %arg10[%swap3A_69], %swap3A_72 {strides = array<i32>} : memref<128xi32, #tpu.memory_space<vmem>>, vector<16xi32>,
        %get3A_73 = arith.constant 32 : index
        %get3A_74 = tpu.vector_load %arg9[%get3A_73] {strides = array<i32>} : memref<128xi32, #tpu.memory_space<vmem>>, vector<16xi32>,
        %get3A_75 = vector.shape_cast %get3A_74 : vector<16xi32> to vector<16xi32>
        %sub3A_76 = vector.broadcast %mul3A_7 : i32 to vector<16xi32>
        %sub3A_77 = arith.subi %get3A_75, %sub3A_76 : vector<16xi32>
        %ge3A_78 = arith.constant 0 : i32
        %ge3A_79 = vector.broadcast %ge3A_78 : i32 to vector<16xi32>
        %ge3A_80 = arith.cmpi sge, %sub3A_77, %ge3A_79 : vector<16xi32>
        %lt3A_81 = arith.constant 5000 : i32
        %lt3A_82 = vector.broadcast %lt3A_81 : i32 to vector<16xi32>
        %lt3A_83 = arith.cmpi slt, %sub3A_77, %lt3A_82 : vector<16xi32>
        %and3A_84 = arith.andi %ge3A_80, %lt3A_83 : vector<16xi1>
        %jit3A_85 = arith.constant 5000 : i32
        %broadcast_in_dim3A_86 = vector.broadcast %jit3A_85 : i32 to vector<16xi32>
        %select_n3A_87 = arith.select %and3A_84, %sub3A_77, %broadcast_in_dim3A_86 : vector<16xi1>, vector<16xi32>
        %swap3A_88 = arith.constant 32 : index
        %swap3A_89 = tpu.vector_load %arg10[%swap3A_88] {strides = array<i32>} : memref<128xi32, #tpu.memory_space<vmem>>, vector<16xi32>,
        %swap3A_90 = vector.shape_cast %swap3A_89 : vector<16xi32> to vector<16xi32>
        %swap3A_91 = vector.shape_cast %select_n3A_87 : vector<16xi32> to vector<16xi32>
        tpu.vector_store %arg10[%swap3A_88], %swap3A_91 {strides = array<i32>} : memref<128xi32, #tpu.memory_space<vmem>>, vector<16xi32>,
        %get3A_92 = arith.constant 48 : index
        %get3A_93 = tpu.vector_load %arg9[%get3A_92] {strides = array<i32>} : memref<128xi32, #tpu.memory_space<vmem>>, vector<16xi32>,
        %get3A_94 = vector.shape_cast %get3A_93 : vector<16xi32> to vector<16xi32>
        %sub3A_95 = vector.broadcast %mul3A_7 : i32 to vector<16xi32>
        %sub3A_96 = arith.subi %get3A_94, %sub3A_95 : vector<16xi32>
        %ge3A_97 = arith.constant 0 : i32
        %ge3A_98 = vector.broadcast %ge3A_97 : i32 to vector<16xi32>
        %ge3A_99 = arith.cmpi sge, %sub3A_96, %ge3A_98 : vector<16xi32>
        %lt3A_100 = arith.constant 5000 : i32
        %lt3A_101 = vector.broadcast %lt3A_100 : i32 to vector<16xi32>
        %lt3A_102 = arith.cmpi slt, %sub3A_96, %lt3A_101 : vector<16xi32>
        %and3A_103 = arith.andi %ge3A_99, %lt3A_102 : vector<16xi1>
        %jit3A_104 = arith.constant 5000 : i32
        %broadcast_in_dim3A_105 = vector.broadcast %jit3A_104 : i32 to vector<16xi32>
        %select_n3A_106 = arith.select %and3A_103, %sub3A_96, %broadcast_in_dim3A_105 : vector<16xi1>, vector<16xi32>
        %swap3A_107 = arith.constant 48 : index
        %swap3A_108 = tpu.vector_load %arg10[%swap3A_107] {strides = array<i32>} : memref<128xi32, #tpu.memory_space<vmem>>, vector<16xi32>,
        %swap3A_109 = vector.shape_cast %swap3A_108 : vector<16xi32> to vector<16xi32>
        %swap3A_110 = vector.shape_cast %select_n3A_106 : vector<16xi32> to vector<16xi32>
        tpu.vector_store %arg10[%swap3A_107], %swap3A_110 {strides = array<i32>} : memref<128xi32, #tpu.memory_space<vmem>>, vector<16xi32>,
        %get3A_111 = arith.constant 64 : index
        %get3A_112 = tpu.vector_load %arg9[%get3A_111] {strides = array<i32>} : memref<128xi32, #tpu.memory_space<vmem>>, vector<16xi32>,
        %get3A_113 = vector.shape_cast %get3A_112 : vector<16xi32> to vector<16xi32>
        %sub3A_114 = vector.broadcast %mul3A_7 : i32 to vector<16xi32>
        %sub3A_115 = arith.subi %get3A_113, %sub3A_114 : vector<16xi32>
        %ge3A_116 = arith.constant 0 : i32
        %ge3A_117 = vector.broadcast %ge3A_116 : i32 to vector<16xi32>
        %ge3A_118 = arith.cmpi sge, %sub3A_115, %ge3A_117 : vector<16xi32>
        %lt3A_119 = arith.constant 5000 : i32
        %lt3A_120 = vector.broadcast %lt3A_119 : i32 to vector<16xi32>
        %lt3A_121 = arith.cmpi slt, %sub3A_115, %lt3A_120 : vector<16xi32>
        %and3A_122 = arith.andi %ge3A_118, %lt3A_121 : vector<16xi1>
        %jit3A_123 = arith.constant 5000 : i32
        %broadcast_in_dim3A_124 = vector.broadcast %jit3A_123 : i32 to vector<16xi32>
        %select_n3A_125 = arith.select %and3A_122, %sub3A_115, %broadcast_in_dim3A_124 : vector<16xi1>, vector<16xi32>
        %swap3A_126 = arith.constant 64 : index
        %swap3A_127 = tpu.vector_load %arg10[%swap3A_126] {strides = array<i32>} : memref<128xi32, #tpu.memory_space<vmem>>, vector<16xi32>,
        %swap3A_128 = vector.shape_cast %swap3A_127 : vector<16xi32> to vector<16xi32>
        %swap3A_129 = vector.shape_cast %select_n3A_125 : vector<16xi32> to vector<16xi32>
        tpu.vector_store %arg10[%swap3A_126], %swap3A_129 {strides = array<i32>} : memref<128xi32, #tpu.memory_space<vmem>>, vector<16xi32>,
        %get3A_130 = arith.constant 80 : index
        %get3A_131 = tpu.vector_load %arg9[%get3A_130] {strides = array<i32>} : memref<128xi32, #tpu.memory_space<vmem>>, vector<16xi32>,
        %get3A_132 = vector.shape_cast %get3A_131 : vector<16xi32> to vector<16xi32>
        %sub3A_133 = vector.broadcast %mul3A_7 : i32 to vector<16xi32>
        %sub3A_134 = arith.subi %get3A_132, %sub3A_133 : vector<16xi32>
        %ge3A_135 = arith.constant 0 : i32
        %ge3A_136 = vector.broadcast %ge3A_135 : i32 to vector<16xi32>
        %ge3A_137 = arith.cmpi sge, %sub3A_134, %ge3A_136 : vector<16xi32>
        %lt3A_138 = arith.constant 5000 : i32
        %lt3A_139 = vector.broadcast %lt3A_138 : i32 to vector<16xi32>
        %lt3A_140 = arith.cmpi slt, %sub3A_134, %lt3A_139 : vector<16xi32>
        %and3A_141 = arith.andi %ge3A_137, %lt3A_140 : vector<16xi1>
        %jit3A_142 = arith.constant 5000 : i32
        %broadcast_in_dim3A_143 = vector.broadcast %jit3A_142 : i32 to vector<16xi32>
        %select_n3A_144 = arith.select %and3A_141, %sub3A_134, %broadcast_in_dim3A_143 : vector<16xi1>, vector<16xi32>
        %swap3A_145 = arith.constant 80 : index
        %swap3A_146 = tpu.vector_load %arg10[%swap3A_145] {strides = array<i32>} : memref<128xi32, #tpu.memory_space<vmem>>, vector<16xi32>,
        %swap3A_147 = vector.shape_cast %swap3A_146 : vector<16xi32> to vector<16xi32>
        %swap3A_148 = vector.shape_cast %select_n3A_144 : vector<16xi32> to vector<16xi32>
        tpu.vector_store %arg10[%swap3A_145], %swap3A_148 {strides = array<i32>} : memref<128xi32, #tpu.memory_space<vmem>>, vector<16xi32>,
        %get3A_149 = arith.constant 96 : index
        %get3A_150 = tpu.vector_load %arg9[%get3A_149] {strides = array<i32>} : memref<128xi32, #tpu.memory_space<vmem>>, vector<16xi32>,
        %get3A_151 = vector.shape_cast %get3A_150 : vector<16xi32> to vector<16xi32>
        %sub3A_152 = vector.broadcast %mul3A_7 : i32 to vector<16xi32>
        %sub3A_153 = arith.subi %get3A_151, %sub3A_152 : vector<16xi32>
        %ge3A_154 = arith.constant 0 : i32
        %ge3A_155 = vector.broadcast %ge3A_154 : i32 to vector<16xi32>
        %ge3A_156 = arith.cmpi sge, %sub3A_153, %ge3A_155 : vector<16xi32>
        %lt3A_157 = arith.constant 5000 : i32
        %lt3A_158 = vector.broadcast %lt3A_157 : i32 to vector<16xi32>
        %lt3A_159 = arith.cmpi slt, %sub3A_153, %lt3A_158 : vector<16xi32>
        %and3A_160 = arith.andi %ge3A_156, %lt3A_159 : vector<16xi1>
        %jit3A_161 = arith.constant 5000 : i32
        %broadcast_in_dim3A_162 = vector.broadcast %jit3A_161 : i32 to vector<16xi32>
        %select_n3A_163 = arith.select %and3A_160, %sub3A_153, %broadcast_in_dim3A_162 : vector<16xi1>, vector<16xi32>
        %swap3A_164 = arith.constant 96 : index
        %swap3A_165 = tpu.vector_load %arg10[%swap3A_164] {strides = array<i32>} : memref<128xi32, #tpu.memory_space<vmem>>, vector<16xi32>,
        %swap3A_166 = vector.shape_cast %swap3A_165 : vector<16xi32> to vector<16xi32>
        %swap3A_167 = vector.shape_cast %select_n3A_163 : vector<16xi32> to vector<16xi32>
        tpu.vector_store %arg10[%swap3A_164], %swap3A_167 {strides = array<i32>} : memref<128xi32, #tpu.memory_space<vmem>>, vector<16xi32>,
        %get3A_168 = arith.constant 112 : index
        %get3A_169 = tpu.vector_load %arg9[%get3A_168] {strides = array<i32>} : memref<128xi32, #tpu.memory_space<vmem>>, vector<16xi32>,
        %get3A_170 = vector.shape_cast %get3A_169 : vector<16xi32> to vector<16xi32>
        %sub3A_171 = vector.broadcast %mul3A_7 : i32 to vector<16xi32>
        %sub3A_172 = arith.subi %get3A_170, %sub3A_171 : vector<16xi32>
        %ge3A_173 = arith.constant 0 : i32
        %ge3A_174 = vector.broadcast %ge3A_173 : i32 to vector<16xi32>
        %ge3A_175 = arith.cmpi sge, %sub3A_172, %ge3A_174 : vector<16xi32>
        %lt3A_176 = arith.constant 5000 : i32
        %lt3A_177 = vector.broadcast %lt3A_176 : i32 to vector<16xi32>
        %lt3A_178 = arith.cmpi slt, %sub3A_172, %lt3A_177 : vector<16xi32>
        %and3A_179 = arith.andi %ge3A_175, %lt3A_178 : vector<16xi1>
        %jit3A_180 = arith.constant 5000 : i32
        %broadcast_in_dim3A_181 = vector.broadcast %jit3A_180 : i32 to vector<16xi32>
        %select_n3A_182 = arith.select %and3A_179, %sub3A_172, %broadcast_in_dim3A_181 : vector<16xi1>, vector<16xi32>
        %swap3A_183 = arith.constant 112 : index
        %swap3A_184 = tpu.vector_load %arg10[%swap3A_183] {strides = array<i32>} : memref<128xi32, #tpu.memory_space<vmem>>, vector<16xi32>,
        %swap3A_185 = vector.shape_cast %swap3A_184 : vector<16xi32> to vector<16xi32>
        %swap3A_186 = vector.shape_cast %select_n3A_182 : vector<16xi32> to vector<16xi32>
        tpu.vector_store %arg10[%swap3A_183], %swap3A_186 {strides = array<i32>} : memref<128xi32, #tpu.memory_space<vmem>>, vector<16xi32>,
        "tpu.region"() ({
          %run_scoped3A_187 = tpu.sem_alloc : memref<!tpu.dma_semaphore, #tpu.memory_space<semaphore_mem>>
          %dma_start3A = arith.constant 0 : i32
          %dma_start3A_188 = tpu.memref_slice %arg4[%mul3A_42, %dma_start3A] : memref<160000x128xf32, #tpu.memory_space<hbm>> -> memref<128x128xf32, #tpu.memory_space<hbm>>
          %dma_start3A_189 = arith.constant 0 : i32
          %dma_start3A_190 = tpu.memref_slice %arg4[%mul3A_42, %dma_start3A_189] : memref<160000x128xf32, #tpu.memory_space<hbm>> -> memref<128x128xf32, #tpu.memory_space<hbm>>
          tpu.enqueue_dma source(%dma_start3A_190 : memref<128x128xf32, #tpu.memory_space<hbm>>) target(%arg11 : memref<128x128xf32, #tpu.memory_space<vmem>>) target_semaphore(%run_scoped3A_187 : memref<!tpu.dma_semaphore, #tpu.memory_space<semaphore_mem>>)
          %dma_wait3A = arith.constant 0 : i32
          %dma_wait3A_191 = tpu.memref_slice %arg4[%mul3A_42, %dma_wait3A] : memref<160000x128xf32, #tpu.memory_space<hbm>> -> memref<128x128xf32, #tpu.memory_space<hbm>>
          %dma_wait3A_192 = arith.constant 0 : i32
          %dma_wait3A_193 = tpu.memref_slice %arg4[%mul3A_42, %dma_wait3A_192] : memref<160000x128xf32, #tpu.memory_space<hbm>> -> memref<128x128xf32, #tpu.memory_space<hbm>>
          tpu.wait_dma2 semaphore(%run_scoped3A_187 : memref<!tpu.dma_semaphore, #tpu.memory_space<semaphore_mem>>) src(%dma_wait3A_193 : memref<128x128xf32, #tpu.memory_space<hbm>>) dst(%arg11 : memref<128x128xf32, #tpu.memory_space<vmem>>)
          tpu.yield
        }) : () -> ()
        "tpu.region"() ({
          %run_scoped3A_187 = tpu.sem_alloc : memref<!tpu.dma_semaphore, #tpu.memory_space<semaphore_mem>>
          %dma_start3A = arith.constant 0 : i32
          %dma_start3A_188 = arith.constant 0 : i32
          %dma_start3A_189 = tpu.memref_slice %arg12[%dma_start3A, %dma_start3A_188] : memref<10000x128xf32, #tpu.memory_space<vmem_shared>> -> memref<10000x128xf32, #tpu.memory_space<vmem_shared>>
          tpu.enqueue_indirect_dma source(%arg11 : memref<128x128xf32, #tpu.memory_space<vmem>>) target(%dma_start3A_189 : memref<10000x128xf32, #tpu.memory_space<vmem_shared>>) offsets(%arg10 : memref<128xi32, #tpu.memory_space<vmem>>) semaphore(%run_scoped3A_187 : memref<!tpu.dma_semaphore, #tpu.memory_space<semaphore_mem>>) {add = true}
          %dma_wait3A = arith.constant 0 : i32
          %dma_wait3A_190 = arith.constant 0 : i32
          %dma_wait3A_191 = tpu.memref_slice %arg12[%dma_wait3A, %dma_wait3A_190] : memref<10000x128xf32, #tpu.memory_space<vmem_shared>> -> memref<10000x128xf32, #tpu.memory_space<vmem_shared>>
          tpu.wait_indirect_dma semaphore(%run_scoped3A_187 : memref<!tpu.dma_semaphore, #tpu.memory_space<semaphore_mem>>) src(%arg11 : memref<128x128xf32, #tpu.memory_space<vmem>>) dst(%dma_wait3A_191 : memref<10000x128xf32, #tpu.memory_space<vmem_shared>>)
          tpu.yield
        }) : () -> ()
      } else {
      }
      %barrier3A_38 = arith.constant 0 : index
      tpu.barrier barrier_id(%barrier3A_38)
      %run_scoped3A_39 = arith.constant 0 : i32
      "tpu.region"() ({
        %run_scoped3A_40 = tpu.sem_alloc : memref<!tpu.dma_semaphore, #tpu.memory_space<semaphore_mem>>
        %dma_start3A = arith.constant 0 : i32
        %dma_start3A_41 = tpu.memref_slice %arg8[%run_scoped3A_39, %min3A_5, %dma_start3A] : memref<2x5008x128xf32, #tpu.memory_space<hbm>> -> memref<1x320x128xf32, #tpu.memory_space<hbm>>
        %dma_start3A_42 = tpu.memref_squeeze %dma_start3A_41 : memref<1x320x128xf32, #tpu.memory_space<hbm>> -> memref<320x128xf32, #tpu.memory_space<hbm>>
        %dma_start3A_43 = arith.constant 0 : i32
        %dma_start3A_44 = tpu.memref_slice %arg12[%min3A_5, %dma_start3A_43] : memref<10000x128xf32, #tpu.memory_space<vmem_shared>> -> memref<320x128xf32, #tpu.memory_space<vmem_shared>>
        tpu.enqueue_dma source(%dma_start3A_44 : memref<320x128xf32, #tpu.memory_space<vmem_shared>>) target(%dma_start3A_42 : memref<320x128xf32, #tpu.memory_space<hbm>>) target_semaphore(%run_scoped3A_40 : memref<!tpu.dma_semaphore, #tpu.memory_space<semaphore_mem>>)
        %dma_wait3A = arith.constant 0 : i32
        %dma_wait3A_45 = tpu.memref_slice %arg8[%run_scoped3A_39, %min3A_5, %dma_wait3A] : memref<2x5008x128xf32, #tpu.memory_space<hbm>> -> memref<1x320x128xf32, #tpu.memory_space<hbm>>
        %dma_wait3A_46 = tpu.memref_squeeze %dma_wait3A_45 : memref<1x320x128xf32, #tpu.memory_space<hbm>> -> memref<320x128xf32, #tpu.memory_space<hbm>>
        %dma_wait3A_47 = arith.constant 0 : i32
        %dma_wait3A_48 = tpu.memref_slice %arg12[%min3A_5, %dma_wait3A_47] : memref<10000x128xf32, #tpu.memory_space<vmem_shared>> -> memref<320x128xf32, #tpu.memory_space<vmem_shared>>
        tpu.wait_dma2 semaphore(%run_scoped3A_40 : memref<!tpu.dma_semaphore, #tpu.memory_space<semaphore_mem>>) src(%dma_wait3A_48 : memref<320x128xf32, #tpu.memory_space<vmem_shared>>) dst(%dma_wait3A_46 : memref<320x128xf32, #tpu.memory_space<hbm>>)
        tpu.yield
      }) : () -> ()
    } else {
    }
    %eq3A_10 = arith.constant 1 : i32
    %eq3A_11 = arith.cmpi eq, %arg0, %eq3A_10 : i32
    %convert_element_type3A_12 = arith.extui %eq3A_11 : i1 to i32
    %cond3A_13 = arith.constant 0 : i32
    %cond3A_14 = arith.cmpi ne, %convert_element_type3A_12, %cond3A_13 : i32
    scf.if %cond3A_14 {
      "tpu.region"() ({
        %run_scoped3A_40 = tpu.sem_alloc : memref<!tpu.dma_semaphore, #tpu.memory_space<semaphore_mem>>
        %dma_start3A = arith.constant 0 : i32
        %dma_start3A_41 = tpu.memref_slice %arg12[%min3A_1, %dma_start3A] : memref<10000x128xf32, #tpu.memory_space<vmem_shared>> -> memref<632x128xf32, #tpu.memory_space<vmem_shared>>
        %dma_start3A_42 = arith.constant 0 : i32
        %dma_start3A_43 = tpu.memref_slice %arg6[%min3A_1, %dma_start3A_42] : memref<10000x128xf32, #tpu.memory_space<hbm>> -> memref<632x128xf32, #tpu.memory_space<hbm>>
        tpu.enqueue_dma source(%dma_start3A_43 : memref<632x128xf32, #tpu.memory_space<hbm>>) target(%dma_start3A_41 : memref<632x128xf32, #tpu.memory_space<vmem_shared>>) target_semaphore(%run_scoped3A_40 : memref<!tpu.dma_semaphore, #tpu.memory_space<semaphore_mem>>)
        %dma_wait3A = arith.constant 0 : i32
        %dma_wait3A_44 = tpu.memref_slice %arg12[%min3A_1, %dma_wait3A] : memref<10000x128xf32, #tpu.memory_space<vmem_shared>> -> memref<632x128xf32, #tpu.memory_space<vmem_shared>>
        %dma_wait3A_45 = arith.constant 0 : i32
        %dma_wait3A_46 = tpu.memref_slice %arg6[%min3A_1, %dma_wait3A_45] : memref<10000x128xf32, #tpu.memory_space<hbm>> -> memref<632x128xf32, #tpu.memory_space<hbm>>
        tpu.wait_dma2 semaphore(%run_scoped3A_40 : memref<!tpu.dma_semaphore, #tpu.memory_space<semaphore_mem>>) src(%dma_wait3A_46 : memref<632x128xf32, #tpu.memory_space<hbm>>) dst(%dma_wait3A_44 : memref<632x128xf32, #tpu.memory_space<vmem_shared>>)
        tpu.yield
      }) : () -> ()
      %barrier3A = arith.constant 0 : index
      tpu.barrier barrier_id(%barrier3A)
      %scan3A = arith.constant 0 : i32
      %scan3A_15 = arith.constant 0 : i32
      %scan3A_16 = arith.constant 78 : i32
      %scan3A_17 = arith.addi %scan3A_15, %scan3A_16 : i32
      %scan3A_18 = arith.constant 1 : i32
      scf.for %scan3A_40 = %scan3A_15 to %scan3A_17 step %scan3A_18  : i32 {
        %mul3A_41 = arith.constant 16 : i32
        %mul3A_42 = arith.muli %scan3A_40, %mul3A_41 : i32
        %add3A = arith.addi %arg1, %mul3A_42 : i32
        %mul3A_43 = arith.constant 128 : i32
        %mul3A_44 = arith.muli %add3A, %mul3A_43 : i32
        "tpu.region"() ({
          %run_scoped3A_45 = tpu.sem_alloc : memref<!tpu.dma_semaphore, #tpu.memory_space<semaphore_mem>>
          %dma_start3A = tpu.memref_slice %arg5[%mul3A_44] : memref<160000xi32, #tpu.memory_space<hbm>> -> memref<128xi32, #tpu.memory_space<hbm>>
          %dma_start3A_46 = tpu.memref_slice %arg5[%mul3A_44] : memref<160000xi32, #tpu.memory_space<hbm>> -> memref<128xi32, #tpu.memory_space<hbm>>
          tpu.enqueue_dma source(%dma_start3A_46 : memref<128xi32, #tpu.memory_space<hbm>>) target(%arg9 : memref<128xi32, #tpu.memory_space<vmem>>) target_semaphore(%run_scoped3A_45 : memref<!tpu.dma_semaphore, #tpu.memory_space<semaphore_mem>>)
          %dma_wait3A = tpu.memref_slice %arg5[%mul3A_44] : memref<160000xi32, #tpu.memory_space<hbm>> -> memref<128xi32, #tpu.memory_space<hbm>>
          %dma_wait3A_47 = tpu.memref_slice %arg5[%mul3A_44] : memref<160000xi32, #tpu.memory_space<hbm>> -> memref<128xi32, #tpu.memory_space<hbm>>
          tpu.wait_dma2 semaphore(%run_scoped3A_45 : memref<!tpu.dma_semaphore, #tpu.memory_space<semaphore_mem>>) src(%dma_wait3A_47 : memref<128xi32, #tpu.memory_space<hbm>>) dst(%arg9 : memref<128xi32, #tpu.memory_space<vmem>>)
          tpu.yield
        }) : () -> ()
        "tpu.region"() ({
          %run_scoped3A_45 = tpu.sem_alloc : memref<!tpu.dma_semaphore, #tpu.memory_space<semaphore_mem>>
          %dma_start3A = arith.constant 0 : i32
          %dma_start3A_46 = tpu.memref_slice %arg3[%mul3A_44, %dma_start3A] : memref<160000x128xf32, #tpu.memory_space<hbm>> -> memref<128x128xf32, #tpu.memory_space<hbm>>
          %dma_start3A_47 = arith.constant 0 : i32
          %dma_start3A_48 = tpu.memref_slice %arg3[%mul3A_44, %dma_start3A_47] : memref<160000x128xf32, #tpu.memory_space<hbm>> -> memref<128x128xf32, #tpu.memory_space<hbm>>
          tpu.enqueue_dma source(%dma_start3A_48 : memref<128x128xf32, #tpu.memory_space<hbm>>) target(%arg11 : memref<128x128xf32, #tpu.memory_space<vmem>>) target_semaphore(%run_scoped3A_45 : memref<!tpu.dma_semaphore, #tpu.memory_space<semaphore_mem>>)
          %dma_wait3A = arith.constant 0 : i32
          %dma_wait3A_49 = tpu.memref_slice %arg3[%mul3A_44, %dma_wait3A] : memref<160000x128xf32, #tpu.memory_space<hbm>> -> memref<128x128xf32, #tpu.memory_space<hbm>>
          %dma_wait3A_50 = arith.constant 0 : i32
          %dma_wait3A_51 = tpu.memref_slice %arg3[%mul3A_44, %dma_wait3A_50] : memref<160000x128xf32, #tpu.memory_space<hbm>> -> memref<128x128xf32, #tpu.memory_space<hbm>>
          tpu.wait_dma2 semaphore(%run_scoped3A_45 : memref<!tpu.dma_semaphore, #tpu.memory_space<semaphore_mem>>) src(%dma_wait3A_51 : memref<128x128xf32, #tpu.memory_space<hbm>>) dst(%arg11 : memref<128x128xf32, #tpu.memory_space<vmem>>)
          tpu.yield
        }) : () -> ()
        "tpu.region"() ({
          %run_scoped3A_45 = tpu.sem_alloc : memref<!tpu.dma_semaphore, #tpu.memory_space<semaphore_mem>>
          %dma_start3A = arith.constant 0 : i32
          %dma_start3A_46 = arith.constant 0 : i32
          %dma_start3A_47 = tpu.memref_slice %arg12[%dma_start3A, %dma_start3A_46] : memref<10000x128xf32, #tpu.memory_space<vmem_shared>> -> memref<10000x128xf32, #tpu.memory_space<vmem_shared>>
          tpu.enqueue_indirect_dma source(%arg11 : memref<128x128xf32, #tpu.memory_space<vmem>>) target(%dma_start3A_47 : memref<10000x128xf32, #tpu.memory_space<vmem_shared>>) offsets(%arg9 : memref<128xi32, #tpu.memory_space<vmem>>) semaphore(%run_scoped3A_45 : memref<!tpu.dma_semaphore, #tpu.memory_space<semaphore_mem>>) {add = true}
          %dma_wait3A = arith.constant 0 : i32
          %dma_wait3A_48 = arith.constant 0 : i32
          %dma_wait3A_49 = tpu.memref_slice %arg12[%dma_wait3A, %dma_wait3A_48] : memref<10000x128xf32, #tpu.memory_space<vmem_shared>> -> memref<10000x128xf32, #tpu.memory_space<vmem_shared>>
          tpu.wait_indirect_dma semaphore(%run_scoped3A_45 : memref<!tpu.dma_semaphore, #tpu.memory_space<semaphore_mem>>) src(%arg11 : memref<128x128xf32, #tpu.memory_space<vmem>>) dst(%dma_wait3A_49 : memref<10000x128xf32, #tpu.memory_space<vmem_shared>>)
          tpu.yield
        }) : () -> ()
      }
      %scan3A_19 = arith.constant 78 : i32
      %lt3A = arith.constant 2 : i32
      %lt3A_20 = arith.cmpi slt, %arg1, %lt3A : i32
      %convert_element_type3A_21 = arith.extui %lt3A_20 : i1 to i32
      %cond3A_22 = arith.constant 0 : i32
      %cond3A_23 = arith.cmpi ne, %convert_element_type3A_21, %cond3A_22 : i32
      scf.if %cond3A_23 {
        %add3A = arith.constant 1248 : i32
        %add3A_40 = arith.addi %add3A, %arg1 : i32
        %mul3A_41 = arith.constant 128 : i32
        %mul3A_42 = arith.muli %add3A_40, %mul3A_41 : i32
        "tpu.region"() ({
          %run_scoped3A_43 = tpu.sem_alloc : memref<!tpu.dma_semaphore, #tpu.memory_space<semaphore_mem>>
          %dma_start3A = tpu.memref_slice %arg5[%mul3A_42] : memref<160000xi32, #tpu.memory_space<hbm>> -> memref<128xi32, #tpu.memory_space<hbm>>
          %dma_start3A_44 = tpu.memref_slice %arg5[%mul3A_42] : memref<160000xi32, #tpu.memory_space<hbm>> -> memref<128xi32, #tpu.memory_space<hbm>>
          tpu.enqueue_dma source(%dma_start3A_44 : memref<128xi32, #tpu.memory_space<hbm>>) target(%arg9 : memref<128xi32, #tpu.memory_space<vmem>>) target_semaphore(%run_scoped3A_43 : memref<!tpu.dma_semaphore, #tpu.memory_space<semaphore_mem>>)
          %dma_wait3A = tpu.memref_slice %arg5[%mul3A_42] : memref<160000xi32, #tpu.memory_space<hbm>> -> memref<128xi32, #tpu.memory_space<hbm>>
          %dma_wait3A_45 = tpu.memref_slice %arg5[%mul3A_42] : memref<160000xi32, #tpu.memory_space<hbm>> -> memref<128xi32, #tpu.memory_space<hbm>>
          tpu.wait_dma2 semaphore(%run_scoped3A_43 : memref<!tpu.dma_semaphore, #tpu.memory_space<semaphore_mem>>) src(%dma_wait3A_45 : memref<128xi32, #tpu.memory_space<hbm>>) dst(%arg9 : memref<128xi32, #tpu.memory_space<vmem>>)
          tpu.yield
        }) : () -> ()
        "tpu.region"() ({
          %run_scoped3A_43 = tpu.sem_alloc : memref<!tpu.dma_semaphore, #tpu.memory_space<semaphore_mem>>
          %dma_start3A = arith.constant 0 : i32
          %dma_start3A_44 = tpu.memref_slice %arg3[%mul3A_42, %dma_start3A] : memref<160000x128xf32, #tpu.memory_space<hbm>> -> memref<128x128xf32, #tpu.memory_space<hbm>>
          %dma_start3A_45 = arith.constant 0 : i32
          %dma_start3A_46 = tpu.memref_slice %arg3[%mul3A_42, %dma_start3A_45] : memref<160000x128xf32, #tpu.memory_space<hbm>> -> memref<128x128xf32, #tpu.memory_space<hbm>>
          tpu.enqueue_dma source(%dma_start3A_46 : memref<128x128xf32, #tpu.memory_space<hbm>>) target(%arg11 : memref<128x128xf32, #tpu.memory_space<vmem>>) target_semaphore(%run_scoped3A_43 : memref<!tpu.dma_semaphore, #tpu.memory_space<semaphore_mem>>)
          %dma_wait3A = arith.constant 0 : i32
          %dma_wait3A_47 = tpu.memref_slice %arg3[%mul3A_42, %dma_wait3A] : memref<160000x128xf32, #tpu.memory_space<hbm>> -> memref<128x128xf32, #tpu.memory_space<hbm>>
          %dma_wait3A_48 = arith.constant 0 : i32
          %dma_wait3A_49 = tpu.memref_slice %arg3[%mul3A_42, %dma_wait3A_48] : memref<160000x128xf32, #tpu.memory_space<hbm>> -> memref<128x128xf32, #tpu.memory_space<hbm>>
          tpu.wait_dma2 semaphore(%run_scoped3A_43 : memref<!tpu.dma_semaphore, #tpu.memory_space<semaphore_mem>>) src(%dma_wait3A_49 : memref<128x128xf32, #tpu.memory_space<hbm>>) dst(%arg11 : memref<128x128xf32, #tpu.memory_space<vmem>>)
          tpu.yield
        }) : () -> ()
        "tpu.region"() ({
          %run_scoped3A_43 = tpu.sem_alloc : memref<!tpu.dma_semaphore, #tpu.memory_space<semaphore_mem>>
          %dma_start3A = arith.constant 0 : i32
          %dma_start3A_44 = arith.constant 0 : i32
          %dma_start3A_45 = tpu.memref_slice %arg12[%dma_start3A, %dma_start3A_44] : memref<10000x128xf32, #tpu.memory_space<vmem_shared>> -> memref<10000x128xf32, #tpu.memory_space<vmem_shared>>
          tpu.enqueue_indirect_dma source(%arg11 : memref<128x128xf32, #tpu.memory_space<vmem>>) target(%dma_start3A_45 : memref<10000x128xf32, #tpu.memory_space<vmem_shared>>) offsets(%arg9 : memref<128xi32, #tpu.memory_space<vmem>>) semaphore(%run_scoped3A_43 : memref<!tpu.dma_semaphore, #tpu.memory_space<semaphore_mem>>) {add = true}
          %dma_wait3A = arith.constant 0 : i32
          %dma_wait3A_46 = arith.constant 0 : i32
          %dma_wait3A_47 = tpu.memref_slice %arg12[%dma_wait3A, %dma_wait3A_46] : memref<10000x128xf32, #tpu.memory_space<vmem_shared>> -> memref<10000x128xf32, #tpu.memory_space<vmem_shared>>
          tpu.wait_indirect_dma semaphore(%run_scoped3A_43 : memref<!tpu.dma_semaphore, #tpu.memory_space<semaphore_mem>>) src(%arg11 : memref<128x128xf32, #tpu.memory_space<vmem>>) dst(%dma_wait3A_47 : memref<10000x128xf32, #tpu.memory_space<vmem_shared>>)
          tpu.yield
        }) : () -> ()
      } else {
      }
      %barrier3A_24 = arith.constant 0 : index
      tpu.barrier barrier_id(%barrier3A_24)
      %run_scoped3A = arith.constant 1 : i32
      "tpu.region"() ({
        %run_scoped3A_40 = tpu.sem_alloc : memref<!tpu.dma_semaphore, #tpu.memory_space<semaphore_mem>>
        %dma_start3A = arith.constant 0 : i32
        %dma_start3A_41 = tpu.memref_slice %arg7[%run_scoped3A, %min3A_1, %dma_start3A] : memref<2x10000x128xf32, #tpu.memory_space<hbm>> -> memref<1x632x128xf32, #tpu.memory_space<hbm>>
        %dma_start3A_42 = tpu.memref_squeeze %dma_start3A_41 : memref<1x632x128xf32, #tpu.memory_space<hbm>> -> memref<632x128xf32, #tpu.memory_space<hbm>>
        %dma_start3A_43 = arith.constant 0 : i32
        %dma_start3A_44 = tpu.memref_slice %arg12[%min3A_1, %dma_start3A_43] : memref<10000x128xf32, #tpu.memory_space<vmem_shared>> -> memref<632x128xf32, #tpu.memory_space<vmem_shared>>
        tpu.enqueue_dma source(%dma_start3A_44 : memref<632x128xf32, #tpu.memory_space<vmem_shared>>) target(%dma_start3A_42 : memref<632x128xf32, #tpu.memory_space<hbm>>) target_semaphore(%run_scoped3A_40 : memref<!tpu.dma_semaphore, #tpu.memory_space<semaphore_mem>>)
        %dma_wait3A = arith.constant 0 : i32
        %dma_wait3A_45 = tpu.memref_slice %arg7[%run_scoped3A, %min3A_1, %dma_wait3A] : memref<2x10000x128xf32, #tpu.memory_space<hbm>> -> memref<1x632x128xf32, #tpu.memory_space<hbm>>
        %dma_wait3A_46 = tpu.memref_squeeze %dma_wait3A_45 : memref<1x632x128xf32, #tpu.memory_space<hbm>> -> memref<632x128xf32, #tpu.memory_space<hbm>>
        %dma_wait3A_47 = arith.constant 0 : i32
        %dma_wait3A_48 = tpu.memref_slice %arg12[%min3A_1, %dma_wait3A_47] : memref<10000x128xf32, #tpu.memory_space<vmem_shared>> -> memref<632x128xf32, #tpu.memory_space<vmem_shared>>
        tpu.wait_dma2 semaphore(%run_scoped3A_40 : memref<!tpu.dma_semaphore, #tpu.memory_space<semaphore_mem>>) src(%dma_wait3A_48 : memref<632x128xf32, #tpu.memory_space<vmem_shared>>) dst(%dma_wait3A_46 : memref<632x128xf32, #tpu.memory_space<hbm>>)
        tpu.yield
      }) : () -> ()
      %barrier3A_25 = arith.constant 0 : index
      tpu.barrier barrier_id(%barrier3A_25)
      "tpu.region"() ({
        %run_scoped3A_40 = tpu.sem_alloc : memref<!tpu.dma_semaphore, #tpu.memory_space<semaphore_mem>>
        %dma_start3A = arith.constant 0 : i32
        %dma_start3A_41 = tpu.memref_slice %arg12[%min3A_5, %dma_start3A] : memref<10000x128xf32, #tpu.memory_space<vmem_shared>> -> memref<320x128xf32, #tpu.memory_space<vmem_shared>>
        %dma_start3A_42 = arith.constant 0 : i32
        %dma_start3A_43 = tpu.memref_slice %arg6[%min3A_5, %dma_start3A_42] : memref<10000x128xf32, #tpu.memory_space<hbm>> -> memref<320x128xf32, #tpu.memory_space<hbm>>
        tpu.enqueue_dma source(%dma_start3A_43 : memref<320x128xf32, #tpu.memory_space<hbm>>) target(%dma_start3A_41 : memref<320x128xf32, #tpu.memory_space<vmem_shared>>) target_semaphore(%run_scoped3A_40 : memref<!tpu.dma_semaphore, #tpu.memory_space<semaphore_mem>>)
        %dma_wait3A = arith.constant 0 : i32
        %dma_wait3A_44 = tpu.memref_slice %arg12[%min3A_5, %dma_wait3A] : memref<10000x128xf32, #tpu.memory_space<vmem_shared>> -> memref<320x128xf32, #tpu.memory_space<vmem_shared>>
        %dma_wait3A_45 = arith.constant 0 : i32
        %dma_wait3A_46 = tpu.memref_slice %arg6[%min3A_5, %dma_wait3A_45] : memref<10000x128xf32, #tpu.memory_space<hbm>> -> memref<320x128xf32, #tpu.memory_space<hbm>>
        tpu.wait_dma2 semaphore(%run_scoped3A_40 : memref<!tpu.dma_semaphore, #tpu.memory_space<semaphore_mem>>) src(%dma_wait3A_46 : memref<320x128xf32, #tpu.memory_space<hbm>>) dst(%dma_wait3A_44 : memref<320x128xf32, #tpu.memory_space<vmem_shared>>)
        tpu.yield
      }) : () -> ()
      %barrier3A_26 = arith.constant 0 : index
      tpu.barrier barrier_id(%barrier3A_26)
      %scan3A_27 = arith.constant 0 : i32
      %scan3A_28 = arith.constant 0 : i32
      %scan3A_29 = arith.constant 78 : i32
      %scan3A_30 = arith.addi %scan3A_28, %scan3A_29 : i32
      %scan3A_31 = arith.constant 1 : i32
      scf.for %scan3A_40 = %scan3A_28 to %scan3A_30 step %scan3A_31  : i32 {
        %mul3A_41 = arith.constant 16 : i32
        %mul3A_42 = arith.muli %scan3A_40, %mul3A_41 : i32
        %add3A = arith.addi %arg1, %mul3A_42 : i32
        %mul3A_43 = arith.constant 128 : i32
        %mul3A_44 = arith.muli %add3A, %mul3A_43 : i32
        "tpu.region"() ({
          %run_scoped3A_189 = tpu.sem_alloc : memref<!tpu.dma_semaphore, #tpu.memory_space<semaphore_mem>>
          %dma_start3A = tpu.memref_slice %arg5[%mul3A_44] : memref<160000xi32, #tpu.memory_space<hbm>> -> memref<128xi32, #tpu.memory_space<hbm>>
          %dma_start3A_190 = tpu.memref_slice %arg5[%mul3A_44] : memref<160000xi32, #tpu.memory_space<hbm>> -> memref<128xi32, #tpu.memory_space<hbm>>
          tpu.enqueue_dma source(%dma_start3A_190 : memref<128xi32, #tpu.memory_space<hbm>>) target(%arg9 : memref<128xi32, #tpu.memory_space<vmem>>) target_semaphore(%run_scoped3A_189 : memref<!tpu.dma_semaphore, #tpu.memory_space<semaphore_mem>>)
          %dma_wait3A = tpu.memref_slice %arg5[%mul3A_44] : memref<160000xi32, #tpu.memory_space<hbm>> -> memref<128xi32, #tpu.memory_space<hbm>>
          %dma_wait3A_191 = tpu.memref_slice %arg5[%mul3A_44] : memref<160000xi32, #tpu.memory_space<hbm>> -> memref<128xi32, #tpu.memory_space<hbm>>
          tpu.wait_dma2 semaphore(%run_scoped3A_189 : memref<!tpu.dma_semaphore, #tpu.memory_space<semaphore_mem>>) src(%dma_wait3A_191 : memref<128xi32, #tpu.memory_space<hbm>>) dst(%arg9 : memref<128xi32, #tpu.memory_space<vmem>>)
          tpu.yield
        }) : () -> ()
        %get3A = arith.constant 0 : index
        %get3A_45 = tpu.vector_load %arg9[%get3A] {strides = array<i32>} : memref<128xi32, #tpu.memory_space<vmem>>, vector<16xi32>,
        %get3A_46 = vector.shape_cast %get3A_45 : vector<16xi32> to vector<16xi32>
        %sub3A = vector.broadcast %mul3A_7 : i32 to vector<16xi32>
        %sub3A_47 = arith.subi %get3A_46, %sub3A : vector<16xi32>
        %ge3A = arith.constant 0 : i32
        %ge3A_48 = vector.broadcast %ge3A : i32 to vector<16xi32>
        %ge3A_49 = arith.cmpi sge, %sub3A_47, %ge3A_48 : vector<16xi32>
        %lt3A_50 = arith.constant 5000 : i32
        %lt3A_51 = vector.broadcast %lt3A_50 : i32 to vector<16xi32>
        %lt3A_52 = arith.cmpi slt, %sub3A_47, %lt3A_51 : vector<16xi32>
        %and3A = arith.andi %ge3A_49, %lt3A_52 : vector<16xi1>
        %jit3A = arith.constant 5000 : i32
        %broadcast_in_dim3A = vector.broadcast %jit3A : i32 to vector<16xi32>
        %select_n3A = arith.select %and3A, %sub3A_47, %broadcast_in_dim3A : vector<16xi1>, vector<16xi32>
        %swap3A = arith.constant 0 : index
        %swap3A_53 = tpu.vector_load %arg10[%swap3A] {strides = array<i32>} : memref<128xi32, #tpu.memory_space<vmem>>, vector<16xi32>,
        %swap3A_54 = vector.shape_cast %swap3A_53 : vector<16xi32> to vector<16xi32>
        %swap3A_55 = vector.shape_cast %select_n3A : vector<16xi32> to vector<16xi32>
        tpu.vector_store %arg10[%swap3A], %swap3A_55 {strides = array<i32>} : memref<128xi32, #tpu.memory_space<vmem>>, vector<16xi32>,
        %get3A_56 = arith.constant 16 : index
        %get3A_57 = tpu.vector_load %arg9[%get3A_56] {strides = array<i32>} : memref<128xi32, #tpu.memory_space<vmem>>, vector<16xi32>,
        %get3A_58 = vector.shape_cast %get3A_57 : vector<16xi32> to vector<16xi32>
        %sub3A_59 = vector.broadcast %mul3A_7 : i32 to vector<16xi32>
        %sub3A_60 = arith.subi %get3A_58, %sub3A_59 : vector<16xi32>
        %ge3A_61 = arith.constant 0 : i32
        %ge3A_62 = vector.broadcast %ge3A_61 : i32 to vector<16xi32>
        %ge3A_63 = arith.cmpi sge, %sub3A_60, %ge3A_62 : vector<16xi32>
        %lt3A_64 = arith.constant 5000 : i32
        %lt3A_65 = vector.broadcast %lt3A_64 : i32 to vector<16xi32>
        %lt3A_66 = arith.cmpi slt, %sub3A_60, %lt3A_65 : vector<16xi32>
        %and3A_67 = arith.andi %ge3A_63, %lt3A_66 : vector<16xi1>
        %jit3A_68 = arith.constant 5000 : i32
        %broadcast_in_dim3A_69 = vector.broadcast %jit3A_68 : i32 to vector<16xi32>
        %select_n3A_70 = arith.select %and3A_67, %sub3A_60, %broadcast_in_dim3A_69 : vector<16xi1>, vector<16xi32>
        %swap3A_71 = arith.constant 16 : index
        %swap3A_72 = tpu.vector_load %arg10[%swap3A_71] {strides = array<i32>} : memref<128xi32, #tpu.memory_space<vmem>>, vector<16xi32>,
        %swap3A_73 = vector.shape_cast %swap3A_72 : vector<16xi32> to vector<16xi32>
        %swap3A_74 = vector.shape_cast %select_n3A_70 : vector<16xi32> to vector<16xi32>
        tpu.vector_store %arg10[%swap3A_71], %swap3A_74 {strides = array<i32>} : memref<128xi32, #tpu.memory_space<vmem>>, vector<16xi32>,
        %get3A_75 = arith.constant 32 : index
        %get3A_76 = tpu.vector_load %arg9[%get3A_75] {strides = array<i32>} : memref<128xi32, #tpu.memory_space<vmem>>, vector<16xi32>,
        %get3A_77 = vector.shape_cast %get3A_76 : vector<16xi32> to vector<16xi32>
        %sub3A_78 = vector.broadcast %mul3A_7 : i32 to vector<16xi32>
        %sub3A_79 = arith.subi %get3A_77, %sub3A_78 : vector<16xi32>
        %ge3A_80 = arith.constant 0 : i32
        %ge3A_81 = vector.broadcast %ge3A_80 : i32 to vector<16xi32>
        %ge3A_82 = arith.cmpi sge, %sub3A_79, %ge3A_81 : vector<16xi32>
        %lt3A_83 = arith.constant 5000 : i32
        %lt3A_84 = vector.broadcast %lt3A_83 : i32 to vector<16xi32>
        %lt3A_85 = arith.cmpi slt, %sub3A_79, %lt3A_84 : vector<16xi32>
        %and3A_86 = arith.andi %ge3A_82, %lt3A_85 : vector<16xi1>
        %jit3A_87 = arith.constant 5000 : i32
        %broadcast_in_dim3A_88 = vector.broadcast %jit3A_87 : i32 to vector<16xi32>
        %select_n3A_89 = arith.select %and3A_86, %sub3A_79, %broadcast_in_dim3A_88 : vector<16xi1>, vector<16xi32>
        %swap3A_90 = arith.constant 32 : index
        %swap3A_91 = tpu.vector_load %arg10[%swap3A_90] {strides = array<i32>} : memref<128xi32, #tpu.memory_space<vmem>>, vector<16xi32>,
        %swap3A_92 = vector.shape_cast %swap3A_91 : vector<16xi32> to vector<16xi32>
        %swap3A_93 = vector.shape_cast %select_n3A_89 : vector<16xi32> to vector<16xi32>
        tpu.vector_store %arg10[%swap3A_90], %swap3A_93 {strides = array<i32>} : memref<128xi32, #tpu.memory_space<vmem>>, vector<16xi32>,
        %get3A_94 = arith.constant 48 : index
        %get3A_95 = tpu.vector_load %arg9[%get3A_94] {strides = array<i32>} : memref<128xi32, #tpu.memory_space<vmem>>, vector<16xi32>,
        %get3A_96 = vector.shape_cast %get3A_95 : vector<16xi32> to vector<16xi32>
        %sub3A_97 = vector.broadcast %mul3A_7 : i32 to vector<16xi32>
        %sub3A_98 = arith.subi %get3A_96, %sub3A_97 : vector<16xi32>
        %ge3A_99 = arith.constant 0 : i32
        %ge3A_100 = vector.broadcast %ge3A_99 : i32 to vector<16xi32>
        %ge3A_101 = arith.cmpi sge, %sub3A_98, %ge3A_100 : vector<16xi32>
        %lt3A_102 = arith.constant 5000 : i32
        %lt3A_103 = vector.broadcast %lt3A_102 : i32 to vector<16xi32>
        %lt3A_104 = arith.cmpi slt, %sub3A_98, %lt3A_103 : vector<16xi32>
        %and3A_105 = arith.andi %ge3A_101, %lt3A_104 : vector<16xi1>
        %jit3A_106 = arith.constant 5000 : i32
        %broadcast_in_dim3A_107 = vector.broadcast %jit3A_106 : i32 to vector<16xi32>
        %select_n3A_108 = arith.select %and3A_105, %sub3A_98, %broadcast_in_dim3A_107 : vector<16xi1>, vector<16xi32>
        %swap3A_109 = arith.constant 48 : index
        %swap3A_110 = tpu.vector_load %arg10[%swap3A_109] {strides = array<i32>} : memref<128xi32, #tpu.memory_space<vmem>>, vector<16xi32>,
        %swap3A_111 = vector.shape_cast %swap3A_110 : vector<16xi32> to vector<16xi32>
        %swap3A_112 = vector.shape_cast %select_n3A_108 : vector<16xi32> to vector<16xi32>
        tpu.vector_store %arg10[%swap3A_109], %swap3A_112 {strides = array<i32>} : memref<128xi32, #tpu.memory_space<vmem>>, vector<16xi32>,
        %get3A_113 = arith.constant 64 : index
        %get3A_114 = tpu.vector_load %arg9[%get3A_113] {strides = array<i32>} : memref<128xi32, #tpu.memory_space<vmem>>, vector<16xi32>,
        %get3A_115 = vector.shape_cast %get3A_114 : vector<16xi32> to vector<16xi32>
        %sub3A_116 = vector.broadcast %mul3A_7 : i32 to vector<16xi32>
        %sub3A_117 = arith.subi %get3A_115, %sub3A_116 : vector<16xi32>
        %ge3A_118 = arith.constant 0 : i32
        %ge3A_119 = vector.broadcast %ge3A_118 : i32 to vector<16xi32>
        %ge3A_120 = arith.cmpi sge, %sub3A_117, %ge3A_119 : vector<16xi32>
        %lt3A_121 = arith.constant 5000 : i32
        %lt3A_122 = vector.broadcast %lt3A_121 : i32 to vector<16xi32>
        %lt3A_123 = arith.cmpi slt, %sub3A_117, %lt3A_122 : vector<16xi32>
        %and3A_124 = arith.andi %ge3A_120, %lt3A_123 : vector<16xi1>
        %jit3A_125 = arith.constant 5000 : i32
        %broadcast_in_dim3A_126 = vector.broadcast %jit3A_125 : i32 to vector<16xi32>
        %select_n3A_127 = arith.select %and3A_124, %sub3A_117, %broadcast_in_dim3A_126 : vector<16xi1>, vector<16xi32>
        %swap3A_128 = arith.constant 64 : index
        %swap3A_129 = tpu.vector_load %arg10[%swap3A_128] {strides = array<i32>} : memref<128xi32, #tpu.memory_space<vmem>>, vector<16xi32>,
        %swap3A_130 = vector.shape_cast %swap3A_129 : vector<16xi32> to vector<16xi32>
        %swap3A_131 = vector.shape_cast %select_n3A_127 : vector<16xi32> to vector<16xi32>
        tpu.vector_store %arg10[%swap3A_128], %swap3A_131 {strides = array<i32>} : memref<128xi32, #tpu.memory_space<vmem>>, vector<16xi32>,
        %get3A_132 = arith.constant 80 : index
        %get3A_133 = tpu.vector_load %arg9[%get3A_132] {strides = array<i32>} : memref<128xi32, #tpu.memory_space<vmem>>, vector<16xi32>,
        %get3A_134 = vector.shape_cast %get3A_133 : vector<16xi32> to vector<16xi32>
        %sub3A_135 = vector.broadcast %mul3A_7 : i32 to vector<16xi32>
        %sub3A_136 = arith.subi %get3A_134, %sub3A_135 : vector<16xi32>
        %ge3A_137 = arith.constant 0 : i32
        %ge3A_138 = vector.broadcast %ge3A_137 : i32 to vector<16xi32>
        %ge3A_139 = arith.cmpi sge, %sub3A_136, %ge3A_138 : vector<16xi32>
        %lt3A_140 = arith.constant 5000 : i32
        %lt3A_141 = vector.broadcast %lt3A_140 : i32 to vector<16xi32>
        %lt3A_142 = arith.cmpi slt, %sub3A_136, %lt3A_141 : vector<16xi32>
        %and3A_143 = arith.andi %ge3A_139, %lt3A_142 : vector<16xi1>
        %jit3A_144 = arith.constant 5000 : i32
        %broadcast_in_dim3A_145 = vector.broadcast %jit3A_144 : i32 to vector<16xi32>
        %select_n3A_146 = arith.select %and3A_143, %sub3A_136, %broadcast_in_dim3A_145 : vector<16xi1>, vector<16xi32>
        %swap3A_147 = arith.constant 80 : index
        %swap3A_148 = tpu.vector_load %arg10[%swap3A_147] {strides = array<i32>} : memref<128xi32, #tpu.memory_space<vmem>>, vector<16xi32>,
        %swap3A_149 = vector.shape_cast %swap3A_148 : vector<16xi32> to vector<16xi32>
        %swap3A_150 = vector.shape_cast %select_n3A_146 : vector<16xi32> to vector<16xi32>
        tpu.vector_store %arg10[%swap3A_147], %swap3A_150 {strides = array<i32>} : memref<128xi32, #tpu.memory_space<vmem>>, vector<16xi32>,
        %get3A_151 = arith.constant 96 : index
        %get3A_152 = tpu.vector_load %arg9[%get3A_151] {strides = array<i32>} : memref<128xi32, #tpu.memory_space<vmem>>, vector<16xi32>,
        %get3A_153 = vector.shape_cast %get3A_152 : vector<16xi32> to vector<16xi32>
        %sub3A_154 = vector.broadcast %mul3A_7 : i32 to vector<16xi32>
        %sub3A_155 = arith.subi %get3A_153, %sub3A_154 : vector<16xi32>
        %ge3A_156 = arith.constant 0 : i32
        %ge3A_157 = vector.broadcast %ge3A_156 : i32 to vector<16xi32>
        %ge3A_158 = arith.cmpi sge, %sub3A_155, %ge3A_157 : vector<16xi32>
        %lt3A_159 = arith.constant 5000 : i32
        %lt3A_160 = vector.broadcast %lt3A_159 : i32 to vector<16xi32>
        %lt3A_161 = arith.cmpi slt, %sub3A_155, %lt3A_160 : vector<16xi32>
        %and3A_162 = arith.andi %ge3A_158, %lt3A_161 : vector<16xi1>
        %jit3A_163 = arith.constant 5000 : i32
        %broadcast_in_dim3A_164 = vector.broadcast %jit3A_163 : i32 to vector<16xi32>
        %select_n3A_165 = arith.select %and3A_162, %sub3A_155, %broadcast_in_dim3A_164 : vector<16xi1>, vector<16xi32>
        %swap3A_166 = arith.constant 96 : index
        %swap3A_167 = tpu.vector_load %arg10[%swap3A_166] {strides = array<i32>} : memref<128xi32, #tpu.memory_space<vmem>>, vector<16xi32>,
        %swap3A_168 = vector.shape_cast %swap3A_167 : vector<16xi32> to vector<16xi32>
        %swap3A_169 = vector.shape_cast %select_n3A_165 : vector<16xi32> to vector<16xi32>
        tpu.vector_store %arg10[%swap3A_166], %swap3A_169 {strides = array<i32>} : memref<128xi32, #tpu.memory_space<vmem>>, vector<16xi32>,
        %get3A_170 = arith.constant 112 : index
        %get3A_171 = tpu.vector_load %arg9[%get3A_170] {strides = array<i32>} : memref<128xi32, #tpu.memory_space<vmem>>, vector<16xi32>,
        %get3A_172 = vector.shape_cast %get3A_171 : vector<16xi32> to vector<16xi32>
        %sub3A_173 = vector.broadcast %mul3A_7 : i32 to vector<16xi32>
        %sub3A_174 = arith.subi %get3A_172, %sub3A_173 : vector<16xi32>
        %ge3A_175 = arith.constant 0 : i32
        %ge3A_176 = vector.broadcast %ge3A_175 : i32 to vector<16xi32>
        %ge3A_177 = arith.cmpi sge, %sub3A_174, %ge3A_176 : vector<16xi32>
        %lt3A_178 = arith.constant 5000 : i32
        %lt3A_179 = vector.broadcast %lt3A_178 : i32 to vector<16xi32>
        %lt3A_180 = arith.cmpi slt, %sub3A_174, %lt3A_179 : vector<16xi32>
        %and3A_181 = arith.andi %ge3A_177, %lt3A_180 : vector<16xi1>
        %jit3A_182 = arith.constant 5000 : i32
        %broadcast_in_dim3A_183 = vector.broadcast %jit3A_182 : i32 to vector<16xi32>
        %select_n3A_184 = arith.select %and3A_181, %sub3A_174, %broadcast_in_dim3A_183 : vector<16xi1>, vector<16xi32>
        %swap3A_185 = arith.constant 112 : index
        %swap3A_186 = tpu.vector_load %arg10[%swap3A_185] {strides = array<i32>} : memref<128xi32, #tpu.memory_space<vmem>>, vector<16xi32>,
        %swap3A_187 = vector.shape_cast %swap3A_186 : vector<16xi32> to vector<16xi32>
        %swap3A_188 = vector.shape_cast %select_n3A_184 : vector<16xi32> to vector<16xi32>
        tpu.vector_store %arg10[%swap3A_185], %swap3A_188 {strides = array<i32>} : memref<128xi32, #tpu.memory_space<vmem>>, vector<16xi32>,
        "tpu.region"() ({
          %run_scoped3A_189 = tpu.sem_alloc : memref<!tpu.dma_semaphore, #tpu.memory_space<semaphore_mem>>
          %dma_start3A = arith.constant 0 : i32
          %dma_start3A_190 = tpu.memref_slice %arg4[%mul3A_44, %dma_start3A] : memref<160000x128xf32, #tpu.memory_space<hbm>> -> memref<128x128xf32, #tpu.memory_space<hbm>>
          %dma_start3A_191 = arith.constant 0 : i32
          %dma_start3A_192 = tpu.memref_slice %arg4[%mul3A_44, %dma_start3A_191] : memref<160000x128xf32, #tpu.memory_space<hbm>> -> memref<128x128xf32, #tpu.memory_space<hbm>>
          tpu.enqueue_dma source(%dma_start3A_192 : memref<128x128xf32, #tpu.memory_space<hbm>>) target(%arg11 : memref<128x128xf32, #tpu.memory_space<vmem>>) target_semaphore(%run_scoped3A_189 : memref<!tpu.dma_semaphore, #tpu.memory_space<semaphore_mem>>)
          %dma_wait3A = arith.constant 0 : i32
          %dma_wait3A_193 = tpu.memref_slice %arg4[%mul3A_44, %dma_wait3A] : memref<160000x128xf32, #tpu.memory_space<hbm>> -> memref<128x128xf32, #tpu.memory_space<hbm>>
          %dma_wait3A_194 = arith.constant 0 : i32
          %dma_wait3A_195 = tpu.memref_slice %arg4[%mul3A_44, %dma_wait3A_194] : memref<160000x128xf32, #tpu.memory_space<hbm>> -> memref<128x128xf32, #tpu.memory_space<hbm>>
          tpu.wait_dma2 semaphore(%run_scoped3A_189 : memref<!tpu.dma_semaphore, #tpu.memory_space<semaphore_mem>>) src(%dma_wait3A_195 : memref<128x128xf32, #tpu.memory_space<hbm>>) dst(%arg11 : memref<128x128xf32, #tpu.memory_space<vmem>>)
          tpu.yield
        }) : () -> ()
        "tpu.region"() ({
          %run_scoped3A_189 = tpu.sem_alloc : memref<!tpu.dma_semaphore, #tpu.memory_space<semaphore_mem>>
          %dma_start3A = arith.constant 0 : i32
          %dma_start3A_190 = arith.constant 0 : i32
          %dma_start3A_191 = tpu.memref_slice %arg12[%dma_start3A, %dma_start3A_190] : memref<10000x128xf32, #tpu.memory_space<vmem_shared>> -> memref<10000x128xf32, #tpu.memory_space<vmem_shared>>
          tpu.enqueue_indirect_dma source(%arg11 : memref<128x128xf32, #tpu.memory_space<vmem>>) target(%dma_start3A_191 : memref<10000x128xf32, #tpu.memory_space<vmem_shared>>) offsets(%arg10 : memref<128xi32, #tpu.memory_space<vmem>>) semaphore(%run_scoped3A_189 : memref<!tpu.dma_semaphore, #tpu.memory_space<semaphore_mem>>) {add = true}
          %dma_wait3A = arith.constant 0 : i32
          %dma_wait3A_192 = arith.constant 0 : i32
          %dma_wait3A_193 = tpu.memref_slice %arg12[%dma_wait3A, %dma_wait3A_192] : memref<10000x128xf32, #tpu.memory_space<vmem_shared>> -> memref<10000x128xf32, #tpu.memory_space<vmem_shared>>
          tpu.wait_indirect_dma semaphore(%run_scoped3A_189 : memref<!tpu.dma_semaphore, #tpu.memory_space<semaphore_mem>>) src(%arg11 : memref<128x128xf32, #tpu.memory_space<vmem>>) dst(%dma_wait3A_193 : memref<10000x128xf32, #tpu.memory_space<vmem_shared>>)
          tpu.yield
        }) : () -> ()
      }
      %scan3A_32 = arith.constant 78 : i32
      %lt3A_33 = arith.constant 2 : i32
      %lt3A_34 = arith.cmpi slt, %arg1, %lt3A_33 : i32
      %convert_element_type3A_35 = arith.extui %lt3A_34 : i1 to i32
      %cond3A_36 = arith.constant 0 : i32
      %cond3A_37 = arith.cmpi ne, %convert_element_type3A_35, %cond3A_36 : i32
      scf.if %cond3A_37 {
        %add3A = arith.constant 1248 : i32
        %add3A_40 = arith.addi %add3A, %arg1 : i32
        %mul3A_41 = arith.constant 128 : i32
        %mul3A_42 = arith.muli %add3A_40, %mul3A_41 : i32
        "tpu.region"() ({
          %run_scoped3A_187 = tpu.sem_alloc : memref<!tpu.dma_semaphore, #tpu.memory_space<semaphore_mem>>
          %dma_start3A = tpu.memref_slice %arg5[%mul3A_42] : memref<160000xi32, #tpu.memory_space<hbm>> -> memref<128xi32, #tpu.memory_space<hbm>>
          %dma_start3A_188 = tpu.memref_slice %arg5[%mul3A_42] : memref<160000xi32, #tpu.memory_space<hbm>> -> memref<128xi32, #tpu.memory_space<hbm>>
          tpu.enqueue_dma source(%dma_start3A_188 : memref<128xi32, #tpu.memory_space<hbm>>) target(%arg9 : memref<128xi32, #tpu.memory_space<vmem>>) target_semaphore(%run_scoped3A_187 : memref<!tpu.dma_semaphore, #tpu.memory_space<semaphore_mem>>)
          %dma_wait3A = tpu.memref_slice %arg5[%mul3A_42] : memref<160000xi32, #tpu.memory_space<hbm>> -> memref<128xi32, #tpu.memory_space<hbm>>
          %dma_wait3A_189 = tpu.memref_slice %arg5[%mul3A_42] : memref<160000xi32, #tpu.memory_space<hbm>> -> memref<128xi32, #tpu.memory_space<hbm>>
          tpu.wait_dma2 semaphore(%run_scoped3A_187 : memref<!tpu.dma_semaphore, #tpu.memory_space<semaphore_mem>>) src(%dma_wait3A_189 : memref<128xi32, #tpu.memory_space<hbm>>) dst(%arg9 : memref<128xi32, #tpu.memory_space<vmem>>)
          tpu.yield
        }) : () -> ()
        %get3A = arith.constant 0 : index
        %get3A_43 = tpu.vector_load %arg9[%get3A] {strides = array<i32>} : memref<128xi32, #tpu.memory_space<vmem>>, vector<16xi32>,
        %get3A_44 = vector.shape_cast %get3A_43 : vector<16xi32> to vector<16xi32>
        %sub3A = vector.broadcast %mul3A_7 : i32 to vector<16xi32>
        %sub3A_45 = arith.subi %get3A_44, %sub3A : vector<16xi32>
        %ge3A = arith.constant 0 : i32
        %ge3A_46 = vector.broadcast %ge3A : i32 to vector<16xi32>
        %ge3A_47 = arith.cmpi sge, %sub3A_45, %ge3A_46 : vector<16xi32>
        %lt3A_48 = arith.constant 5000 : i32
        %lt3A_49 = vector.broadcast %lt3A_48 : i32 to vector<16xi32>
        %lt3A_50 = arith.cmpi slt, %sub3A_45, %lt3A_49 : vector<16xi32>
        %and3A = arith.andi %ge3A_47, %lt3A_50 : vector<16xi1>
        %jit3A = arith.constant 5000 : i32
        %broadcast_in_dim3A = vector.broadcast %jit3A : i32 to vector<16xi32>
        %select_n3A = arith.select %and3A, %sub3A_45, %broadcast_in_dim3A : vector<16xi1>, vector<16xi32>
        %swap3A = arith.constant 0 : index
        %swap3A_51 = tpu.vector_load %arg10[%swap3A] {strides = array<i32>} : memref<128xi32, #tpu.memory_space<vmem>>, vector<16xi32>,
        %swap3A_52 = vector.shape_cast %swap3A_51 : vector<16xi32> to vector<16xi32>
        %swap3A_53 = vector.shape_cast %select_n3A : vector<16xi32> to vector<16xi32>
        tpu.vector_store %arg10[%swap3A], %swap3A_53 {strides = array<i32>} : memref<128xi32, #tpu.memory_space<vmem>>, vector<16xi32>,
        %get3A_54 = arith.constant 16 : index
        %get3A_55 = tpu.vector_load %arg9[%get3A_54] {strides = array<i32>} : memref<128xi32, #tpu.memory_space<vmem>>, vector<16xi32>,
        %get3A_56 = vector.shape_cast %get3A_55 : vector<16xi32> to vector<16xi32>
        %sub3A_57 = vector.broadcast %mul3A_7 : i32 to vector<16xi32>
        %sub3A_58 = arith.subi %get3A_56, %sub3A_57 : vector<16xi32>
        %ge3A_59 = arith.constant 0 : i32
        %ge3A_60 = vector.broadcast %ge3A_59 : i32 to vector<16xi32>
        %ge3A_61 = arith.cmpi sge, %sub3A_58, %ge3A_60 : vector<16xi32>
        %lt3A_62 = arith.constant 5000 : i32
        %lt3A_63 = vector.broadcast %lt3A_62 : i32 to vector<16xi32>
        %lt3A_64 = arith.cmpi slt, %sub3A_58, %lt3A_63 : vector<16xi32>
        %and3A_65 = arith.andi %ge3A_61, %lt3A_64 : vector<16xi1>
        %jit3A_66 = arith.constant 5000 : i32
        %broadcast_in_dim3A_67 = vector.broadcast %jit3A_66 : i32 to vector<16xi32>
        %select_n3A_68 = arith.select %and3A_65, %sub3A_58, %broadcast_in_dim3A_67 : vector<16xi1>, vector<16xi32>
        %swap3A_69 = arith.constant 16 : index
        %swap3A_70 = tpu.vector_load %arg10[%swap3A_69] {strides = array<i32>} : memref<128xi32, #tpu.memory_space<vmem>>, vector<16xi32>,
        %swap3A_71 = vector.shape_cast %swap3A_70 : vector<16xi32> to vector<16xi32>
        %swap3A_72 = vector.shape_cast %select_n3A_68 : vector<16xi32> to vector<16xi32>
        tpu.vector_store %arg10[%swap3A_69], %swap3A_72 {strides = array<i32>} : memref<128xi32, #tpu.memory_space<vmem>>, vector<16xi32>,
        %get3A_73 = arith.constant 32 : index
        %get3A_74 = tpu.vector_load %arg9[%get3A_73] {strides = array<i32>} : memref<128xi32, #tpu.memory_space<vmem>>, vector<16xi32>,
        %get3A_75 = vector.shape_cast %get3A_74 : vector<16xi32> to vector<16xi32>
        %sub3A_76 = vector.broadcast %mul3A_7 : i32 to vector<16xi32>
        %sub3A_77 = arith.subi %get3A_75, %sub3A_76 : vector<16xi32>
        %ge3A_78 = arith.constant 0 : i32
        %ge3A_79 = vector.broadcast %ge3A_78 : i32 to vector<16xi32>
        %ge3A_80 = arith.cmpi sge, %sub3A_77, %ge3A_79 : vector<16xi32>
        %lt3A_81 = arith.constant 5000 : i32
        %lt3A_82 = vector.broadcast %lt3A_81 : i32 to vector<16xi32>
        %lt3A_83 = arith.cmpi slt, %sub3A_77, %lt3A_82 : vector<16xi32>
        %and3A_84 = arith.andi %ge3A_80, %lt3A_83 : vector<16xi1>
        %jit3A_85 = arith.constant 5000 : i32
        %broadcast_in_dim3A_86 = vector.broadcast %jit3A_85 : i32 to vector<16xi32>
        %select_n3A_87 = arith.select %and3A_84, %sub3A_77, %broadcast_in_dim3A_86 : vector<16xi1>, vector<16xi32>
        %swap3A_88 = arith.constant 32 : index
        %swap3A_89 = tpu.vector_load %arg10[%swap3A_88] {strides = array<i32>} : memref<128xi32, #tpu.memory_space<vmem>>, vector<16xi32>,
        %swap3A_90 = vector.shape_cast %swap3A_89 : vector<16xi32> to vector<16xi32>
        %swap3A_91 = vector.shape_cast %select_n3A_87 : vector<16xi32> to vector<16xi32>
        tpu.vector_store %arg10[%swap3A_88], %swap3A_91 {strides = array<i32>} : memref<128xi32, #tpu.memory_space<vmem>>, vector<16xi32>,
        %get3A_92 = arith.constant 48 : index
        %get3A_93 = tpu.vector_load %arg9[%get3A_92] {strides = array<i32>} : memref<128xi32, #tpu.memory_space<vmem>>, vector<16xi32>,
        %get3A_94 = vector.shape_cast %get3A_93 : vector<16xi32> to vector<16xi32>
        %sub3A_95 = vector.broadcast %mul3A_7 : i32 to vector<16xi32>
        %sub3A_96 = arith.subi %get3A_94, %sub3A_95 : vector<16xi32>
        %ge3A_97 = arith.constant 0 : i32
        %ge3A_98 = vector.broadcast %ge3A_97 : i32 to vector<16xi32>
        %ge3A_99 = arith.cmpi sge, %sub3A_96, %ge3A_98 : vector<16xi32>
        %lt3A_100 = arith.constant 5000 : i32
        %lt3A_101 = vector.broadcast %lt3A_100 : i32 to vector<16xi32>
        %lt3A_102 = arith.cmpi slt, %sub3A_96, %lt3A_101 : vector<16xi32>
        %and3A_103 = arith.andi %ge3A_99, %lt3A_102 : vector<16xi1>
        %jit3A_104 = arith.constant 5000 : i32
        %broadcast_in_dim3A_105 = vector.broadcast %jit3A_104 : i32 to vector<16xi32>
        %select_n3A_106 = arith.select %and3A_103, %sub3A_96, %broadcast_in_dim3A_105 : vector<16xi1>, vector<16xi32>
        %swap3A_107 = arith.constant 48 : index
        %swap3A_108 = tpu.vector_load %arg10[%swap3A_107] {strides = array<i32>} : memref<128xi32, #tpu.memory_space<vmem>>, vector<16xi32>,
        %swap3A_109 = vector.shape_cast %swap3A_108 : vector<16xi32> to vector<16xi32>
        %swap3A_110 = vector.shape_cast %select_n3A_106 : vector<16xi32> to vector<16xi32>
        tpu.vector_store %arg10[%swap3A_107], %swap3A_110 {strides = array<i32>} : memref<128xi32, #tpu.memory_space<vmem>>, vector<16xi32>,
        %get3A_111 = arith.constant 64 : index
        %get3A_112 = tpu.vector_load %arg9[%get3A_111] {strides = array<i32>} : memref<128xi32, #tpu.memory_space<vmem>>, vector<16xi32>,
        %get3A_113 = vector.shape_cast %get3A_112 : vector<16xi32> to vector<16xi32>
        %sub3A_114 = vector.broadcast %mul3A_7 : i32 to vector<16xi32>
        %sub3A_115 = arith.subi %get3A_113, %sub3A_114 : vector<16xi32>
        %ge3A_116 = arith.constant 0 : i32
        %ge3A_117 = vector.broadcast %ge3A_116 : i32 to vector<16xi32>
        %ge3A_118 = arith.cmpi sge, %sub3A_115, %ge3A_117 : vector<16xi32>
        %lt3A_119 = arith.constant 5000 : i32
        %lt3A_120 = vector.broadcast %lt3A_119 : i32 to vector<16xi32>
        %lt3A_121 = arith.cmpi slt, %sub3A_115, %lt3A_120 : vector<16xi32>
        %and3A_122 = arith.andi %ge3A_118, %lt3A_121 : vector<16xi1>
        %jit3A_123 = arith.constant 5000 : i32
        %broadcast_in_dim3A_124 = vector.broadcast %jit3A_123 : i32 to vector<16xi32>
        %select_n3A_125 = arith.select %and3A_122, %sub3A_115, %broadcast_in_dim3A_124 : vector<16xi1>, vector<16xi32>
        %swap3A_126 = arith.constant 64 : index
        %swap3A_127 = tpu.vector_load %arg10[%swap3A_126] {strides = array<i32>} : memref<128xi32, #tpu.memory_space<vmem>>, vector<16xi32>,
        %swap3A_128 = vector.shape_cast %swap3A_127 : vector<16xi32> to vector<16xi32>
        %swap3A_129 = vector.shape_cast %select_n3A_125 : vector<16xi32> to vector<16xi32>
        tpu.vector_store %arg10[%swap3A_126], %swap3A_129 {strides = array<i32>} : memref<128xi32, #tpu.memory_space<vmem>>, vector<16xi32>,
        %get3A_130 = arith.constant 80 : index
        %get3A_131 = tpu.vector_load %arg9[%get3A_130] {strides = array<i32>} : memref<128xi32, #tpu.memory_space<vmem>>, vector<16xi32>,
        %get3A_132 = vector.shape_cast %get3A_131 : vector<16xi32> to vector<16xi32>
        %sub3A_133 = vector.broadcast %mul3A_7 : i32 to vector<16xi32>
        %sub3A_134 = arith.subi %get3A_132, %sub3A_133 : vector<16xi32>
        %ge3A_135 = arith.constant 0 : i32
        %ge3A_136 = vector.broadcast %ge3A_135 : i32 to vector<16xi32>
        %ge3A_137 = arith.cmpi sge, %sub3A_134, %ge3A_136 : vector<16xi32>
        %lt3A_138 = arith.constant 5000 : i32
        %lt3A_139 = vector.broadcast %lt3A_138 : i32 to vector<16xi32>
        %lt3A_140 = arith.cmpi slt, %sub3A_134, %lt3A_139 : vector<16xi32>
        %and3A_141 = arith.andi %ge3A_137, %lt3A_140 : vector<16xi1>
        %jit3A_142 = arith.constant 5000 : i32
        %broadcast_in_dim3A_143 = vector.broadcast %jit3A_142 : i32 to vector<16xi32>
        %select_n3A_144 = arith.select %and3A_141, %sub3A_134, %broadcast_in_dim3A_143 : vector<16xi1>, vector<16xi32>
        %swap3A_145 = arith.constant 80 : index
        %swap3A_146 = tpu.vector_load %arg10[%swap3A_145] {strides = array<i32>} : memref<128xi32, #tpu.memory_space<vmem>>, vector<16xi32>,
        %swap3A_147 = vector.shape_cast %swap3A_146 : vector<16xi32> to vector<16xi32>
        %swap3A_148 = vector.shape_cast %select_n3A_144 : vector<16xi32> to vector<16xi32>
        tpu.vector_store %arg10[%swap3A_145], %swap3A_148 {strides = array<i32>} : memref<128xi32, #tpu.memory_space<vmem>>, vector<16xi32>,
        %get3A_149 = arith.constant 96 : index
        %get3A_150 = tpu.vector_load %arg9[%get3A_149] {strides = array<i32>} : memref<128xi32, #tpu.memory_space<vmem>>, vector<16xi32>,
        %get3A_151 = vector.shape_cast %get3A_150 : vector<16xi32> to vector<16xi32>
        %sub3A_152 = vector.broadcast %mul3A_7 : i32 to vector<16xi32>
        %sub3A_153 = arith.subi %get3A_151, %sub3A_152 : vector<16xi32>
        %ge3A_154 = arith.constant 0 : i32
        %ge3A_155 = vector.broadcast %ge3A_154 : i32 to vector<16xi32>
        %ge3A_156 = arith.cmpi sge, %sub3A_153, %ge3A_155 : vector<16xi32>
        %lt3A_157 = arith.constant 5000 : i32
        %lt3A_158 = vector.broadcast %lt3A_157 : i32 to vector<16xi32>
        %lt3A_159 = arith.cmpi slt, %sub3A_153, %lt3A_158 : vector<16xi32>
        %and3A_160 = arith.andi %ge3A_156, %lt3A_159 : vector<16xi1>
        %jit3A_161 = arith.constant 5000 : i32
        %broadcast_in_dim3A_162 = vector.broadcast %jit3A_161 : i32 to vector<16xi32>
        %select_n3A_163 = arith.select %and3A_160, %sub3A_153, %broadcast_in_dim3A_162 : vector<16xi1>, vector<16xi32>
        %swap3A_164 = arith.constant 96 : index
        %swap3A_165 = tpu.vector_load %arg10[%swap3A_164] {strides = array<i32>} : memref<128xi32, #tpu.memory_space<vmem>>, vector<16xi32>,
        %swap3A_166 = vector.shape_cast %swap3A_165 : vector<16xi32> to vector<16xi32>
        %swap3A_167 = vector.shape_cast %select_n3A_163 : vector<16xi32> to vector<16xi32>
        tpu.vector_store %arg10[%swap3A_164], %swap3A_167 {strides = array<i32>} : memref<128xi32, #tpu.memory_space<vmem>>, vector<16xi32>,
        %get3A_168 = arith.constant 112 : index
        %get3A_169 = tpu.vector_load %arg9[%get3A_168] {strides = array<i32>} : memref<128xi32, #tpu.memory_space<vmem>>, vector<16xi32>,
        %get3A_170 = vector.shape_cast %get3A_169 : vector<16xi32> to vector<16xi32>
        %sub3A_171 = vector.broadcast %mul3A_7 : i32 to vector<16xi32>
        %sub3A_172 = arith.subi %get3A_170, %sub3A_171 : vector<16xi32>
        %ge3A_173 = arith.constant 0 : i32
        %ge3A_174 = vector.broadcast %ge3A_173 : i32 to vector<16xi32>
        %ge3A_175 = arith.cmpi sge, %sub3A_172, %ge3A_174 : vector<16xi32>
        %lt3A_176 = arith.constant 5000 : i32
        %lt3A_177 = vector.broadcast %lt3A_176 : i32 to vector<16xi32>
        %lt3A_178 = arith.cmpi slt, %sub3A_172, %lt3A_177 : vector<16xi32>
        %and3A_179 = arith.andi %ge3A_175, %lt3A_178 : vector<16xi1>
        %jit3A_180 = arith.constant 5000 : i32
        %broadcast_in_dim3A_181 = vector.broadcast %jit3A_180 : i32 to vector<16xi32>
        %select_n3A_182 = arith.select %and3A_179, %sub3A_172, %broadcast_in_dim3A_181 : vector<16xi1>, vector<16xi32>
        %swap3A_183 = arith.constant 112 : index
        %swap3A_184 = tpu.vector_load %arg10[%swap3A_183] {strides = array<i32>} : memref<128xi32, #tpu.memory_space<vmem>>, vector<16xi32>,
        %swap3A_185 = vector.shape_cast %swap3A_184 : vector<16xi32> to vector<16xi32>
        %swap3A_186 = vector.shape_cast %select_n3A_182 : vector<16xi32> to vector<16xi32>
        tpu.vector_store %arg10[%swap3A_183], %swap3A_186 {strides = array<i32>} : memref<128xi32, #tpu.memory_space<vmem>>, vector<16xi32>,
        "tpu.region"() ({
          %run_scoped3A_187 = tpu.sem_alloc : memref<!tpu.dma_semaphore, #tpu.memory_space<semaphore_mem>>
          %dma_start3A = arith.constant 0 : i32
          %dma_start3A_188 = tpu.memref_slice %arg4[%mul3A_42, %dma_start3A] : memref<160000x128xf32, #tpu.memory_space<hbm>> -> memref<128x128xf32, #tpu.memory_space<hbm>>
          %dma_start3A_189 = arith.constant 0 : i32
          %dma_start3A_190 = tpu.memref_slice %arg4[%mul3A_42, %dma_start3A_189] : memref<160000x128xf32, #tpu.memory_space<hbm>> -> memref<128x128xf32, #tpu.memory_space<hbm>>
          tpu.enqueue_dma source(%dma_start3A_190 : memref<128x128xf32, #tpu.memory_space<hbm>>) target(%arg11 : memref<128x128xf32, #tpu.memory_space<vmem>>) target_semaphore(%run_scoped3A_187 : memref<!tpu.dma_semaphore, #tpu.memory_space<semaphore_mem>>)
          %dma_wait3A = arith.constant 0 : i32
          %dma_wait3A_191 = tpu.memref_slice %arg4[%mul3A_42, %dma_wait3A] : memref<160000x128xf32, #tpu.memory_space<hbm>> -> memref<128x128xf32, #tpu.memory_space<hbm>>
          %dma_wait3A_192 = arith.constant 0 : i32
          %dma_wait3A_193 = tpu.memref_slice %arg4[%mul3A_42, %dma_wait3A_192] : memref<160000x128xf32, #tpu.memory_space<hbm>> -> memref<128x128xf32, #tpu.memory_space<hbm>>
          tpu.wait_dma2 semaphore(%run_scoped3A_187 : memref<!tpu.dma_semaphore, #tpu.memory_space<semaphore_mem>>) src(%dma_wait3A_193 : memref<128x128xf32, #tpu.memory_space<hbm>>) dst(%arg11 : memref<128x128xf32, #tpu.memory_space<vmem>>)
          tpu.yield
        }) : () -> ()
        "tpu.region"() ({
          %run_scoped3A_187 = tpu.sem_alloc : memref<!tpu.dma_semaphore, #tpu.memory_space<semaphore_mem>>
          %dma_start3A = arith.constant 0 : i32
          %dma_start3A_188 = arith.constant 0 : i32
          %dma_start3A_189 = tpu.memref_slice %arg12[%dma_start3A, %dma_start3A_188] : memref<10000x128xf32, #tpu.memory_space<vmem_shared>> -> memref<10000x128xf32, #tpu.memory_space<vmem_shared>>
          tpu.enqueue_indirect_dma source(%arg11 : memref<128x128xf32, #tpu.memory_space<vmem>>) target(%dma_start3A_189 : memref<10000x128xf32, #tpu.memory_space<vmem_shared>>) offsets(%arg10 : memref<128xi32, #tpu.memory_space<vmem>>) semaphore(%run_scoped3A_187 : memref<!tpu.dma_semaphore, #tpu.memory_space<semaphore_mem>>) {add = true}
          %dma_wait3A = arith.constant 0 : i32
          %dma_wait3A_190 = arith.constant 0 : i32
          %dma_wait3A_191 = tpu.memref_slice %arg12[%dma_wait3A, %dma_wait3A_190] : memref<10000x128xf32, #tpu.memory_space<vmem_shared>> -> memref<10000x128xf32, #tpu.memory_space<vmem_shared>>
          tpu.wait_indirect_dma semaphore(%run_scoped3A_187 : memref<!tpu.dma_semaphore, #tpu.memory_space<semaphore_mem>>) src(%arg11 : memref<128x128xf32, #tpu.memory_space<vmem>>) dst(%dma_wait3A_191 : memref<10000x128xf32, #tpu.memory_space<vmem_shared>>)
          tpu.yield
        }) : () -> ()
      } else {
      }
      %barrier3A_38 = arith.constant 0 : index
      tpu.barrier barrier_id(%barrier3A_38)
      %run_scoped3A_39 = arith.constant 1 : i32
      "tpu.region"() ({
        %run_scoped3A_40 = tpu.sem_alloc : memref<!tpu.dma_semaphore, #tpu.memory_space<semaphore_mem>>
        %dma_start3A = arith.constant 0 : i32
        %dma_start3A_41 = tpu.memref_slice %arg8[%run_scoped3A_39, %min3A_5, %dma_start3A] : memref<2x5008x128xf32, #tpu.memory_space<hbm>> -> memref<1x320x128xf32, #tpu.memory_space<hbm>>
        %dma_start3A_42 = tpu.memref_squeeze %dma_start3A_41 : memref<1x320x128xf32, #tpu.memory_space<hbm>> -> memref<320x128xf32, #tpu.memory_space<hbm>>
        %dma_start3A_43 = arith.constant 0 : i32
        %dma_start3A_44 = tpu.memref_slice %arg12[%min3A_5, %dma_start3A_43] : memref<10000x128xf32, #tpu.memory_space<vmem_shared>> -> memref<320x128xf32, #tpu.memory_space<vmem_shared>>
        tpu.enqueue_dma source(%dma_start3A_44 : memref<320x128xf32, #tpu.memory_space<vmem_shared>>) target(%dma_start3A_42 : memref<320x128xf32, #tpu.memory_space<hbm>>) target_semaphore(%run_scoped3A_40 : memref<!tpu.dma_semaphore, #tpu.memory_space<semaphore_mem>>)
        %dma_wait3A = arith.constant 0 : i32
        %dma_wait3A_45 = tpu.memref_slice %arg8[%run_scoped3A_39, %min3A_5, %dma_wait3A] : memref<2x5008x128xf32, #tpu.memory_space<hbm>> -> memref<1x320x128xf32, #tpu.memory_space<hbm>>
        %dma_wait3A_46 = tpu.memref_squeeze %dma_wait3A_45 : memref<1x320x128xf32, #tpu.memory_space<hbm>> -> memref<320x128xf32, #tpu.memory_space<hbm>>
        %dma_wait3A_47 = arith.constant 0 : i32
        %dma_wait3A_48 = tpu.memref_slice %arg12[%min3A_5, %dma_wait3A_47] : memref<10000x128xf32, #tpu.memory_space<vmem_shared>> -> memref<320x128xf32, #tpu.memory_space<vmem_shared>>
        tpu.wait_dma2 semaphore(%run_scoped3A_40 : memref<!tpu.dma_semaphore, #tpu.memory_space<semaphore_mem>>) src(%dma_wait3A_48 : memref<320x128xf32, #tpu.memory_space<vmem_shared>>) dst(%dma_wait3A_46 : memref<320x128xf32, #tpu.memory_space<hbm>>)
        tpu.yield
      }) : () -> ()
    } else {
    }
    return
  }
}

#map = affine_map<(d0, d1) -> (0, 0)>
#map1 = affine_map<(d0, d1) -> (0)>
#map2 = affine_map<(d0, d1) -> (0, 0, 0)>
module attributes {stable_mosaic.version = 14 : i64} {
  func.func @_sc_scatter(%arg0: i32, %arg1: i32, %arg2: memref<160000x128xf32, #tpu.memory_space<hbm>>, %arg3: memref<160000x128xf32, #tpu.memory_space<hbm>>, %arg4: memref<160000x128xf32, #tpu.memory_space<hbm>>, %arg5: memref<160000xi32, #tpu.memory_space<hbm>>, %arg6: memref<10000x128xf32, #tpu.memory_space<hbm>>, %arg7: memref<2x10000x128xf32, #tpu.memory_space<hbm>>, %arg8: memref<2x5008x128xf32, #tpu.memory_space<hbm>>, %arg9: memref<128xi32, #tpu.memory_space<vmem>>, %arg10: memref<128xi32, #tpu.memory_space<vmem>>, %arg11: memref<128x128xf32, #tpu.memory_space<vmem>>, %arg12: memref<10000x128xf32, #tpu.memory_space<vmem_shared>>, %arg13: memref<!tpu.dma_semaphore, #tpu.memory_space<semaphore_mem>>) attributes {dimension_semantics = [#tpu.dimension_semantics<core_parallel>, #tpu.dimension_semantics<subcore_parallel>], iteration_bounds = array<i64: 2, 16>, scalar_prefetch = 0 : i64, scratch_operands = 5 : i64, tpu.core_type = #tpu.core_type<sc_vector_subcore>, window_params = [{transform_indices = #map}, {transform_indices = #map}, {transform_indices = #map}, {transform_indices = #map1}, {transform_indices = #map}, {transform_indices = #map2}, {transform_indices = #map2}]} {
    %mul3A = arith.constant 632 : i32
    %mul3A_0 = arith.muli %arg1, %mul3A : i32
    %min3A = arith.constant 9368 : i32
    %min3A_1 = arith.minsi %mul3A_0, %min3A : i32
    %mul3A_2 = arith.constant 320 : i32
    %mul3A_3 = arith.muli %arg1, %mul3A_2 : i32
    %min3A_4 = arith.constant 4688 : i32
    %min3A_5 = arith.minsi %mul3A_3, %min3A_4 : i32
    %mul3A_6 = arith.constant 5000 : i32
    %mul3A_7 = arith.muli %arg0, %mul3A_6 : i32
    %eq3A = arith.constant 0 : i32
    %eq3A_8 = arith.cmpi eq, %arg0, %eq3A : i32
    %convert_element_type3A = arith.extui %eq3A_8 : i1 to i32
    %cond3A = arith.constant 0 : i32
    %cond3A_9 = arith.cmpi ne, %convert_element_type3A, %cond3A : i32
    scf.if %cond3A_9 {
      "tpu.region"() ({
        %run_scoped3A_40 = tpu.sem_alloc : memref<!tpu.dma_semaphore, #tpu.memory_space<semaphore_mem>>
        %dma_start3A = arith.constant 0 : i32
        %dma_start3A_41 = tpu.memref_slice %arg12[%min3A_1, %dma_start3A] : memref<10000x128xf32, #tpu.memory_space<vmem_shared>> -> memref<632x128xf32, #tpu.memory_space<vmem_shared>>
        %dma_start3A_42 = arith.constant 0 : i32
        %dma_start3A_43 = tpu.memref_slice %arg6[%min3A_1, %dma_start3A_42] : memref<10000x128xf32, #tpu.memory_space<hbm>> -> memref<632x128xf32, #tpu.memory_space<hbm>>
        tpu.enqueue_dma source(%dma_start3A_43 : memref<632x128xf32, #tpu.memory_space<hbm>>) target(%dma_start3A_41 : memref<632x128xf32, #tpu.memory_space<vmem_shared>>) target_semaphore(%run_scoped3A_40 : memref<!tpu.dma_semaphore, #tpu.memory_space<semaphore_mem>>)
        %dma_wait3A = arith.constant 0 : i32
        %dma_wait3A_44 = tpu.memref_slice %arg12[%min3A_1, %dma_wait3A] : memref<10000x128xf32, #tpu.memory_space<vmem_shared>> -> memref<632x128xf32, #tpu.memory_space<vmem_shared>>
        %dma_wait3A_45 = arith.constant 0 : i32
        %dma_wait3A_46 = tpu.memref_slice %arg6[%min3A_1, %dma_wait3A_45] : memref<10000x128xf32, #tpu.memory_space<hbm>> -> memref<632x128xf32, #tpu.memory_space<hbm>>
        tpu.wait_dma2 semaphore(%run_scoped3A_40 : memref<!tpu.dma_semaphore, #tpu.memory_space<semaphore_mem>>) src(%dma_wait3A_46 : memref<632x128xf32, #tpu.memory_space<hbm>>) dst(%dma_wait3A_44 : memref<632x128xf32, #tpu.memory_space<vmem_shared>>)
        tpu.yield
      }) : () -> ()
      %barrier3A = arith.constant 0 : index
      tpu.barrier barrier_id(%barrier3A)
      %scan3A = arith.constant 0 : i32
      %scan3A_15 = arith.constant 0 : i32
      %scan3A_16 = arith.constant 78 : i32
      %scan3A_17 = arith.addi %scan3A_15, %scan3A_16 : i32
      %scan3A_18 = arith.constant 1 : i32
      scf.for %scan3A_40 = %scan3A_15 to %scan3A_17 step %scan3A_18  : i32 {
        %mul3A_41 = arith.constant 16 : i32
        %mul3A_42 = arith.muli %scan3A_40, %mul3A_41 : i32
        %add3A = arith.addi %arg1, %mul3A_42 : i32
        %mul3A_43 = arith.constant 128 : i32
        %mul3A_44 = arith.muli %add3A, %mul3A_43 : i32
        "tpu.region"() ({
          %run_scoped3A_45 = tpu.sem_alloc : memref<!tpu.dma_semaphore, #tpu.memory_space<semaphore_mem>>
          %dma_start3A = tpu.memref_slice %arg5[%mul3A_44] : memref<160000xi32, #tpu.memory_space<hbm>> -> memref<128xi32, #tpu.memory_space<hbm>>
          %dma_start3A_46 = tpu.memref_slice %arg5[%mul3A_44] : memref<160000xi32, #tpu.memory_space<hbm>> -> memref<128xi32, #tpu.memory_space<hbm>>
          tpu.enqueue_dma source(%dma_start3A_46 : memref<128xi32, #tpu.memory_space<hbm>>) target(%arg9 : memref<128xi32, #tpu.memory_space<vmem>>) target_semaphore(%run_scoped3A_45 : memref<!tpu.dma_semaphore, #tpu.memory_space<semaphore_mem>>)
          %dma_wait3A = tpu.memref_slice %arg5[%mul3A_44] : memref<160000xi32, #tpu.memory_space<hbm>> -> memref<128xi32, #tpu.memory_space<hbm>>
          %dma_wait3A_47 = tpu.memref_slice %arg5[%mul3A_44] : memref<160000xi32, #tpu.memory_space<hbm>> -> memref<128xi32, #tpu.memory_space<hbm>>
          tpu.wait_dma2 semaphore(%run_scoped3A_45 : memref<!tpu.dma_semaphore, #tpu.memory_space<semaphore_mem>>) src(%dma_wait3A_47 : memref<128xi32, #tpu.memory_space<hbm>>) dst(%arg9 : memref<128xi32, #tpu.memory_space<vmem>>)
          tpu.yield
        }) : () -> ()
        "tpu.region"() ({
          %run_scoped3A_45 = tpu.sem_alloc : memref<!tpu.dma_semaphore, #tpu.memory_space<semaphore_mem>>
          %dma_start3A = arith.constant 0 : i32
          %dma_start3A_46 = tpu.memref_slice %arg2[%mul3A_44, %dma_start3A] : memref<160000x128xf32, #tpu.memory_space<hbm>> -> memref<128x128xf32, #tpu.memory_space<hbm>>
          %dma_start3A_47 = arith.constant 0 : i32
          %dma_start3A_48 = tpu.memref_slice %arg2[%mul3A_44, %dma_start3A_47] : memref<160000x128xf32, #tpu.memory_space<hbm>> -> memref<128x128xf32, #tpu.memory_space<hbm>>
          tpu.enqueue_dma source(%dma_start3A_48 : memref<128x128xf32, #tpu.memory_space<hbm>>) target(%arg11 : memref<128x128xf32, #tpu.memory_space<vmem>>) target_semaphore(%run_scoped3A_45 : memref<!tpu.dma_semaphore, #tpu.memory_space<semaphore_mem>>)
          %dma_wait3A = arith.constant 0 : i32
          %dma_wait3A_49 = tpu.memref_slice %arg2[%mul3A_44, %dma_wait3A] : memref<160000x128xf32, #tpu.memory_space<hbm>> -> memref<128x128xf32, #tpu.memory_space<hbm>>
          %dma_wait3A_50 = arith.constant 0 : i32
          %dma_wait3A_51 = tpu.memref_slice %arg2[%mul3A_44, %dma_wait3A_50] : memref<160000x128xf32, #tpu.memory_space<hbm>> -> memref<128x128xf32, #tpu.memory_space<hbm>>
          tpu.wait_dma2 semaphore(%run_scoped3A_45 : memref<!tpu.dma_semaphore, #tpu.memory_space<semaphore_mem>>) src(%dma_wait3A_51 : memref<128x128xf32, #tpu.memory_space<hbm>>) dst(%arg11 : memref<128x128xf32, #tpu.memory_space<vmem>>)
          tpu.yield
        }) : () -> ()
        "tpu.region"() ({
          %run_scoped3A_45 = tpu.sem_alloc : memref<!tpu.dma_semaphore, #tpu.memory_space<semaphore_mem>>
          %dma_start3A = arith.constant 0 : i32
          %dma_start3A_46 = arith.constant 0 : i32
          %dma_start3A_47 = tpu.memref_slice %arg12[%dma_start3A, %dma_start3A_46] : memref<10000x128xf32, #tpu.memory_space<vmem_shared>> -> memref<10000x128xf32, #tpu.memory_space<vmem_shared>>
          tpu.enqueue_indirect_dma source(%arg11 : memref<128x128xf32, #tpu.memory_space<vmem>>) target(%dma_start3A_47 : memref<10000x128xf32, #tpu.memory_space<vmem_shared>>) offsets(%arg9 : memref<128xi32, #tpu.memory_space<vmem>>) semaphore(%run_scoped3A_45 : memref<!tpu.dma_semaphore, #tpu.memory_space<semaphore_mem>>) {add = true}
          %dma_wait3A = arith.constant 0 : i32
          %dma_wait3A_48 = arith.constant 0 : i32
          %dma_wait3A_49 = tpu.memref_slice %arg12[%dma_wait3A, %dma_wait3A_48] : memref<10000x128xf32, #tpu.memory_space<vmem_shared>> -> memref<10000x128xf32, #tpu.memory_space<vmem_shared>>
          tpu.wait_indirect_dma semaphore(%run_scoped3A_45 : memref<!tpu.dma_semaphore, #tpu.memory_space<semaphore_mem>>) src(%arg11 : memref<128x128xf32, #tpu.memory_space<vmem>>) dst(%dma_wait3A_49 : memref<10000x128xf32, #tpu.memory_space<vmem_shared>>)
          tpu.yield
        }) : () -> ()
      }
      %scan3A_19 = arith.constant 78 : i32
      %lt3A = arith.constant 2 : i32
      %lt3A_20 = arith.cmpi slt, %arg1, %lt3A : i32
      %convert_element_type3A_21 = arith.extui %lt3A_20 : i1 to i32
      %cond3A_22 = arith.constant 0 : i32
      %cond3A_23 = arith.cmpi ne, %convert_element_type3A_21, %cond3A_22 : i32
      scf.if %cond3A_23 {
        %add3A = arith.constant 1248 : i32
        %add3A_40 = arith.addi %add3A, %arg1 : i32
        %mul3A_41 = arith.constant 128 : i32
        %mul3A_42 = arith.muli %add3A_40, %mul3A_41 : i32
        "tpu.region"() ({
          %run_scoped3A_43 = tpu.sem_alloc : memref<!tpu.dma_semaphore, #tpu.memory_space<semaphore_mem>>
          %dma_start3A = tpu.memref_slice %arg5[%mul3A_42] : memref<160000xi32, #tpu.memory_space<hbm>> -> memref<128xi32, #tpu.memory_space<hbm>>
          %dma_start3A_44 = tpu.memref_slice %arg5[%mul3A_42] : memref<160000xi32, #tpu.memory_space<hbm>> -> memref<128xi32, #tpu.memory_space<hbm>>
          tpu.enqueue_dma source(%dma_start3A_44 : memref<128xi32, #tpu.memory_space<hbm>>) target(%arg9 : memref<128xi32, #tpu.memory_space<vmem>>) target_semaphore(%run_scoped3A_43 : memref<!tpu.dma_semaphore, #tpu.memory_space<semaphore_mem>>)
          %dma_wait3A = tpu.memref_slice %arg5[%mul3A_42] : memref<160000xi32, #tpu.memory_space<hbm>> -> memref<128xi32, #tpu.memory_space<hbm>>
          %dma_wait3A_45 = tpu.memref_slice %arg5[%mul3A_42] : memref<160000xi32, #tpu.memory_space<hbm>> -> memref<128xi32, #tpu.memory_space<hbm>>
          tpu.wait_dma2 semaphore(%run_scoped3A_43 : memref<!tpu.dma_semaphore, #tpu.memory_space<semaphore_mem>>) src(%dma_wait3A_45 : memref<128xi32, #tpu.memory_space<hbm>>) dst(%arg9 : memref<128xi32, #tpu.memory_space<vmem>>)
          tpu.yield
        }) : () -> ()
        "tpu.region"() ({
          %run_scoped3A_43 = tpu.sem_alloc : memref<!tpu.dma_semaphore, #tpu.memory_space<semaphore_mem>>
          %dma_start3A = arith.constant 0 : i32
          %dma_start3A_44 = tpu.memref_slice %arg2[%mul3A_42, %dma_start3A] : memref<160000x128xf32, #tpu.memory_space<hbm>> -> memref<128x128xf32, #tpu.memory_space<hbm>>
          %dma_start3A_45 = arith.constant 0 : i32
          %dma_start3A_46 = tpu.memref_slice %arg2[%mul3A_42, %dma_start3A_45] : memref<160000x128xf32, #tpu.memory_space<hbm>> -> memref<128x128xf32, #tpu.memory_space<hbm>>
          tpu.enqueue_dma source(%dma_start3A_46 : memref<128x128xf32, #tpu.memory_space<hbm>>) target(%arg11 : memref<128x128xf32, #tpu.memory_space<vmem>>) target_semaphore(%run_scoped3A_43 : memref<!tpu.dma_semaphore, #tpu.memory_space<semaphore_mem>>)
          %dma_wait3A = arith.constant 0 : i32
          %dma_wait3A_47 = tpu.memref_slice %arg2[%mul3A_42, %dma_wait3A] : memref<160000x128xf32, #tpu.memory_space<hbm>> -> memref<128x128xf32, #tpu.memory_space<hbm>>
          %dma_wait3A_48 = arith.constant 0 : i32
          %dma_wait3A_49 = tpu.memref_slice %arg2[%mul3A_42, %dma_wait3A_48] : memref<160000x128xf32, #tpu.memory_space<hbm>> -> memref<128x128xf32, #tpu.memory_space<hbm>>
          tpu.wait_dma2 semaphore(%run_scoped3A_43 : memref<!tpu.dma_semaphore, #tpu.memory_space<semaphore_mem>>) src(%dma_wait3A_49 : memref<128x128xf32, #tpu.memory_space<hbm>>) dst(%arg11 : memref<128x128xf32, #tpu.memory_space<vmem>>)
          tpu.yield
        }) : () -> ()
        "tpu.region"() ({
          %run_scoped3A_43 = tpu.sem_alloc : memref<!tpu.dma_semaphore, #tpu.memory_space<semaphore_mem>>
          %dma_start3A = arith.constant 0 : i32
          %dma_start3A_44 = arith.constant 0 : i32
          %dma_start3A_45 = tpu.memref_slice %arg12[%dma_start3A, %dma_start3A_44] : memref<10000x128xf32, #tpu.memory_space<vmem_shared>> -> memref<10000x128xf32, #tpu.memory_space<vmem_shared>>
          tpu.enqueue_indirect_dma source(%arg11 : memref<128x128xf32, #tpu.memory_space<vmem>>) target(%dma_start3A_45 : memref<10000x128xf32, #tpu.memory_space<vmem_shared>>) offsets(%arg9 : memref<128xi32, #tpu.memory_space<vmem>>) semaphore(%run_scoped3A_43 : memref<!tpu.dma_semaphore, #tpu.memory_space<semaphore_mem>>) {add = true}
          %dma_wait3A = arith.constant 0 : i32
          %dma_wait3A_46 = arith.constant 0 : i32
          %dma_wait3A_47 = tpu.memref_slice %arg12[%dma_wait3A, %dma_wait3A_46] : memref<10000x128xf32, #tpu.memory_space<vmem_shared>> -> memref<10000x128xf32, #tpu.memory_space<vmem_shared>>
          tpu.wait_indirect_dma semaphore(%run_scoped3A_43 : memref<!tpu.dma_semaphore, #tpu.memory_space<semaphore_mem>>) src(%arg11 : memref<128x128xf32, #tpu.memory_space<vmem>>) dst(%dma_wait3A_47 : memref<10000x128xf32, #tpu.memory_space<vmem_shared>>)
          tpu.yield
        }) : () -> ()
      } else {
      }
      %barrier3A_24 = arith.constant 0 : index
      tpu.barrier barrier_id(%barrier3A_24)
      %run_scoped3A = arith.constant 0 : i32
      "tpu.region"() ({
        %run_scoped3A_40 = tpu.sem_alloc : memref<!tpu.dma_semaphore, #tpu.memory_space<semaphore_mem>>
        %dma_start3A = arith.constant 0 : i32
        %dma_start3A_41 = tpu.memref_slice %arg7[%run_scoped3A, %min3A_1, %dma_start3A] : memref<2x10000x128xf32, #tpu.memory_space<hbm>> -> memref<1x632x128xf32, #tpu.memory_space<hbm>>
        %dma_start3A_42 = tpu.memref_squeeze %dma_start3A_41 : memref<1x632x128xf32, #tpu.memory_space<hbm>> -> memref<632x128xf32, #tpu.memory_space<hbm>>
        %dma_start3A_43 = arith.constant 0 : i32
        %dma_start3A_44 = tpu.memref_slice %arg12[%min3A_1, %dma_start3A_43] : memref<10000x128xf32, #tpu.memory_space<vmem_shared>> -> memref<632x128xf32, #tpu.memory_space<vmem_shared>>
        tpu.enqueue_dma source(%dma_start3A_44 : memref<632x128xf32, #tpu.memory_space<vmem_shared>>) target(%dma_start3A_42 : memref<632x128xf32, #tpu.memory_space<hbm>>) target_semaphore(%run_scoped3A_40 : memref<!tpu.dma_semaphore, #tpu.memory_space<semaphore_mem>>)
        %dma_wait3A = arith.constant 0 : i32
        %dma_wait3A_45 = tpu.memref_slice %arg7[%run_scoped3A, %min3A_1, %dma_wait3A] : memref<2x10000x128xf32, #tpu.memory_space<hbm>> -> memref<1x632x128xf32, #tpu.memory_space<hbm>>
        %dma_wait3A_46 = tpu.memref_squeeze %dma_wait3A_45 : memref<1x632x128xf32, #tpu.memory_space<hbm>> -> memref<632x128xf32, #tpu.memory_space<hbm>>
        %dma_wait3A_47 = arith.constant 0 : i32
        %dma_wait3A_48 = tpu.memref_slice %arg12[%min3A_1, %dma_wait3A_47] : memref<10000x128xf32, #tpu.memory_space<vmem_shared>> -> memref<632x128xf32, #tpu.memory_space<vmem_shared>>
        tpu.wait_dma2 semaphore(%run_scoped3A_40 : memref<!tpu.dma_semaphore, #tpu.memory_space<semaphore_mem>>) src(%dma_wait3A_48 : memref<632x128xf32, #tpu.memory_space<vmem_shared>>) dst(%dma_wait3A_46 : memref<632x128xf32, #tpu.memory_space<hbm>>)
        tpu.yield
      }) : () -> ()
      %barrier3A_25 = arith.constant 0 : index
      tpu.barrier barrier_id(%barrier3A_25)
      "tpu.region"() ({
        %run_scoped3A_40 = tpu.sem_alloc : memref<!tpu.dma_semaphore, #tpu.memory_space<semaphore_mem>>
        %dma_start3A = arith.constant 0 : i32
        %dma_start3A_41 = tpu.memref_slice %arg12[%min3A_5, %dma_start3A] : memref<10000x128xf32, #tpu.memory_space<vmem_shared>> -> memref<320x128xf32, #tpu.memory_space<vmem_shared>>
        %dma_start3A_42 = arith.constant 0 : i32
        %dma_start3A_43 = tpu.memref_slice %arg6[%min3A_5, %dma_start3A_42] : memref<10000x128xf32, #tpu.memory_space<hbm>> -> memref<320x128xf32, #tpu.memory_space<hbm>>
        tpu.enqueue_dma source(%dma_start3A_43 : memref<320x128xf32, #tpu.memory_space<hbm>>) target(%dma_start3A_41 : memref<320x128xf32, #tpu.memory_space<vmem_shared>>) target_semaphore(%run_scoped3A_40 : memref<!tpu.dma_semaphore, #tpu.memory_space<semaphore_mem>>)
        %dma_wait3A = arith.constant 0 : i32
        %dma_wait3A_44 = tpu.memref_slice %arg12[%min3A_5, %dma_wait3A] : memref<10000x128xf32, #tpu.memory_space<vmem_shared>> -> memref<320x128xf32, #tpu.memory_space<vmem_shared>>
        %dma_wait3A_45 = arith.constant 0 : i32
        %dma_wait3A_46 = tpu.memref_slice %arg6[%min3A_5, %dma_wait3A_45] : memref<10000x128xf32, #tpu.memory_space<hbm>> -> memref<320x128xf32, #tpu.memory_space<hbm>>
        tpu.wait_dma2 semaphore(%run_scoped3A_40 : memref<!tpu.dma_semaphore, #tpu.memory_space<semaphore_mem>>) src(%dma_wait3A_46 : memref<320x128xf32, #tpu.memory_space<hbm>>) dst(%dma_wait3A_44 : memref<320x128xf32, #tpu.memory_space<vmem_shared>>)
        tpu.yield
      }) : () -> ()
      %barrier3A_26 = arith.constant 0 : index
      tpu.barrier barrier_id(%barrier3A_26)
      %scan3A_27 = arith.constant 0 : i32
      %scan3A_28 = arith.constant 0 : i32
      %scan3A_29 = arith.constant 78 : i32
      %scan3A_30 = arith.addi %scan3A_28, %scan3A_29 : i32
      %scan3A_31 = arith.constant 1 : i32
      scf.for %scan3A_40 = %scan3A_28 to %scan3A_30 step %scan3A_31  : i32 {
        %mul3A_41 = arith.constant 16 : i32
        %mul3A_42 = arith.muli %scan3A_40, %mul3A_41 : i32
        %add3A = arith.addi %arg1, %mul3A_42 : i32
        %mul3A_43 = arith.constant 128 : i32
        %mul3A_44 = arith.muli %add3A, %mul3A_43 : i32
        "tpu.region"() ({
          %run_scoped3A_189 = tpu.sem_alloc : memref<!tpu.dma_semaphore, #tpu.memory_space<semaphore_mem>>
          %dma_start3A = tpu.memref_slice %arg5[%mul3A_44] : memref<160000xi32, #tpu.memory_space<hbm>> -> memref<128xi32, #tpu.memory_space<hbm>>
          %dma_start3A_190 = tpu.memref_slice %arg5[%mul3A_44] : memref<160000xi32, #tpu.memory_space<hbm>> -> memref<128xi32, #tpu.memory_space<hbm>>
          tpu.enqueue_dma source(%dma_start3A_190 : memref<128xi32, #tpu.memory_space<hbm>>) target(%arg9 : memref<128xi32, #tpu.memory_space<vmem>>) target_semaphore(%run_scoped3A_189 : memref<!tpu.dma_semaphore, #tpu.memory_space<semaphore_mem>>)
          %dma_wait3A = tpu.memref_slice %arg5[%mul3A_44] : memref<160000xi32, #tpu.memory_space<hbm>> -> memref<128xi32, #tpu.memory_space<hbm>>
          %dma_wait3A_191 = tpu.memref_slice %arg5[%mul3A_44] : memref<160000xi32, #tpu.memory_space<hbm>> -> memref<128xi32, #tpu.memory_space<hbm>>
          tpu.wait_dma2 semaphore(%run_scoped3A_189 : memref<!tpu.dma_semaphore, #tpu.memory_space<semaphore_mem>>) src(%dma_wait3A_191 : memref<128xi32, #tpu.memory_space<hbm>>) dst(%arg9 : memref<128xi32, #tpu.memory_space<vmem>>)
          tpu.yield
        }) : () -> ()
        %get3A = arith.constant 0 : index
        %get3A_45 = tpu.vector_load %arg9[%get3A] {strides = array<i32>} : memref<128xi32, #tpu.memory_space<vmem>>, vector<16xi32>,
        %get3A_46 = vector.shape_cast %get3A_45 : vector<16xi32> to vector<16xi32>
        %sub3A = vector.broadcast %mul3A_7 : i32 to vector<16xi32>
        %sub3A_47 = arith.subi %get3A_46, %sub3A : vector<16xi32>
        %ge3A = arith.constant 0 : i32
        %ge3A_48 = vector.broadcast %ge3A : i32 to vector<16xi32>
        %ge3A_49 = arith.cmpi sge, %sub3A_47, %ge3A_48 : vector<16xi32>
        %lt3A_50 = arith.constant 5000 : i32
        %lt3A_51 = vector.broadcast %lt3A_50 : i32 to vector<16xi32>
        %lt3A_52 = arith.cmpi slt, %sub3A_47, %lt3A_51 : vector<16xi32>
        %and3A = arith.andi %ge3A_49, %lt3A_52 : vector<16xi1>
        %jit3A = arith.constant 5000 : i32
        %broadcast_in_dim3A = vector.broadcast %jit3A : i32 to vector<16xi32>
        %select_n3A = arith.select %and3A, %sub3A_47, %broadcast_in_dim3A : vector<16xi1>, vector<16xi32>
        %swap3A = arith.constant 0 : index
        %swap3A_53 = tpu.vector_load %arg10[%swap3A] {strides = array<i32>} : memref<128xi32, #tpu.memory_space<vmem>>, vector<16xi32>,
        %swap3A_54 = vector.shape_cast %swap3A_53 : vector<16xi32> to vector<16xi32>
        %swap3A_55 = vector.shape_cast %select_n3A : vector<16xi32> to vector<16xi32>
        tpu.vector_store %arg10[%swap3A], %swap3A_55 {strides = array<i32>} : memref<128xi32, #tpu.memory_space<vmem>>, vector<16xi32>,
        %get3A_56 = arith.constant 16 : index
        %get3A_57 = tpu.vector_load %arg9[%get3A_56] {strides = array<i32>} : memref<128xi32, #tpu.memory_space<vmem>>, vector<16xi32>,
        %get3A_58 = vector.shape_cast %get3A_57 : vector<16xi32> to vector<16xi32>
        %sub3A_59 = vector.broadcast %mul3A_7 : i32 to vector<16xi32>
        %sub3A_60 = arith.subi %get3A_58, %sub3A_59 : vector<16xi32>
        %ge3A_61 = arith.constant 0 : i32
        %ge3A_62 = vector.broadcast %ge3A_61 : i32 to vector<16xi32>
        %ge3A_63 = arith.cmpi sge, %sub3A_60, %ge3A_62 : vector<16xi32>
        %lt3A_64 = arith.constant 5000 : i32
        %lt3A_65 = vector.broadcast %lt3A_64 : i32 to vector<16xi32>
        %lt3A_66 = arith.cmpi slt, %sub3A_60, %lt3A_65 : vector<16xi32>
        %and3A_67 = arith.andi %ge3A_63, %lt3A_66 : vector<16xi1>
        %jit3A_68 = arith.constant 5000 : i32
        %broadcast_in_dim3A_69 = vector.broadcast %jit3A_68 : i32 to vector<16xi32>
        %select_n3A_70 = arith.select %and3A_67, %sub3A_60, %broadcast_in_dim3A_69 : vector<16xi1>, vector<16xi32>
        %swap3A_71 = arith.constant 16 : index
        %swap3A_72 = tpu.vector_load %arg10[%swap3A_71] {strides = array<i32>} : memref<128xi32, #tpu.memory_space<vmem>>, vector<16xi32>,
        %swap3A_73 = vector.shape_cast %swap3A_72 : vector<16xi32> to vector<16xi32>
        %swap3A_74 = vector.shape_cast %select_n3A_70 : vector<16xi32> to vector<16xi32>
        tpu.vector_store %arg10[%swap3A_71], %swap3A_74 {strides = array<i32>} : memref<128xi32, #tpu.memory_space<vmem>>, vector<16xi32>,
        %get3A_75 = arith.constant 32 : index
        %get3A_76 = tpu.vector_load %arg9[%get3A_75] {strides = array<i32>} : memref<128xi32, #tpu.memory_space<vmem>>, vector<16xi32>,
        %get3A_77 = vector.shape_cast %get3A_76 : vector<16xi32> to vector<16xi32>
        %sub3A_78 = vector.broadcast %mul3A_7 : i32 to vector<16xi32>
        %sub3A_79 = arith.subi %get3A_77, %sub3A_78 : vector<16xi32>
        %ge3A_80 = arith.constant 0 : i32
        %ge3A_81 = vector.broadcast %ge3A_80 : i32 to vector<16xi32>
        %ge3A_82 = arith.cmpi sge, %sub3A_79, %ge3A_81 : vector<16xi32>
        %lt3A_83 = arith.constant 5000 : i32
        %lt3A_84 = vector.broadcast %lt3A_83 : i32 to vector<16xi32>
        %lt3A_85 = arith.cmpi slt, %sub3A_79, %lt3A_84 : vector<16xi32>
        %and3A_86 = arith.andi %ge3A_82, %lt3A_85 : vector<16xi1>
        %jit3A_87 = arith.constant 5000 : i32
        %broadcast_in_dim3A_88 = vector.broadcast %jit3A_87 : i32 to vector<16xi32>
        %select_n3A_89 = arith.select %and3A_86, %sub3A_79, %broadcast_in_dim3A_88 : vector<16xi1>, vector<16xi32>
        %swap3A_90 = arith.constant 32 : index
        %swap3A_91 = tpu.vector_load %arg10[%swap3A_90] {strides = array<i32>} : memref<128xi32, #tpu.memory_space<vmem>>, vector<16xi32>,
        %swap3A_92 = vector.shape_cast %swap3A_91 : vector<16xi32> to vector<16xi32>
        %swap3A_93 = vector.shape_cast %select_n3A_89 : vector<16xi32> to vector<16xi32>
        tpu.vector_store %arg10[%swap3A_90], %swap3A_93 {strides = array<i32>} : memref<128xi32, #tpu.memory_space<vmem>>, vector<16xi32>,
        %get3A_94 = arith.constant 48 : index
        %get3A_95 = tpu.vector_load %arg9[%get3A_94] {strides = array<i32>} : memref<128xi32, #tpu.memory_space<vmem>>, vector<16xi32>,
        %get3A_96 = vector.shape_cast %get3A_95 : vector<16xi32> to vector<16xi32>
        %sub3A_97 = vector.broadcast %mul3A_7 : i32 to vector<16xi32>
        %sub3A_98 = arith.subi %get3A_96, %sub3A_97 : vector<16xi32>
        %ge3A_99 = arith.constant 0 : i32
        %ge3A_100 = vector.broadcast %ge3A_99 : i32 to vector<16xi32>
        %ge3A_101 = arith.cmpi sge, %sub3A_98, %ge3A_100 : vector<16xi32>
        %lt3A_102 = arith.constant 5000 : i32
        %lt3A_103 = vector.broadcast %lt3A_102 : i32 to vector<16xi32>
        %lt3A_104 = arith.cmpi slt, %sub3A_98, %lt3A_103 : vector<16xi32>
        %and3A_105 = arith.andi %ge3A_101, %lt3A_104 : vector<16xi1>
        %jit3A_106 = arith.constant 5000 : i32
        %broadcast_in_dim3A_107 = vector.broadcast %jit3A_106 : i32 to vector<16xi32>
        %select_n3A_108 = arith.select %and3A_105, %sub3A_98, %broadcast_in_dim3A_107 : vector<16xi1>, vector<16xi32>
        %swap3A_109 = arith.constant 48 : index
        %swap3A_110 = tpu.vector_load %arg10[%swap3A_109] {strides = array<i32>} : memref<128xi32, #tpu.memory_space<vmem>>, vector<16xi32>,
        %swap3A_111 = vector.shape_cast %swap3A_110 : vector<16xi32> to vector<16xi32>
        %swap3A_112 = vector.shape_cast %select_n3A_108 : vector<16xi32> to vector<16xi32>
        tpu.vector_store %arg10[%swap3A_109], %swap3A_112 {strides = array<i32>} : memref<128xi32, #tpu.memory_space<vmem>>, vector<16xi32>,
        %get3A_113 = arith.constant 64 : index
        %get3A_114 = tpu.vector_load %arg9[%get3A_113] {strides = array<i32>} : memref<128xi32, #tpu.memory_space<vmem>>, vector<16xi32>,
        %get3A_115 = vector.shape_cast %get3A_114 : vector<16xi32> to vector<16xi32>
        %sub3A_116 = vector.broadcast %mul3A_7 : i32 to vector<16xi32>
        %sub3A_117 = arith.subi %get3A_115, %sub3A_116 : vector<16xi32>
        %ge3A_118 = arith.constant 0 : i32
        %ge3A_119 = vector.broadcast %ge3A_118 : i32 to vector<16xi32>
        %ge3A_120 = arith.cmpi sge, %sub3A_117, %ge3A_119 : vector<16xi32>
        %lt3A_121 = arith.constant 5000 : i32
        %lt3A_122 = vector.broadcast %lt3A_121 : i32 to vector<16xi32>
        %lt3A_123 = arith.cmpi slt, %sub3A_117, %lt3A_122 : vector<16xi32>
        %and3A_124 = arith.andi %ge3A_120, %lt3A_123 : vector<16xi1>
        %jit3A_125 = arith.constant 5000 : i32
        %broadcast_in_dim3A_126 = vector.broadcast %jit3A_125 : i32 to vector<16xi32>
        %select_n3A_127 = arith.select %and3A_124, %sub3A_117, %broadcast_in_dim3A_126 : vector<16xi1>, vector<16xi32>
        %swap3A_128 = arith.constant 64 : index
        %swap3A_129 = tpu.vector_load %arg10[%swap3A_128] {strides = array<i32>} : memref<128xi32, #tpu.memory_space<vmem>>, vector<16xi32>,
        %swap3A_130 = vector.shape_cast %swap3A_129 : vector<16xi32> to vector<16xi32>
        %swap3A_131 = vector.shape_cast %select_n3A_127 : vector<16xi32> to vector<16xi32>
        tpu.vector_store %arg10[%swap3A_128], %swap3A_131 {strides = array<i32>} : memref<128xi32, #tpu.memory_space<vmem>>, vector<16xi32>,
        %get3A_132 = arith.constant 80 : index
        %get3A_133 = tpu.vector_load %arg9[%get3A_132] {strides = array<i32>} : memref<128xi32, #tpu.memory_space<vmem>>, vector<16xi32>,
        %get3A_134 = vector.shape_cast %get3A_133 : vector<16xi32> to vector<16xi32>
        %sub3A_135 = vector.broadcast %mul3A_7 : i32 to vector<16xi32>
        %sub3A_136 = arith.subi %get3A_134, %sub3A_135 : vector<16xi32>
        %ge3A_137 = arith.constant 0 : i32
        %ge3A_138 = vector.broadcast %ge3A_137 : i32 to vector<16xi32>
        %ge3A_139 = arith.cmpi sge, %sub3A_136, %ge3A_138 : vector<16xi32>
        %lt3A_140 = arith.constant 5000 : i32
        %lt3A_141 = vector.broadcast %lt3A_140 : i32 to vector<16xi32>
        %lt3A_142 = arith.cmpi slt, %sub3A_136, %lt3A_141 : vector<16xi32>
        %and3A_143 = arith.andi %ge3A_139, %lt3A_142 : vector<16xi1>
        %jit3A_144 = arith.constant 5000 : i32
        %broadcast_in_dim3A_145 = vector.broadcast %jit3A_144 : i32 to vector<16xi32>
        %select_n3A_146 = arith.select %and3A_143, %sub3A_136, %broadcast_in_dim3A_145 : vector<16xi1>, vector<16xi32>
        %swap3A_147 = arith.constant 80 : index
        %swap3A_148 = tpu.vector_load %arg10[%swap3A_147] {strides = array<i32>} : memref<128xi32, #tpu.memory_space<vmem>>, vector<16xi32>,
        %swap3A_149 = vector.shape_cast %swap3A_148 : vector<16xi32> to vector<16xi32>
        %swap3A_150 = vector.shape_cast %select_n3A_146 : vector<16xi32> to vector<16xi32>
        tpu.vector_store %arg10[%swap3A_147], %swap3A_150 {strides = array<i32>} : memref<128xi32, #tpu.memory_space<vmem>>, vector<16xi32>,
        %get3A_151 = arith.constant 96 : index
        %get3A_152 = tpu.vector_load %arg9[%get3A_151] {strides = array<i32>} : memref<128xi32, #tpu.memory_space<vmem>>, vector<16xi32>,
        %get3A_153 = vector.shape_cast %get3A_152 : vector<16xi32> to vector<16xi32>
        %sub3A_154 = vector.broadcast %mul3A_7 : i32 to vector<16xi32>
        %sub3A_155 = arith.subi %get3A_153, %sub3A_154 : vector<16xi32>
        %ge3A_156 = arith.constant 0 : i32
        %ge3A_157 = vector.broadcast %ge3A_156 : i32 to vector<16xi32>
        %ge3A_158 = arith.cmpi sge, %sub3A_155, %ge3A_157 : vector<16xi32>
        %lt3A_159 = arith.constant 5000 : i32
        %lt3A_160 = vector.broadcast %lt3A_159 : i32 to vector<16xi32>
        %lt3A_161 = arith.cmpi slt, %sub3A_155, %lt3A_160 : vector<16xi32>
        %and3A_162 = arith.andi %ge3A_158, %lt3A_161 : vector<16xi1>
        %jit3A_163 = arith.constant 5000 : i32
        %broadcast_in_dim3A_164 = vector.broadcast %jit3A_163 : i32 to vector<16xi32>
        %select_n3A_165 = arith.select %and3A_162, %sub3A_155, %broadcast_in_dim3A_164 : vector<16xi1>, vector<16xi32>
        %swap3A_166 = arith.constant 96 : index
        %swap3A_167 = tpu.vector_load %arg10[%swap3A_166] {strides = array<i32>} : memref<128xi32, #tpu.memory_space<vmem>>, vector<16xi32>,
        %swap3A_168 = vector.shape_cast %swap3A_167 : vector<16xi32> to vector<16xi32>
        %swap3A_169 = vector.shape_cast %select_n3A_165 : vector<16xi32> to vector<16xi32>
        tpu.vector_store %arg10[%swap3A_166], %swap3A_169 {strides = array<i32>} : memref<128xi32, #tpu.memory_space<vmem>>, vector<16xi32>,
        %get3A_170 = arith.constant 112 : index
        %get3A_171 = tpu.vector_load %arg9[%get3A_170] {strides = array<i32>} : memref<128xi32, #tpu.memory_space<vmem>>, vector<16xi32>,
        %get3A_172 = vector.shape_cast %get3A_171 : vector<16xi32> to vector<16xi32>
        %sub3A_173 = vector.broadcast %mul3A_7 : i32 to vector<16xi32>
        %sub3A_174 = arith.subi %get3A_172, %sub3A_173 : vector<16xi32>
        %ge3A_175 = arith.constant 0 : i32
        %ge3A_176 = vector.broadcast %ge3A_175 : i32 to vector<16xi32>
        %ge3A_177 = arith.cmpi sge, %sub3A_174, %ge3A_176 : vector<16xi32>
        %lt3A_178 = arith.constant 5000 : i32
        %lt3A_179 = vector.broadcast %lt3A_178 : i32 to vector<16xi32>
        %lt3A_180 = arith.cmpi slt, %sub3A_174, %lt3A_179 : vector<16xi32>
        %and3A_181 = arith.andi %ge3A_177, %lt3A_180 : vector<16xi1>
        %jit3A_182 = arith.constant 5000 : i32
        %broadcast_in_dim3A_183 = vector.broadcast %jit3A_182 : i32 to vector<16xi32>
        %select_n3A_184 = arith.select %and3A_181, %sub3A_174, %broadcast_in_dim3A_183 : vector<16xi1>, vector<16xi32>
        %swap3A_185 = arith.constant 112 : index
        %swap3A_186 = tpu.vector_load %arg10[%swap3A_185] {strides = array<i32>} : memref<128xi32, #tpu.memory_space<vmem>>, vector<16xi32>,
        %swap3A_187 = vector.shape_cast %swap3A_186 : vector<16xi32> to vector<16xi32>
        %swap3A_188 = vector.shape_cast %select_n3A_184 : vector<16xi32> to vector<16xi32>
        tpu.vector_store %arg10[%swap3A_185], %swap3A_188 {strides = array<i32>} : memref<128xi32, #tpu.memory_space<vmem>>, vector<16xi32>,
        "tpu.region"() ({
          %run_scoped3A_189 = tpu.sem_alloc : memref<!tpu.dma_semaphore, #tpu.memory_space<semaphore_mem>>
          %dma_start3A = arith.constant 0 : i32
          %dma_start3A_190 = tpu.memref_slice %arg4[%mul3A_44, %dma_start3A] : memref<160000x128xf32, #tpu.memory_space<hbm>> -> memref<128x128xf32, #tpu.memory_space<hbm>>
          %dma_start3A_191 = arith.constant 0 : i32
          %dma_start3A_192 = tpu.memref_slice %arg4[%mul3A_44, %dma_start3A_191] : memref<160000x128xf32, #tpu.memory_space<hbm>> -> memref<128x128xf32, #tpu.memory_space<hbm>>
          tpu.enqueue_dma source(%dma_start3A_192 : memref<128x128xf32, #tpu.memory_space<hbm>>) target(%arg11 : memref<128x128xf32, #tpu.memory_space<vmem>>) target_semaphore(%run_scoped3A_189 : memref<!tpu.dma_semaphore, #tpu.memory_space<semaphore_mem>>)
          %dma_wait3A = arith.constant 0 : i32
          %dma_wait3A_193 = tpu.memref_slice %arg4[%mul3A_44, %dma_wait3A] : memref<160000x128xf32, #tpu.memory_space<hbm>> -> memref<128x128xf32, #tpu.memory_space<hbm>>
          %dma_wait3A_194 = arith.constant 0 : i32
          %dma_wait3A_195 = tpu.memref_slice %arg4[%mul3A_44, %dma_wait3A_194] : memref<160000x128xf32, #tpu.memory_space<hbm>> -> memref<128x128xf32, #tpu.memory_space<hbm>>
          tpu.wait_dma2 semaphore(%run_scoped3A_189 : memref<!tpu.dma_semaphore, #tpu.memory_space<semaphore_mem>>) src(%dma_wait3A_195 : memref<128x128xf32, #tpu.memory_space<hbm>>) dst(%arg11 : memref<128x128xf32, #tpu.memory_space<vmem>>)
          tpu.yield
        }) : () -> ()
        "tpu.region"() ({
          %run_scoped3A_189 = tpu.sem_alloc : memref<!tpu.dma_semaphore, #tpu.memory_space<semaphore_mem>>
          %dma_start3A = arith.constant 0 : i32
          %dma_start3A_190 = arith.constant 0 : i32
          %dma_start3A_191 = tpu.memref_slice %arg12[%dma_start3A, %dma_start3A_190] : memref<10000x128xf32, #tpu.memory_space<vmem_shared>> -> memref<10000x128xf32, #tpu.memory_space<vmem_shared>>
          tpu.enqueue_indirect_dma source(%arg11 : memref<128x128xf32, #tpu.memory_space<vmem>>) target(%dma_start3A_191 : memref<10000x128xf32, #tpu.memory_space<vmem_shared>>) offsets(%arg10 : memref<128xi32, #tpu.memory_space<vmem>>) semaphore(%run_scoped3A_189 : memref<!tpu.dma_semaphore, #tpu.memory_space<semaphore_mem>>) {add = true}
          %dma_wait3A = arith.constant 0 : i32
          %dma_wait3A_192 = arith.constant 0 : i32
          %dma_wait3A_193 = tpu.memref_slice %arg12[%dma_wait3A, %dma_wait3A_192] : memref<10000x128xf32, #tpu.memory_space<vmem_shared>> -> memref<10000x128xf32, #tpu.memory_space<vmem_shared>>
          tpu.wait_indirect_dma semaphore(%run_scoped3A_189 : memref<!tpu.dma_semaphore, #tpu.memory_space<semaphore_mem>>) src(%arg11 : memref<128x128xf32, #tpu.memory_space<vmem>>) dst(%dma_wait3A_193 : memref<10000x128xf32, #tpu.memory_space<vmem_shared>>)
          tpu.yield
        }) : () -> ()
      }
      %scan3A_32 = arith.constant 78 : i32
      %lt3A_33 = arith.constant 2 : i32
      %lt3A_34 = arith.cmpi slt, %arg1, %lt3A_33 : i32
      %convert_element_type3A_35 = arith.extui %lt3A_34 : i1 to i32
      %cond3A_36 = arith.constant 0 : i32
      %cond3A_37 = arith.cmpi ne, %convert_element_type3A_35, %cond3A_36 : i32
      scf.if %cond3A_37 {
        %add3A = arith.constant 1248 : i32
        %add3A_40 = arith.addi %add3A, %arg1 : i32
        %mul3A_41 = arith.constant 128 : i32
        %mul3A_42 = arith.muli %add3A_40, %mul3A_41 : i32
        "tpu.region"() ({
          %run_scoped3A_187 = tpu.sem_alloc : memref<!tpu.dma_semaphore, #tpu.memory_space<semaphore_mem>>
          %dma_start3A = tpu.memref_slice %arg5[%mul3A_42] : memref<160000xi32, #tpu.memory_space<hbm>> -> memref<128xi32, #tpu.memory_space<hbm>>
          %dma_start3A_188 = tpu.memref_slice %arg5[%mul3A_42] : memref<160000xi32, #tpu.memory_space<hbm>> -> memref<128xi32, #tpu.memory_space<hbm>>
          tpu.enqueue_dma source(%dma_start3A_188 : memref<128xi32, #tpu.memory_space<hbm>>) target(%arg9 : memref<128xi32, #tpu.memory_space<vmem>>) target_semaphore(%run_scoped3A_187 : memref<!tpu.dma_semaphore, #tpu.memory_space<semaphore_mem>>)
          %dma_wait3A = tpu.memref_slice %arg5[%mul3A_42] : memref<160000xi32, #tpu.memory_space<hbm>> -> memref<128xi32, #tpu.memory_space<hbm>>
          %dma_wait3A_189 = tpu.memref_slice %arg5[%mul3A_42] : memref<160000xi32, #tpu.memory_space<hbm>> -> memref<128xi32, #tpu.memory_space<hbm>>
          tpu.wait_dma2 semaphore(%run_scoped3A_187 : memref<!tpu.dma_semaphore, #tpu.memory_space<semaphore_mem>>) src(%dma_wait3A_189 : memref<128xi32, #tpu.memory_space<hbm>>) dst(%arg9 : memref<128xi32, #tpu.memory_space<vmem>>)
          tpu.yield
        }) : () -> ()
        %get3A = arith.constant 0 : index
        %get3A_43 = tpu.vector_load %arg9[%get3A] {strides = array<i32>} : memref<128xi32, #tpu.memory_space<vmem>>, vector<16xi32>,
        %get3A_44 = vector.shape_cast %get3A_43 : vector<16xi32> to vector<16xi32>
        %sub3A = vector.broadcast %mul3A_7 : i32 to vector<16xi32>
        %sub3A_45 = arith.subi %get3A_44, %sub3A : vector<16xi32>
        %ge3A = arith.constant 0 : i32
        %ge3A_46 = vector.broadcast %ge3A : i32 to vector<16xi32>
        %ge3A_47 = arith.cmpi sge, %sub3A_45, %ge3A_46 : vector<16xi32>
        %lt3A_48 = arith.constant 5000 : i32
        %lt3A_49 = vector.broadcast %lt3A_48 : i32 to vector<16xi32>
        %lt3A_50 = arith.cmpi slt, %sub3A_45, %lt3A_49 : vector<16xi32>
        %and3A = arith.andi %ge3A_47, %lt3A_50 : vector<16xi1>
        %jit3A = arith.constant 5000 : i32
        %broadcast_in_dim3A = vector.broadcast %jit3A : i32 to vector<16xi32>
        %select_n3A = arith.select %and3A, %sub3A_45, %broadcast_in_dim3A : vector<16xi1>, vector<16xi32>
        %swap3A = arith.constant 0 : index
        %swap3A_51 = tpu.vector_load %arg10[%swap3A] {strides = array<i32>} : memref<128xi32, #tpu.memory_space<vmem>>, vector<16xi32>,
        %swap3A_52 = vector.shape_cast %swap3A_51 : vector<16xi32> to vector<16xi32>
        %swap3A_53 = vector.shape_cast %select_n3A : vector<16xi32> to vector<16xi32>
        tpu.vector_store %arg10[%swap3A], %swap3A_53 {strides = array<i32>} : memref<128xi32, #tpu.memory_space<vmem>>, vector<16xi32>,
        %get3A_54 = arith.constant 16 : index
        %get3A_55 = tpu.vector_load %arg9[%get3A_54] {strides = array<i32>} : memref<128xi32, #tpu.memory_space<vmem>>, vector<16xi32>,
        %get3A_56 = vector.shape_cast %get3A_55 : vector<16xi32> to vector<16xi32>
        %sub3A_57 = vector.broadcast %mul3A_7 : i32 to vector<16xi32>
        %sub3A_58 = arith.subi %get3A_56, %sub3A_57 : vector<16xi32>
        %ge3A_59 = arith.constant 0 : i32
        %ge3A_60 = vector.broadcast %ge3A_59 : i32 to vector<16xi32>
        %ge3A_61 = arith.cmpi sge, %sub3A_58, %ge3A_60 : vector<16xi32>
        %lt3A_62 = arith.constant 5000 : i32
        %lt3A_63 = vector.broadcast %lt3A_62 : i32 to vector<16xi32>
        %lt3A_64 = arith.cmpi slt, %sub3A_58, %lt3A_63 : vector<16xi32>
        %and3A_65 = arith.andi %ge3A_61, %lt3A_64 : vector<16xi1>
        %jit3A_66 = arith.constant 5000 : i32
        %broadcast_in_dim3A_67 = vector.broadcast %jit3A_66 : i32 to vector<16xi32>
        %select_n3A_68 = arith.select %and3A_65, %sub3A_58, %broadcast_in_dim3A_67 : vector<16xi1>, vector<16xi32>
        %swap3A_69 = arith.constant 16 : index
        %swap3A_70 = tpu.vector_load %arg10[%swap3A_69] {strides = array<i32>} : memref<128xi32, #tpu.memory_space<vmem>>, vector<16xi32>,
        %swap3A_71 = vector.shape_cast %swap3A_70 : vector<16xi32> to vector<16xi32>
        %swap3A_72 = vector.shape_cast %select_n3A_68 : vector<16xi32> to vector<16xi32>
        tpu.vector_store %arg10[%swap3A_69], %swap3A_72 {strides = array<i32>} : memref<128xi32, #tpu.memory_space<vmem>>, vector<16xi32>,
        %get3A_73 = arith.constant 32 : index
        %get3A_74 = tpu.vector_load %arg9[%get3A_73] {strides = array<i32>} : memref<128xi32, #tpu.memory_space<vmem>>, vector<16xi32>,
        %get3A_75 = vector.shape_cast %get3A_74 : vector<16xi32> to vector<16xi32>
        %sub3A_76 = vector.broadcast %mul3A_7 : i32 to vector<16xi32>
        %sub3A_77 = arith.subi %get3A_75, %sub3A_76 : vector<16xi32>
        %ge3A_78 = arith.constant 0 : i32
        %ge3A_79 = vector.broadcast %ge3A_78 : i32 to vector<16xi32>
        %ge3A_80 = arith.cmpi sge, %sub3A_77, %ge3A_79 : vector<16xi32>
        %lt3A_81 = arith.constant 5000 : i32
        %lt3A_82 = vector.broadcast %lt3A_81 : i32 to vector<16xi32>
        %lt3A_83 = arith.cmpi slt, %sub3A_77, %lt3A_82 : vector<16xi32>
        %and3A_84 = arith.andi %ge3A_80, %lt3A_83 : vector<16xi1>
        %jit3A_85 = arith.constant 5000 : i32
        %broadcast_in_dim3A_86 = vector.broadcast %jit3A_85 : i32 to vector<16xi32>
        %select_n3A_87 = arith.select %and3A_84, %sub3A_77, %broadcast_in_dim3A_86 : vector<16xi1>, vector<16xi32>
        %swap3A_88 = arith.constant 32 : index
        %swap3A_89 = tpu.vector_load %arg10[%swap3A_88] {strides = array<i32>} : memref<128xi32, #tpu.memory_space<vmem>>, vector<16xi32>,
        %swap3A_90 = vector.shape_cast %swap3A_89 : vector<16xi32> to vector<16xi32>
        %swap3A_91 = vector.shape_cast %select_n3A_87 : vector<16xi32> to vector<16xi32>
        tpu.vector_store %arg10[%swap3A_88], %swap3A_91 {strides = array<i32>} : memref<128xi32, #tpu.memory_space<vmem>>, vector<16xi32>,
        %get3A_92 = arith.constant 48 : index
        %get3A_93 = tpu.vector_load %arg9[%get3A_92] {strides = array<i32>} : memref<128xi32, #tpu.memory_space<vmem>>, vector<16xi32>,
        %get3A_94 = vector.shape_cast %get3A_93 : vector<16xi32> to vector<16xi32>
        %sub3A_95 = vector.broadcast %mul3A_7 : i32 to vector<16xi32>
        %sub3A_96 = arith.subi %get3A_94, %sub3A_95 : vector<16xi32>
        %ge3A_97 = arith.constant 0 : i32
        %ge3A_98 = vector.broadcast %ge3A_97 : i32 to vector<16xi32>
        %ge3A_99 = arith.cmpi sge, %sub3A_96, %ge3A_98 : vector<16xi32>
        %lt3A_100 = arith.constant 5000 : i32
        %lt3A_101 = vector.broadcast %lt3A_100 : i32 to vector<16xi32>
        %lt3A_102 = arith.cmpi slt, %sub3A_96, %lt3A_101 : vector<16xi32>
        %and3A_103 = arith.andi %ge3A_99, %lt3A_102 : vector<16xi1>
        %jit3A_104 = arith.constant 5000 : i32
        %broadcast_in_dim3A_105 = vector.broadcast %jit3A_104 : i32 to vector<16xi32>
        %select_n3A_106 = arith.select %and3A_103, %sub3A_96, %broadcast_in_dim3A_105 : vector<16xi1>, vector<16xi32>
        %swap3A_107 = arith.constant 48 : index
        %swap3A_108 = tpu.vector_load %arg10[%swap3A_107] {strides = array<i32>} : memref<128xi32, #tpu.memory_space<vmem>>, vector<16xi32>,
        %swap3A_109 = vector.shape_cast %swap3A_108 : vector<16xi32> to vector<16xi32>
        %swap3A_110 = vector.shape_cast %select_n3A_106 : vector<16xi32> to vector<16xi32>
        tpu.vector_store %arg10[%swap3A_107], %swap3A_110 {strides = array<i32>} : memref<128xi32, #tpu.memory_space<vmem>>, vector<16xi32>,
        %get3A_111 = arith.constant 64 : index
        %get3A_112 = tpu.vector_load %arg9[%get3A_111] {strides = array<i32>} : memref<128xi32, #tpu.memory_space<vmem>>, vector<16xi32>,
        %get3A_113 = vector.shape_cast %get3A_112 : vector<16xi32> to vector<16xi32>
        %sub3A_114 = vector.broadcast %mul3A_7 : i32 to vector<16xi32>
        %sub3A_115 = arith.subi %get3A_113, %sub3A_114 : vector<16xi32>
        %ge3A_116 = arith.constant 0 : i32
        %ge3A_117 = vector.broadcast %ge3A_116 : i32 to vector<16xi32>
        %ge3A_118 = arith.cmpi sge, %sub3A_115, %ge3A_117 : vector<16xi32>
        %lt3A_119 = arith.constant 5000 : i32
        %lt3A_120 = vector.broadcast %lt3A_119 : i32 to vector<16xi32>
        %lt3A_121 = arith.cmpi slt, %sub3A_115, %lt3A_120 : vector<16xi32>
        %and3A_122 = arith.andi %ge3A_118, %lt3A_121 : vector<16xi1>
        %jit3A_123 = arith.constant 5000 : i32
        %broadcast_in_dim3A_124 = vector.broadcast %jit3A_123 : i32 to vector<16xi32>
        %select_n3A_125 = arith.select %and3A_122, %sub3A_115, %broadcast_in_dim3A_124 : vector<16xi1>, vector<16xi32>
        %swap3A_126 = arith.constant 64 : index
        %swap3A_127 = tpu.vector_load %arg10[%swap3A_126] {strides = array<i32>} : memref<128xi32, #tpu.memory_space<vmem>>, vector<16xi32>,
        %swap3A_128 = vector.shape_cast %swap3A_127 : vector<16xi32> to vector<16xi32>
        %swap3A_129 = vector.shape_cast %select_n3A_125 : vector<16xi32> to vector<16xi32>
        tpu.vector_store %arg10[%swap3A_126], %swap3A_129 {strides = array<i32>} : memref<128xi32, #tpu.memory_space<vmem>>, vector<16xi32>,
        %get3A_130 = arith.constant 80 : index
        %get3A_131 = tpu.vector_load %arg9[%get3A_130] {strides = array<i32>} : memref<128xi32, #tpu.memory_space<vmem>>, vector<16xi32>,
        %get3A_132 = vector.shape_cast %get3A_131 : vector<16xi32> to vector<16xi32>
        %sub3A_133 = vector.broadcast %mul3A_7 : i32 to vector<16xi32>
        %sub3A_134 = arith.subi %get3A_132, %sub3A_133 : vector<16xi32>
        %ge3A_135 = arith.constant 0 : i32
        %ge3A_136 = vector.broadcast %ge3A_135 : i32 to vector<16xi32>
        %ge3A_137 = arith.cmpi sge, %sub3A_134, %ge3A_136 : vector<16xi32>
        %lt3A_138 = arith.constant 5000 : i32
        %lt3A_139 = vector.broadcast %lt3A_138 : i32 to vector<16xi32>
        %lt3A_140 = arith.cmpi slt, %sub3A_134, %lt3A_139 : vector<16xi32>
        %and3A_141 = arith.andi %ge3A_137, %lt3A_140 : vector<16xi1>
        %jit3A_142 = arith.constant 5000 : i32
        %broadcast_in_dim3A_143 = vector.broadcast %jit3A_142 : i32 to vector<16xi32>
        %select_n3A_144 = arith.select %and3A_141, %sub3A_134, %broadcast_in_dim3A_143 : vector<16xi1>, vector<16xi32>
        %swap3A_145 = arith.constant 80 : index
        %swap3A_146 = tpu.vector_load %arg10[%swap3A_145] {strides = array<i32>} : memref<128xi32, #tpu.memory_space<vmem>>, vector<16xi32>,
        %swap3A_147 = vector.shape_cast %swap3A_146 : vector<16xi32> to vector<16xi32>
        %swap3A_148 = vector.shape_cast %select_n3A_144 : vector<16xi32> to vector<16xi32>
        tpu.vector_store %arg10[%swap3A_145], %swap3A_148 {strides = array<i32>} : memref<128xi32, #tpu.memory_space<vmem>>, vector<16xi32>,
        %get3A_149 = arith.constant 96 : index
        %get3A_150 = tpu.vector_load %arg9[%get3A_149] {strides = array<i32>} : memref<128xi32, #tpu.memory_space<vmem>>, vector<16xi32>,
        %get3A_151 = vector.shape_cast %get3A_150 : vector<16xi32> to vector<16xi32>
        %sub3A_152 = vector.broadcast %mul3A_7 : i32 to vector<16xi32>
        %sub3A_153 = arith.subi %get3A_151, %sub3A_152 : vector<16xi32>
        %ge3A_154 = arith.constant 0 : i32
        %ge3A_155 = vector.broadcast %ge3A_154 : i32 to vector<16xi32>
        %ge3A_156 = arith.cmpi sge, %sub3A_153, %ge3A_155 : vector<16xi32>
        %lt3A_157 = arith.constant 5000 : i32
        %lt3A_158 = vector.broadcast %lt3A_157 : i32 to vector<16xi32>
        %lt3A_159 = arith.cmpi slt, %sub3A_153, %lt3A_158 : vector<16xi32>
        %and3A_160 = arith.andi %ge3A_156, %lt3A_159 : vector<16xi1>
        %jit3A_161 = arith.constant 5000 : i32
        %broadcast_in_dim3A_162 = vector.broadcast %jit3A_161 : i32 to vector<16xi32>
        %select_n3A_163 = arith.select %and3A_160, %sub3A_153, %broadcast_in_dim3A_162 : vector<16xi1>, vector<16xi32>
        %swap3A_164 = arith.constant 96 : index
        %swap3A_165 = tpu.vector_load %arg10[%swap3A_164] {strides = array<i32>} : memref<128xi32, #tpu.memory_space<vmem>>, vector<16xi32>,
        %swap3A_166 = vector.shape_cast %swap3A_165 : vector<16xi32> to vector<16xi32>
        %swap3A_167 = vector.shape_cast %select_n3A_163 : vector<16xi32> to vector<16xi32>
        tpu.vector_store %arg10[%swap3A_164], %swap3A_167 {strides = array<i32>} : memref<128xi32, #tpu.memory_space<vmem>>, vector<16xi32>,
        %get3A_168 = arith.constant 112 : index
        %get3A_169 = tpu.vector_load %arg9[%get3A_168] {strides = array<i32>} : memref<128xi32, #tpu.memory_space<vmem>>, vector<16xi32>,
        %get3A_170 = vector.shape_cast %get3A_169 : vector<16xi32> to vector<16xi32>
        %sub3A_171 = vector.broadcast %mul3A_7 : i32 to vector<16xi32>
        %sub3A_172 = arith.subi %get3A_170, %sub3A_171 : vector<16xi32>
        %ge3A_173 = arith.constant 0 : i32
        %ge3A_174 = vector.broadcast %ge3A_173 : i32 to vector<16xi32>
        %ge3A_175 = arith.cmpi sge, %sub3A_172, %ge3A_174 : vector<16xi32>
        %lt3A_176 = arith.constant 5000 : i32
        %lt3A_177 = vector.broadcast %lt3A_176 : i32 to vector<16xi32>
        %lt3A_178 = arith.cmpi slt, %sub3A_172, %lt3A_177 : vector<16xi32>
        %and3A_179 = arith.andi %ge3A_175, %lt3A_178 : vector<16xi1>
        %jit3A_180 = arith.constant 5000 : i32
        %broadcast_in_dim3A_181 = vector.broadcast %jit3A_180 : i32 to vector<16xi32>
        %select_n3A_182 = arith.select %and3A_179, %sub3A_172, %broadcast_in_dim3A_181 : vector<16xi1>, vector<16xi32>
        %swap3A_183 = arith.constant 112 : index
        %swap3A_184 = tpu.vector_load %arg10[%swap3A_183] {strides = array<i32>} : memref<128xi32, #tpu.memory_space<vmem>>, vector<16xi32>,
        %swap3A_185 = vector.shape_cast %swap3A_184 : vector<16xi32> to vector<16xi32>
        %swap3A_186 = vector.shape_cast %select_n3A_182 : vector<16xi32> to vector<16xi32>
        tpu.vector_store %arg10[%swap3A_183], %swap3A_186 {strides = array<i32>} : memref<128xi32, #tpu.memory_space<vmem>>, vector<16xi32>,
        "tpu.region"() ({
          %run_scoped3A_187 = tpu.sem_alloc : memref<!tpu.dma_semaphore, #tpu.memory_space<semaphore_mem>>
          %dma_start3A = arith.constant 0 : i32
          %dma_start3A_188 = tpu.memref_slice %arg4[%mul3A_42, %dma_start3A] : memref<160000x128xf32, #tpu.memory_space<hbm>> -> memref<128x128xf32, #tpu.memory_space<hbm>>
          %dma_start3A_189 = arith.constant 0 : i32
          %dma_start3A_190 = tpu.memref_slice %arg4[%mul3A_42, %dma_start3A_189] : memref<160000x128xf32, #tpu.memory_space<hbm>> -> memref<128x128xf32, #tpu.memory_space<hbm>>
          tpu.enqueue_dma source(%dma_start3A_190 : memref<128x128xf32, #tpu.memory_space<hbm>>) target(%arg11 : memref<128x128xf32, #tpu.memory_space<vmem>>) target_semaphore(%run_scoped3A_187 : memref<!tpu.dma_semaphore, #tpu.memory_space<semaphore_mem>>)
          %dma_wait3A = arith.constant 0 : i32
          %dma_wait3A_191 = tpu.memref_slice %arg4[%mul3A_42, %dma_wait3A] : memref<160000x128xf32, #tpu.memory_space<hbm>> -> memref<128x128xf32, #tpu.memory_space<hbm>>
          %dma_wait3A_192 = arith.constant 0 : i32
          %dma_wait3A_193 = tpu.memref_slice %arg4[%mul3A_42, %dma_wait3A_192] : memref<160000x128xf32, #tpu.memory_space<hbm>> -> memref<128x128xf32, #tpu.memory_space<hbm>>
          tpu.wait_dma2 semaphore(%run_scoped3A_187 : memref<!tpu.dma_semaphore, #tpu.memory_space<semaphore_mem>>) src(%dma_wait3A_193 : memref<128x128xf32, #tpu.memory_space<hbm>>) dst(%arg11 : memref<128x128xf32, #tpu.memory_space<vmem>>)
          tpu.yield
        }) : () -> ()
        "tpu.region"() ({
          %run_scoped3A_187 = tpu.sem_alloc : memref<!tpu.dma_semaphore, #tpu.memory_space<semaphore_mem>>
          %dma_start3A = arith.constant 0 : i32
          %dma_start3A_188 = arith.constant 0 : i32
          %dma_start3A_189 = tpu.memref_slice %arg12[%dma_start3A, %dma_start3A_188] : memref<10000x128xf32, #tpu.memory_space<vmem_shared>> -> memref<10000x128xf32, #tpu.memory_space<vmem_shared>>
          tpu.enqueue_indirect_dma source(%arg11 : memref<128x128xf32, #tpu.memory_space<vmem>>) target(%dma_start3A_189 : memref<10000x128xf32, #tpu.memory_space<vmem_shared>>) offsets(%arg10 : memref<128xi32, #tpu.memory_space<vmem>>) semaphore(%run_scoped3A_187 : memref<!tpu.dma_semaphore, #tpu.memory_space<semaphore_mem>>) {add = true}
          %dma_wait3A = arith.constant 0 : i32
          %dma_wait3A_190 = arith.constant 0 : i32
          %dma_wait3A_191 = tpu.memref_slice %arg12[%dma_wait3A, %dma_wait3A_190] : memref<10000x128xf32, #tpu.memory_space<vmem_shared>> -> memref<10000x128xf32, #tpu.memory_space<vmem_shared>>
          tpu.wait_indirect_dma semaphore(%run_scoped3A_187 : memref<!tpu.dma_semaphore, #tpu.memory_space<semaphore_mem>>) src(%arg11 : memref<128x128xf32, #tpu.memory_space<vmem>>) dst(%dma_wait3A_191 : memref<10000x128xf32, #tpu.memory_space<vmem_shared>>)
          tpu.yield
        }) : () -> ()
      } else {
      }
      %barrier3A_38 = arith.constant 0 : index
      tpu.barrier barrier_id(%barrier3A_38)
      %run_scoped3A_39 = arith.constant 0 : i32
      "tpu.region"() ({
        %run_scoped3A_40 = tpu.sem_alloc : memref<!tpu.dma_semaphore, #tpu.memory_space<semaphore_mem>>
        %dma_start3A = arith.constant 0 : i32
        %dma_start3A_41 = tpu.memref_slice %arg8[%run_scoped3A_39, %min3A_5, %dma_start3A] : memref<2x5008x128xf32, #tpu.memory_space<hbm>> -> memref<1x320x128xf32, #tpu.memory_space<hbm>>
        %dma_start3A_42 = tpu.memref_squeeze %dma_start3A_41 : memref<1x320x128xf32, #tpu.memory_space<hbm>> -> memref<320x128xf32, #tpu.memory_space<hbm>>
        %dma_start3A_43 = arith.constant 0 : i32
        %dma_start3A_44 = tpu.memref_slice %arg12[%min3A_5, %dma_start3A_43] : memref<10000x128xf32, #tpu.memory_space<vmem_shared>> -> memref<320x128xf32, #tpu.memory_space<vmem_shared>>
        tpu.enqueue_dma source(%dma_start3A_44 : memref<320x128xf32, #tpu.memory_space<vmem_shared>>) target(%dma_start3A_42 : memref<320x128xf32, #tpu.memory_space<hbm>>) target_semaphore(%run_scoped3A_40 : memref<!tpu.dma_semaphore, #tpu.memory_space<semaphore_mem>>)
        %dma_wait3A = arith.constant 0 : i32
        %dma_wait3A_45 = tpu.memref_slice %arg8[%run_scoped3A_39, %min3A_5, %dma_wait3A] : memref<2x5008x128xf32, #tpu.memory_space<hbm>> -> memref<1x320x128xf32, #tpu.memory_space<hbm>>
        %dma_wait3A_46 = tpu.memref_squeeze %dma_wait3A_45 : memref<1x320x128xf32, #tpu.memory_space<hbm>> -> memref<320x128xf32, #tpu.memory_space<hbm>>
        %dma_wait3A_47 = arith.constant 0 : i32
        %dma_wait3A_48 = tpu.memref_slice %arg12[%min3A_5, %dma_wait3A_47] : memref<10000x128xf32, #tpu.memory_space<vmem_shared>> -> memref<320x128xf32, #tpu.memory_space<vmem_shared>>
        tpu.wait_dma2 semaphore(%run_scoped3A_40 : memref<!tpu.dma_semaphore, #tpu.memory_space<semaphore_mem>>) src(%dma_wait3A_48 : memref<320x128xf32, #tpu.memory_space<vmem_shared>>) dst(%dma_wait3A_46 : memref<320x128xf32, #tpu.memory_space<hbm>>)
        tpu.yield
      }) : () -> ()
    } else {
    }
    %eq3A_10 = arith.constant 1 : i32
    %eq3A_11 = arith.cmpi eq, %arg0, %eq3A_10 : i32
    %convert_element_type3A_12 = arith.extui %eq3A_11 : i1 to i32
    %cond3A_13 = arith.constant 0 : i32
    %cond3A_14 = arith.cmpi ne, %convert_element_type3A_12, %cond3A_13 : i32
    scf.if %cond3A_14 {
      "tpu.region"() ({
        %run_scoped3A_40 = tpu.sem_alloc : memref<!tpu.dma_semaphore, #tpu.memory_space<semaphore_mem>>
        %dma_start3A = arith.constant 0 : i32
        %dma_start3A_41 = tpu.memref_slice %arg12[%min3A_1, %dma_start3A] : memref<10000x128xf32, #tpu.memory_space<vmem_shared>> -> memref<632x128xf32, #tpu.memory_space<vmem_shared>>
        %dma_start3A_42 = arith.constant 0 : i32
        %dma_start3A_43 = tpu.memref_slice %arg6[%min3A_1, %dma_start3A_42] : memref<10000x128xf32, #tpu.memory_space<hbm>> -> memref<632x128xf32, #tpu.memory_space<hbm>>
        tpu.enqueue_dma source(%dma_start3A_43 : memref<632x128xf32, #tpu.memory_space<hbm>>) target(%dma_start3A_41 : memref<632x128xf32, #tpu.memory_space<vmem_shared>>) target_semaphore(%run_scoped3A_40 : memref<!tpu.dma_semaphore, #tpu.memory_space<semaphore_mem>>)
        %dma_wait3A = arith.constant 0 : i32
        %dma_wait3A_44 = tpu.memref_slice %arg12[%min3A_1, %dma_wait3A] : memref<10000x128xf32, #tpu.memory_space<vmem_shared>> -> memref<632x128xf32, #tpu.memory_space<vmem_shared>>
        %dma_wait3A_45 = arith.constant 0 : i32
        %dma_wait3A_46 = tpu.memref_slice %arg6[%min3A_1, %dma_wait3A_45] : memref<10000x128xf32, #tpu.memory_space<hbm>> -> memref<632x128xf32, #tpu.memory_space<hbm>>
        tpu.wait_dma2 semaphore(%run_scoped3A_40 : memref<!tpu.dma_semaphore, #tpu.memory_space<semaphore_mem>>) src(%dma_wait3A_46 : memref<632x128xf32, #tpu.memory_space<hbm>>) dst(%dma_wait3A_44 : memref<632x128xf32, #tpu.memory_space<vmem_shared>>)
        tpu.yield
      }) : () -> ()
      %barrier3A = arith.constant 0 : index
      tpu.barrier barrier_id(%barrier3A)
      %scan3A = arith.constant 0 : i32
      %scan3A_15 = arith.constant 0 : i32
      %scan3A_16 = arith.constant 78 : i32
      %scan3A_17 = arith.addi %scan3A_15, %scan3A_16 : i32
      %scan3A_18 = arith.constant 1 : i32
      scf.for %scan3A_40 = %scan3A_15 to %scan3A_17 step %scan3A_18  : i32 {
        %mul3A_41 = arith.constant 16 : i32
        %mul3A_42 = arith.muli %scan3A_40, %mul3A_41 : i32
        %add3A = arith.addi %arg1, %mul3A_42 : i32
        %mul3A_43 = arith.constant 128 : i32
        %mul3A_44 = arith.muli %add3A, %mul3A_43 : i32
        "tpu.region"() ({
          %run_scoped3A_45 = tpu.sem_alloc : memref<!tpu.dma_semaphore, #tpu.memory_space<semaphore_mem>>
          %dma_start3A = tpu.memref_slice %arg5[%mul3A_44] : memref<160000xi32, #tpu.memory_space<hbm>> -> memref<128xi32, #tpu.memory_space<hbm>>
          %dma_start3A_46 = tpu.memref_slice %arg5[%mul3A_44] : memref<160000xi32, #tpu.memory_space<hbm>> -> memref<128xi32, #tpu.memory_space<hbm>>
          tpu.enqueue_dma source(%dma_start3A_46 : memref<128xi32, #tpu.memory_space<hbm>>) target(%arg9 : memref<128xi32, #tpu.memory_space<vmem>>) target_semaphore(%run_scoped3A_45 : memref<!tpu.dma_semaphore, #tpu.memory_space<semaphore_mem>>)
          %dma_wait3A = tpu.memref_slice %arg5[%mul3A_44] : memref<160000xi32, #tpu.memory_space<hbm>> -> memref<128xi32, #tpu.memory_space<hbm>>
          %dma_wait3A_47 = tpu.memref_slice %arg5[%mul3A_44] : memref<160000xi32, #tpu.memory_space<hbm>> -> memref<128xi32, #tpu.memory_space<hbm>>
          tpu.wait_dma2 semaphore(%run_scoped3A_45 : memref<!tpu.dma_semaphore, #tpu.memory_space<semaphore_mem>>) src(%dma_wait3A_47 : memref<128xi32, #tpu.memory_space<hbm>>) dst(%arg9 : memref<128xi32, #tpu.memory_space<vmem>>)
          tpu.yield
        }) : () -> ()
        "tpu.region"() ({
          %run_scoped3A_45 = tpu.sem_alloc : memref<!tpu.dma_semaphore, #tpu.memory_space<semaphore_mem>>
          %dma_start3A = arith.constant 0 : i32
          %dma_start3A_46 = tpu.memref_slice %arg3[%mul3A_44, %dma_start3A] : memref<160000x128xf32, #tpu.memory_space<hbm>> -> memref<128x128xf32, #tpu.memory_space<hbm>>
          %dma_start3A_47 = arith.constant 0 : i32
          %dma_start3A_48 = tpu.memref_slice %arg3[%mul3A_44, %dma_start3A_47] : memref<160000x128xf32, #tpu.memory_space<hbm>> -> memref<128x128xf32, #tpu.memory_space<hbm>>
          tpu.enqueue_dma source(%dma_start3A_48 : memref<128x128xf32, #tpu.memory_space<hbm>>) target(%arg11 : memref<128x128xf32, #tpu.memory_space<vmem>>) target_semaphore(%run_scoped3A_45 : memref<!tpu.dma_semaphore, #tpu.memory_space<semaphore_mem>>)
          %dma_wait3A = arith.constant 0 : i32
          %dma_wait3A_49 = tpu.memref_slice %arg3[%mul3A_44, %dma_wait3A] : memref<160000x128xf32, #tpu.memory_space<hbm>> -> memref<128x128xf32, #tpu.memory_space<hbm>>
          %dma_wait3A_50 = arith.constant 0 : i32
          %dma_wait3A_51 = tpu.memref_slice %arg3[%mul3A_44, %dma_wait3A_50] : memref<160000x128xf32, #tpu.memory_space<hbm>> -> memref<128x128xf32, #tpu.memory_space<hbm>>
          tpu.wait_dma2 semaphore(%run_scoped3A_45 : memref<!tpu.dma_semaphore, #tpu.memory_space<semaphore_mem>>) src(%dma_wait3A_51 : memref<128x128xf32, #tpu.memory_space<hbm>>) dst(%arg11 : memref<128x128xf32, #tpu.memory_space<vmem>>)
          tpu.yield
        }) : () -> ()
        "tpu.region"() ({
          %run_scoped3A_45 = tpu.sem_alloc : memref<!tpu.dma_semaphore, #tpu.memory_space<semaphore_mem>>
          %dma_start3A = arith.constant 0 : i32
          %dma_start3A_46 = arith.constant 0 : i32
          %dma_start3A_47 = tpu.memref_slice %arg12[%dma_start3A, %dma_start3A_46] : memref<10000x128xf32, #tpu.memory_space<vmem_shared>> -> memref<10000x128xf32, #tpu.memory_space<vmem_shared>>
          tpu.enqueue_indirect_dma source(%arg11 : memref<128x128xf32, #tpu.memory_space<vmem>>) target(%dma_start3A_47 : memref<10000x128xf32, #tpu.memory_space<vmem_shared>>) offsets(%arg9 : memref<128xi32, #tpu.memory_space<vmem>>) semaphore(%run_scoped3A_45 : memref<!tpu.dma_semaphore, #tpu.memory_space<semaphore_mem>>) {add = true}
          %dma_wait3A = arith.constant 0 : i32
          %dma_wait3A_48 = arith.constant 0 : i32
          %dma_wait3A_49 = tpu.memref_slice %arg12[%dma_wait3A, %dma_wait3A_48] : memref<10000x128xf32, #tpu.memory_space<vmem_shared>> -> memref<10000x128xf32, #tpu.memory_space<vmem_shared>>
          tpu.wait_indirect_dma semaphore(%run_scoped3A_45 : memref<!tpu.dma_semaphore, #tpu.memory_space<semaphore_mem>>) src(%arg11 : memref<128x128xf32, #tpu.memory_space<vmem>>) dst(%dma_wait3A_49 : memref<10000x128xf32, #tpu.memory_space<vmem_shared>>)
          tpu.yield
        }) : () -> ()
      }
      %scan3A_19 = arith.constant 78 : i32
      %lt3A = arith.constant 2 : i32
      %lt3A_20 = arith.cmpi slt, %arg1, %lt3A : i32
      %convert_element_type3A_21 = arith.extui %lt3A_20 : i1 to i32
      %cond3A_22 = arith.constant 0 : i32
      %cond3A_23 = arith.cmpi ne, %convert_element_type3A_21, %cond3A_22 : i32
      scf.if %cond3A_23 {
        %add3A = arith.constant 1248 : i32
        %add3A_40 = arith.addi %add3A, %arg1 : i32
        %mul3A_41 = arith.constant 128 : i32
        %mul3A_42 = arith.muli %add3A_40, %mul3A_41 : i32
        "tpu.region"() ({
          %run_scoped3A_43 = tpu.sem_alloc : memref<!tpu.dma_semaphore, #tpu.memory_space<semaphore_mem>>
          %dma_start3A = tpu.memref_slice %arg5[%mul3A_42] : memref<160000xi32, #tpu.memory_space<hbm>> -> memref<128xi32, #tpu.memory_space<hbm>>
          %dma_start3A_44 = tpu.memref_slice %arg5[%mul3A_42] : memref<160000xi32, #tpu.memory_space<hbm>> -> memref<128xi32, #tpu.memory_space<hbm>>
          tpu.enqueue_dma source(%dma_start3A_44 : memref<128xi32, #tpu.memory_space<hbm>>) target(%arg9 : memref<128xi32, #tpu.memory_space<vmem>>) target_semaphore(%run_scoped3A_43 : memref<!tpu.dma_semaphore, #tpu.memory_space<semaphore_mem>>)
          %dma_wait3A = tpu.memref_slice %arg5[%mul3A_42] : memref<160000xi32, #tpu.memory_space<hbm>> -> memref<128xi32, #tpu.memory_space<hbm>>
          %dma_wait3A_45 = tpu.memref_slice %arg5[%mul3A_42] : memref<160000xi32, #tpu.memory_space<hbm>> -> memref<128xi32, #tpu.memory_space<hbm>>
          tpu.wait_dma2 semaphore(%run_scoped3A_43 : memref<!tpu.dma_semaphore, #tpu.memory_space<semaphore_mem>>) src(%dma_wait3A_45 : memref<128xi32, #tpu.memory_space<hbm>>) dst(%arg9 : memref<128xi32, #tpu.memory_space<vmem>>)
          tpu.yield
        }) : () -> ()
        "tpu.region"() ({
          %run_scoped3A_43 = tpu.sem_alloc : memref<!tpu.dma_semaphore, #tpu.memory_space<semaphore_mem>>
          %dma_start3A = arith.constant 0 : i32
          %dma_start3A_44 = tpu.memref_slice %arg3[%mul3A_42, %dma_start3A] : memref<160000x128xf32, #tpu.memory_space<hbm>> -> memref<128x128xf32, #tpu.memory_space<hbm>>
          %dma_start3A_45 = arith.constant 0 : i32
          %dma_start3A_46 = tpu.memref_slice %arg3[%mul3A_42, %dma_start3A_45] : memref<160000x128xf32, #tpu.memory_space<hbm>> -> memref<128x128xf32, #tpu.memory_space<hbm>>
          tpu.enqueue_dma source(%dma_start3A_46 : memref<128x128xf32, #tpu.memory_space<hbm>>) target(%arg11 : memref<128x128xf32, #tpu.memory_space<vmem>>) target_semaphore(%run_scoped3A_43 : memref<!tpu.dma_semaphore, #tpu.memory_space<semaphore_mem>>)
          %dma_wait3A = arith.constant 0 : i32
          %dma_wait3A_47 = tpu.memref_slice %arg3[%mul3A_42, %dma_wait3A] : memref<160000x128xf32, #tpu.memory_space<hbm>> -> memref<128x128xf32, #tpu.memory_space<hbm>>
          %dma_wait3A_48 = arith.constant 0 : i32
          %dma_wait3A_49 = tpu.memref_slice %arg3[%mul3A_42, %dma_wait3A_48] : memref<160000x128xf32, #tpu.memory_space<hbm>> -> memref<128x128xf32, #tpu.memory_space<hbm>>
          tpu.wait_dma2 semaphore(%run_scoped3A_43 : memref<!tpu.dma_semaphore, #tpu.memory_space<semaphore_mem>>) src(%dma_wait3A_49 : memref<128x128xf32, #tpu.memory_space<hbm>>) dst(%arg11 : memref<128x128xf32, #tpu.memory_space<vmem>>)
          tpu.yield
        }) : () -> ()
        "tpu.region"() ({
          %run_scoped3A_43 = tpu.sem_alloc : memref<!tpu.dma_semaphore, #tpu.memory_space<semaphore_mem>>
          %dma_start3A = arith.constant 0 : i32
          %dma_start3A_44 = arith.constant 0 : i32
          %dma_start3A_45 = tpu.memref_slice %arg12[%dma_start3A, %dma_start3A_44] : memref<10000x128xf32, #tpu.memory_space<vmem_shared>> -> memref<10000x128xf32, #tpu.memory_space<vmem_shared>>
          tpu.enqueue_indirect_dma source(%arg11 : memref<128x128xf32, #tpu.memory_space<vmem>>) target(%dma_start3A_45 : memref<10000x128xf32, #tpu.memory_space<vmem_shared>>) offsets(%arg9 : memref<128xi32, #tpu.memory_space<vmem>>) semaphore(%run_scoped3A_43 : memref<!tpu.dma_semaphore, #tpu.memory_space<semaphore_mem>>) {add = true}
          %dma_wait3A = arith.constant 0 : i32
          %dma_wait3A_46 = arith.constant 0 : i32
          %dma_wait3A_47 = tpu.memref_slice %arg12[%dma_wait3A, %dma_wait3A_46] : memref<10000x128xf32, #tpu.memory_space<vmem_shared>> -> memref<10000x128xf32, #tpu.memory_space<vmem_shared>>
          tpu.wait_indirect_dma semaphore(%run_scoped3A_43 : memref<!tpu.dma_semaphore, #tpu.memory_space<semaphore_mem>>) src(%arg11 : memref<128x128xf32, #tpu.memory_space<vmem>>) dst(%dma_wait3A_47 : memref<10000x128xf32, #tpu.memory_space<vmem_shared>>)
          tpu.yield
        }) : () -> ()
      } else {
      }
      %barrier3A_24 = arith.constant 0 : index
      tpu.barrier barrier_id(%barrier3A_24)
      %run_scoped3A = arith.constant 1 : i32
      "tpu.region"() ({
        %run_scoped3A_40 = tpu.sem_alloc : memref<!tpu.dma_semaphore, #tpu.memory_space<semaphore_mem>>
        %dma_start3A = arith.constant 0 : i32
        %dma_start3A_41 = tpu.memref_slice %arg7[%run_scoped3A, %min3A_1, %dma_start3A] : memref<2x10000x128xf32, #tpu.memory_space<hbm>> -> memref<1x632x128xf32, #tpu.memory_space<hbm>>
        %dma_start3A_42 = tpu.memref_squeeze %dma_start3A_41 : memref<1x632x128xf32, #tpu.memory_space<hbm>> -> memref<632x128xf32, #tpu.memory_space<hbm>>
        %dma_start3A_43 = arith.constant 0 : i32
        %dma_start3A_44 = tpu.memref_slice %arg12[%min3A_1, %dma_start3A_43] : memref<10000x128xf32, #tpu.memory_space<vmem_shared>> -> memref<632x128xf32, #tpu.memory_space<vmem_shared>>
        tpu.enqueue_dma source(%dma_start3A_44 : memref<632x128xf32, #tpu.memory_space<vmem_shared>>) target(%dma_start3A_42 : memref<632x128xf32, #tpu.memory_space<hbm>>) target_semaphore(%run_scoped3A_40 : memref<!tpu.dma_semaphore, #tpu.memory_space<semaphore_mem>>)
        %dma_wait3A = arith.constant 0 : i32
        %dma_wait3A_45 = tpu.memref_slice %arg7[%run_scoped3A, %min3A_1, %dma_wait3A] : memref<2x10000x128xf32, #tpu.memory_space<hbm>> -> memref<1x632x128xf32, #tpu.memory_space<hbm>>
        %dma_wait3A_46 = tpu.memref_squeeze %dma_wait3A_45 : memref<1x632x128xf32, #tpu.memory_space<hbm>> -> memref<632x128xf32, #tpu.memory_space<hbm>>
        %dma_wait3A_47 = arith.constant 0 : i32
        %dma_wait3A_48 = tpu.memref_slice %arg12[%min3A_1, %dma_wait3A_47] : memref<10000x128xf32, #tpu.memory_space<vmem_shared>> -> memref<632x128xf32, #tpu.memory_space<vmem_shared>>
        tpu.wait_dma2 semaphore(%run_scoped3A_40 : memref<!tpu.dma_semaphore, #tpu.memory_space<semaphore_mem>>) src(%dma_wait3A_48 : memref<632x128xf32, #tpu.memory_space<vmem_shared>>) dst(%dma_wait3A_46 : memref<632x128xf32, #tpu.memory_space<hbm>>)
        tpu.yield
      }) : () -> ()
      %barrier3A_25 = arith.constant 0 : index
      tpu.barrier barrier_id(%barrier3A_25)
      "tpu.region"() ({
        %run_scoped3A_40 = tpu.sem_alloc : memref<!tpu.dma_semaphore, #tpu.memory_space<semaphore_mem>>
        %dma_start3A = arith.constant 0 : i32
        %dma_start3A_41 = tpu.memref_slice %arg12[%min3A_5, %dma_start3A] : memref<10000x128xf32, #tpu.memory_space<vmem_shared>> -> memref<320x128xf32, #tpu.memory_space<vmem_shared>>
        %dma_start3A_42 = arith.constant 0 : i32
        %dma_start3A_43 = tpu.memref_slice %arg6[%min3A_5, %dma_start3A_42] : memref<10000x128xf32, #tpu.memory_space<hbm>> -> memref<320x128xf32, #tpu.memory_space<hbm>>
        tpu.enqueue_dma source(%dma_start3A_43 : memref<320x128xf32, #tpu.memory_space<hbm>>) target(%dma_start3A_41 : memref<320x128xf32, #tpu.memory_space<vmem_shared>>) target_semaphore(%run_scoped3A_40 : memref<!tpu.dma_semaphore, #tpu.memory_space<semaphore_mem>>)
        %dma_wait3A = arith.constant 0 : i32
        %dma_wait3A_44 = tpu.memref_slice %arg12[%min3A_5, %dma_wait3A] : memref<10000x128xf32, #tpu.memory_space<vmem_shared>> -> memref<320x128xf32, #tpu.memory_space<vmem_shared>>
        %dma_wait3A_45 = arith.constant 0 : i32
        %dma_wait3A_46 = tpu.memref_slice %arg6[%min3A_5, %dma_wait3A_45] : memref<10000x128xf32, #tpu.memory_space<hbm>> -> memref<320x128xf32, #tpu.memory_space<hbm>>
        tpu.wait_dma2 semaphore(%run_scoped3A_40 : memref<!tpu.dma_semaphore, #tpu.memory_space<semaphore_mem>>) src(%dma_wait3A_46 : memref<320x128xf32, #tpu.memory_space<hbm>>) dst(%dma_wait3A_44 : memref<320x128xf32, #tpu.memory_space<vmem_shared>>)
        tpu.yield
      }) : () -> ()
      %barrier3A_26 = arith.constant 0 : index
      tpu.barrier barrier_id(%barrier3A_26)
      %scan3A_27 = arith.constant 0 : i32
      %scan3A_28 = arith.constant 0 : i32
      %scan3A_29 = arith.constant 78 : i32
      %scan3A_30 = arith.addi %scan3A_28, %scan3A_29 : i32
      %scan3A_31 = arith.constant 1 : i32
      scf.for %scan3A_40 = %scan3A_28 to %scan3A_30 step %scan3A_31  : i32 {
        %mul3A_41 = arith.constant 16 : i32
        %mul3A_42 = arith.muli %scan3A_40, %mul3A_41 : i32
        %add3A = arith.addi %arg1, %mul3A_42 : i32
        %mul3A_43 = arith.constant 128 : i32
        %mul3A_44 = arith.muli %add3A, %mul3A_43 : i32
        "tpu.region"() ({
          %run_scoped3A_189 = tpu.sem_alloc : memref<!tpu.dma_semaphore, #tpu.memory_space<semaphore_mem>>
          %dma_start3A = tpu.memref_slice %arg5[%mul3A_44] : memref<160000xi32, #tpu.memory_space<hbm>> -> memref<128xi32, #tpu.memory_space<hbm>>
          %dma_start3A_190 = tpu.memref_slice %arg5[%mul3A_44] : memref<160000xi32, #tpu.memory_space<hbm>> -> memref<128xi32, #tpu.memory_space<hbm>>
          tpu.enqueue_dma source(%dma_start3A_190 : memref<128xi32, #tpu.memory_space<hbm>>) target(%arg9 : memref<128xi32, #tpu.memory_space<vmem>>) target_semaphore(%run_scoped3A_189 : memref<!tpu.dma_semaphore, #tpu.memory_space<semaphore_mem>>)
          %dma_wait3A = tpu.memref_slice %arg5[%mul3A_44] : memref<160000xi32, #tpu.memory_space<hbm>> -> memref<128xi32, #tpu.memory_space<hbm>>
          %dma_wait3A_191 = tpu.memref_slice %arg5[%mul3A_44] : memref<160000xi32, #tpu.memory_space<hbm>> -> memref<128xi32, #tpu.memory_space<hbm>>
          tpu.wait_dma2 semaphore(%run_scoped3A_189 : memref<!tpu.dma_semaphore, #tpu.memory_space<semaphore_mem>>) src(%dma_wait3A_191 : memref<128xi32, #tpu.memory_space<hbm>>) dst(%arg9 : memref<128xi32, #tpu.memory_space<vmem>>)
          tpu.yield
        }) : () -> ()
        %get3A = arith.constant 0 : index
        %get3A_45 = tpu.vector_load %arg9[%get3A] {strides = array<i32>} : memref<128xi32, #tpu.memory_space<vmem>>, vector<16xi32>,
        %get3A_46 = vector.shape_cast %get3A_45 : vector<16xi32> to vector<16xi32>
        %sub3A = vector.broadcast %mul3A_7 : i32 to vector<16xi32>
        %sub3A_47 = arith.subi %get3A_46, %sub3A : vector<16xi32>
        %ge3A = arith.constant 0 : i32
        %ge3A_48 = vector.broadcast %ge3A : i32 to vector<16xi32>
        %ge3A_49 = arith.cmpi sge, %sub3A_47, %ge3A_48 : vector<16xi32>
        %lt3A_50 = arith.constant 5000 : i32
        %lt3A_51 = vector.broadcast %lt3A_50 : i32 to vector<16xi32>
        %lt3A_52 = arith.cmpi slt, %sub3A_47, %lt3A_51 : vector<16xi32>
        %and3A = arith.andi %ge3A_49, %lt3A_52 : vector<16xi1>
        %jit3A = arith.constant 5000 : i32
        %broadcast_in_dim3A = vector.broadcast %jit3A : i32 to vector<16xi32>
        %select_n3A = arith.select %and3A, %sub3A_47, %broadcast_in_dim3A : vector<16xi1>, vector<16xi32>
        %swap3A = arith.constant 0 : index
        %swap3A_53 = tpu.vector_load %arg10[%swap3A] {strides = array<i32>} : memref<128xi32, #tpu.memory_space<vmem>>, vector<16xi32>,
        %swap3A_54 = vector.shape_cast %swap3A_53 : vector<16xi32> to vector<16xi32>
        %swap3A_55 = vector.shape_cast %select_n3A : vector<16xi32> to vector<16xi32>
        tpu.vector_store %arg10[%swap3A], %swap3A_55 {strides = array<i32>} : memref<128xi32, #tpu.memory_space<vmem>>, vector<16xi32>,
        %get3A_56 = arith.constant 16 : index
        %get3A_57 = tpu.vector_load %arg9[%get3A_56] {strides = array<i32>} : memref<128xi32, #tpu.memory_space<vmem>>, vector<16xi32>,
        %get3A_58 = vector.shape_cast %get3A_57 : vector<16xi32> to vector<16xi32>
        %sub3A_59 = vector.broadcast %mul3A_7 : i32 to vector<16xi32>
        %sub3A_60 = arith.subi %get3A_58, %sub3A_59 : vector<16xi32>
        %ge3A_61 = arith.constant 0 : i32
        %ge3A_62 = vector.broadcast %ge3A_61 : i32 to vector<16xi32>
        %ge3A_63 = arith.cmpi sge, %sub3A_60, %ge3A_62 : vector<16xi32>
        %lt3A_64 = arith.constant 5000 : i32
        %lt3A_65 = vector.broadcast %lt3A_64 : i32 to vector<16xi32>
        %lt3A_66 = arith.cmpi slt, %sub3A_60, %lt3A_65 : vector<16xi32>
        %and3A_67 = arith.andi %ge3A_63, %lt3A_66 : vector<16xi1>
        %jit3A_68 = arith.constant 5000 : i32
        %broadcast_in_dim3A_69 = vector.broadcast %jit3A_68 : i32 to vector<16xi32>
        %select_n3A_70 = arith.select %and3A_67, %sub3A_60, %broadcast_in_dim3A_69 : vector<16xi1>, vector<16xi32>
        %swap3A_71 = arith.constant 16 : index
        %swap3A_72 = tpu.vector_load %arg10[%swap3A_71] {strides = array<i32>} : memref<128xi32, #tpu.memory_space<vmem>>, vector<16xi32>,
        %swap3A_73 = vector.shape_cast %swap3A_72 : vector<16xi32> to vector<16xi32>
        %swap3A_74 = vector.shape_cast %select_n3A_70 : vector<16xi32> to vector<16xi32>
        tpu.vector_store %arg10[%swap3A_71], %swap3A_74 {strides = array<i32>} : memref<128xi32, #tpu.memory_space<vmem>>, vector<16xi32>,
        %get3A_75 = arith.constant 32 : index
        %get3A_76 = tpu.vector_load %arg9[%get3A_75] {strides = array<i32>} : memref<128xi32, #tpu.memory_space<vmem>>, vector<16xi32>,
        %get3A_77 = vector.shape_cast %get3A_76 : vector<16xi32> to vector<16xi32>
        %sub3A_78 = vector.broadcast %mul3A_7 : i32 to vector<16xi32>
        %sub3A_79 = arith.subi %get3A_77, %sub3A_78 : vector<16xi32>
        %ge3A_80 = arith.constant 0 : i32
        %ge3A_81 = vector.broadcast %ge3A_80 : i32 to vector<16xi32>
        %ge3A_82 = arith.cmpi sge, %sub3A_79, %ge3A_81 : vector<16xi32>
        %lt3A_83 = arith.constant 5000 : i32
        %lt3A_84 = vector.broadcast %lt3A_83 : i32 to vector<16xi32>
        %lt3A_85 = arith.cmpi slt, %sub3A_79, %lt3A_84 : vector<16xi32>
        %and3A_86 = arith.andi %ge3A_82, %lt3A_85 : vector<16xi1>
        %jit3A_87 = arith.constant 5000 : i32
        %broadcast_in_dim3A_88 = vector.broadcast %jit3A_87 : i32 to vector<16xi32>
        %select_n3A_89 = arith.select %and3A_86, %sub3A_79, %broadcast_in_dim3A_88 : vector<16xi1>, vector<16xi32>
        %swap3A_90 = arith.constant 32 : index
        %swap3A_91 = tpu.vector_load %arg10[%swap3A_90] {strides = array<i32>} : memref<128xi32, #tpu.memory_space<vmem>>, vector<16xi32>,
        %swap3A_92 = vector.shape_cast %swap3A_91 : vector<16xi32> to vector<16xi32>
        %swap3A_93 = vector.shape_cast %select_n3A_89 : vector<16xi32> to vector<16xi32>
        tpu.vector_store %arg10[%swap3A_90], %swap3A_93 {strides = array<i32>} : memref<128xi32, #tpu.memory_space<vmem>>, vector<16xi32>,
        %get3A_94 = arith.constant 48 : index
        %get3A_95 = tpu.vector_load %arg9[%get3A_94] {strides = array<i32>} : memref<128xi32, #tpu.memory_space<vmem>>, vector<16xi32>,
        %get3A_96 = vector.shape_cast %get3A_95 : vector<16xi32> to vector<16xi32>
        %sub3A_97 = vector.broadcast %mul3A_7 : i32 to vector<16xi32>
        %sub3A_98 = arith.subi %get3A_96, %sub3A_97 : vector<16xi32>
        %ge3A_99 = arith.constant 0 : i32
        %ge3A_100 = vector.broadcast %ge3A_99 : i32 to vector<16xi32>
        %ge3A_101 = arith.cmpi sge, %sub3A_98, %ge3A_100 : vector<16xi32>
        %lt3A_102 = arith.constant 5000 : i32
        %lt3A_103 = vector.broadcast %lt3A_102 : i32 to vector<16xi32>
        %lt3A_104 = arith.cmpi slt, %sub3A_98, %lt3A_103 : vector<16xi32>
        %and3A_105 = arith.andi %ge3A_101, %lt3A_104 : vector<16xi1>
        %jit3A_106 = arith.constant 5000 : i32
        %broadcast_in_dim3A_107 = vector.broadcast %jit3A_106 : i32 to vector<16xi32>
        %select_n3A_108 = arith.select %and3A_105, %sub3A_98, %broadcast_in_dim3A_107 : vector<16xi1>, vector<16xi32>
        %swap3A_109 = arith.constant 48 : index
        %swap3A_110 = tpu.vector_load %arg10[%swap3A_109] {strides = array<i32>} : memref<128xi32, #tpu.memory_space<vmem>>, vector<16xi32>,
        %swap3A_111 = vector.shape_cast %swap3A_110 : vector<16xi32> to vector<16xi32>
        %swap3A_112 = vector.shape_cast %select_n3A_108 : vector<16xi32> to vector<16xi32>
        tpu.vector_store %arg10[%swap3A_109], %swap3A_112 {strides = array<i32>} : memref<128xi32, #tpu.memory_space<vmem>>, vector<16xi32>,
        %get3A_113 = arith.constant 64 : index
        %get3A_114 = tpu.vector_load %arg9[%get3A_113] {strides = array<i32>} : memref<128xi32, #tpu.memory_space<vmem>>, vector<16xi32>,
        %get3A_115 = vector.shape_cast %get3A_114 : vector<16xi32> to vector<16xi32>
        %sub3A_116 = vector.broadcast %mul3A_7 : i32 to vector<16xi32>
        %sub3A_117 = arith.subi %get3A_115, %sub3A_116 : vector<16xi32>
        %ge3A_118 = arith.constant 0 : i32
        %ge3A_119 = vector.broadcast %ge3A_118 : i32 to vector<16xi32>
        %ge3A_120 = arith.cmpi sge, %sub3A_117, %ge3A_119 : vector<16xi32>
        %lt3A_121 = arith.constant 5000 : i32
        %lt3A_122 = vector.broadcast %lt3A_121 : i32 to vector<16xi32>
        %lt3A_123 = arith.cmpi slt, %sub3A_117, %lt3A_122 : vector<16xi32>
        %and3A_124 = arith.andi %ge3A_120, %lt3A_123 : vector<16xi1>
        %jit3A_125 = arith.constant 5000 : i32
        %broadcast_in_dim3A_126 = vector.broadcast %jit3A_125 : i32 to vector<16xi32>
        %select_n3A_127 = arith.select %and3A_124, %sub3A_117, %broadcast_in_dim3A_126 : vector<16xi1>, vector<16xi32>
        %swap3A_128 = arith.constant 64 : index
        %swap3A_129 = tpu.vector_load %arg10[%swap3A_128] {strides = array<i32>} : memref<128xi32, #tpu.memory_space<vmem>>, vector<16xi32>,
        %swap3A_130 = vector.shape_cast %swap3A_129 : vector<16xi32> to vector<16xi32>
        %swap3A_131 = vector.shape_cast %select_n3A_127 : vector<16xi32> to vector<16xi32>
        tpu.vector_store %arg10[%swap3A_128], %swap3A_131 {strides = array<i32>} : memref<128xi32, #tpu.memory_space<vmem>>, vector<16xi32>,
        %get3A_132 = arith.constant 80 : index
        %get3A_133 = tpu.vector_load %arg9[%get3A_132] {strides = array<i32>} : memref<128xi32, #tpu.memory_space<vmem>>, vector<16xi32>,
        %get3A_134 = vector.shape_cast %get3A_133 : vector<16xi32> to vector<16xi32>
        %sub3A_135 = vector.broadcast %mul3A_7 : i32 to vector<16xi32>
        %sub3A_136 = arith.subi %get3A_134, %sub3A_135 : vector<16xi32>
        %ge3A_137 = arith.constant 0 : i32
        %ge3A_138 = vector.broadcast %ge3A_137 : i32 to vector<16xi32>
        %ge3A_139 = arith.cmpi sge, %sub3A_136, %ge3A_138 : vector<16xi32>
        %lt3A_140 = arith.constant 5000 : i32
        %lt3A_141 = vector.broadcast %lt3A_140 : i32 to vector<16xi32>
        %lt3A_142 = arith.cmpi slt, %sub3A_136, %lt3A_141 : vector<16xi32>
        %and3A_143 = arith.andi %ge3A_139, %lt3A_142 : vector<16xi1>
        %jit3A_144 = arith.constant 5000 : i32
        %broadcast_in_dim3A_145 = vector.broadcast %jit3A_144 : i32 to vector<16xi32>
        %select_n3A_146 = arith.select %and3A_143, %sub3A_136, %broadcast_in_dim3A_145 : vector<16xi1>, vector<16xi32>
        %swap3A_147 = arith.constant 80 : index
        %swap3A_148 = tpu.vector_load %arg10[%swap3A_147] {strides = array<i32>} : memref<128xi32, #tpu.memory_space<vmem>>, vector<16xi32>,
        %swap3A_149 = vector.shape_cast %swap3A_148 : vector<16xi32> to vector<16xi32>
        %swap3A_150 = vector.shape_cast %select_n3A_146 : vector<16xi32> to vector<16xi32>
        tpu.vector_store %arg10[%swap3A_147], %swap3A_150 {strides = array<i32>} : memref<128xi32, #tpu.memory_space<vmem>>, vector<16xi32>,
        %get3A_151 = arith.constant 96 : index
        %get3A_152 = tpu.vector_load %arg9[%get3A_151] {strides = array<i32>} : memref<128xi32, #tpu.memory_space<vmem>>, vector<16xi32>,
        %get3A_153 = vector.shape_cast %get3A_152 : vector<16xi32> to vector<16xi32>
        %sub3A_154 = vector.broadcast %mul3A_7 : i32 to vector<16xi32>
        %sub3A_155 = arith.subi %get3A_153, %sub3A_154 : vector<16xi32>
        %ge3A_156 = arith.constant 0 : i32
        %ge3A_157 = vector.broadcast %ge3A_156 : i32 to vector<16xi32>
        %ge3A_158 = arith.cmpi sge, %sub3A_155, %ge3A_157 : vector<16xi32>
        %lt3A_159 = arith.constant 5000 : i32
        %lt3A_160 = vector.broadcast %lt3A_159 : i32 to vector<16xi32>
        %lt3A_161 = arith.cmpi slt, %sub3A_155, %lt3A_160 : vector<16xi32>
        %and3A_162 = arith.andi %ge3A_158, %lt3A_161 : vector<16xi1>
        %jit3A_163 = arith.constant 5000 : i32
        %broadcast_in_dim3A_164 = vector.broadcast %jit3A_163 : i32 to vector<16xi32>
        %select_n3A_165 = arith.select %and3A_162, %sub3A_155, %broadcast_in_dim3A_164 : vector<16xi1>, vector<16xi32>
        %swap3A_166 = arith.constant 96 : index
        %swap3A_167 = tpu.vector_load %arg10[%swap3A_166] {strides = array<i32>} : memref<128xi32, #tpu.memory_space<vmem>>, vector<16xi32>,
        %swap3A_168 = vector.shape_cast %swap3A_167 : vector<16xi32> to vector<16xi32>
        %swap3A_169 = vector.shape_cast %select_n3A_165 : vector<16xi32> to vector<16xi32>
        tpu.vector_store %arg10[%swap3A_166], %swap3A_169 {strides = array<i32>} : memref<128xi32, #tpu.memory_space<vmem>>, vector<16xi32>,
        %get3A_170 = arith.constant 112 : index
        %get3A_171 = tpu.vector_load %arg9[%get3A_170] {strides = array<i32>} : memref<128xi32, #tpu.memory_space<vmem>>, vector<16xi32>,
        %get3A_172 = vector.shape_cast %get3A_171 : vector<16xi32> to vector<16xi32>
        %sub3A_173 = vector.broadcast %mul3A_7 : i32 to vector<16xi32>
        %sub3A_174 = arith.subi %get3A_172, %sub3A_173 : vector<16xi32>
        %ge3A_175 = arith.constant 0 : i32
        %ge3A_176 = vector.broadcast %ge3A_175 : i32 to vector<16xi32>
        %ge3A_177 = arith.cmpi sge, %sub3A_174, %ge3A_176 : vector<16xi32>
        %lt3A_178 = arith.constant 5000 : i32
        %lt3A_179 = vector.broadcast %lt3A_178 : i32 to vector<16xi32>
        %lt3A_180 = arith.cmpi slt, %sub3A_174, %lt3A_179 : vector<16xi32>
        %and3A_181 = arith.andi %ge3A_177, %lt3A_180 : vector<16xi1>
        %jit3A_182 = arith.constant 5000 : i32
        %broadcast_in_dim3A_183 = vector.broadcast %jit3A_182 : i32 to vector<16xi32>
        %select_n3A_184 = arith.select %and3A_181, %sub3A_174, %broadcast_in_dim3A_183 : vector<16xi1>, vector<16xi32>
        %swap3A_185 = arith.constant 112 : index
        %swap3A_186 = tpu.vector_load %arg10[%swap3A_185] {strides = array<i32>} : memref<128xi32, #tpu.memory_space<vmem>>, vector<16xi32>,
        %swap3A_187 = vector.shape_cast %swap3A_186 : vector<16xi32> to vector<16xi32>
        %swap3A_188 = vector.shape_cast %select_n3A_184 : vector<16xi32> to vector<16xi32>
        tpu.vector_store %arg10[%swap3A_185], %swap3A_188 {strides = array<i32>} : memref<128xi32, #tpu.memory_space<vmem>>, vector<16xi32>,
        "tpu.region"() ({
          %run_scoped3A_189 = tpu.sem_alloc : memref<!tpu.dma_semaphore, #tpu.memory_space<semaphore_mem>>
          %dma_start3A = arith.constant 0 : i32
          %dma_start3A_190 = tpu.memref_slice %arg4[%mul3A_44, %dma_start3A] : memref<160000x128xf32, #tpu.memory_space<hbm>> -> memref<128x128xf32, #tpu.memory_space<hbm>>
          %dma_start3A_191 = arith.constant 0 : i32
          %dma_start3A_192 = tpu.memref_slice %arg4[%mul3A_44, %dma_start3A_191] : memref<160000x128xf32, #tpu.memory_space<hbm>> -> memref<128x128xf32, #tpu.memory_space<hbm>>
          tpu.enqueue_dma source(%dma_start3A_192 : memref<128x128xf32, #tpu.memory_space<hbm>>) target(%arg11 : memref<128x128xf32, #tpu.memory_space<vmem>>) target_semaphore(%run_scoped3A_189 : memref<!tpu.dma_semaphore, #tpu.memory_space<semaphore_mem>>)
          %dma_wait3A = arith.constant 0 : i32
          %dma_wait3A_193 = tpu.memref_slice %arg4[%mul3A_44, %dma_wait3A] : memref<160000x128xf32, #tpu.memory_space<hbm>> -> memref<128x128xf32, #tpu.memory_space<hbm>>
          %dma_wait3A_194 = arith.constant 0 : i32
          %dma_wait3A_195 = tpu.memref_slice %arg4[%mul3A_44, %dma_wait3A_194] : memref<160000x128xf32, #tpu.memory_space<hbm>> -> memref<128x128xf32, #tpu.memory_space<hbm>>
          tpu.wait_dma2 semaphore(%run_scoped3A_189 : memref<!tpu.dma_semaphore, #tpu.memory_space<semaphore_mem>>) src(%dma_wait3A_195 : memref<128x128xf32, #tpu.memory_space<hbm>>) dst(%arg11 : memref<128x128xf32, #tpu.memory_space<vmem>>)
          tpu.yield
        }) : () -> ()
        "tpu.region"() ({
          %run_scoped3A_189 = tpu.sem_alloc : memref<!tpu.dma_semaphore, #tpu.memory_space<semaphore_mem>>
          %dma_start3A = arith.constant 0 : i32
          %dma_start3A_190 = arith.constant 0 : i32
          %dma_start3A_191 = tpu.memref_slice %arg12[%dma_start3A, %dma_start3A_190] : memref<10000x128xf32, #tpu.memory_space<vmem_shared>> -> memref<10000x128xf32, #tpu.memory_space<vmem_shared>>
          tpu.enqueue_indirect_dma source(%arg11 : memref<128x128xf32, #tpu.memory_space<vmem>>) target(%dma_start3A_191 : memref<10000x128xf32, #tpu.memory_space<vmem_shared>>) offsets(%arg10 : memref<128xi32, #tpu.memory_space<vmem>>) semaphore(%run_scoped3A_189 : memref<!tpu.dma_semaphore, #tpu.memory_space<semaphore_mem>>) {add = true}
          %dma_wait3A = arith.constant 0 : i32
          %dma_wait3A_192 = arith.constant 0 : i32
          %dma_wait3A_193 = tpu.memref_slice %arg12[%dma_wait3A, %dma_wait3A_192] : memref<10000x128xf32, #tpu.memory_space<vmem_shared>> -> memref<10000x128xf32, #tpu.memory_space<vmem_shared>>
          tpu.wait_indirect_dma semaphore(%run_scoped3A_189 : memref<!tpu.dma_semaphore, #tpu.memory_space<semaphore_mem>>) src(%arg11 : memref<128x128xf32, #tpu.memory_space<vmem>>) dst(%dma_wait3A_193 : memref<10000x128xf32, #tpu.memory_space<vmem_shared>>)
          tpu.yield
        }) : () -> ()
      }
      %scan3A_32 = arith.constant 78 : i32
      %lt3A_33 = arith.constant 2 : i32
      %lt3A_34 = arith.cmpi slt, %arg1, %lt3A_33 : i32
      %convert_element_type3A_35 = arith.extui %lt3A_34 : i1 to i32
      %cond3A_36 = arith.constant 0 : i32
      %cond3A_37 = arith.cmpi ne, %convert_element_type3A_35, %cond3A_36 : i32
      scf.if %cond3A_37 {
        %add3A = arith.constant 1248 : i32
        %add3A_40 = arith.addi %add3A, %arg1 : i32
        %mul3A_41 = arith.constant 128 : i32
        %mul3A_42 = arith.muli %add3A_40, %mul3A_41 : i32
        "tpu.region"() ({
          %run_scoped3A_187 = tpu.sem_alloc : memref<!tpu.dma_semaphore, #tpu.memory_space<semaphore_mem>>
          %dma_start3A = tpu.memref_slice %arg5[%mul3A_42] : memref<160000xi32, #tpu.memory_space<hbm>> -> memref<128xi32, #tpu.memory_space<hbm>>
          %dma_start3A_188 = tpu.memref_slice %arg5[%mul3A_42] : memref<160000xi32, #tpu.memory_space<hbm>> -> memref<128xi32, #tpu.memory_space<hbm>>
          tpu.enqueue_dma source(%dma_start3A_188 : memref<128xi32, #tpu.memory_space<hbm>>) target(%arg9 : memref<128xi32, #tpu.memory_space<vmem>>) target_semaphore(%run_scoped3A_187 : memref<!tpu.dma_semaphore, #tpu.memory_space<semaphore_mem>>)
          %dma_wait3A = tpu.memref_slice %arg5[%mul3A_42] : memref<160000xi32, #tpu.memory_space<hbm>> -> memref<128xi32, #tpu.memory_space<hbm>>
          %dma_wait3A_189 = tpu.memref_slice %arg5[%mul3A_42] : memref<160000xi32, #tpu.memory_space<hbm>> -> memref<128xi32, #tpu.memory_space<hbm>>
          tpu.wait_dma2 semaphore(%run_scoped3A_187 : memref<!tpu.dma_semaphore, #tpu.memory_space<semaphore_mem>>) src(%dma_wait3A_189 : memref<128xi32, #tpu.memory_space<hbm>>) dst(%arg9 : memref<128xi32, #tpu.memory_space<vmem>>)
          tpu.yield
        }) : () -> ()
        %get3A = arith.constant 0 : index
        %get3A_43 = tpu.vector_load %arg9[%get3A] {strides = array<i32>} : memref<128xi32, #tpu.memory_space<vmem>>, vector<16xi32>,
        %get3A_44 = vector.shape_cast %get3A_43 : vector<16xi32> to vector<16xi32>
        %sub3A = vector.broadcast %mul3A_7 : i32 to vector<16xi32>
        %sub3A_45 = arith.subi %get3A_44, %sub3A : vector<16xi32>
        %ge3A = arith.constant 0 : i32
        %ge3A_46 = vector.broadcast %ge3A : i32 to vector<16xi32>
        %ge3A_47 = arith.cmpi sge, %sub3A_45, %ge3A_46 : vector<16xi32>
        %lt3A_48 = arith.constant 5000 : i32
        %lt3A_49 = vector.broadcast %lt3A_48 : i32 to vector<16xi32>
        %lt3A_50 = arith.cmpi slt, %sub3A_45, %lt3A_49 : vector<16xi32>
        %and3A = arith.andi %ge3A_47, %lt3A_50 : vector<16xi1>
        %jit3A = arith.constant 5000 : i32
        %broadcast_in_dim3A = vector.broadcast %jit3A : i32 to vector<16xi32>
        %select_n3A = arith.select %and3A, %sub3A_45, %broadcast_in_dim3A : vector<16xi1>, vector<16xi32>
        %swap3A = arith.constant 0 : index
        %swap3A_51 = tpu.vector_load %arg10[%swap3A] {strides = array<i32>} : memref<128xi32, #tpu.memory_space<vmem>>, vector<16xi32>,
        %swap3A_52 = vector.shape_cast %swap3A_51 : vector<16xi32> to vector<16xi32>
        %swap3A_53 = vector.shape_cast %select_n3A : vector<16xi32> to vector<16xi32>
        tpu.vector_store %arg10[%swap3A], %swap3A_53 {strides = array<i32>} : memref<128xi32, #tpu.memory_space<vmem>>, vector<16xi32>,
        %get3A_54 = arith.constant 16 : index
        %get3A_55 = tpu.vector_load %arg9[%get3A_54] {strides = array<i32>} : memref<128xi32, #tpu.memory_space<vmem>>, vector<16xi32>,
        %get3A_56 = vector.shape_cast %get3A_55 : vector<16xi32> to vector<16xi32>
        %sub3A_57 = vector.broadcast %mul3A_7 : i32 to vector<16xi32>
        %sub3A_58 = arith.subi %get3A_56, %sub3A_57 : vector<16xi32>
        %ge3A_59 = arith.constant 0 : i32
        %ge3A_60 = vector.broadcast %ge3A_59 : i32 to vector<16xi32>
        %ge3A_61 = arith.cmpi sge, %sub3A_58, %ge3A_60 : vector<16xi32>
        %lt3A_62 = arith.constant 5000 : i32
        %lt3A_63 = vector.broadcast %lt3A_62 : i32 to vector<16xi32>
        %lt3A_64 = arith.cmpi slt, %sub3A_58, %lt3A_63 : vector<16xi32>
        %and3A_65 = arith.andi %ge3A_61, %lt3A_64 : vector<16xi1>
        %jit3A_66 = arith.constant 5000 : i32
        %broadcast_in_dim3A_67 = vector.broadcast %jit3A_66 : i32 to vector<16xi32>
        %select_n3A_68 = arith.select %and3A_65, %sub3A_58, %broadcast_in_dim3A_67 : vector<16xi1>, vector<16xi32>
        %swap3A_69 = arith.constant 16 : index
        %swap3A_70 = tpu.vector_load %arg10[%swap3A_69] {strides = array<i32>} : memref<128xi32, #tpu.memory_space<vmem>>, vector<16xi32>,
        %swap3A_71 = vector.shape_cast %swap3A_70 : vector<16xi32> to vector<16xi32>
        %swap3A_72 = vector.shape_cast %select_n3A_68 : vector<16xi32> to vector<16xi32>
        tpu.vector_store %arg10[%swap3A_69], %swap3A_72 {strides = array<i32>} : memref<128xi32, #tpu.memory_space<vmem>>, vector<16xi32>,
        %get3A_73 = arith.constant 32 : index
        %get3A_74 = tpu.vector_load %arg9[%get3A_73] {strides = array<i32>} : memref<128xi32, #tpu.memory_space<vmem>>, vector<16xi32>,
        %get3A_75 = vector.shape_cast %get3A_74 : vector<16xi32> to vector<16xi32>
        %sub3A_76 = vector.broadcast %mul3A_7 : i32 to vector<16xi32>
        %sub3A_77 = arith.subi %get3A_75, %sub3A_76 : vector<16xi32>
        %ge3A_78 = arith.constant 0 : i32
        %ge3A_79 = vector.broadcast %ge3A_78 : i32 to vector<16xi32>
        %ge3A_80 = arith.cmpi sge, %sub3A_77, %ge3A_79 : vector<16xi32>
        %lt3A_81 = arith.constant 5000 : i32
        %lt3A_82 = vector.broadcast %lt3A_81 : i32 to vector<16xi32>
        %lt3A_83 = arith.cmpi slt, %sub3A_77, %lt3A_82 : vector<16xi32>
        %and3A_84 = arith.andi %ge3A_80, %lt3A_83 : vector<16xi1>
        %jit3A_85 = arith.constant 5000 : i32
        %broadcast_in_dim3A_86 = vector.broadcast %jit3A_85 : i32 to vector<16xi32>
        %select_n3A_87 = arith.select %and3A_84, %sub3A_77, %broadcast_in_dim3A_86 : vector<16xi1>, vector<16xi32>
        %swap3A_88 = arith.constant 32 : index
        %swap3A_89 = tpu.vector_load %arg10[%swap3A_88] {strides = array<i32>} : memref<128xi32, #tpu.memory_space<vmem>>, vector<16xi32>,
        %swap3A_90 = vector.shape_cast %swap3A_89 : vector<16xi32> to vector<16xi32>
        %swap3A_91 = vector.shape_cast %select_n3A_87 : vector<16xi32> to vector<16xi32>
        tpu.vector_store %arg10[%swap3A_88], %swap3A_91 {strides = array<i32>} : memref<128xi32, #tpu.memory_space<vmem>>, vector<16xi32>,
        %get3A_92 = arith.constant 48 : index
        %get3A_93 = tpu.vector_load %arg9[%get3A_92] {strides = array<i32>} : memref<128xi32, #tpu.memory_space<vmem>>, vector<16xi32>,
        %get3A_94 = vector.shape_cast %get3A_93 : vector<16xi32> to vector<16xi32>
        %sub3A_95 = vector.broadcast %mul3A_7 : i32 to vector<16xi32>
        %sub3A_96 = arith.subi %get3A_94, %sub3A_95 : vector<16xi32>
        %ge3A_97 = arith.constant 0 : i32
        %ge3A_98 = vector.broadcast %ge3A_97 : i32 to vector<16xi32>
        %ge3A_99 = arith.cmpi sge, %sub3A_96, %ge3A_98 : vector<16xi32>
        %lt3A_100 = arith.constant 5000 : i32
        %lt3A_101 = vector.broadcast %lt3A_100 : i32 to vector<16xi32>
        %lt3A_102 = arith.cmpi slt, %sub3A_96, %lt3A_101 : vector<16xi32>
        %and3A_103 = arith.andi %ge3A_99, %lt3A_102 : vector<16xi1>
        %jit3A_104 = arith.constant 5000 : i32
        %broadcast_in_dim3A_105 = vector.broadcast %jit3A_104 : i32 to vector<16xi32>
        %select_n3A_106 = arith.select %and3A_103, %sub3A_96, %broadcast_in_dim3A_105 : vector<16xi1>, vector<16xi32>
        %swap3A_107 = arith.constant 48 : index
        %swap3A_108 = tpu.vector_load %arg10[%swap3A_107] {strides = array<i32>} : memref<128xi32, #tpu.memory_space<vmem>>, vector<16xi32>,
        %swap3A_109 = vector.shape_cast %swap3A_108 : vector<16xi32> to vector<16xi32>
        %swap3A_110 = vector.shape_cast %select_n3A_106 : vector<16xi32> to vector<16xi32>
        tpu.vector_store %arg10[%swap3A_107], %swap3A_110 {strides = array<i32>} : memref<128xi32, #tpu.memory_space<vmem>>, vector<16xi32>,
        %get3A_111 = arith.constant 64 : index
        %get3A_112 = tpu.vector_load %arg9[%get3A_111] {strides = array<i32>} : memref<128xi32, #tpu.memory_space<vmem>>, vector<16xi32>,
        %get3A_113 = vector.shape_cast %get3A_112 : vector<16xi32> to vector<16xi32>
        %sub3A_114 = vector.broadcast %mul3A_7 : i32 to vector<16xi32>
        %sub3A_115 = arith.subi %get3A_113, %sub3A_114 : vector<16xi32>
        %ge3A_116 = arith.constant 0 : i32
        %ge3A_117 = vector.broadcast %ge3A_116 : i32 to vector<16xi32>
        %ge3A_118 = arith.cmpi sge, %sub3A_115, %ge3A_117 : vector<16xi32>
        %lt3A_119 = arith.constant 5000 : i32
        %lt3A_120 = vector.broadcast %lt3A_119 : i32 to vector<16xi32>
        %lt3A_121 = arith.cmpi slt, %sub3A_115, %lt3A_120 : vector<16xi32>
        %and3A_122 = arith.andi %ge3A_118, %lt3A_121 : vector<16xi1>
        %jit3A_123 = arith.constant 5000 : i32
        %broadcast_in_dim3A_124 = vector.broadcast %jit3A_123 : i32 to vector<16xi32>
        %select_n3A_125 = arith.select %and3A_122, %sub3A_115, %broadcast_in_dim3A_124 : vector<16xi1>, vector<16xi32>
        %swap3A_126 = arith.constant 64 : index
        %swap3A_127 = tpu.vector_load %arg10[%swap3A_126] {strides = array<i32>} : memref<128xi32, #tpu.memory_space<vmem>>, vector<16xi32>,
        %swap3A_128 = vector.shape_cast %swap3A_127 : vector<16xi32> to vector<16xi32>
        %swap3A_129 = vector.shape_cast %select_n3A_125 : vector<16xi32> to vector<16xi32>
        tpu.vector_store %arg10[%swap3A_126], %swap3A_129 {strides = array<i32>} : memref<128xi32, #tpu.memory_space<vmem>>, vector<16xi32>,
        %get3A_130 = arith.constant 80 : index
        %get3A_131 = tpu.vector_load %arg9[%get3A_130] {strides = array<i32>} : memref<128xi32, #tpu.memory_space<vmem>>, vector<16xi32>,
        %get3A_132 = vector.shape_cast %get3A_131 : vector<16xi32> to vector<16xi32>
        %sub3A_133 = vector.broadcast %mul3A_7 : i32 to vector<16xi32>
        %sub3A_134 = arith.subi %get3A_132, %sub3A_133 : vector<16xi32>
        %ge3A_135 = arith.constant 0 : i32
        %ge3A_136 = vector.broadcast %ge3A_135 : i32 to vector<16xi32>
        %ge3A_137 = arith.cmpi sge, %sub3A_134, %ge3A_136 : vector<16xi32>
        %lt3A_138 = arith.constant 5000 : i32
        %lt3A_139 = vector.broadcast %lt3A_138 : i32 to vector<16xi32>
        %lt3A_140 = arith.cmpi slt, %sub3A_134, %lt3A_139 : vector<16xi32>
        %and3A_141 = arith.andi %ge3A_137, %lt3A_140 : vector<16xi1>
        %jit3A_142 = arith.constant 5000 : i32
        %broadcast_in_dim3A_143 = vector.broadcast %jit3A_142 : i32 to vector<16xi32>
        %select_n3A_144 = arith.select %and3A_141, %sub3A_134, %broadcast_in_dim3A_143 : vector<16xi1>, vector<16xi32>
        %swap3A_145 = arith.constant 80 : index
        %swap3A_146 = tpu.vector_load %arg10[%swap3A_145] {strides = array<i32>} : memref<128xi32, #tpu.memory_space<vmem>>, vector<16xi32>,
        %swap3A_147 = vector.shape_cast %swap3A_146 : vector<16xi32> to vector<16xi32>
        %swap3A_148 = vector.shape_cast %select_n3A_144 : vector<16xi32> to vector<16xi32>
        tpu.vector_store %arg10[%swap3A_145], %swap3A_148 {strides = array<i32>} : memref<128xi32, #tpu.memory_space<vmem>>, vector<16xi32>,
        %get3A_149 = arith.constant 96 : index
        %get3A_150 = tpu.vector_load %arg9[%get3A_149] {strides = array<i32>} : memref<128xi32, #tpu.memory_space<vmem>>, vector<16xi32>,
        %get3A_151 = vector.shape_cast %get3A_150 : vector<16xi32> to vector<16xi32>
        %sub3A_152 = vector.broadcast %mul3A_7 : i32 to vector<16xi32>
        %sub3A_153 = arith.subi %get3A_151, %sub3A_152 : vector<16xi32>
        %ge3A_154 = arith.constant 0 : i32
        %ge3A_155 = vector.broadcast %ge3A_154 : i32 to vector<16xi32>
        %ge3A_156 = arith.cmpi sge, %sub3A_153, %ge3A_155 : vector<16xi32>
        %lt3A_157 = arith.constant 5000 : i32
        %lt3A_158 = vector.broadcast %lt3A_157 : i32 to vector<16xi32>
        %lt3A_159 = arith.cmpi slt, %sub3A_153, %lt3A_158 : vector<16xi32>
        %and3A_160 = arith.andi %ge3A_156, %lt3A_159 : vector<16xi1>
        %jit3A_161 = arith.constant 5000 : i32
        %broadcast_in_dim3A_162 = vector.broadcast %jit3A_161 : i32 to vector<16xi32>
        %select_n3A_163 = arith.select %and3A_160, %sub3A_153, %broadcast_in_dim3A_162 : vector<16xi1>, vector<16xi32>
        %swap3A_164 = arith.constant 96 : index
        %swap3A_165 = tpu.vector_load %arg10[%swap3A_164] {strides = array<i32>} : memref<128xi32, #tpu.memory_space<vmem>>, vector<16xi32>,
        %swap3A_166 = vector.shape_cast %swap3A_165 : vector<16xi32> to vector<16xi32>
        %swap3A_167 = vector.shape_cast %select_n3A_163 : vector<16xi32> to vector<16xi32>
        tpu.vector_store %arg10[%swap3A_164], %swap3A_167 {strides = array<i32>} : memref<128xi32, #tpu.memory_space<vmem>>, vector<16xi32>,
        %get3A_168 = arith.constant 112 : index
        %get3A_169 = tpu.vector_load %arg9[%get3A_168] {strides = array<i32>} : memref<128xi32, #tpu.memory_space<vmem>>, vector<16xi32>,
        %get3A_170 = vector.shape_cast %get3A_169 : vector<16xi32> to vector<16xi32>
        %sub3A_171 = vector.broadcast %mul3A_7 : i32 to vector<16xi32>
        %sub3A_172 = arith.subi %get3A_170, %sub3A_171 : vector<16xi32>
        %ge3A_173 = arith.constant 0 : i32
        %ge3A_174 = vector.broadcast %ge3A_173 : i32 to vector<16xi32>
        %ge3A_175 = arith.cmpi sge, %sub3A_172, %ge3A_174 : vector<16xi32>
        %lt3A_176 = arith.constant 5000 : i32
        %lt3A_177 = vector.broadcast %lt3A_176 : i32 to vector<16xi32>
        %lt3A_178 = arith.cmpi slt, %sub3A_172, %lt3A_177 : vector<16xi32>
        %and3A_179 = arith.andi %ge3A_175, %lt3A_178 : vector<16xi1>
        %jit3A_180 = arith.constant 5000 : i32
        %broadcast_in_dim3A_181 = vector.broadcast %jit3A_180 : i32 to vector<16xi32>
        %select_n3A_182 = arith.select %and3A_179, %sub3A_172, %broadcast_in_dim3A_181 : vector<16xi1>, vector<16xi32>
        %swap3A_183 = arith.constant 112 : index
        %swap3A_184 = tpu.vector_load %arg10[%swap3A_183] {strides = array<i32>} : memref<128xi32, #tpu.memory_space<vmem>>, vector<16xi32>,
        %swap3A_185 = vector.shape_cast %swap3A_184 : vector<16xi32> to vector<16xi32>
        %swap3A_186 = vector.shape_cast %select_n3A_182 : vector<16xi32> to vector<16xi32>
        tpu.vector_store %arg10[%swap3A_183], %swap3A_186 {strides = array<i32>} : memref<128xi32, #tpu.memory_space<vmem>>, vector<16xi32>,
        "tpu.region"() ({
          %run_scoped3A_187 = tpu.sem_alloc : memref<!tpu.dma_semaphore, #tpu.memory_space<semaphore_mem>>
          %dma_start3A = arith.constant 0 : i32
          %dma_start3A_188 = tpu.memref_slice %arg4[%mul3A_42, %dma_start3A] : memref<160000x128xf32, #tpu.memory_space<hbm>> -> memref<128x128xf32, #tpu.memory_space<hbm>>
          %dma_start3A_189 = arith.constant 0 : i32
          %dma_start3A_190 = tpu.memref_slice %arg4[%mul3A_42, %dma_start3A_189] : memref<160000x128xf32, #tpu.memory_space<hbm>> -> memref<128x128xf32, #tpu.memory_space<hbm>>
          tpu.enqueue_dma source(%dma_start3A_190 : memref<128x128xf32, #tpu.memory_space<hbm>>) target(%arg11 : memref<128x128xf32, #tpu.memory_space<vmem>>) target_semaphore(%run_scoped3A_187 : memref<!tpu.dma_semaphore, #tpu.memory_space<semaphore_mem>>)
          %dma_wait3A = arith.constant 0 : i32
          %dma_wait3A_191 = tpu.memref_slice %arg4[%mul3A_42, %dma_wait3A] : memref<160000x128xf32, #tpu.memory_space<hbm>> -> memref<128x128xf32, #tpu.memory_space<hbm>>
          %dma_wait3A_192 = arith.constant 0 : i32
          %dma_wait3A_193 = tpu.memref_slice %arg4[%mul3A_42, %dma_wait3A_192] : memref<160000x128xf32, #tpu.memory_space<hbm>> -> memref<128x128xf32, #tpu.memory_space<hbm>>
          tpu.wait_dma2 semaphore(%run_scoped3A_187 : memref<!tpu.dma_semaphore, #tpu.memory_space<semaphore_mem>>) src(%dma_wait3A_193 : memref<128x128xf32, #tpu.memory_space<hbm>>) dst(%arg11 : memref<128x128xf32, #tpu.memory_space<vmem>>)
          tpu.yield
        }) : () -> ()
        "tpu.region"() ({
          %run_scoped3A_187 = tpu.sem_alloc : memref<!tpu.dma_semaphore, #tpu.memory_space<semaphore_mem>>
          %dma_start3A = arith.constant 0 : i32
          %dma_start3A_188 = arith.constant 0 : i32
          %dma_start3A_189 = tpu.memref_slice %arg12[%dma_start3A, %dma_start3A_188] : memref<10000x128xf32, #tpu.memory_space<vmem_shared>> -> memref<10000x128xf32, #tpu.memory_space<vmem_shared>>
          tpu.enqueue_indirect_dma source(%arg11 : memref<128x128xf32, #tpu.memory_space<vmem>>) target(%dma_start3A_189 : memref<10000x128xf32, #tpu.memory_space<vmem_shared>>) offsets(%arg10 : memref<128xi32, #tpu.memory_space<vmem>>) semaphore(%run_scoped3A_187 : memref<!tpu.dma_semaphore, #tpu.memory_space<semaphore_mem>>) {add = true}
          %dma_wait3A = arith.constant 0 : i32
          %dma_wait3A_190 = arith.constant 0 : i32
          %dma_wait3A_191 = tpu.memref_slice %arg12[%dma_wait3A, %dma_wait3A_190] : memref<10000x128xf32, #tpu.memory_space<vmem_shared>> -> memref<10000x128xf32, #tpu.memory_space<vmem_shared>>
          tpu.wait_indirect_dma semaphore(%run_scoped3A_187 : memref<!tpu.dma_semaphore, #tpu.memory_space<semaphore_mem>>) src(%arg11 : memref<128x128xf32, #tpu.memory_space<vmem>>) dst(%dma_wait3A_191 : memref<10000x128xf32, #tpu.memory_space<vmem_shared>>)
          tpu.yield
        }) : () -> ()
      } else {
      }
      %barrier3A_38 = arith.constant 0 : index
      tpu.barrier barrier_id(%barrier3A_38)
      %run_scoped3A_39 = arith.constant 1 : i32
      "tpu.region"() ({
        %run_scoped3A_40 = tpu.sem_alloc : memref<!tpu.dma_semaphore, #tpu.memory_space<semaphore_mem>>
        %dma_start3A = arith.constant 0 : i32
        %dma_start3A_41 = tpu.memref_slice %arg8[%run_scoped3A_39, %min3A_5, %dma_start3A] : memref<2x5008x128xf32, #tpu.memory_space<hbm>> -> memref<1x320x128xf32, #tpu.memory_space<hbm>>
        %dma_start3A_42 = tpu.memref_squeeze %dma_start3A_41 : memref<1x320x128xf32, #tpu.memory_space<hbm>> -> memref<320x128xf32, #tpu.memory_space<hbm>>
        %dma_start3A_43 = arith.constant 0 : i32
        %dma_start3A_44 = tpu.memref_slice %arg12[%min3A_5, %dma_start3A_43] : memref<10000x128xf32, #tpu.memory_space<vmem_shared>> -> memref<320x128xf32, #tpu.memory_space<vmem_shared>>
        tpu.enqueue_dma source(%dma_start3A_44 : memref<320x128xf32, #tpu.memory_space<vmem_shared>>) target(%dma_start3A_42 : memref<320x128xf32, #tpu.memory_space<hbm>>) target_semaphore(%run_scoped3A_40 : memref<!tpu.dma_semaphore, #tpu.memory_space<semaphore_mem>>)
        %dma_wait3A = arith.constant 0 : i32
        %dma_wait3A_45 = tpu.memref_slice %arg8[%run_scoped3A_39, %min3A_5, %dma_wait3A] : memref<2x5008x128xf32, #tpu.memory_space<hbm>> -> memref<1x320x128xf32, #tpu.memory_space<hbm>>
        %dma_wait3A_46 = tpu.memref_squeeze %dma_wait3A_45 : memref<1x320x128xf32, #tpu.memory_space<hbm>> -> memref<320x128xf32, #tpu.memory_space<hbm>>
        %dma_wait3A_47 = arith.constant 0 : i32
        %dma_wait3A_48 = tpu.memref_slice %arg12[%min3A_5, %dma_wait3A_47] : memref<10000x128xf32, #tpu.memory_space<vmem_shared>> -> memref<320x128xf32, #tpu.memory_space<vmem_shared>>
        tpu.wait_dma2 semaphore(%run_scoped3A_40 : memref<!tpu.dma_semaphore, #tpu.memory_space<semaphore_mem>>) src(%dma_wait3A_48 : memref<320x128xf32, #tpu.memory_space<vmem_shared>>) dst(%dma_wait3A_46 : memref<320x128xf32, #tpu.memory_space<hbm>>)
        tpu.yield
      }) : () -> ()
    } else {
    }
    return
  }
}

module attributes {stable_mosaic.version = 14 : i64} {
  func.func @_enc_body(%arg0: i32, %arg1: memref<1000x256xf32, #tpu.memory_space<vmem>>, %arg2: memref<256x512xf32, #tpu.memory_space<vmem>>, %arg3: memref<1x512xf32, #tpu.memory_space<vmem>>, %arg4: memref<1x512xf32, #tpu.memory_space<vmem>>, %arg5: memref<1x512xf32, #tpu.memory_space<vmem>>, %arg6: memref<512x256xf32, #tpu.memory_space<vmem>>, %arg7: memref<1x256xf32, #tpu.memory_space<vmem>>, %arg8: memref<1000x256xf32, #tpu.memory_space<vmem>>) attributes {dimension_semantics = [#tpu.dimension_semantics<arbitrary>], iteration_bounds = array<i64: 10>, scalar_prefetch = 0 : i64, scratch_operands = 0 : i64, tpu.core_type = #tpu.core_type<tc>, window_params = [{transform_indices = @transform_0, window_bounds = array<i64: 1000, 256>}, {pipeline_mode = #tpu.pipeline_mode<synchronous>, transform_indices = @transform_1, window_bounds = array<i64: 256, 512>}, {pipeline_mode = #tpu.pipeline_mode<synchronous>, transform_indices = @transform_2, window_bounds = array<i64: 1, 512>}, {pipeline_mode = #tpu.pipeline_mode<synchronous>, transform_indices = @transform_3, window_bounds = array<i64: 1, 512>}, {pipeline_mode = #tpu.pipeline_mode<synchronous>, transform_indices = @transform_4, window_bounds = array<i64: 1, 512>}, {pipeline_mode = #tpu.pipeline_mode<synchronous>, transform_indices = @transform_5, window_bounds = array<i64: 512, 256>}, {pipeline_mode = #tpu.pipeline_mode<synchronous>, transform_indices = @transform_6, window_bounds = array<i64: 1, 256>}, {transform_indices = @transform_7, window_bounds = array<i64: 1000, 256>}]} {
    %get3A = arith.constant 0 : index
    %get3A_0 = arith.constant 0 : index
    %get3A_1 = vector.load %arg1[%get3A, %get3A_0] : memref<1000x256xf32, #tpu.memory_space<vmem>>, vector<1000x256xf32>
    %get3A_2 = arith.constant 0 : index
    %get3A_3 = arith.constant 0 : index
    %get3A_4 = vector.load %arg2[%get3A_2, %get3A_3] : memref<256x512xf32, #tpu.memory_space<vmem>>, vector<256x512xf32>
    %dot_general3A = arith.constant dense<0.000000e+00> : vector<1000x512xf32>
    %dot_general3A_5 = tpu.matmul %get3A_1, %get3A_4, %dot_general3A {dimension_numbers = #tpu.dot_dimension_numbers<[1], [0], [0], [1], [0, 0, 1, 1], [], []>, transpose_lhs_hint = false} : vector<1000x256xf32>, vector<256x512xf32>, vector<1000x512xf32> -> vector<1000x512xf32>
    %get3A_6 = arith.constant 0 : index
    %get3A_7 = arith.constant 0 : index
    %get3A_8 = vector.load %arg3[%get3A_6, %get3A_7] : memref<1x512xf32, #tpu.memory_space<vmem>>, vector<1x512xf32>
    %add3A = vector.broadcast %get3A_8 : vector<1x512xf32> to vector<1000x512xf32>
    %add3A_9 = arith.addf %dot_general3A_5, %add3A : vector<1000x512xf32>
    %reduce_sum3A = arith.constant dense<0.000000e+00> : vector<1000xf32>
    %reduce_sum3A_10 = vector.multi_reduction <add>, %add3A_9, %reduce_sum3A [1] : vector<1000x512xf32> to vector<1000xf32>
    %broadcast_in_dim3A = vector.shape_cast %reduce_sum3A_10 : vector<1000xf32> to vector<1000x1xf32>
    %div3A = arith.constant 5.120000e+02 : f32
    %div3A_11 = vector.broadcast %div3A : f32 to vector<1000x1xf32>
    %div3A_12 = arith.divf %broadcast_in_dim3A, %div3A_11 : vector<1000x1xf32>
    %sub3A = vector.broadcast %div3A_12 : vector<1000x1xf32> to vector<1000x512xf32>
    %sub3A_13 = arith.subf %add3A_9, %sub3A : vector<1000x512xf32>
    %sub3A_14 = vector.broadcast %div3A_12 : vector<1000x1xf32> to vector<1000x512xf32>
    %sub3A_15 = arith.subf %add3A_9, %sub3A_14 : vector<1000x512xf32>
    %mul3A = arith.mulf %sub3A_13, %sub3A_15 : vector<1000x512xf32>
    %reduce_sum3A_16 = arith.constant dense<0.000000e+00> : vector<1000xf32>
    %reduce_sum3A_17 = vector.multi_reduction <add>, %mul3A, %reduce_sum3A_16 [1] : vector<1000x512xf32> to vector<1000xf32>
    %broadcast_in_dim3A_18 = vector.shape_cast %reduce_sum3A_17 : vector<1000xf32> to vector<1000x1xf32>
    %div3A_19 = arith.constant 5.120000e+02 : f32
    %div3A_20 = vector.broadcast %div3A_19 : f32 to vector<1000x1xf32>
    %div3A_21 = arith.divf %broadcast_in_dim3A_18, %div3A_20 : vector<1000x1xf32>
    %sub3A_22 = vector.broadcast %div3A_12 : vector<1000x1xf32> to vector<1000x512xf32>
    %sub3A_23 = arith.subf %add3A_9, %sub3A_22 : vector<1000x512xf32>
    %add3A_24 = arith.constant 9.99999974E-6 : f32
    %add3A_25 = vector.broadcast %add3A_24 : f32 to vector<1000x1xf32>
    %add3A_26 = arith.addf %div3A_21, %add3A_25 : vector<1000x1xf32>
    %rsqrt3A = math.rsqrt %add3A_26 : vector<1000x1xf32>
    %mul3A_27 = vector.broadcast %rsqrt3A : vector<1000x1xf32> to vector<1000x512xf32>
    %mul3A_28 = arith.mulf %sub3A_23, %mul3A_27 : vector<1000x512xf32>
    %get3A_29 = arith.constant 0 : index
    %get3A_30 = arith.constant 0 : index
    %get3A_31 = vector.load %arg4[%get3A_29, %get3A_30] : memref<1x512xf32, #tpu.memory_space<vmem>>, vector<1x512xf32>
    %mul3A_32 = vector.broadcast %get3A_31 : vector<1x512xf32> to vector<1000x512xf32>
    %mul3A_33 = arith.mulf %mul3A_28, %mul3A_32 : vector<1000x512xf32>
    %get3A_34 = arith.constant 0 : index
    %get3A_35 = arith.constant 0 : index
    %get3A_36 = vector.load %arg5[%get3A_34, %get3A_35] : memref<1x512xf32, #tpu.memory_space<vmem>>, vector<1x512xf32>
    %add3A_37 = vector.broadcast %get3A_36 : vector<1x512xf32> to vector<1000x512xf32>
    %add3A_38 = arith.addf %mul3A_33, %add3A_37 : vector<1000x512xf32>
    %max3A = arith.constant 0.000000e+00 : f32
    %max3A_39 = vector.broadcast %max3A : f32 to vector<1000x512xf32>
    %max3A_40 = arith.maximumf %add3A_38, %max3A_39 : vector<1000x512xf32>
    %get3A_41 = arith.constant 0 : index
    %get3A_42 = arith.constant 0 : index
    %get3A_43 = vector.load %arg6[%get3A_41, %get3A_42] : memref<512x256xf32, #tpu.memory_space<vmem>>, vector<512x256xf32>
    %dot_general3A_44 = arith.constant dense<0.000000e+00> : vector<1000x256xf32>
    %dot_general3A_45 = tpu.matmul %max3A_40, %get3A_43, %dot_general3A_44 {dimension_numbers = #tpu.dot_dimension_numbers<[1], [0], [0], [1], [0, 0, 1, 1], [], []>, transpose_lhs_hint = false} : vector<1000x512xf32>, vector<512x256xf32>, vector<1000x256xf32> -> vector<1000x256xf32>
    %get3A_46 = arith.constant 0 : index
    %get3A_47 = arith.constant 0 : index
    %get3A_48 = vector.load %arg7[%get3A_46, %get3A_47] : memref<1x256xf32, #tpu.memory_space<vmem>>, vector<1x256xf32>
    %add3A_49 = vector.broadcast %get3A_48 : vector<1x256xf32> to vector<1000x256xf32>
    %add3A_50 = arith.addf %dot_general3A_45, %add3A_49 : vector<1000x256xf32>
    %max3A_51 = arith.constant 0.000000e+00 : f32
    %max3A_52 = vector.broadcast %max3A_51 : f32 to vector<1000x256xf32>
    %max3A_53 = arith.maximumf %add3A_50, %max3A_52 : vector<1000x256xf32>
    %swap3A = arith.constant 0 : index
    %swap3A_54 = arith.constant 0 : index
    %swap3A_55 = vector.load %arg8[%swap3A, %swap3A_54] : memref<1000x256xf32, #tpu.memory_space<vmem>>, vector<1000x256xf32>
    tpu.vector_store %arg8[%swap3A, %swap3A_54], %max3A_53 {strides = array<i32>} : memref<1000x256xf32, #tpu.memory_space<vmem>>, vector<1000x256xf32>,
    return
  }
  func.func @transform_0(%arg0: i32) -> (i32, i32) {
    %c0_i32 = arith.constant 0 : i32
    %c0_i32_0 = arith.constant 0 : i32
    return %arg0, %c0_i32 : i32, i32
  }
  func.func @transform_1(%arg0: i32) -> (i32, i32) {
    %c0_i32 = arith.constant 0 : i32
    %c0_i32_0 = arith.constant 0 : i32
    %c0_i32_1 = arith.constant 0 : i32
    return %c0_i32, %c0_i32_0 : i32, i32
  }
  func.func @transform_2(%arg0: i32) -> (i32, i32) {
    %c0_i32 = arith.constant 0 : i32
    %c0_i32_0 = arith.constant 0 : i32
    %c0_i32_1 = arith.constant 0 : i32
    return %c0_i32, %c0_i32_0 : i32, i32
  }
  func.func @transform_3(%arg0: i32) -> (i32, i32) {
    %c0_i32 = arith.constant 0 : i32
    %c0_i32_0 = arith.constant 0 : i32
    %c0_i32_1 = arith.constant 0 : i32
    return %c0_i32, %c0_i32_0 : i32, i32
  }
  func.func @transform_4(%arg0: i32) -> (i32, i32) {
    %c0_i32 = arith.constant 0 : i32
    %c0_i32_0 = arith.constant 0 : i32
    %c0_i32_1 = arith.constant 0 : i32
    return %c0_i32, %c0_i32_0 : i32, i32
  }
  func.func @transform_5(%arg0: i32) -> (i32, i32) {
    %c0_i32 = arith.constant 0 : i32
    %c0_i32_0 = arith.constant 0 : i32
    %c0_i32_1 = arith.constant 0 : i32
    return %c0_i32, %c0_i32_0 : i32, i32
  }
  func.func @transform_6(%arg0: i32) -> (i32, i32) {
    %c0_i32 = arith.constant 0 : i32
    %c0_i32_0 = arith.constant 0 : i32
    %c0_i32_1 = arith.constant 0 : i32
    return %c0_i32, %c0_i32_0 : i32, i32
  }
  func.func @transform_7(%arg0: i32) -> (i32, i32) {
    %c0_i32 = arith.constant 0 : i32
    %c0_i32_0 = arith.constant 0 : i32
    return %arg0, %c0_i32 : i32, i32
  }
}

module attributes {stable_mosaic.version = 14 : i64} {
  func.func @_proj_body(%arg0: i32, %arg1: memref<1000x256xf32, #tpu.memory_space<vmem>>, %arg2: memref<256x256xf32, #tpu.memory_space<vmem>>, %arg3: memref<1x256xf32, #tpu.memory_space<vmem>>, %arg4: memref<256x256xf32, #tpu.memory_space<vmem>>, %arg5: memref<1x256xf32, #tpu.memory_space<vmem>>, %arg6: memref<1000x256xf32, #tpu.memory_space<vmem>>, %arg7: memref<1000x256xf32, #tpu.memory_space<vmem>>) attributes {dimension_semantics = [#tpu.dimension_semantics<arbitrary>], iteration_bounds = array<i64: 10>, scalar_prefetch = 0 : i64, scratch_operands = 0 : i64, tpu.core_type = #tpu.core_type<tc>, window_params = [{transform_indices = @transform_0, window_bounds = array<i64: 1000, 256>}, {pipeline_mode = #tpu.pipeline_mode<synchronous>, transform_indices = @transform_1, window_bounds = array<i64: 256, 256>}, {pipeline_mode = #tpu.pipeline_mode<synchronous>, transform_indices = @transform_2, window_bounds = array<i64: 1, 256>}, {pipeline_mode = #tpu.pipeline_mode<synchronous>, transform_indices = @transform_3, window_bounds = array<i64: 256, 256>}, {pipeline_mode = #tpu.pipeline_mode<synchronous>, transform_indices = @transform_4, window_bounds = array<i64: 1, 256>}, {transform_indices = @transform_5, window_bounds = array<i64: 1000, 256>}, {transform_indices = @transform_6, window_bounds = array<i64: 1000, 256>}]} {
    %get3A = arith.constant 0 : index
    %get3A_0 = arith.constant 0 : index
    %get3A_1 = vector.load %arg1[%get3A, %get3A_0] : memref<1000x256xf32, #tpu.memory_space<vmem>>, vector<1000x256xf32>
    %get3A_2 = arith.constant 0 : index
    %get3A_3 = arith.constant 0 : index
    %get3A_4 = vector.load %arg2[%get3A_2, %get3A_3] : memref<256x256xf32, #tpu.memory_space<vmem>>, vector<256x256xf32>
    %dot_general3A = arith.constant dense<0.000000e+00> : vector<1000x256xf32>
    %dot_general3A_5 = tpu.matmul %get3A_1, %get3A_4, %dot_general3A {dimension_numbers = #tpu.dot_dimension_numbers<[1], [0], [0], [1], [0, 0, 1, 1], [], []>, transpose_lhs_hint = false} : vector<1000x256xf32>, vector<256x256xf32>, vector<1000x256xf32> -> vector<1000x256xf32>
    %get3A_6 = arith.constant 0 : index
    %get3A_7 = arith.constant 0 : index
    %get3A_8 = vector.load %arg3[%get3A_6, %get3A_7] : memref<1x256xf32, #tpu.memory_space<vmem>>, vector<1x256xf32>
    %add3A = vector.broadcast %get3A_8 : vector<1x256xf32> to vector<1000x256xf32>
    %add3A_9 = arith.addf %dot_general3A_5, %add3A : vector<1000x256xf32>
    %swap3A = arith.constant 0 : index
    %swap3A_10 = arith.constant 0 : index
    %swap3A_11 = vector.load %arg6[%swap3A, %swap3A_10] : memref<1000x256xf32, #tpu.memory_space<vmem>>, vector<1000x256xf32>
    tpu.vector_store %arg6[%swap3A, %swap3A_10], %add3A_9 {strides = array<i32>} : memref<1000x256xf32, #tpu.memory_space<vmem>>, vector<1000x256xf32>,
    %get3A_12 = arith.constant 0 : index
    %get3A_13 = arith.constant 0 : index
    %get3A_14 = vector.load %arg4[%get3A_12, %get3A_13] : memref<256x256xf32, #tpu.memory_space<vmem>>, vector<256x256xf32>
    %dot_general3A_15 = arith.constant dense<0.000000e+00> : vector<1000x256xf32>
    %dot_general3A_16 = tpu.matmul %get3A_1, %get3A_14, %dot_general3A_15 {dimension_numbers = #tpu.dot_dimension_numbers<[1], [0], [0], [1], [0, 0, 1, 1], [], []>, transpose_lhs_hint = false} : vector<1000x256xf32>, vector<256x256xf32>, vector<1000x256xf32> -> vector<1000x256xf32>
    %get3A_17 = arith.constant 0 : index
    %get3A_18 = arith.constant 0 : index
    %get3A_19 = vector.load %arg5[%get3A_17, %get3A_18] : memref<1x256xf32, #tpu.memory_space<vmem>>, vector<1x256xf32>
    %add3A_20 = vector.broadcast %get3A_19 : vector<1x256xf32> to vector<1000x256xf32>
    %add3A_21 = arith.addf %dot_general3A_16, %add3A_20 : vector<1000x256xf32>
    %swap3A_22 = arith.constant 0 : index
    %swap3A_23 = arith.constant 0 : index
    %swap3A_24 = vector.load %arg7[%swap3A_22, %swap3A_23] : memref<1000x256xf32, #tpu.memory_space<vmem>>, vector<1000x256xf32>
    tpu.vector_store %arg7[%swap3A_22, %swap3A_23], %add3A_21 {strides = array<i32>} : memref<1000x256xf32, #tpu.memory_space<vmem>>, vector<1000x256xf32>,
    return
  }
  func.func @transform_0(%arg0: i32) -> (i32, i32) {
    %c0_i32 = arith.constant 0 : i32
    %c0_i32_0 = arith.constant 0 : i32
    return %arg0, %c0_i32 : i32, i32
  }
  func.func @transform_1(%arg0: i32) -> (i32, i32) {
    %c0_i32 = arith.constant 0 : i32
    %c0_i32_0 = arith.constant 0 : i32
    %c0_i32_1 = arith.constant 0 : i32
    return %c0_i32, %c0_i32_0 : i32, i32
  }
  func.func @transform_2(%arg0: i32) -> (i32, i32) {
    %c0_i32 = arith.constant 0 : i32
    %c0_i32_0 = arith.constant 0 : i32
    %c0_i32_1 = arith.constant 0 : i32
    return %c0_i32, %c0_i32_0 : i32, i32
  }
  func.func @transform_3(%arg0: i32) -> (i32, i32) {
    %c0_i32 = arith.constant 0 : i32
    %c0_i32_0 = arith.constant 0 : i32
    %c0_i32_1 = arith.constant 0 : i32
    return %c0_i32, %c0_i32_0 : i32, i32
  }
  func.func @transform_4(%arg0: i32) -> (i32, i32) {
    %c0_i32 = arith.constant 0 : i32
    %c0_i32_0 = arith.constant 0 : i32
    %c0_i32_1 = arith.constant 0 : i32
    return %c0_i32, %c0_i32_0 : i32, i32
  }
  func.func @transform_5(%arg0: i32) -> (i32, i32) {
    %c0_i32 = arith.constant 0 : i32
    %c0_i32_0 = arith.constant 0 : i32
    return %arg0, %c0_i32 : i32, i32
  }
  func.func @transform_6(%arg0: i32) -> (i32, i32) {
    %c0_i32 = arith.constant 0 : i32
    %c0_i32_0 = arith.constant 0 : i32
    return %arg0, %c0_i32 : i32, i32
  }
}

module attributes {stable_mosaic.version = 14 : i64} {
  func.func @_edge_body(%arg0: i32, %arg1: memref<2000x256xf32, #tpu.memory_space<vmem>>, %arg2: memref<2000x256xf32, #tpu.memory_space<vmem>>, %arg3: memref<2000x1xf32, #tpu.memory_space<vmem>>, %arg4: memref<1x256xf32, #tpu.memory_space<vmem>>, %arg5: memref<1x256xf32, #tpu.memory_space<vmem>>, %arg6: memref<2000x128xf32, #tpu.memory_space<vmem>>, %arg7: memref<2000x128xf32, #tpu.memory_space<vmem>>, %arg8: memref<2000x128xf32, #tpu.memory_space<vmem>>) attributes {dimension_semantics = [#tpu.dimension_semantics<arbitrary>], iteration_bounds = array<i64: 80>, scalar_prefetch = 0 : i64, scratch_operands = 0 : i64, tpu.core_type = #tpu.core_type<tc>, window_params = [{transform_indices = @transform_0, window_bounds = array<i64: 2000, 256>}, {transform_indices = @transform_1, window_bounds = array<i64: 2000, 256>}, {transform_indices = @transform_2, window_bounds = array<i64: 2000, 1>}, {pipeline_mode = #tpu.pipeline_mode<synchronous>, transform_indices = @transform_3, window_bounds = array<i64: 1, 256>}, {pipeline_mode = #tpu.pipeline_mode<synchronous>, transform_indices = @transform_4, window_bounds = array<i64: 1, 256>}, {transform_indices = @transform_5, window_bounds = array<i64: 2000, 128>}, {transform_indices = @transform_6, window_bounds = array<i64: 2000, 128>}, {transform_indices = @transform_7, window_bounds = array<i64: 2000, 128>}]} {
    %get3A = arith.constant 0 : index
    %get3A_0 = arith.constant 0 : index
    %get3A_1 = vector.load %arg1[%get3A, %get3A_0] : memref<2000x256xf32, #tpu.memory_space<vmem>>, vector<2000x256xf32>
    %get3A_2 = arith.constant 0 : index
    %get3A_3 = arith.constant 0 : index
    %get3A_4 = vector.load %arg3[%get3A_2, %get3A_3] : memref<2000x1xf32, #tpu.memory_space<vmem>>, vector<2000x1xf32>
    %get3A_5 = arith.constant 0 : index
    %get3A_6 = arith.constant 0 : index
    %get3A_7 = vector.load %arg2[%get3A_5, %get3A_6] : memref<2000x256xf32, #tpu.memory_space<vmem>>, vector<2000x256xf32>
    %add3A = arith.addf %get3A_1, %get3A_7 : vector<2000x256xf32>
    %get3A_8 = arith.constant 0 : index
    %get3A_9 = arith.constant 0 : index
    %get3A_10 = vector.load %arg4[%get3A_8, %get3A_9] : memref<1x256xf32, #tpu.memory_space<vmem>>, vector<1x256xf32>
    %mul3A = vector.broadcast %get3A_4 : vector<2000x1xf32> to vector<2000x256xf32>
    %mul3A_11 = vector.broadcast %get3A_10 : vector<1x256xf32> to vector<2000x256xf32>
    %mul3A_12 = arith.mulf %mul3A, %mul3A_11 : vector<2000x256xf32>
    %add3A_13 = arith.addf %add3A, %mul3A_12 : vector<2000x256xf32>
    %gt3A = arith.constant 0.000000e+00 : f32
    %gt3A_14 = vector.broadcast %gt3A : f32 to vector<2000x256xf32>
    %gt3A_15 = arith.cmpf ogt, %add3A_13, %gt3A_14 : vector<2000x256xf32>
    %mul3A_16 = arith.constant 2.000000e-01 : f32
    %mul3A_17 = vector.broadcast %mul3A_16 : f32 to vector<2000x256xf32>
    %mul3A_18 = arith.mulf %mul3A_17, %add3A_13 : vector<2000x256xf32>
    %select_n3A = arith.select %gt3A_15, %add3A_13, %mul3A_18 : vector<2000x256xi1>, vector<2000x256xf32>
    %get3A_19 = arith.constant 0 : index
    %get3A_20 = arith.constant 0 : index
    %get3A_21 = vector.load %arg5[%get3A_19, %get3A_20] : memref<1x256xf32, #tpu.memory_space<vmem>>, vector<1x256xf32>
    %mul3A_22 = vector.broadcast %get3A_21 : vector<1x256xf32> to vector<2000x256xf32>
    %mul3A_23 = arith.mulf %select_n3A, %mul3A_22 : vector<2000x256xf32>
    %broadcast_in_dim3A = arith.constant 1.000000e+00 : f32
    %broadcast_in_dim3A_24 = vector.broadcast %broadcast_in_dim3A : f32 to vector<2000x1xf32>
    %broadcast_in_dim3A_25 = arith.constant 0.000000e+00 : f32
    %broadcast_in_dim3A_26 = vector.broadcast %broadcast_in_dim3A_25 : f32 to vector<2000x122xf32>
    %slice3A = vector.extract_strided_slice %mul3A_23 {offsets = [0, 0], sizes = [2000, 64], strides = [1, 1]} : vector<2000x256xf32> to vector<2000x64xf32>
    %reduce_sum3A = arith.constant dense<0.000000e+00> : vector<2000xf32>
    %reduce_sum3A_27 = vector.multi_reduction <add>, %slice3A, %reduce_sum3A [1] : vector<2000x64xf32> to vector<2000xf32>
    %broadcast_in_dim3A_28 = vector.shape_cast %reduce_sum3A_27 : vector<2000xf32> to vector<2000x1xf32>
    %exp3A = math.exp %broadcast_in_dim3A_28 : vector<2000x1xf32>
    %slice3A_29 = vector.extract_strided_slice %mul3A_23 {offsets = [0, 64], sizes = [2000, 64], strides = [1, 1]} : vector<2000x256xf32> to vector<2000x64xf32>
    %reduce_sum3A_30 = arith.constant dense<0.000000e+00> : vector<2000xf32>
    %reduce_sum3A_31 = vector.multi_reduction <add>, %slice3A_29, %reduce_sum3A_30 [1] : vector<2000x64xf32> to vector<2000xf32>
    %broadcast_in_dim3A_32 = vector.shape_cast %reduce_sum3A_31 : vector<2000xf32> to vector<2000x1xf32>
    %exp3A_33 = math.exp %broadcast_in_dim3A_32 : vector<2000x1xf32>
    %slice3A_34 = vector.extract_strided_slice %mul3A_23 {offsets = [0, 128], sizes = [2000, 64], strides = [1, 1]} : vector<2000x256xf32> to vector<2000x64xf32>
    %reduce_sum3A_35 = arith.constant dense<0.000000e+00> : vector<2000xf32>
    %reduce_sum3A_36 = vector.multi_reduction <add>, %slice3A_34, %reduce_sum3A_35 [1] : vector<2000x64xf32> to vector<2000xf32>
    %broadcast_in_dim3A_37 = vector.shape_cast %reduce_sum3A_36 : vector<2000xf32> to vector<2000x1xf32>
    %exp3A_38 = math.exp %broadcast_in_dim3A_37 : vector<2000x1xf32>
    %slice3A_39 = vector.extract_strided_slice %mul3A_23 {offsets = [0, 192], sizes = [2000, 64], strides = [1, 1]} : vector<2000x256xf32> to vector<2000x64xf32>
    %reduce_sum3A_40 = arith.constant dense<0.000000e+00> : vector<2000xf32>
    %reduce_sum3A_41 = vector.multi_reduction <add>, %slice3A_39, %reduce_sum3A_40 [1] : vector<2000x64xf32> to vector<2000xf32>
    %broadcast_in_dim3A_42 = vector.shape_cast %reduce_sum3A_41 : vector<2000xf32> to vector<2000x1xf32>
    %exp3A_43 = math.exp %broadcast_in_dim3A_42 : vector<2000x1xf32>
    %slice3A_44 = vector.extract_strided_slice %get3A_1 {offsets = [0, 0], sizes = [2000, 64], strides = [1, 1]} : vector<2000x256xf32> to vector<2000x64xf32>
    %mul3A_45 = vector.broadcast %exp3A : vector<2000x1xf32> to vector<2000x64xf32>
    %mul3A_46 = arith.mulf %slice3A_44, %mul3A_45 : vector<2000x64xf32>
    %slice3A_47 = vector.extract_strided_slice %get3A_1 {offsets = [0, 64], sizes = [2000, 64], strides = [1, 1]} : vector<2000x256xf32> to vector<2000x64xf32>
    %mul3A_48 = vector.broadcast %exp3A_33 : vector<2000x1xf32> to vector<2000x64xf32>
    %mul3A_49 = arith.mulf %slice3A_47, %mul3A_48 : vector<2000x64xf32>
    %concatenate3A = tpu.concatenate %mul3A_46, %mul3A_49 in 1 : vector<2000x64xf32>, vector<2000x64xf32> -> vector<2000x128xf32>
    %swap3A = arith.constant 0 : index
    %swap3A_50 = arith.constant 0 : index
    %swap3A_51 = vector.load %arg6[%swap3A, %swap3A_50] : memref<2000x128xf32, #tpu.memory_space<vmem>>, vector<2000x128xf32>
    tpu.vector_store %arg6[%swap3A, %swap3A_50], %concatenate3A {strides = array<i32>} : memref<2000x128xf32, #tpu.memory_space<vmem>>, vector<2000x128xf32>,
    %slice3A_52 = vector.extract_strided_slice %get3A_1 {offsets = [0, 128], sizes = [2000, 64], strides = [1, 1]} : vector<2000x256xf32> to vector<2000x64xf32>
    %mul3A_53 = vector.broadcast %exp3A_38 : vector<2000x1xf32> to vector<2000x64xf32>
    %mul3A_54 = arith.mulf %slice3A_52, %mul3A_53 : vector<2000x64xf32>
    %slice3A_55 = vector.extract_strided_slice %get3A_1 {offsets = [0, 192], sizes = [2000, 64], strides = [1, 1]} : vector<2000x256xf32> to vector<2000x64xf32>
    %mul3A_56 = vector.broadcast %exp3A_43 : vector<2000x1xf32> to vector<2000x64xf32>
    %mul3A_57 = arith.mulf %slice3A_55, %mul3A_56 : vector<2000x64xf32>
    %concatenate3A_58 = tpu.concatenate %mul3A_54, %mul3A_57 in 1 : vector<2000x64xf32>, vector<2000x64xf32> -> vector<2000x128xf32>
    %swap3A_59 = arith.constant 0 : index
    %swap3A_60 = arith.constant 0 : index
    %swap3A_61 = vector.load %arg7[%swap3A_59, %swap3A_60] : memref<2000x128xf32, #tpu.memory_space<vmem>>, vector<2000x128xf32>
    tpu.vector_store %arg7[%swap3A_59, %swap3A_60], %concatenate3A_58 {strides = array<i32>} : memref<2000x128xf32, #tpu.memory_space<vmem>>, vector<2000x128xf32>,
    %concatenate3A_62 = tpu.concatenate %exp3A, %exp3A_33, %exp3A_38, %exp3A_43, %broadcast_in_dim3A_24, %get3A_4, %broadcast_in_dim3A_26 in 1 : vector<2000x1xf32>, vector<2000x1xf32>, vector<2000x1xf32>, vector<2000x1xf32>, vector<2000x1xf32>, vector<2000x1xf32>, vector<2000x122xf32> -> vector<2000x128xf32>
    %swap3A_63 = arith.constant 0 : index
    %swap3A_64 = arith.constant 0 : index
    %swap3A_65 = vector.load %arg8[%swap3A_63, %swap3A_64] : memref<2000x128xf32, #tpu.memory_space<vmem>>, vector<2000x128xf32>
    tpu.vector_store %arg8[%swap3A_63, %swap3A_64], %concatenate3A_62 {strides = array<i32>} : memref<2000x128xf32, #tpu.memory_space<vmem>>, vector<2000x128xf32>,
    return
  }
  func.func @transform_0(%arg0: i32) -> (i32, i32) {
    %c0_i32 = arith.constant 0 : i32
    %c0_i32_0 = arith.constant 0 : i32
    return %arg0, %c0_i32 : i32, i32
  }
  func.func @transform_1(%arg0: i32) -> (i32, i32) {
    %c0_i32 = arith.constant 0 : i32
    %c0_i32_0 = arith.constant 0 : i32
    return %arg0, %c0_i32 : i32, i32
  }
  func.func @transform_2(%arg0: i32) -> (i32, i32) {
    %c0_i32 = arith.constant 0 : i32
    %c0_i32_0 = arith.constant 0 : i32
    return %arg0, %c0_i32 : i32, i32
  }
  func.func @transform_3(%arg0: i32) -> (i32, i32) {
    %c0_i32 = arith.constant 0 : i32
    %c0_i32_0 = arith.constant 0 : i32
    %c0_i32_1 = arith.constant 0 : i32
    return %c0_i32, %c0_i32_0 : i32, i32
  }
  func.func @transform_4(%arg0: i32) -> (i32, i32) {
    %c0_i32 = arith.constant 0 : i32
    %c0_i32_0 = arith.constant 0 : i32
    %c0_i32_1 = arith.constant 0 : i32
    return %c0_i32, %c0_i32_0 : i32, i32
  }
  func.func @transform_5(%arg0: i32) -> (i32, i32) {
    %c0_i32 = arith.constant 0 : i32
    %c0_i32_0 = arith.constant 0 : i32
    return %arg0, %c0_i32 : i32, i32
  }
  func.func @transform_6(%arg0: i32) -> (i32, i32) {
    %c0_i32 = arith.constant 0 : i32
    %c0_i32_0 = arith.constant 0 : i32
    return %arg0, %c0_i32 : i32, i32
  }
  func.func @transform_7(%arg0: i32) -> (i32, i32) {
    %c0_i32 = arith.constant 0 : i32
    %c0_i32_0 = arith.constant 0 : i32
    return %arg0, %c0_i32 : i32, i32
  }
}

module attributes {stable_mosaic.version = 14 : i64} {
  func.func @_fin_body(%arg0: i32, %arg1: memref<1000x128xf32, #tpu.memory_space<vmem>>, %arg2: memref<1000x128xf32, #tpu.memory_space<vmem>>, %arg3: memref<1000x128xf32, #tpu.memory_space<vmem>>, %arg4: memref<1000x256xf32, #tpu.memory_space<vmem>>, %arg5: memref<1000x256xf32, #tpu.memory_space<vmem>>, %arg6: memref<1x256xf32, #tpu.memory_space<vmem>>, %arg7: memref<1x256xf32, #tpu.memory_space<vmem>>, %arg8: memref<1x256xf32, #tpu.memory_space<vmem>>, %arg9: memref<1000x256xf32, #tpu.memory_space<vmem>>) attributes {dimension_semantics = [#tpu.dimension_semantics<arbitrary>], iteration_bounds = array<i64: 10>, scalar_prefetch = 0 : i64, scratch_operands = 0 : i64, tpu.core_type = #tpu.core_type<tc>, window_params = [{transform_indices = @transform_0, window_bounds = array<i64: 1000, 128>}, {transform_indices = @transform_1, window_bounds = array<i64: 1000, 128>}, {transform_indices = @transform_2, window_bounds = array<i64: 1000, 128>}, {transform_indices = @transform_3, window_bounds = array<i64: 1000, 256>}, {transform_indices = @transform_4, window_bounds = array<i64: 1000, 256>}, {pipeline_mode = #tpu.pipeline_mode<synchronous>, transform_indices = @transform_5, window_bounds = array<i64: 1, 256>}, {pipeline_mode = #tpu.pipeline_mode<synchronous>, transform_indices = @transform_6, window_bounds = array<i64: 1, 256>}, {pipeline_mode = #tpu.pipeline_mode<synchronous>, transform_indices = @transform_7, window_bounds = array<i64: 1, 256>}, {transform_indices = @transform_8, window_bounds = array<i64: 1000, 256>}]} {
    %get3A = arith.constant 0 : index
    %get3A_0 = arith.constant 0 : index
    %get3A_1 = vector.load %arg1[%get3A, %get3A_0] : memref<1000x128xf32, #tpu.memory_space<vmem>>, vector<1000x128xf32>
    %get3A_2 = arith.constant 0 : index
    %get3A_3 = arith.constant 0 : index
    %get3A_4 = vector.load %arg2[%get3A_2, %get3A_3] : memref<1000x128xf32, #tpu.memory_space<vmem>>, vector<1000x128xf32>
    %get3A_5 = arith.constant 0 : index
    %get3A_6 = arith.constant 0 : index
    %get3A_7 = vector.load %arg3[%get3A_5, %get3A_6] : memref<1000x128xf32, #tpu.memory_space<vmem>>, vector<1000x128xf32>
    %get3A_8 = arith.constant 0 : index
    %get3A_9 = arith.constant 0 : index
    %get3A_10 = vector.load %arg4[%get3A_8, %get3A_9] : memref<1000x256xf32, #tpu.memory_space<vmem>>, vector<1000x256xf32>
    %slice3A = vector.extract_strided_slice %get3A_7 {offsets = [0, 4], sizes = [1000, 1], strides = [1, 1]} : vector<1000x128xf32> to vector<1000x1xf32>
    %slice3A_11 = vector.extract_strided_slice %get3A_7 {offsets = [0, 5], sizes = [1000, 1], strides = [1, 1]} : vector<1000x128xf32> to vector<1000x1xf32>
    %max3A = arith.constant 1.000000e+00 : f32
    %max3A_12 = vector.broadcast %max3A : f32 to vector<1000x1xf32>
    %max3A_13 = arith.maximumf %slice3A, %max3A_12 : vector<1000x1xf32>
    %div3A = arith.divf %slice3A_11, %max3A_13 : vector<1000x1xf32>
    %get3A_14 = arith.constant 0 : index
    %get3A_15 = arith.constant 0 : index
    %get3A_16 = vector.load %arg5[%get3A_14, %get3A_15] : memref<1000x256xf32, #tpu.memory_space<vmem>>, vector<1000x256xf32>
    %add3A = arith.addf %get3A_10, %get3A_16 : vector<1000x256xf32>
    %get3A_17 = arith.constant 0 : index
    %get3A_18 = arith.constant 0 : index
    %get3A_19 = vector.load %arg6[%get3A_17, %get3A_18] : memref<1x256xf32, #tpu.memory_space<vmem>>, vector<1x256xf32>
    %mul3A = vector.broadcast %div3A : vector<1000x1xf32> to vector<1000x256xf32>
    %mul3A_20 = vector.broadcast %get3A_19 : vector<1x256xf32> to vector<1000x256xf32>
    %mul3A_21 = arith.mulf %mul3A, %mul3A_20 : vector<1000x256xf32>
    %add3A_22 = arith.addf %add3A, %mul3A_21 : vector<1000x256xf32>
    %gt3A = arith.constant 0.000000e+00 : f32
    %gt3A_23 = vector.broadcast %gt3A : f32 to vector<1000x256xf32>
    %gt3A_24 = arith.cmpf ogt, %add3A_22, %gt3A_23 : vector<1000x256xf32>
    %mul3A_25 = arith.constant 2.000000e-01 : f32
    %mul3A_26 = vector.broadcast %mul3A_25 : f32 to vector<1000x256xf32>
    %mul3A_27 = arith.mulf %mul3A_26, %add3A_22 : vector<1000x256xf32>
    %select_n3A = arith.select %gt3A_24, %add3A_22, %mul3A_27 : vector<1000x256xi1>, vector<1000x256xf32>
    %get3A_28 = arith.constant 0 : index
    %get3A_29 = arith.constant 0 : index
    %get3A_30 = vector.load %arg7[%get3A_28, %get3A_29] : memref<1x256xf32, #tpu.memory_space<vmem>>, vector<1x256xf32>
    %mul3A_31 = vector.broadcast %get3A_30 : vector<1x256xf32> to vector<1000x256xf32>
    %mul3A_32 = arith.mulf %select_n3A, %mul3A_31 : vector<1000x256xf32>
    %slice3A_33 = vector.extract_strided_slice %mul3A_32 {offsets = [0, 0], sizes = [1000, 64], strides = [1, 1]} : vector<1000x256xf32> to vector<1000x64xf32>
    %reduce_sum3A = arith.constant dense<0.000000e+00> : vector<1000xf32>
    %reduce_sum3A_34 = vector.multi_reduction <add>, %slice3A_33, %reduce_sum3A [1] : vector<1000x64xf32> to vector<1000xf32>
    %broadcast_in_dim3A = vector.shape_cast %reduce_sum3A_34 : vector<1000xf32> to vector<1000x1xf32>
    %exp3A = math.exp %broadcast_in_dim3A : vector<1000x1xf32>
    %slice3A_35 = vector.extract_strided_slice %get3A_1 {offsets = [0, 0], sizes = [1000, 64], strides = [1, 1]} : vector<1000x128xf32> to vector<1000x64xf32>
    %slice3A_36 = vector.extract_strided_slice %get3A_10 {offsets = [0, 0], sizes = [1000, 64], strides = [1, 1]} : vector<1000x256xf32> to vector<1000x64xf32>
    %mul3A_37 = vector.broadcast %exp3A : vector<1000x1xf32> to vector<1000x64xf32>
    %mul3A_38 = arith.mulf %slice3A_36, %mul3A_37 : vector<1000x64xf32>
    %add3A_39 = arith.addf %slice3A_35, %mul3A_38 : vector<1000x64xf32>
    %slice3A_40 = vector.extract_strided_slice %get3A_7 {offsets = [0, 0], sizes = [1000, 1], strides = [1, 1]} : vector<1000x128xf32> to vector<1000x1xf32>
    %add3A_41 = arith.addf %slice3A_40, %exp3A : vector<1000x1xf32>
    %max3A_42 = arith.constant 1.000000e-16 : f32
    %max3A_43 = vector.broadcast %max3A_42 : f32 to vector<1000x1xf32>
    %max3A_44 = arith.maximumf %add3A_41, %max3A_43 : vector<1000x1xf32>
    %div3A_45 = vector.broadcast %max3A_44 : vector<1000x1xf32> to vector<1000x64xf32>
    %div3A_46 = arith.divf %add3A_39, %div3A_45 : vector<1000x64xf32>
    %slice3A_47 = vector.extract_strided_slice %mul3A_32 {offsets = [0, 64], sizes = [1000, 64], strides = [1, 1]} : vector<1000x256xf32> to vector<1000x64xf32>
    %reduce_sum3A_48 = arith.constant dense<0.000000e+00> : vector<1000xf32>
    %reduce_sum3A_49 = vector.multi_reduction <add>, %slice3A_47, %reduce_sum3A_48 [1] : vector<1000x64xf32> to vector<1000xf32>
    %broadcast_in_dim3A_50 = vector.shape_cast %reduce_sum3A_49 : vector<1000xf32> to vector<1000x1xf32>
    %exp3A_51 = math.exp %broadcast_in_dim3A_50 : vector<1000x1xf32>
    %slice3A_52 = vector.extract_strided_slice %get3A_1 {offsets = [0, 64], sizes = [1000, 64], strides = [1, 1]} : vector<1000x128xf32> to vector<1000x64xf32>
    %slice3A_53 = vector.extract_strided_slice %get3A_10 {offsets = [0, 64], sizes = [1000, 64], strides = [1, 1]} : vector<1000x256xf32> to vector<1000x64xf32>
    %mul3A_54 = vector.broadcast %exp3A_51 : vector<1000x1xf32> to vector<1000x64xf32>
    %mul3A_55 = arith.mulf %slice3A_53, %mul3A_54 : vector<1000x64xf32>
    %add3A_56 = arith.addf %slice3A_52, %mul3A_55 : vector<1000x64xf32>
    %slice3A_57 = vector.extract_strided_slice %get3A_7 {offsets = [0, 1], sizes = [1000, 1], strides = [1, 1]} : vector<1000x128xf32> to vector<1000x1xf32>
    %add3A_58 = arith.addf %slice3A_57, %exp3A_51 : vector<1000x1xf32>
    %max3A_59 = arith.constant 1.000000e-16 : f32
    %max3A_60 = vector.broadcast %max3A_59 : f32 to vector<1000x1xf32>
    %max3A_61 = arith.maximumf %add3A_58, %max3A_60 : vector<1000x1xf32>
    %div3A_62 = vector.broadcast %max3A_61 : vector<1000x1xf32> to vector<1000x64xf32>
    %div3A_63 = arith.divf %add3A_56, %div3A_62 : vector<1000x64xf32>
    %slice3A_64 = vector.extract_strided_slice %mul3A_32 {offsets = [0, 128], sizes = [1000, 64], strides = [1, 1]} : vector<1000x256xf32> to vector<1000x64xf32>
    %reduce_sum3A_65 = arith.constant dense<0.000000e+00> : vector<1000xf32>
    %reduce_sum3A_66 = vector.multi_reduction <add>, %slice3A_64, %reduce_sum3A_65 [1] : vector<1000x64xf32> to vector<1000xf32>
    %broadcast_in_dim3A_67 = vector.shape_cast %reduce_sum3A_66 : vector<1000xf32> to vector<1000x1xf32>
    %exp3A_68 = math.exp %broadcast_in_dim3A_67 : vector<1000x1xf32>
    %slice3A_69 = vector.extract_strided_slice %get3A_4 {offsets = [0, 0], sizes = [1000, 64], strides = [1, 1]} : vector<1000x128xf32> to vector<1000x64xf32>
    %slice3A_70 = vector.extract_strided_slice %get3A_10 {offsets = [0, 128], sizes = [1000, 64], strides = [1, 1]} : vector<1000x256xf32> to vector<1000x64xf32>
    %mul3A_71 = vector.broadcast %exp3A_68 : vector<1000x1xf32> to vector<1000x64xf32>
    %mul3A_72 = arith.mulf %slice3A_70, %mul3A_71 : vector<1000x64xf32>
    %add3A_73 = arith.addf %slice3A_69, %mul3A_72 : vector<1000x64xf32>
    %slice3A_74 = vector.extract_strided_slice %get3A_7 {offsets = [0, 2], sizes = [1000, 1], strides = [1, 1]} : vector<1000x128xf32> to vector<1000x1xf32>
    %add3A_75 = arith.addf %slice3A_74, %exp3A_68 : vector<1000x1xf32>
    %max3A_76 = arith.constant 1.000000e-16 : f32
    %max3A_77 = vector.broadcast %max3A_76 : f32 to vector<1000x1xf32>
    %max3A_78 = arith.maximumf %add3A_75, %max3A_77 : vector<1000x1xf32>
    %div3A_79 = vector.broadcast %max3A_78 : vector<1000x1xf32> to vector<1000x64xf32>
    %div3A_80 = arith.divf %add3A_73, %div3A_79 : vector<1000x64xf32>
    %slice3A_81 = vector.extract_strided_slice %mul3A_32 {offsets = [0, 192], sizes = [1000, 64], strides = [1, 1]} : vector<1000x256xf32> to vector<1000x64xf32>
    %reduce_sum3A_82 = arith.constant dense<0.000000e+00> : vector<1000xf32>
    %reduce_sum3A_83 = vector.multi_reduction <add>, %slice3A_81, %reduce_sum3A_82 [1] : vector<1000x64xf32> to vector<1000xf32>
    %broadcast_in_dim3A_84 = vector.shape_cast %reduce_sum3A_83 : vector<1000xf32> to vector<1000x1xf32>
    %exp3A_85 = math.exp %broadcast_in_dim3A_84 : vector<1000x1xf32>
    %slice3A_86 = vector.extract_strided_slice %get3A_4 {offsets = [0, 64], sizes = [1000, 64], strides = [1, 1]} : vector<1000x128xf32> to vector<1000x64xf32>
    %slice3A_87 = vector.extract_strided_slice %get3A_10 {offsets = [0, 192], sizes = [1000, 64], strides = [1, 1]} : vector<1000x256xf32> to vector<1000x64xf32>
    %mul3A_88 = vector.broadcast %exp3A_85 : vector<1000x1xf32> to vector<1000x64xf32>
    %mul3A_89 = arith.mulf %slice3A_87, %mul3A_88 : vector<1000x64xf32>
    %add3A_90 = arith.addf %slice3A_86, %mul3A_89 : vector<1000x64xf32>
    %slice3A_91 = vector.extract_strided_slice %get3A_7 {offsets = [0, 3], sizes = [1000, 1], strides = [1, 1]} : vector<1000x128xf32> to vector<1000x1xf32>
    %add3A_92 = arith.addf %slice3A_91, %exp3A_85 : vector<1000x1xf32>
    %max3A_93 = arith.constant 1.000000e-16 : f32
    %max3A_94 = vector.broadcast %max3A_93 : f32 to vector<1000x1xf32>
    %max3A_95 = arith.maximumf %add3A_92, %max3A_94 : vector<1000x1xf32>
    %div3A_96 = vector.broadcast %max3A_95 : vector<1000x1xf32> to vector<1000x64xf32>
    %div3A_97 = arith.divf %add3A_90, %div3A_96 : vector<1000x64xf32>
    %concatenate3A = tpu.concatenate %div3A_46, %div3A_63, %div3A_80, %div3A_97 in 1 : vector<1000x64xf32>, vector<1000x64xf32>, vector<1000x64xf32>, vector<1000x64xf32> -> vector<1000x256xf32>
    %get3A_98 = arith.constant 0 : index
    %get3A_99 = arith.constant 0 : index
    %get3A_100 = vector.load %arg8[%get3A_98, %get3A_99] : memref<1x256xf32, #tpu.memory_space<vmem>>, vector<1x256xf32>
    %add3A_101 = vector.broadcast %get3A_100 : vector<1x256xf32> to vector<1000x256xf32>
    %add3A_102 = arith.addf %concatenate3A, %add3A_101 : vector<1000x256xf32>
    %swap3A = arith.constant 0 : index
    %swap3A_103 = arith.constant 0 : index
    %swap3A_104 = vector.load %arg9[%swap3A, %swap3A_103] : memref<1000x256xf32, #tpu.memory_space<vmem>>, vector<1000x256xf32>
    tpu.vector_store %arg9[%swap3A, %swap3A_103], %add3A_102 {strides = array<i32>} : memref<1000x256xf32, #tpu.memory_space<vmem>>, vector<1000x256xf32>,
    return
  }
  func.func @transform_0(%arg0: i32) -> (i32, i32) {
    %c0_i32 = arith.constant 0 : i32
    %c0_i32_0 = arith.constant 0 : i32
    return %arg0, %c0_i32 : i32, i32
  }
  func.func @transform_1(%arg0: i32) -> (i32, i32) {
    %c0_i32 = arith.constant 0 : i32
    %c0_i32_0 = arith.constant 0 : i32
    return %arg0, %c0_i32 : i32, i32
  }
  func.func @transform_2(%arg0: i32) -> (i32, i32) {
    %c0_i32 = arith.constant 0 : i32
    %c0_i32_0 = arith.constant 0 : i32
    return %arg0, %c0_i32 : i32, i32
  }
  func.func @transform_3(%arg0: i32) -> (i32, i32) {
    %c0_i32 = arith.constant 0 : i32
    %c0_i32_0 = arith.constant 0 : i32
    return %arg0, %c0_i32 : i32, i32
  }
  func.func @transform_4(%arg0: i32) -> (i32, i32) {
    %c0_i32 = arith.constant 0 : i32
    %c0_i32_0 = arith.constant 0 : i32
    return %arg0, %c0_i32 : i32, i32
  }
  func.func @transform_5(%arg0: i32) -> (i32, i32) {
    %c0_i32 = arith.constant 0 : i32
    %c0_i32_0 = arith.constant 0 : i32
    %c0_i32_1 = arith.constant 0 : i32
    return %c0_i32, %c0_i32_0 : i32, i32
  }
  func.func @transform_6(%arg0: i32) -> (i32, i32) {
    %c0_i32 = arith.constant 0 : i32
    %c0_i32_0 = arith.constant 0 : i32
    %c0_i32_1 = arith.constant 0 : i32
    return %c0_i32, %c0_i32_0 : i32, i32
  }
  func.func @transform_7(%arg0: i32) -> (i32, i32) {
    %c0_i32 = arith.constant 0 : i32
    %c0_i32_0 = arith.constant 0 : i32
    %c0_i32_1 = arith.constant 0 : i32
    return %c0_i32, %c0_i32_0 : i32, i32
  }
  func.func @transform_8(%arg0: i32) -> (i32, i32) {
    %c0_i32 = arith.constant 0 : i32
    %c0_i32_0 = arith.constant 0 : i32
    return %arg0, %c0_i32 : i32, i32
  }
}

module attributes {stable_mosaic.version = 14 : i64} {
  func.func @_dec_body(%arg0: i32, %arg1: memref<1000x256xf32, #tpu.memory_space<vmem>>, %arg2: memref<256x256xf32, #tpu.memory_space<vmem>>, %arg3: memref<1x256xf32, #tpu.memory_space<vmem>>, %arg4: memref<1x256xf32, #tpu.memory_space<vmem>>, %arg5: memref<1x256xf32, #tpu.memory_space<vmem>>, %arg6: memref<256x128xf32, #tpu.memory_space<vmem>>, %arg7: memref<1x128xf32, #tpu.memory_space<vmem>>, %arg8: memref<1000x128xf32, #tpu.memory_space<vmem>>) attributes {dimension_semantics = [#tpu.dimension_semantics<arbitrary>], iteration_bounds = array<i64: 10>, scalar_prefetch = 0 : i64, scratch_operands = 0 : i64, tpu.core_type = #tpu.core_type<tc>, window_params = [{transform_indices = @transform_0, window_bounds = array<i64: 1000, 256>}, {pipeline_mode = #tpu.pipeline_mode<synchronous>, transform_indices = @transform_1, window_bounds = array<i64: 256, 256>}, {pipeline_mode = #tpu.pipeline_mode<synchronous>, transform_indices = @transform_2, window_bounds = array<i64: 1, 256>}, {pipeline_mode = #tpu.pipeline_mode<synchronous>, transform_indices = @transform_3, window_bounds = array<i64: 1, 256>}, {pipeline_mode = #tpu.pipeline_mode<synchronous>, transform_indices = @transform_4, window_bounds = array<i64: 1, 256>}, {pipeline_mode = #tpu.pipeline_mode<synchronous>, transform_indices = @transform_5, window_bounds = array<i64: 256, 128>}, {pipeline_mode = #tpu.pipeline_mode<synchronous>, transform_indices = @transform_6, window_bounds = array<i64: 1, 128>}, {transform_indices = @transform_7, window_bounds = array<i64: 1000, 128>}]} {
    %get3A = arith.constant 0 : index
    %get3A_0 = arith.constant 0 : index
    %get3A_1 = vector.load %arg1[%get3A, %get3A_0] : memref<1000x256xf32, #tpu.memory_space<vmem>>, vector<1000x256xf32>
    %get3A_2 = arith.constant 0 : index
    %get3A_3 = arith.constant 0 : index
    %get3A_4 = vector.load %arg2[%get3A_2, %get3A_3] : memref<256x256xf32, #tpu.memory_space<vmem>>, vector<256x256xf32>
    %dot_general3A = arith.constant dense<0.000000e+00> : vector<1000x256xf32>
    %dot_general3A_5 = tpu.matmul %get3A_1, %get3A_4, %dot_general3A {dimension_numbers = #tpu.dot_dimension_numbers<[1], [0], [0], [1], [0, 0, 1, 1], [], []>, transpose_lhs_hint = false} : vector<1000x256xf32>, vector<256x256xf32>, vector<1000x256xf32> -> vector<1000x256xf32>
    %get3A_6 = arith.constant 0 : index
    %get3A_7 = arith.constant 0 : index
    %get3A_8 = vector.load %arg3[%get3A_6, %get3A_7] : memref<1x256xf32, #tpu.memory_space<vmem>>, vector<1x256xf32>
    %add3A = vector.broadcast %get3A_8 : vector<1x256xf32> to vector<1000x256xf32>
    %add3A_9 = arith.addf %dot_general3A_5, %add3A : vector<1000x256xf32>
    %reduce_sum3A = arith.constant dense<0.000000e+00> : vector<1000xf32>
    %reduce_sum3A_10 = vector.multi_reduction <add>, %add3A_9, %reduce_sum3A [1] : vector<1000x256xf32> to vector<1000xf32>
    %broadcast_in_dim3A = vector.shape_cast %reduce_sum3A_10 : vector<1000xf32> to vector<1000x1xf32>
    %div3A = arith.constant 2.560000e+02 : f32
    %div3A_11 = vector.broadcast %div3A : f32 to vector<1000x1xf32>
    %div3A_12 = arith.divf %broadcast_in_dim3A, %div3A_11 : vector<1000x1xf32>
    %sub3A = vector.broadcast %div3A_12 : vector<1000x1xf32> to vector<1000x256xf32>
    %sub3A_13 = arith.subf %add3A_9, %sub3A : vector<1000x256xf32>
    %sub3A_14 = vector.broadcast %div3A_12 : vector<1000x1xf32> to vector<1000x256xf32>
    %sub3A_15 = arith.subf %add3A_9, %sub3A_14 : vector<1000x256xf32>
    %mul3A = arith.mulf %sub3A_13, %sub3A_15 : vector<1000x256xf32>
    %reduce_sum3A_16 = arith.constant dense<0.000000e+00> : vector<1000xf32>
    %reduce_sum3A_17 = vector.multi_reduction <add>, %mul3A, %reduce_sum3A_16 [1] : vector<1000x256xf32> to vector<1000xf32>
    %broadcast_in_dim3A_18 = vector.shape_cast %reduce_sum3A_17 : vector<1000xf32> to vector<1000x1xf32>
    %div3A_19 = arith.constant 2.560000e+02 : f32
    %div3A_20 = vector.broadcast %div3A_19 : f32 to vector<1000x1xf32>
    %div3A_21 = arith.divf %broadcast_in_dim3A_18, %div3A_20 : vector<1000x1xf32>
    %sub3A_22 = vector.broadcast %div3A_12 : vector<1000x1xf32> to vector<1000x256xf32>
    %sub3A_23 = arith.subf %add3A_9, %sub3A_22 : vector<1000x256xf32>
    %add3A_24 = arith.constant 9.99999974E-6 : f32
    %add3A_25 = vector.broadcast %add3A_24 : f32 to vector<1000x1xf32>
    %add3A_26 = arith.addf %div3A_21, %add3A_25 : vector<1000x1xf32>
    %rsqrt3A = math.rsqrt %add3A_26 : vector<1000x1xf32>
    %mul3A_27 = vector.broadcast %rsqrt3A : vector<1000x1xf32> to vector<1000x256xf32>
    %mul3A_28 = arith.mulf %sub3A_23, %mul3A_27 : vector<1000x256xf32>
    %get3A_29 = arith.constant 0 : index
    %get3A_30 = arith.constant 0 : index
    %get3A_31 = vector.load %arg4[%get3A_29, %get3A_30] : memref<1x256xf32, #tpu.memory_space<vmem>>, vector<1x256xf32>
    %mul3A_32 = vector.broadcast %get3A_31 : vector<1x256xf32> to vector<1000x256xf32>
    %mul3A_33 = arith.mulf %mul3A_28, %mul3A_32 : vector<1000x256xf32>
    %get3A_34 = arith.constant 0 : index
    %get3A_35 = arith.constant 0 : index
    %get3A_36 = vector.load %arg5[%get3A_34, %get3A_35] : memref<1x256xf32, #tpu.memory_space<vmem>>, vector<1x256xf32>
    %add3A_37 = vector.broadcast %get3A_36 : vector<1x256xf32> to vector<1000x256xf32>
    %add3A_38 = arith.addf %mul3A_33, %add3A_37 : vector<1000x256xf32>
    %max3A = arith.constant 0.000000e+00 : f32
    %max3A_39 = vector.broadcast %max3A : f32 to vector<1000x256xf32>
    %max3A_40 = arith.maximumf %add3A_38, %max3A_39 : vector<1000x256xf32>
    %get3A_41 = arith.constant 0 : index
    %get3A_42 = arith.constant 0 : index
    %get3A_43 = vector.load %arg6[%get3A_41, %get3A_42] : memref<256x128xf32, #tpu.memory_space<vmem>>, vector<256x128xf32>
    %dot_general3A_44 = arith.constant dense<0.000000e+00> : vector<1000x128xf32>
    %dot_general3A_45 = tpu.matmul %max3A_40, %get3A_43, %dot_general3A_44 {dimension_numbers = #tpu.dot_dimension_numbers<[1], [0], [0], [1], [0, 0, 1, 1], [], []>, transpose_lhs_hint = false} : vector<1000x256xf32>, vector<256x128xf32>, vector<1000x128xf32> -> vector<1000x128xf32>
    %get3A_46 = arith.constant 0 : index
    %get3A_47 = arith.constant 0 : index
    %get3A_48 = vector.load %arg7[%get3A_46, %get3A_47] : memref<1x128xf32, #tpu.memory_space<vmem>>, vector<1x128xf32>
    %add3A_49 = vector.broadcast %get3A_48 : vector<1x128xf32> to vector<1000x128xf32>
    %add3A_50 = arith.addf %dot_general3A_45, %add3A_49 : vector<1000x128xf32>
    %swap3A = arith.constant 0 : index
    %swap3A_51 = arith.constant 0 : index
    %swap3A_52 = vector.load %arg8[%swap3A, %swap3A_51] : memref<1000x128xf32, #tpu.memory_space<vmem>>, vector<1000x128xf32>
    tpu.vector_store %arg8[%swap3A, %swap3A_51], %add3A_50 {strides = array<i32>} : memref<1000x128xf32, #tpu.memory_space<vmem>>, vector<1000x128xf32>,
    return
  }
  func.func @transform_0(%arg0: i32) -> (i32, i32) {
    %c0_i32 = arith.constant 0 : i32
    %c0_i32_0 = arith.constant 0 : i32
    return %arg0, %c0_i32 : i32, i32
  }
  func.func @transform_1(%arg0: i32) -> (i32, i32) {
    %c0_i32 = arith.constant 0 : i32
    %c0_i32_0 = arith.constant 0 : i32
    %c0_i32_1 = arith.constant 0 : i32
    return %c0_i32, %c0_i32_0 : i32, i32
  }
  func.func @transform_2(%arg0: i32) -> (i32, i32) {
    %c0_i32 = arith.constant 0 : i32
    %c0_i32_0 = arith.constant 0 : i32
    %c0_i32_1 = arith.constant 0 : i32
    return %c0_i32, %c0_i32_0 : i32, i32
  }
  func.func @transform_3(%arg0: i32) -> (i32, i32) {
    %c0_i32 = arith.constant 0 : i32
    %c0_i32_0 = arith.constant 0 : i32
    %c0_i32_1 = arith.constant 0 : i32
    return %c0_i32, %c0_i32_0 : i32, i32
  }
  func.func @transform_4(%arg0: i32) -> (i32, i32) {
    %c0_i32 = arith.constant 0 : i32
    %c0_i32_0 = arith.constant 0 : i32
    %c0_i32_1 = arith.constant 0 : i32
    return %c0_i32, %c0_i32_0 : i32, i32
  }
  func.func @transform_5(%arg0: i32) -> (i32, i32) {
    %c0_i32 = arith.constant 0 : i32
    %c0_i32_0 = arith.constant 0 : i32
    %c0_i32_1 = arith.constant 0 : i32
    return %c0_i32, %c0_i32_0 : i32, i32
  }
  func.func @transform_6(%arg0: i32) -> (i32, i32) {
    %c0_i32 = arith.constant 0 : i32
    %c0_i32_0 = arith.constant 0 : i32
    %c0_i32_1 = arith.constant 0 : i32
    return %c0_i32, %c0_i32_0 : i32, i32
  }
  func.func @transform_7(%arg0: i32) -> (i32, i32) {
    %c0_i32 = arith.constant 0 : i32
    %c0_i32_0 = arith.constant 0 : i32
    return %arg0, %c0_i32 : i32, i32
  }
}

</mosaic_0001>

<sc_bundles>
// kernel: kernel.14.cloned.1.call-start
scs
__scs_entry_jumppad:
0x0: {  	(pc) =	sbr.rel $0x88, $3  }
0x1: {  	(tag) =	ssettag $0x0;
	lr =	simm.s32 $0x1  }
0x2: {  	[smem:$0x3F84] =	sst lr;
	_ =	strace $0xD0000000  }
0x3: {  	_ = 	snop  }
0x4: {  	_ = 	snop  }
0x5: {  	_ = 	snop  }
0x6: {  	_ = 	snop  }
0x7: {  	_ = 	snop  }
__scs_overlays_trampoline_lowered:
0x8: {  	[smem:$0x3F93] =	sst s0  }
0x9: {  	[smem:$0x3F94] =	sst s1  }
0xa: {  	[smem:$0x3F95] =	sst s2  }
0xb: {  	[smem:$0x3F96] =	sst s3  }
0xc: {  	[smem:$0x3F97] =	sst s4  }
0xd: {  	[smem:$0x3F98] =	sst s5  }
0xe: {  	[smem:$0x3F99] =	sst s6  }
0xf: {  	[smem:$0x3F9A] =	sst s7  }
0x10: {  	[smem:$0x3F9B] =	sst s8  }
0x11: {  	[smem:$0x3F9C] =	sst s9;
	s0 =	simm.s32 @!p0 $0x0  }
0x12: {  	s1 =	sld [smem:$0x3F82];
	s0 =	simm.s32 @p0 $0x1  }
0x13: {  	[smem:$0x3F9D] =	sst s0;
	s0 =	simm.s32 @!p1 $0x0  }
0x14: {  	s2 =	sld [smem:$0x3F81];
	s0 =	simm.s32 @p1 $0x1  }
0x15: {  	[smem:$0x3F9E] =	sst s0;
	s0 =	simm.s32 @!p2 $0x0  }
0x16: {  	s3 =	sld [smem:$0x3FDB];
	s0 =	simm.s32 @p2 $0x1  }
0x17: {  	s4 =	simm.s32 $0x1BF5;
	[smem:$0x3FA0] =	sst s0  }
0x18: {  	s0 =	sld [smem:$0x3F83];
	_ =	swait.ge [sflag:s4], $0x0  }
0x19: {  	s7 =	sld [smem:$0x3F84]  }
0x1a: {  	s8 =	sadd.s32 $0xFFFFE003, lr  }
0x1b: {  	s9 =	sadd.s32 $0xFFFFFEF7, lr;
	s5 =	simm.s32 $0xFFFFFFFF;
	p2 =	slt.u32 s8, $0xFFFFF086  }
0x1c: {  	p1 =	slt.u32 s9, $0xF7A;
	s5 =	simm.s32 @!p2 $0x0  }
0x1d: {  	s5 =	simm.s32 @p1 $0x1;
	p0 =	seq.s32 s7, s2  }
0x1e: {  	s7 =	smul.u32 @!p0 $0xF7A, s2;
	p2 =	seq.s32 @!p0 s5, $0x0  }
0x1f: {  	s9 =	smul.u32 $0xF7A, s1;
	s8 =	simm.s32 @!p0 $0x1BF5;
	p2 =	por !p2, p0  }
0x20: {  	[sflag:s8] =	ssyncset.s32 @!p0 $0xFFFFF086;
	s6 =	sadd.s32 @!p0 s3, s7;
	s7 =	simm.s32 @!p0 $0x108  }
0x21: {  	s3 =	sadd.s32 s3, s9;
	s6 =	sadd.s32 @!p0 $0x88, s6;
	s7 =	simm.s32 @p2 $0x1082  }
0x22: {  	[simem:s7], [sflag:s8] =	dma.local @!p0 [hbm:s6], $0xF7A  }
0x23: {  	s9 =	sor.u32 $0xD0000000, s2;
	s6 =	simm.s32 $0x108;
	_ =	swait.ge @!p0 [sflag:s8], $0x0  }
0x24: {  	s3 =	sadd.s32 $0x88, s3;
	s6 =	simm.s32 @!p1 $0x1082;
	[sflag:s4] =	ssyncset.s32 $0xFFFFF086  }
0x25: {  	[simem:s6], [sflag:s4] =	dma.local [hbm:s3], $0xF7A  }
0x26: {  	[smem:$0x3F84] =	sst s1;
	(tag) =	ssettag s2;
	_ =	strace s9  }
0x27: {  	s1 =	sld [smem:$0x3F94]  }
0x28: {  	s2 =	sld [smem:$0x3F95]  }
0x29: {  	s4 =	sld [smem:$0x3F97]  }
0x2a: {  	p0 =	seq.s32 s5, $0x0;
	s5 =	sld [smem:$0x3F98]  }
0x2b: {  	s6 =	sld [smem:$0x3F99]  }
0x2c: {  	s7 =	sld [smem:$0x3F9A]  }
0x2d: {  	s3 =	simm.s32 $0x108;
	s8 =	sld [smem:$0x3F9B]  }
0x2e: {  	s3 =	simm.s32 @!p0 $0x1082;
	s9 =	sld [smem:$0x3F9C]  }
0x2f: {  	lr =	sadd.s32 s0, s3;
	s0 =	sld [smem:$0x3F93]  }
0x30: {  	s3 =	sld [smem:$0x3F96]  }
0x31: {  	[smem:$0x3F9F] =	sst s10  }
0x32: {  	s10 =	sld [smem:$0x3F9D];
	_ =	sdelay $0x3  }
0x33: {  	p0 =	seq.s32 s10, $0x1;
	s10 =	sld [smem:$0x3F9F];
	_ =	sdelay $0x3  }
0x34: {  	[smem:$0x3F9F] =	sst s10  }
0x35: {  	s10 =	sld [smem:$0x3F9E];
	_ =	sdelay $0x3  }
0x36: {  	p1 =	seq.s32 s10, $0x1;
	s10 =	sld [smem:$0x3F9F];
	_ =	sdelay $0x3  }
0x37: {  	[smem:$0x3F9F] =	sst s10  }
0x38: {  	s10 =	sld [smem:$0x3FA0]  }
0x39: {  	_ = 	snop;
	(pc) =	sbr.ind lr, $3  }
0x3a: {  	_ = 	snop  }
0x3b: {  	_ = 	snop  }
0x3c: {  	p2 =	seq.s32 s10, $0x1;
	s10 =	sld [smem:$0x3F9F]  }
0x3d: {  	_ =	shalt  }
0x3e: {  	_ =	shalt  }
0x3f: {  	_ =	shalt  }
0x40: {  	_ =	shalt  }
0x41: {  	_ =	shalt  }
0x42: {  	_ =	shalt  }
0x43: {  	_ =	shalt  }
0x44: {  	_ =	shalt  }
0x45: {  	_ =	shalt  }
0x46: {  	_ =	shalt  }
0x47: {  	_ =	shalt  }
0x48: {  	_ =	shalt  }
0x49: {  	_ =	shalt  }
0x4a: {  	_ =	shalt  }
0x4b: {  	_ =	shalt  }
0x4c: {  	_ =	shalt  }
0x4d: {  	_ =	shalt  }
0x4e: {  	_ =	shalt  }
0x4f: {  	_ =	shalt  }
0x50: {  	_ =	shalt  }
0x51: {  	_ =	shalt  }
0x52: {  	_ =	shalt  }
0x53: {  	_ =	shalt  }
0x54: {  	_ =	shalt  }
0x55: {  	_ =	shalt  }
0x56: {  	_ =	shalt  }
0x57: {  	_ =	shalt  }
0x58: {  	_ =	shalt  }
0x59: {  	_ =	shalt  }
0x5a: {  	_ =	shalt  }
0x5b: {  	_ =	shalt  }
0x5c: {  	_ =	shalt  }
0x5d: {  	_ =	shalt  }
0x5e: {  	_ =	shalt  }
0x5f: {  	_ =	shalt  }
0x60: {  	_ =	shalt  }
0x61: {  	_ =	shalt  }
0x62: {  	_ =	shalt  }
0x63: {  	_ =	shalt  }
0x64: {  	_ =	shalt  }
0x65: {  	_ =	shalt  }
0x66: {  	_ =	shalt  }
0x67: {  	_ =	shalt  }
0x68: {  	_ =	shalt  }
0x69: {  	_ =	shalt  }
0x6a: {  	_ =	shalt  }
0x6b: {  	_ =	shalt  }
0x6c: {  	_ =	shalt  }
0x6d: {  	_ =	shalt  }
0x6e: {  	_ =	shalt  }
0x6f: {  	_ =	shalt  }
0x70: {  	_ =	shalt  }
0x71: {  	_ =	shalt  }
0x72: {  	_ =	shalt  }
0x73: {  	_ =	shalt  }
0x74: {  	_ =	shalt  }
0x75: {  	_ =	shalt  }
0x76: {  	_ =	shalt  }
0x77: {  	_ =	shalt  }
0x78: {  	_ =	shalt  }
0x79: {  	_ =	shalt  }
0x7a: {  	_ =	shalt  }
0x7b: {  	_ =	shalt  }
0x7c: {  	_ =	shalt  }
0x7d: {  	_ =	shalt  }
0x7e: {  	_ =	shalt  }
0x7f: {  	_ =	shalt  }
0x80: {  	_ =	shalt  }
0x81: {  	_ =	shalt  }
0x82: {  	_ =	shalt  }
0x83: {  	_ =	shalt  }
0x84: {  	_ =	shalt  }
0x85: {  	_ =	shalt  }
0x86: {  	_ =	shalt  }
0x87: {  	_ =	shalt  }
.Lfunc_end0:
.L_simem_size_0:
called_computation_lowered:
.L_overlay_start_0:
0x88: {  	s2 =	sld [smem:$0x3FD9]  }
0x89: {  	s3 =	sld [smem:$0x3FFE];
	_ =	sdelay $0x1  }
0x8a: {  	s1 =	srdreg.scid  }
0x8b: {  	s0 =	sand.u32 $0x1, s1  }
0x8c: {  	s16 =	sshll.u32 s0, $0xA;
	s2 =	sadd.s32 s3, s2  }
0x8d: {  	s2 =	sadd.s32 s2, s16  }
0x8e: {  	[smem:$0x3FAB] =	sst s2  }
0x8f: {  	_ = 	snop  }
0x90: {  	(tm) =	ssettm $0x1  }
0x91: {  	s17 =	sld [smem:$0x3FFB];
	_ =	sdelay $0x3  }
0x92: {  	_ =	strace s17  }
0x93: {  	s2 =	sld [smem:$0x3FFC];
	_ =	sdelay $0x3  }
0x94: {  	_ =	strace s2  }
0x95: {  	s2 =	sld [smem:$0x3FFD];
	_ =	sdelay $0x3  }
0x96: {  	_ =	strace s2  }
0x97: {  	_ =	strace $0x8FFFFFFF  }
0x98: {  	s18 =	sld [smem:$0x3FDB];
	_ =	sdelay $0x1  }
0x99: {  	s19 =	simm.s32 $_scs_section_size  }
0x9a: {  	s4 =	simm.s32 $_size__tile_overlayer_lowered;
	s5 =	simm.s32 $_tile_overlayer_lowered  }
0x9b: {  	s22 =	simm.s32 $0x1BFF;
	s21 =	sshll.u32 s5, $0x1;
	s2 =	sadd.s32 s19, s18  }
0x9c: {  	s6 =	simm.s32 $0x0;
	s20 =	sshll.u32 s4, $0x1;
	s4 =	sadd.s32 s21, s2  }
0x9d: {  	[timem:s6], [sflag:s22] =	dma.local [hbm:s4], s20  }
0x9e: {  	_ =	swait.ge [sflag:s22], s20  }
0x9f: {  	s3 =	ssub.s32 $0x0, s20;
	[sflag:s22] =	ssyncset.done $0x0  }
0xa0: {  	[sflag:s22] =	ssyncadd.s32 s3;
	_ =	sdelay $0x1  }
0xa1: {  	s23 =	simm.s32 $0x1B8B  }
0xa2: {  	_ =	swait.ge [sflag:s23], $0x1  }
0xa3: {  	[sflag:s23] =	ssyncset.done $0x0  }
0xa4: {  	s25 =	simm.s32 $0x1B8E;
	s24 =	sld [smem:$0x3FFE];
	[sflag:s23] =	ssyncadd.s32 $0xFFFFFFFF  }
0xa5: {  	s26 =	simm.s32 $execute0_lowered;
	[smem:$0x3FD2] =	sst s25  }
0xa6: {  	s4 =	sshll.u32 s26, $0x1;
	_ =	strace $0x80000046;
	[dreg:$0x1] =	wrdreg $0xFFFFFFFF  }
0xa7: {  	s28 =	simm.s32 $_size_execute0_lowered;
	s2 =	sadd.s32 s2, s4;
	[dreg:$0x0] =	wrdreg $0x0  }
0xa8: {  	s4 =	sshll.u32 s28, $0x1;
	[dreg:$0x2] =	wrdreg s2  }
0xa9: {  	[dreg:$0x3] =	wrdreg s4  }
0xaa: {  	[dreg:$0x4] =	wrdreg $0xC0  }
0xab: {  	_ =	task [dreg:s6], $0x5FFFF  }
0xac: {  	[dreg:$0x1] =	wrdreg $0xFFFFFFFF  }
0xad: {  	[dreg:$0x0] =	wrdreg $0x60  }
0xae: {  	[dreg:$0x2] =	wrdreg s24  }
0xaf: {  	[dreg:$0x3] =	wrdreg $0x9  }
0xb0: {  	_ =	task.clear_ibuf [dreg:s6], $0x4FFFF;
	_ =	strace $0x90000046  }
0xb1: {  	s29 =	simm.s32 $0x9;
	_ =	strace $0x80000048  }
0xb2: {  	_ =	swait.ge [sflag:s29], $0x1  }
0xb3: {  	[sflag:s29] =	ssyncadd.s32 $0xFFFFFFFF  }
0xb4: {  	_ =	strace $0x90000048  }
0xb5: {  	_ =	sfence  }
0xb6: {  	s30 =	sld [smem:$0x0];
	_ =	sdelay $0x2  }
0xb7: {  	s31 =	sshll.u32 s1, $0xD;
	s1 =	sshrl.u32 s1, $0x2  }
0xb8: {  	s3 =	sand.u32 $0x4000, s31;
	s1 =	sadd.s32 s1, s30  }
0xb9: {  	s0 =	sor.u32 s3, s0;
	s1 =	sshll.u32 s1, $0x11  }
0xba: {  	s0 =	sor.u32 s1, s0  }
0xbb: {  	s0 =	sadd.s32 $0x8F2B, s0  }
0xbc: {  	[sflag:s0] =	ssyncadd.remote.s32 $0x1  }
0xbd: {  	_ =	sfence.sel $0xFFFF  }
0xbe: {  	[dreg:$0x0] =	wrdreg $0xFFFFFFFF;
	(pc) =	sbr.abs _section_cstart, $3  }
0xbf: {  	[dreg:$0x1] =	wrdreg $0xFFFFFFFF  }
0xc0: {  	_ =	task.clear_ibuf [dreg:s6], $0x2FFFF;
	_ =	strace $0x9FFFFFFF  }
0xc1: {  	(tm) =	ssettm $0x7FFFFFFF  }
tec
execute0_lowered:
.L_overlay_start_1:
0x0: {  	(tag) =	ssettag $0x1  }
0x1: {  	s0 =	rddreg [dreg:$0x0]  }
0x2: {  	s1 =	simm.s32 $0x0;
	s4 =	srdreg.scid;
	s25 =	stileid.u32  }
0x3: {  	s14 =	simm.s32 $0x80;
	s15 =	simm.s32 $0x880;
	s16 =	simm.s32 $0x1080  }
0x4: {  	s17 =	simm.s32 $0x1880;
	s18 =	simm.s32 $0x2080;
	s19 =	simm.s32 $0x2880  }
0x5: {  	s20 =	simm.s32 $0x3080;
	s21 =	simm.s32 $0x3880;
	s28 =	simm.s32 $0x6880  }
0x6: {  	s29 =	simm.s32 $0x7080;
	s30 =	simm.s32 $0x7880;
	s31 =	simm.s32 $0x1  }
0x7: {  	[smem:$0x7FF] =	sst s1;
	s2 =	sadd.s32 $0x11600, s0;
	s3 =	sadd.s32 $0x5F800, s0  }
0x8: {  	s6 =	sadd.s32 $0x7600, s0;
	s9 =	sadd.s32 $0xC600, s0;
	s5 =	sadd.s32 $0xADA00, s0  }
0x9: {  	s4 =	sand.u32 $0x1, s4;
	s0 =	sadd.s32 $0x58FA00, s0;
	s12 =	sshll.u32 s25, $0x8  }
0xa: {  	s26 =	sshll.u32 s25, $0xD;
	p0 =	sne.s32 s25, $0x0;
	s25 =	simm.s32 $0x5880  }
0xb: {  	_ =	strace $0x80000047;
	s7 =	ssub.s32 $0x2, s4;
	s10 =	sshll.u32 s4, $0x7  }
0xc: {  	s4 =	sshll.u32 s4, $0xC;
	s8 =	sshrl.u32 s7, $0x1;
	s11 =	sor.u32 $0x27000, s10  }
0xd: {  	s10 =	sor.u32 s10, s12;
	s8 =	ssub.s32 s7, s8;
	s22 =	sshrl.u32 s11, $0x3  }
0xe: {  	s11 =	sshll.u32 s11, $0x5;
	s10 =	sshrl.u32 s10, $0x3;
	s13 =	sadd.s32 s6, s22  }
0xf: {  	s23 =	sadd.s32 s5, s11;
	s7 =	sadd.s32 s9, s22;
	s24 =	sadd.s32 s0, s11  }
0x10: {  	s8 =	smax.u32 s8, $0x1;
	s5 =	sadd.s32 s26, s5;
	[dreg:$0x2] =	wrdreg s13  }
.Ltmp0:
0x11: {  	s0 =	sadd.s32 s26, s0;
	[dreg:$0x3] =	wrdreg s23;
	(pc) =	sbr.rel .LBB2_1-.Ltmp0, $4  }
0x12: {  	s11 =	sadd.s32 s10, s9;
	s12 =	sadd.s32 s10, s6;
	[dreg:$0x4] =	wrdreg s7  }
0x13: {  	v2 =	vlaneseq.u32;
	s22 =	simm.s32 $0x4080;
	s26 =	simm.s32 $0x6080;
	[dreg:$0x5] =	wrdreg s24  }
0x14: {  	vm0 =	vmmov $0xffff;
	v1 =	vshrl.u32 v2, $0x3;
	s5 =	sadd.s32 s4, s5;
	s4 =	sadd.s32 s4, s0;
	s13 =	simm.s32 $0x2  }
0x15: {  	v0 =	vand.u32 $0x7, v2;
	v2 =	vor.u32 $0x8, v2;
	v1 =	vmul.u32 $0x8, v1;
	s23 =	simm.s32 $0x4880;
	s24 =	simm.s32 $0x5080;
	s0 =	simm.s32 $0x0  }
.LBB2_5:
0x16: {  	s0 =	sadd.s32 $0x1, s0  }
0x17: {  	p1 =	sne.s32 s0, s8  }
.Ltmp1:
0x18: {  	_ = 	snop;
	(pc) =	sbr.rel @!p1 .LBB2_6-.Ltmp1, $1  }
0x19: {  	_ =	sdelay $0x3  }
.LBB2_1:
0x1a: {  	s10 =	smov.u32 s4;
	s9 =	smov.u32 s5;
	s6 =	simm.s32 $0x0  }
.LBB2_2:
0x1b: {  	s7 =	sadd.s32 s6, s12  }
0x1c: {  	[tilespmem:s1], [sflag:$0x2] =	stream.linear.gather [hbm4b:s7+s1], $0x80, $0x38;
	[tilespmem:$0x8080] =	vst v63  }
0x1d: {  	_ =	swait.ge [sflag:s13], $0x80  }
0x1e: {  	[sflag:s13] =	ssyncset.done $0x0  }
0x1f: {  	[sflag:s13] =	ssyncadd.s32 $0xFFFFFF80  }
0x20: {  	v3 =	vld [tilespmem:$0x0];
	_ =	sdelay $0x4  }
0x21: {  	v4 =	vshll.u32 v3, $0x1  }
0x22: {  	v3 =	vand.u32 $0x7, v3;
	v4 =	vand.u32 $0xFFFFFFF0, v4  }
0x23: {  	v3 =	vor.u32 v3, v4  }
0x24: {  	v4 =	vperm.xlane v3, v0;
	_ =	sdelay $0x1  }
0x25: {  	v3 =	vperm.xlane v3, v2;
	v4 =	vadd.s32 v1, v4;
	_ =	sdelay $0x1  }
0x26: {  	v3 =	vadd.s32 v1, v3;
	_ =	sdelay $0x2  }
0x27: {  	[tilespmem:s14], [sflag:$0x1] =	stream.indirect_vreg.gather [hbm4b:s2+s1], $0x80, v4, vm0, $0xb8;
	[tilespmem:$0x8080] =	vst v63  }
0x28: {  	_ = 	snop  }
0x29: {  	[tilespmem:s15], [sflag:$0x1] =	stream.indirect_vreg.gather [hbm4b:s2+s1], $0x80, v3, vm0, $0xb8;
	[tilespmem:$0x8080] =	vst v63  }
0x2a: {  	v3 =	vld [tilespmem:$0x10];
	_ =	sdelay $0x4  }
0x2b: {  	v49 =	vshll.u32 v3, $0x1  }
0x2c: {  	v3 =	vand.u32 $0x7, v3;
	v4 =	vand.u32 $0xFFFFFFF0, v49  }
0x2d: {  	v3 =	vor.u32 v3, v4  }
0x2e: {  	v4 =	vperm.xlane v3, v0;
	_ =	sdelay $0x1  }
0x2f: {  	v3 =	vperm.xlane v3, v2;
	v4 =	vadd.s32 v1, v4;
	_ =	sdelay $0x1  }
0x30: {  	v3 =	vadd.s32 v1, v3;
	_ =	sdelay $0x2  }
0x31: {  	[tilespmem:s16], [sflag:$0x1] =	stream.indirect_vreg.gather [hbm4b:s2+s1], $0x80, v4, vm0, $0xb8;
	[tilespmem:$0x8080] =	vst v63  }
0x32: {  	_ = 	snop  }
0x33: {  	[tilespmem:s17], [sflag:$0x1] =	stream.indirect_vreg.gather [hbm4b:s2+s1], $0x80, v3, vm0, $0xb8;
	[tilespmem:$0x8080] =	vst v63  }
0x34: {  	v3 =	vld [tilespmem:$0x20];
	_ =	sdelay $0x4  }
0x35: {  	v50 =	vshll.u32 v3, $0x1  }
0x36: {  	v3 =	vand.u32 $0x7, v3;
	v4 =	vand.u32 $0xFFFFFFF0, v50  }
0x37: {  	v3 =	vor.u32 v3, v4  }
0x38: {  	v4 =	vperm.xlane v3, v0;
	_ =	sdelay $0x1  }
0x39: {  	v3 =	vperm.xlane v3, v2;
	v4 =	vadd.s32 v1, v4;
	_ =	sdelay $0x1  }
0x3a: {  	v3 =	vadd.s32 v1, v3;
	_ =	sdelay $0x2  }
0x3b: {  	[tilespmem:s18], [sflag:$0x1] =	stream.indirect_vreg.gather [hbm4b:s2+s1], $0x80, v4, vm0, $0xb8;
	[tilespmem:$0x8080] =	vst v63  }
0x3c: {  	_ = 	snop  }
0x3d: {  	[tilespmem:s19], [sflag:$0x1] =	stream.indirect_vreg.gather [hbm4b:s2+s1], $0x80, v3, vm0, $0xb8;
	[tilespmem:$0x8080] =	vst v63  }
0x3e: {  	v3 =	vld [tilespmem:$0x30];
	_ =	sdelay $0x4  }
0x3f: {  	v51 =	vshll.u32 v3, $0x1  }
0x40: {  	v3 =	vand.u32 $0x7, v3;
	v4 =	vand.u32 $0xFFFFFFF0, v51  }
0x41: {  	v3 =	vor.u32 v3, v4  }
0x42: {  	v4 =	vperm.xlane v3, v0;
	_ =	sdelay $0x1  }
0x43: {  	v3 =	vperm.xlane v3, v2;
	v4 =	vadd.s32 v1, v4;
	_ =	sdelay $0x1  }
0x44: {  	v3 =	vadd.s32 v1, v3;
	_ =	sdelay $0x2  }
0x45: {  	[tilespmem:s20], [sflag:$0x1] =	stream.indirect_vreg.gather [hbm4b:s2+s1], $0x80, v4, vm0, $0xb8;
	[tilespmem:$0x8080] =	vst v63  }
0x46: {  	_ = 	snop  }
0x47: {  	[tilespmem:s21], [sflag:$0x1] =	stream.indirect_vreg.gather [hbm4b:s2+s1], $0x80, v3, vm0, $0xb8;
	[tilespmem:$0x8080] =	vst v63  }
0x48: {  	v3 =	vld [tilespmem:$0x40];
	_ =	sdelay $0x4  }
0x49: {  	v52 =	vshll.u32 v3, $0x1  }
0x4a: {  	v3 =	vand.u32 $0x7, v3;
	v4 =	vand.u32 $0xFFFFFFF0, v52  }
0x4b: {  	v3 =	vor.u32 v3, v4  }
0x4c: {  	v4 =	vperm.xlane v3, v0;
	_ =	sdelay $0x1  }
0x4d: {  	v3 =	vperm.xlane v3, v2;
	v4 =	vadd.s32 v1, v4;
	_ =	sdelay $0x1  }
0x4e: {  	v3 =	vadd.s32 v1, v3;
	_ =	sdelay $0x2  }
0x4f: {  	[tilespmem:s22], [sflag:$0x1] =	stream.indirect_vreg.gather [hbm4b:s2+s1], $0x80, v4, vm0, $0xb8;
	[tilespmem:$0x8080] =	vst v63  }
0x50: {  	_ = 	snop  }
0x51: {  	[tilespmem:s23], [sflag:$0x1] =	stream.indirect_vreg.gather [hbm4b:s2+s1], $0x80, v3, vm0, $0xb8;
	[tilespmem:$0x8080] =	vst v63  }
0x52: {  	v3 =	vld [tilespmem:$0x50];
	_ =	sdelay $0x4  }
0x53: {  	v53 =	vshll.u32 v3, $0x1  }
0x54: {  	v3 =	vand.u32 $0x7, v3;
	v4 =	vand.u32 $0xFFFFFFF0, v53  }
0x55: {  	v3 =	vor.u32 v3, v4  }
0x56: {  	v4 =	vperm.xlane v3, v0;
	_ =	sdelay $0x1  }
0x57: {  	v3 =	vperm.xlane v3, v2;
	v4 =	vadd.s32 v1, v4;
	_ =	sdelay $0x1  }
0x58: {  	v3 =	vadd.s32 v1, v3;
	_ =	sdelay $0x2  }
0x59: {  	[tilespmem:s24], [sflag:$0x1] =	stream.indirect_vreg.gather [hbm4b:s2+s1], $0x80, v4, vm0, $0xb8;
	[tilespmem:$0x8080] =	vst v63  }
0x5a: {  	_ = 	snop  }
0x5b: {  	[tilespmem:s25], [sflag:$0x1] =	stream.indirect_vreg.gather [hbm4b:s2+s1], $0x80, v3, vm0, $0xb8;
	[tilespmem:$0x8080] =	vst v63  }
0x5c: {  	v3 =	vld [tilespmem:$0x60];
	_ =	sdelay $0x4  }
0x5d: {  	v54 =	vshll.u32 v3, $0x1  }
0x5e: {  	v3 =	vand.u32 $0x7, v3;
	v4 =	vand.u32 $0xFFFFFFF0, v54  }
0x5f: {  	v3 =	vor.u32 v3, v4  }
0x60: {  	v4 =	vperm.xlane v3, v0;
	_ =	sdelay $0x1  }
0x61: {  	v3 =	vperm.xlane v3, v2;
	v4 =	vadd.s32 v1, v4;
	_ =	sdelay $0x1  }
0x62: {  	v3 =	vadd.s32 v1, v3;
	_ =	sdelay $0x2  }
0x63: {  	[tilespmem:s26], [sflag:$0x1] =	stream.indirect_vreg.gather [hbm4b:s2+s1], $0x80, v4, vm0, $0xb8;
	[tilespmem:$0x8080] =	vst v63  }
0x64: {  	_ = 	snop  }
0x65: {  	[tilespmem:s28], [sflag:$0x1] =	stream.indirect_vreg.gather [hbm4b:s2+s1], $0x80, v3, vm0, $0xb8;
	[tilespmem:$0x8080] =	vst v63  }
0x66: {  	v3 =	vld [tilespmem:$0x70];
	_ =	sdelay $0x4  }
0x67: {  	v55 =	vshll.u32 v3, $0x1  }
0x68: {  	v3 =	vand.u32 $0x7, v3;
	v4 =	vand.u32 $0xFFFFFFF0, v55  }
0x69: {  	v3 =	vor.u32 v3, v4  }
0x6a: {  	v4 =	vperm.xlane v3, v0;
	_ =	sdelay $0x1  }
0x6b: {  	v3 =	vperm.xlane v3, v2;
	v4 =	vadd.s32 v1, v4;
	_ =	sdelay $0x1  }
0x6c: {  	v3 =	vadd.s32 v1, v3;
	_ =	sdelay $0x2  }
0x6d: {  	[tilespmem:s29], [sflag:$0x1] =	stream.indirect_vreg.gather [hbm4b:s2+s1], $0x80, v4, vm0, $0xb8;
	[tilespmem:$0x8080] =	vst v63  }
0x6e: {  	_ = 	snop  }
0x6f: {  	[tilespmem:s30], [sflag:$0x1] =	stream.indirect_vreg.gather [hbm4b:s2+s1], $0x80, v3, vm0, $0xb8;
	[tilespmem:$0x8080] =	vst v63  }
0x70: {  	_ =	swait.ge [sflag:s31], $0x8000  }
0x71: {  	[sflag:s31] =	ssyncset.done $0x0  }
0x72: {  	[sflag:s31] =	ssyncadd.s32 $0xFFFF8000  }
0x73: {  	[hbm4b:s9+s1] =	stream.linear.scatter [tilespmem:s14], [sflag:$0x2], $0x8000, $0x38;
	[tilespmem:$0x8080] =	vst v63  }
0x74: {  	_ =	swait.ge [sflag:s13], $0x8000  }
0x75: {  	[sflag:s13] =	ssyncset.done $0x0  }
0x76: {  	s7 =	sadd.s32 s6, s11;
	[sflag:s13] =	ssyncadd.s32 $0xFFFF8000  }
0x77: {  	[tilespmem:s1], [sflag:$0x2] =	stream.linear.gather [hbm4b:s7+s1], $0x80, $0x38;
	[tilespmem:$0x8080] =	vst v63  }
0x78: {  	_ =	swait.ge [sflag:s13], $0x80  }
0x79: {  	[sflag:s13] =	ssyncset.done $0x0  }
0x7a: {  	[sflag:s13] =	ssyncadd.s32 $0xFFFFFF80  }
0x7b: {  	v3 =	vld [tilespmem:$0x0];
	_ =	sdelay $0x4  }
0x7c: {  	v56 =	vshll.u32 v3, $0x1  }
0x7d: {  	v3 =	vand.u32 $0x7, v3;
	v4 =	vand.u32 $0xFFFFFFF0, v56  }
0x7e: {  	v3 =	vor.u32 v3, v4  }
0x7f: {  	v4 =	vperm.xlane v3, v0;
	_ =	sdelay $0x1  }
0x80: {  	v3 =	vperm.xlane v3, v2;
	v4 =	vadd.s32 v1, v4;
	_ =	sdelay $0x1  }
0x81: {  	v3 =	vadd.s32 v1, v3;
	_ =	sdelay $0x2  }
0x82: {  	[tilespmem:s14], [sflag:$0x1] =	stream.indirect_vreg.gather [hbm4b:s3+s1], $0x80, v4, vm0, $0xb8;
	[tilespmem:$0x8080] =	vst v63  }
0x83: {  	_ = 	snop  }
0x84: {  	[tilespmem:s15], [sflag:$0x1] =	stream.indirect_vreg.gather [hbm4b:s3+s1], $0x80, v3, vm0, $0xb8;
	[tilespmem:$0x8080] =	vst v63  }
0x85: {  	v3 =	vld [tilespmem:$0x10];
	_ =	sdelay $0x4  }
0x86: {  	v57 =	vshll.u32 v3, $0x1  }
0x87: {  	v3 =	vand.u32 $0x7, v3;
	v4 =	vand.u32 $0xFFFFFFF0, v57  }
0x88: {  	v3 =	vor.u32 v3, v4  }
0x89: {  	v4 =	vperm.xlane v3, v0;
	_ =	sdelay $0x1  }
0x8a: {  	v3 =	vperm.xlane v3, v2;
	v4 =	vadd.s32 v1, v4;
	_ =	sdelay $0x1  }
0x8b: {  	v3 =	vadd.s32 v1, v3;
	_ =	sdelay $0x2  }
0x8c: {  	[tilespmem:s16], [sflag:$0x1] =	stream.indirect_vreg.gather [hbm4b:s3+s1], $0x80, v4, vm0, $0xb8;
	[tilespmem:$0x8080] =	vst v63  }
0x8d: {  	_ = 	snop  }
0x8e: {  	[tilespmem:s17], [sflag:$0x1] =	stream.indirect_vreg.gather [hbm4b:s3+s1], $0x80, v3, vm0, $0xb8;
	[tilespmem:$0x8080] =	vst v63  }
0x8f: {  	v3 =	vld [tilespmem:$0x20];
	_ =	sdelay $0x4  }
0x90: {  	v58 =	vshll.u32 v3, $0x1  }
0x91: {  	v3 =	vand.u32 $0x7, v3;
	v4 =	vand.u32 $0xFFFFFFF0, v58  }
0x92: {  	v3 =	vor.u32 v3, v4  }
0x93: {  	v4 =	vperm.xlane v3, v0;
	_ =	sdelay $0x1  }
0x94: {  	v3 =	vperm.xlane v3, v2;
	v4 =	vadd.s32 v1, v4;
	_ =	sdelay $0x1  }
0x95: {  	v3 =	vadd.s32 v1, v3;
	_ =	sdelay $0x2  }
0x96: {  	[tilespmem:s18], [sflag:$0x1] =	stream.indirect_vreg.gather [hbm4b:s3+s1], $0x80, v4, vm0, $0xb8;
	[tilespmem:$0x8080] =	vst v63  }
0x97: {  	_ = 	snop  }
0x98: {  	[tilespmem:s19], [sflag:$0x1] =	stream.indirect_vreg.gather [hbm4b:s3+s1], $0x80, v3, vm0, $0xb8;
	[tilespmem:$0x8080] =	vst v63  }
0x99: {  	v3 =	vld [tilespmem:$0x30];
	_ =	sdelay $0x4  }
0x9a: {  	v59 =	vshll.u32 v3, $0x1  }
0x9b: {  	v3 =	vand.u32 $0x7, v3;
	v4 =	vand.u32 $0xFFFFFFF0, v59  }
0x9c: {  	v3 =	vor.u32 v3, v4  }
0x9d: {  	v4 =	vperm.xlane v3, v0;
	_ =	sdelay $0x1  }
0x9e: {  	v3 =	vperm.xlane v3, v2;
	v4 =	vadd.s32 v1, v4;
	_ =	sdelay $0x1  }
0x9f: {  	v3 =	vadd.s32 v1, v3;
	_ =	sdelay $0x2  }
0xa0: {  	[tilespmem:s20], [sflag:$0x1] =	stream.indirect_vreg.gather [hbm4b:s3+s1], $0x80, v4, vm0, $0xb8;
	[tilespmem:$0x8080] =	vst v63  }
0xa1: {  	_ = 	snop  }
0xa2: {  	[tilespmem:s21], [sflag:$0x1] =	stream.indirect_vreg.gather [hbm4b:s3+s1], $0x80, v3, vm0, $0xb8;
	[tilespmem:$0x8080] =	vst v63  }
0xa3: {  	v3 =	vld [tilespmem:$0x40];
	_ =	sdelay $0x4  }
0xa4: {  	v60 =	vshll.u32 v3, $0x1  }
0xa5: {  	v3 =	vand.u32 $0x7, v3;
	v4 =	vand.u32 $0xFFFFFFF0, v60  }
0xa6: {  	v3 =	vor.u32 v3, v4  }
0xa7: {  	v4 =	vperm.xlane v3, v0;
	_ =	sdelay $0x1  }
0xa8: {  	v3 =	vperm.xlane v3, v2;
	v4 =	vadd.s32 v1, v4;
	_ =	sdelay $0x1  }
0xa9: {  	v3 =	vadd.s32 v1, v3;
	_ =	sdelay $0x2  }
0xaa: {  	[tilespmem:s22], [sflag:$0x1] =	stream.indirect_vreg.gather [hbm4b:s3+s1], $0x80, v4, vm0, $0xb8;
	[tilespmem:$0x8080] =	vst v63  }
0xab: {  	_ = 	snop  }
0xac: {  	[tilespmem:s23], [sflag:$0x1] =	stream.indirect_vreg.gather [hbm4b:s3+s1], $0x80, v3, vm0, $0xb8;
	[tilespmem:$0x8080] =	vst v63  }
0xad: {  	v3 =	vld [tilespmem:$0x50];
	_ =	sdelay $0x4  }
0xae: {  	v61 =	vshll.u32 v3, $0x1  }
0xaf: {  	v3 =	vand.u32 $0x7, v3;
	v4 =	vand.u32 $0xFFFFFFF0, v61  }
0xb0: {  	v3 =	vor.u32 v3, v4  }
0xb1: {  	v4 =	vperm.xlane v3, v0;
	_ =	sdelay $0x1  }
0xb2: {  	v3 =	vperm.xlane v3, v2;
	v4 =	vadd.s32 v1, v4;
	_ =	sdelay $0x1  }
0xb3: {  	v3 =	vadd.s32 v1, v3;
	_ =	sdelay $0x2  }
0xb4: {  	[tilespmem:s24], [sflag:$0x1] =	stream.indirect_vreg.gather [hbm4b:s3+s1], $0x80, v4, vm0, $0xb8;
	[tilespmem:$0x8080] =	vst v63  }
0xb5: {  	_ = 	snop  }
0xb6: {  	[tilespmem:s25], [sflag:$0x1] =	stream.indirect_vreg.gather [hbm4b:s3+s1], $0x80, v3, vm0, $0xb8;
	[tilespmem:$0x8080] =	vst v63  }
0xb7: {  	v3 =	vld [tilespmem:$0x60];
	_ =	sdelay $0x4  }
0xb8: {  	v62 =	vshll.u32 v3, $0x1  }
0xb9: {  	v3 =	vand.u32 $0x7, v3;
	v4 =	vand.u32 $0xFFFFFFF0, v62  }
0xba: {  	v3 =	vor.u32 v3, v4  }
0xbb: {  	v4 =	vperm.xlane v3, v0;
	_ =	sdelay $0x1  }
0xbc: {  	v3 =	vperm.xlane v3, v2;
	v4 =	vadd.s32 v1, v4;
	_ =	sdelay $0x1  }
0xbd: {  	v3 =	vadd.s32 v1, v3;
	_ =	sdelay $0x2  }
0xbe: {  	[tilespmem:s26], [sflag:$0x1] =	stream.indirect_vreg.gather [hbm4b:s3+s1], $0x80, v4, vm0, $0xb8;
	[tilespmem:$0x8080] =	vst v63  }
0xbf: {  	_ = 	snop  }
0xc0: {  	[tilespmem:s28], [sflag:$0x1] =	stream.indirect_vreg.gather [hbm4b:s3+s1], $0x80, v3, vm0, $0xb8;
	[tilespmem:$0x8080] =	vst v63  }
0xc1: {  	v3 =	vld [tilespmem:$0x70];
	_ =	sdelay $0x4  }
0xc2: {  	v63 =	vshll.u32 v3, $0x1  }
0xc3: {  	v3 =	vand.u32 $0x7, v3;
	v4 =	vand.u32 $0xFFFFFFF0, v63  }
0xc4: {  	v3 =	vor.u32 v3, v4  }
0xc5: {  	v4 =	vperm.xlane v3, v0;
	_ =	sdelay $0x1  }
0xc6: {  	v3 =	vperm.xlane v3, v2;
	v4 =	vadd.s32 v1, v4;
	_ =	sdelay $0x1  }
0xc7: {  	v3 =	vadd.s32 v1, v3;
	_ =	sdelay $0x2  }
0xc8: {  	[tilespmem:s29], [sflag:$0x1] =	stream.indirect_vreg.gather [hbm4b:s3+s1], $0x80, v4, vm0, $0xb8;
	[tilespmem:$0x8080] =	vst v63  }
0xc9: {  	_ = 	snop  }
0xca: {  	[tilespmem:s30], [sflag:$0x1] =	stream.indirect_vreg.gather [hbm4b:s3+s1], $0x80, v3, vm0, $0xb8;
	[tilespmem:$0x8080] =	vst v63  }
0xcb: {  	_ =	swait.ge [sflag:s31], $0x8000  }
0xcc: {  	p1 =	sne.s32 s6, $0x4C00;
	[sflag:s31] =	ssyncset.done $0x0  }
.Ltmp2:
0xcd: {  	[sflag:s31] =	ssyncadd.s32 $0xFFFF8000;
	(pc) =	sbr.rel @p1 .LBB2_2-.Ltmp2, $4  }
0xce: {  	[hbm4b:s10+s1] =	stream.linear.scatter [tilespmem:s14], [sflag:$0x2], $0x8000, $0x38;
	[tilespmem:$0x8080] =	vst v63  }
0xcf: {  	_ =	swait.ge [sflag:s13], $0x8000  }
0xd0: {  	s6 =	sadd.s32 $0x200, s6;
	[sflag:s13] =	ssyncset.done $0x0  }
0xd1: {  	s9 =	sadd.s32 $0x20000, s9;
	s10 =	sadd.s32 $0x20000, s10;
	[sflag:s13] =	ssyncadd.s32 $0xFFFF8000  }
.Ltmp3:
0xd2: {  	(pc) =	sbr.rel @p0 .LBB2_5-.Ltmp3, $1  }
0xd3: {  	_ =	sdelay $0x3  }
0xd4: {  	s6 =	rddreg [dreg:$0x2]  }
0xd5: {  	[tilespmem:s1], [sflag:$0x2] =	stream.linear.gather [hbm4b:s6+s1], $0x80, $0x38;
	[tilespmem:$0x8080] =	vst v63  }
0xd6: {  	_ =	swait.ge [sflag:s13], $0x80  }
0xd7: {  	[sflag:s13] =	ssyncset.done $0x0  }
0xd8: {  	[sflag:s13] =	ssyncadd.s32 $0xFFFFFF80  }
0xd9: {  	v3 =	vld [tilespmem:$0x0];
	_ =	sdelay $0x4  }
0xda: {  	v4 =	vshll.u32 v3, $0x1  }
0xdb: {  	v3 =	vand.u32 $0x7, v3;
	v4 =	vand.u32 $0xFFFFFFF0, v4  }
0xdc: {  	v3 =	vor.u32 v3, v4  }
0xdd: {  	v4 =	vperm.xlane v3, v0;
	_ =	sdelay $0x1  }
0xde: {  	v3 =	vperm.xlane v3, v2;
	v4 =	vadd.s32 v1, v4;
	_ =	sdelay $0x1  }
0xdf: {  	v3 =	vadd.s32 v1, v3;
	_ =	sdelay $0x2  }
0xe0: {  	[tilespmem:s14], [sflag:$0x1] =	stream.indirect_vreg.gather [hbm4b:s2+s1], $0x80, v4, vm0, $0xb8;
	[tilespmem:$0x8080] =	vst v63  }
0xe1: {  	_ = 	snop  }
0xe2: {  	[tilespmem:s15], [sflag:$0x1] =	stream.indirect_vreg.gather [hbm4b:s2+s1], $0x80, v3, vm0, $0xb8;
	[tilespmem:$0x8080] =	vst v63  }
0xe3: {  	v3 =	vld [tilespmem:$0x10];
	_ =	sdelay $0x4  }
0xe4: {  	v49 =	vshll.u32 v3, $0x1  }
0xe5: {  	v3 =	vand.u32 $0x7, v3;
	v4 =	vand.u32 $0xFFFFFFF0, v49  }
0xe6: {  	v3 =	vor.u32 v3, v4  }
0xe7: {  	v4 =	vperm.xlane v3, v0;
	_ =	sdelay $0x1  }
0xe8: {  	v3 =	vperm.xlane v3, v2;
	v4 =	vadd.s32 v1, v4;
	_ =	sdelay $0x1  }
0xe9: {  	v3 =	vadd.s32 v1, v3;
	_ =	sdelay $0x2  }
0xea: {  	[tilespmem:s16], [sflag:$0x1] =	stream.indirect_vreg.gather [hbm4b:s2+s1], $0x80, v4, vm0, $0xb8;
	[tilespmem:$0x8080] =	vst v63  }
0xeb: {  	_ = 	snop  }
0xec: {  	[tilespmem:s17], [sflag:$0x1] =	stream.indirect_vreg.gather [hbm4b:s2+s1], $0x80, v3, vm0, $0xb8;
	[tilespmem:$0x8080] =	vst v63  }
0xed: {  	v3 =	vld [tilespmem:$0x20];
	_ =	sdelay $0x4  }
0xee: {  	v50 =	vshll.u32 v3, $0x1  }
0xef: {  	v3 =	vand.u32 $0x7, v3;
	v4 =	vand.u32 $0xFFFFFFF0, v50  }
0xf0: {  	v3 =	vor.u32 v3, v4  }
0xf1: {  	v4 =	vperm.xlane v3, v0;
	_ =	sdelay $0x1  }
0xf2: {  	v3 =	vperm.xlane v3, v2;
	v4 =	vadd.s32 v1, v4;
	_ =	sdelay $0x1  }
0xf3: {  	v3 =	vadd.s32 v1, v3;
	_ =	sdelay $0x2  }
0xf4: {  	[tilespmem:s18], [sflag:$0x1] =	stream.indirect_vreg.gather [hbm4b:s2+s1], $0x80, v4, vm0, $0xb8;
	[tilespmem:$0x8080] =	vst v63  }
0xf5: {  	_ = 	snop  }
0xf6: {  	[tilespmem:s19], [sflag:$0x1] =	stream.indirect_vreg.gather [hbm4b:s2+s1], $0x80, v3, vm0, $0xb8;
	[tilespmem:$0x8080] =	vst v63  }
0xf7: {  	v3 =	vld [tilespmem:$0x30];
	_ =	sdelay $0x4  }
0xf8: {  	v51 =	vshll.u32 v3, $0x1  }
0xf9: {  	v3 =	vand.u32 $0x7, v3;
	v4 =	vand.u32 $0xFFFFFFF0, v51  }
0xfa: {  	v3 =	vor.u32 v3, v4  }
0xfb: {  	v4 =	vperm.xlane v3, v0;
	_ =	sdelay $0x1  }
0xfc: {  	v3 =	vperm.xlane v3, v2;
	v4 =	vadd.s32 v1, v4;
	_ =	sdelay $0x1  }
0xfd: {  	v3 =	vadd.s32 v1, v3;
	_ =	sdelay $0x2  }
0xfe: {  	[tilespmem:s20], [sflag:$0x1] =	stream.indirect_vreg.gather [hbm4b:s2+s1], $0x80, v4, vm0, $0xb8;
	[tilespmem:$0x8080] =	vst v63  }
0xff: {  	_ = 	snop  }
0x100: {  	[tilespmem:s21], [sflag:$0x1] =	stream.indirect_vreg.gather [hbm4b:s2+s1], $0x80, v3, vm0, $0xb8;
	[tilespmem:$0x8080] =	vst v63  }
0x101: {  	v3 =	vld [tilespmem:$0x40];
	_ =	sdelay $0x4  }
0x102: {  	v52 =	vshll.u32 v3, $0x1  }
0x103: {  	v3 =	vand.u32 $0x7, v3;
	v4 =	vand.u32 $0xFFFFFFF0, v52  }
0x104: {  	v3 =	vor.u32 v3, v4  }
0x105: {  	v4 =	vperm.xlane v3, v0;
	_ =	sdelay $0x1  }
0x106: {  	v3 =	vperm.xlane v3, v2;
	v4 =	vadd.s32 v1, v4;
	_ =	sdelay $0x1  }
0x107: {  	v3 =	vadd.s32 v1, v3;
	_ =	sdelay $0x2  }
0x108: {  	[tilespmem:s22], [sflag:$0x1] =	stream.indirect_vreg.gather [hbm4b:s2+s1], $0x80, v4, vm0, $0xb8;
	[tilespmem:$0x8080] =	vst v63  }
0x109: {  	_ = 	snop  }
0x10a: {  	[tilespmem:s23], [sflag:$0x1] =	stream.indirect_vreg.gather [hbm4b:s2+s1], $0x80, v3, vm0, $0xb8;
	[tilespmem:$0x8080] =	vst v63  }
0x10b: {  	v3 =	vld [tilespmem:$0x50];
	_ =	sdelay $0x4  }
0x10c: {  	v53 =	vshll.u32 v3, $0x1  }
0x10d: {  	v3 =	vand.u32 $0x7, v3;
	v4 =	vand.u32 $0xFFFFFFF0, v53  }
0x10e: {  	v3 =	vor.u32 v3, v4  }
0x10f: {  	v4 =	vperm.xlane v3, v0;
	_ =	sdelay $0x1  }
0x110: {  	v3 =	vperm.xlane v3, v2;
	v4 =	vadd.s32 v1, v4;
	_ =	sdelay $0x1  }
0x111: {  	v3 =	vadd.s32 v1, v3;
	_ =	sdelay $0x2  }
0x112: {  	[tilespmem:s24], [sflag:$0x1] =	stream.indirect_vreg.gather [hbm4b:s2+s1], $0x80, v4, vm0, $0xb8;
	[tilespmem:$0x8080] =	vst v63  }
0x113: {  	_ = 	snop  }
0x114: {  	[tilespmem:s25], [sflag:$0x1] =	stream.indirect_vreg.gather [hbm4b:s2+s1], $0x80, v3, vm0, $0xb8;
	[tilespmem:$0x8080] =	vst v63  }
0x115: {  	v3 =	vld [tilespmem:$0x60];
	_ =	sdelay $0x4  }
0x116: {  	v54 =	vshll.u32 v3, $0x1  }
0x117: {  	v3 =	vand.u32 $0x7, v3;
	v4 =	vand.u32 $0xFFFFFFF0, v54  }
0x118: {  	v3 =	vor.u32 v3, v4  }
0x119: {  	v4 =	vperm.xlane v3, v0;
	_ =	sdelay $0x1  }
0x11a: {  	v3 =	vperm.xlane v3, v2;
	v4 =	vadd.s32 v1, v4;
	_ =	sdelay $0x1  }
0x11b: {  	v3 =	vadd.s32 v1, v3;
	_ =	sdelay $0x2  }
0x11c: {  	[tilespmem:s26], [sflag:$0x1] =	stream.indirect_vreg.gather [hbm4b:s2+s1], $0x80, v4, vm0, $0xb8;
	[tilespmem:$0x8080] =	vst v63  }
0x11d: {  	_ = 	snop  }
0x11e: {  	[tilespmem:s28], [sflag:$0x1] =	stream.indirect_vreg.gather [hbm4b:s2+s1], $0x80, v3, vm0, $0xb8;
	[tilespmem:$0x8080] =	vst v63  }
0x11f: {  	v3 =	vld [tilespmem:$0x70];
	_ =	sdelay $0x4  }
0x120: {  	v55 =	vshll.u32 v3, $0x1  }
0x121: {  	v3 =	vand.u32 $0x7, v3;
	v4 =	vand.u32 $0xFFFFFFF0, v55  }
0x122: {  	v3 =	vor.u32 v3, v4  }
0x123: {  	v4 =	vperm.xlane v3, v0;
	_ =	sdelay $0x1  }
0x124: {  	v3 =	vperm.xlane v3, v2;
	v4 =	vadd.s32 v1, v4;
	_ =	sdelay $0x1  }
0x125: {  	v3 =	vadd.s32 v1, v3;
	_ =	sdelay $0x2  }
0x126: {  	[tilespmem:s29], [sflag:$0x1] =	stream.indirect_vreg.gather [hbm4b:s2+s1], $0x80, v4, vm0, $0xb8;
	[tilespmem:$0x8080] =	vst v63  }
0x127: {  	_ = 	snop  }
0x128: {  	[tilespmem:s30], [sflag:$0x1] =	stream.indirect_vreg.gather [hbm4b:s2+s1], $0x80, v3, vm0, $0xb8;
	[tilespmem:$0x8080] =	vst v63  }
0x129: {  	_ =	swait.ge [sflag:s31], $0x8000  }
0x12a: {  	[sflag:s31] =	ssyncset.done $0x0  }
0x12b: {  	s7 =	rddreg [dreg:$0x3];
	[sflag:s31] =	ssyncadd.s32 $0xFFFF8000  }
0x12c: {  	[hbm4b:s7+s1] =	stream.linear.scatter [tilespmem:s14], [sflag:$0x2], $0x8000, $0x38;
	[tilespmem:$0x8080] =	vst v63  }
0x12d: {  	_ =	swait.ge [sflag:s13], $0x8000  }
0x12e: {  	[sflag:s13] =	ssyncset.done $0x0  }
0x12f: {  	s9 =	rddreg [dreg:$0x4];
	[sflag:s13] =	ssyncadd.s32 $0xFFFF8000  }
0x130: {  	[tilespmem:s1], [sflag:$0x2] =	stream.linear.gather [hbm4b:s9+s1], $0x80, $0x38;
	[tilespmem:$0x8080] =	vst v63  }
0x131: {  	_ =	swait.ge [sflag:s13], $0x80  }
0x132: {  	[sflag:s13] =	ssyncset.done $0x0  }
0x133: {  	[sflag:s13] =	ssyncadd.s32 $0xFFFFFF80  }
0x134: {  	v3 =	vld [tilespmem:$0x0];
	_ =	sdelay $0x4  }
0x135: {  	v56 =	vshll.u32 v3, $0x1  }
0x136: {  	v3 =	vand.u32 $0x7, v3;
	v4 =	vand.u32 $0xFFFFFFF0, v56  }
0x137: {  	v3 =	vor.u32 v3, v4  }
0x138: {  	v4 =	vperm.xlane v3, v0;
	_ =	sdelay $0x1  }
0x139: {  	v3 =	vperm.xlane v3, v2;
	v4 =	vadd.s32 v1, v4;
	_ =	sdelay $0x1  }
0x13a: {  	v3 =	vadd.s32 v1, v3;
	_ =	sdelay $0x2  }
0x13b: {  	[tilespmem:s14], [sflag:$0x1] =	stream.indirect_vreg.gather [hbm4b:s3+s1], $0x80, v4, vm0, $0xb8;
	[tilespmem:$0x8080] =	vst v63  }
0x13c: {  	_ = 	snop  }
0x13d: {  	[tilespmem:s15], [sflag:$0x1] =	stream.indirect_vreg.gather [hbm4b:s3+s1], $0x80, v3, vm0, $0xb8;
	[tilespmem:$0x8080] =	vst v63  }
0x13e: {  	v3 =	vld [tilespmem:$0x10];
	_ =	sdelay $0x4  }
0x13f: {  	v57 =	vshll.u32 v3, $0x1  }
0x140: {  	v3 =	vand.u32 $0x7, v3;
	v4 =	vand.u32 $0xFFFFFFF0, v57  }
0x141: {  	v3 =	vor.u32 v3, v4  }
0x142: {  	v4 =	vperm.xlane v3, v0;
	_ =	sdelay $0x1  }
0x143: {  	v3 =	vperm.xlane v3, v2;
	v4 =	vadd.s32 v1, v4;
	_ =	sdelay $0x1  }
0x144: {  	v3 =	vadd.s32 v1, v3;
	_ =	sdelay $0x2  }
0x145: {  	[tilespmem:s16], [sflag:$0x1] =	stream.indirect_vreg.gather [hbm4b:s3+s1], $0x80, v4, vm0, $0xb8;
	[tilespmem:$0x8080] =	vst v63  }
0x146: {  	_ = 	snop  }
0x147: {  	[tilespmem:s17], [sflag:$0x1] =	stream.indirect_vreg.gather [hbm4b:s3+s1], $0x80, v3, vm0, $0xb8;
	[tilespmem:$0x8080] =	vst v63  }
0x148: {  	v3 =	vld [tilespmem:$0x20];
	_ =	sdelay $0x4  }
0x149: {  	v58 =	vshll.u32 v3, $0x1  }
0x14a: {  	v3 =	vand.u32 $0x7, v3;
	v4 =	vand.u32 $0xFFFFFFF0, v58  }
0x14b: {  	v3 =	vor.u32 v3, v4  }
0x14c: {  	v4 =	vperm.xlane v3, v0;
	_ =	sdelay $0x1  }
0x14d: {  	v3 =	vperm.xlane v3, v2;
	v4 =	vadd.s32 v1, v4;
	_ =	sdelay $0x1  }
0x14e: {  	v3 =	vadd.s32 v1, v3;
	_ =	sdelay $0x2  }
0x14f: {  	[tilespmem:s18], [sflag:$0x1] =	stream.indirect_vreg.gather [hbm4b:s3+s1], $0x80, v4, vm0, $0xb8;
	[tilespmem:$0x8080] =	vst v63  }
0x150: {  	_ = 	snop  }
0x151: {  	[tilespmem:s19], [sflag:$0x1] =	stream.indirect_vreg.gather [hbm4b:s3+s1], $0x80, v3, vm0, $0xb8;
	[tilespmem:$0x8080] =	vst v63  }
0x152: {  	v3 =	vld [tilespmem:$0x30];
	_ =	sdelay $0x4  }
0x153: {  	v59 =	vshll.u32 v3, $0x1  }
0x154: {  	v3 =	vand.u32 $0x7, v3;
	v4 =	vand.u32 $0xFFFFFFF0, v59  }
0x155: {  	v3 =	vor.u32 v3, v4  }
0x156: {  	v4 =	vperm.xlane v3, v0;
	_ =	sdelay $0x1  }
0x157: {  	v3 =	vperm.xlane v3, v2;
	v4 =	vadd.s32 v1, v4;
	_ =	sdelay $0x1  }
0x158: {  	v3 =	vadd.s32 v1, v3;
	_ =	sdelay $0x2  }
0x159: {  	[tilespmem:s20], [sflag:$0x1] =	stream.indirect_vreg.gather [hbm4b:s3+s1], $0x80, v4, vm0, $0xb8;
	[tilespmem:$0x8080] =	vst v63  }
0x15a: {  	_ = 	snop  }
0x15b: {  	[tilespmem:s21], [sflag:$0x1] =	stream.indirect_vreg.gather [hbm4b:s3+s1], $0x80, v3, vm0, $0xb8;
	[tilespmem:$0x8080] =	vst v63  }
0x15c: {  	v3 =	vld [tilespmem:$0x40];
	_ =	sdelay $0x4  }
0x15d: {  	v60 =	vshll.u32 v3, $0x1  }
0x15e: {  	v3 =	vand.u32 $0x7, v3;
	v4 =	vand.u32 $0xFFFFFFF0, v60  }
0x15f: {  	v3 =	vor.u32 v3, v4  }
0x160: {  	v4 =	vperm.xlane v3, v0;
	_ =	sdelay $0x1  }
0x161: {  	v3 =	vperm.xlane v3, v2;
	v4 =	vadd.s32 v1, v4;
	_ =	sdelay $0x1  }
0x162: {  	v3 =	vadd.s32 v1, v3;
	_ =	sdelay $0x2  }
0x163: {  	[tilespmem:s22], [sflag:$0x1] =	stream.indirect_vreg.gather [hbm4b:s3+s1], $0x80, v4, vm0, $0xb8;
	[tilespmem:$0x8080] =	vst v63  }
0x164: {  	_ = 	snop  }
0x165: {  	[tilespmem:s23], [sflag:$0x1] =	stream.indirect_vreg.gather [hbm4b:s3+s1], $0x80, v3, vm0, $0xb8;
	[tilespmem:$0x8080] =	vst v63  }
0x166: {  	v3 =	vld [tilespmem:$0x50];
	_ =	sdelay $0x4  }
0x167: {  	v61 =	vshll.u32 v3, $0x1  }
0x168: {  	v3 =	vand.u32 $0x7, v3;
	v4 =	vand.u32 $0xFFFFFFF0, v61  }
0x169: {  	v3 =	vor.u32 v3, v4  }
0x16a: {  	v4 =	vperm.xlane v3, v0;
	_ =	sdelay $0x1  }
0x16b: {  	v3 =	vperm.xlane v3, v2;
	v4 =	vadd.s32 v1, v4;
	_ =	sdelay $0x1  }
0x16c: {  	v3 =	vadd.s32 v1, v3;
	_ =	sdelay $0x2  }
0x16d: {  	[tilespmem:s24], [sflag:$0x1] =	stream.indirect_vreg.gather [hbm4b:s3+s1], $0x80, v4, vm0, $0xb8;
	[tilespmem:$0x8080] =	vst v63  }
0x16e: {  	_ = 	snop  }
0x16f: {  	[tilespmem:s25], [sflag:$0x1] =	stream.indirect_vreg.gather [hbm4b:s3+s1], $0x80, v3, vm0, $0xb8;
	[tilespmem:$0x8080] =	vst v63  }
0x170: {  	v3 =	vld [tilespmem:$0x60];
	_ =	sdelay $0x4  }
0x171: {  	v62 =	vshll.u32 v3, $0x1  }
0x172: {  	v3 =	vand.u32 $0x7, v3;
	v4 =	vand.u32 $0xFFFFFFF0, v62  }
0x173: {  	v3 =	vor.u32 v3, v4  }
0x174: {  	v4 =	vperm.xlane v3, v0;
	_ =	sdelay $0x1  }
0x175: {  	v3 =	vperm.xlane v3, v2;
	v4 =	vadd.s32 v1, v4;
	_ =	sdelay $0x1  }
0x176: {  	v3 =	vadd.s32 v1, v3;
	_ =	sdelay $0x2  }
0x177: {  	[tilespmem:s26], [sflag:$0x1] =	stream.indirect_vreg.gather [hbm4b:s3+s1], $0x80, v4, vm0, $0xb8;
	[tilespmem:$0x8080] =	vst v63  }
0x178: {  	_ = 	snop  }
0x179: {  	[tilespmem:s28], [sflag:$0x1] =	stream.indirect_vreg.gather [hbm4b:s3+s1], $0x80, v3, vm0, $0xb8;
	[tilespmem:$0x8080] =	vst v63  }
0x17a: {  	v3 =	vld [tilespmem:$0x70];
	_ =	sdelay $0x4  }
0x17b: {  	v63 =	vshll.u32 v3, $0x1  }
0x17c: {  	v3 =	vand.u32 $0x7, v3;
	v4 =	vand.u32 $0xFFFFFFF0, v63  }
0x17d: {  	v3 =	vor.u32 v3, v4  }
0x17e: {  	v4 =	vperm.xlane v3, v0;
	_ =	sdelay $0x1  }
0x17f: {  	v3 =	vperm.xlane v3, v2;
	v4 =	vadd.s32 v1, v4;
	_ =	sdelay $0x1  }
0x180: {  	v3 =	vadd.s32 v1, v3;
	_ =	sdelay $0x2  }
0x181: {  	[tilespmem:s29], [sflag:$0x1] =	stream.indirect_vreg.gather [hbm4b:s3+s1], $0x80, v4, vm0, $0xb8;
	[tilespmem:$0x8080] =	vst v63  }
0x182: {  	_ = 	snop  }
0x183: {  	[tilespmem:s30], [sflag:$0x1] =	stream.indirect_vreg.gather [hbm4b:s3+s1], $0x80, v3, vm0, $0xb8;
	[tilespmem:$0x8080] =	vst v63  }
0x184: {  	_ =	swait.ge [sflag:s31], $0x8000  }
0x185: {  	[sflag:s31] =	ssyncset.done $0x0  }
.Ltmp4:
0x186: {  	s10 =	rddreg [dreg:$0x5];
	[sflag:s31] =	ssyncadd.s32 $0xFFFF8000;
	(pc) =	sbr.rel .LBB2_5-.Ltmp4, $4  }
0x187: {  	[hbm4b:s10+s1] =	stream.linear.scatter [tilespmem:s14], [sflag:$0x2], $0x8000, $0x38;
	[tilespmem:$0x8080] =	vst v63  }
0x188: {  	_ =	swait.ge [sflag:s13], $0x8000  }
0x189: {  	[sflag:s13] =	ssyncset.done $0x0  }
0x18a: {  	[sflag:s13] =	ssyncadd.s32 $0xFFFF8000  }
.LBB2_6:
0x18b: {  	_ =	sfence.sel $0x180000  }
0x18c: {  	[bflag:$0x0] =	sbarrier.arrive $0xFFFF  }
0x18d: {  	_ =	strace $0x90000047  }
0x18e: {  	[bflag:$0x2] =	sbarrier.arrive $0xFFFF  }
0x18f: {  	s0 =	rddreg [dreg:$0x1]  }
0x190: {  	s0 =	sadd.s32 @!p0 $0x100000, s0  }
0x191: {  	[sflag:s0] =	ssyncadd.tile.s32 @!p0 $0x1;
	_ =	shalt  }
.Lfunc_end2:
_tile_overlayer_lowered:
.L_overlay_start_2:
0x192: {  	(tag) =	ssettag $0x2  }
0x193: {  	s0 =	rddreg [dreg:$0x0];
	s2 =	stileid.u32  }
0x194: {  	s1 =	rddreg [dreg:$0x1];
	p0 =	sne.s32 s2, $0x0  }
0x195: {  	s3 =	rddreg [dreg:$0x2];
	[bflag:$0x3] =	sbarrier.arrive $0xFFFF;
	s2 =	simm.s32 @!p0 $0x1C02  }
0x196: {  	[timem:s3], [sflag:s2] =	dma.local @!p0 [hbm:s0], s1  }
0x197: {  	s0 =	simm.s32 @!p0 $0x2  }
0x198: {  	_ =	swait.ge @!p0 [sflag:s0], s1  }
0x199: {  	s1 =	ssub.s32 @!p0 $0x0, s1;
	[sflag:s0] =	ssyncset.done @!p0 $0x0  }
0x19a: {  	[sflag:s0] =	ssyncadd.s32 @!p0 s1  }
0x19b: {  	[bflag:$0x3] =	sbarrier.arrive $0xFFFF  }
0x19c: {  	_ =	shalt  }

// kernel: kernel.17.cloned.1.call-start
scs
__scs_entry_jumppad:
0x0: {  	(pc) =	sbr.rel $0x88, $3  }
0x1: {  	(tag) =	ssettag $0x0;
	lr =	simm.s32 $0x1  }
0x2: {  	[smem:$0x3F84] =	sst lr;
	_ =	strace $0xD0000000  }
0x3: {  	_ = 	snop  }
0x4: {  	_ = 	snop  }
0x5: {  	_ = 	snop  }
0x6: {  	_ = 	snop  }
0x7: {  	_ = 	snop  }
__scs_overlays_trampoline_lowered:
0x8: {  	[smem:$0x3F93] =	sst s0  }
0x9: {  	[smem:$0x3F94] =	sst s1  }
0xa: {  	[smem:$0x3F95] =	sst s2  }
0xb: {  	[smem:$0x3F96] =	sst s3  }
0xc: {  	[smem:$0x3F97] =	sst s4  }
0xd: {  	[smem:$0x3F98] =	sst s5  }
0xe: {  	[smem:$0x3F99] =	sst s6  }
0xf: {  	[smem:$0x3F9A] =	sst s7  }
0x10: {  	[smem:$0x3F9B] =	sst s8  }
0x11: {  	[smem:$0x3F9C] =	sst s9;
	s0 =	simm.s32 @!p0 $0x0  }
0x12: {  	s1 =	sld [smem:$0x3F82];
	s0 =	simm.s32 @p0 $0x1  }
0x13: {  	[smem:$0x3F9D] =	sst s0;
	s0 =	simm.s32 @!p1 $0x0  }
0x14: {  	s2 =	sld [smem:$0x3F81];
	s0 =	simm.s32 @p1 $0x1  }
0x15: {  	[smem:$0x3F9E] =	sst s0;
	s0 =	simm.s32 @!p2 $0x0  }
0x16: {  	s3 =	sld [smem:$0x3FDB];
	s0 =	simm.s32 @p2 $0x1  }
0x17: {  	s4 =	simm.s32 $0x1BF5;
	[smem:$0x3FA0] =	sst s0  }
0x18: {  	s0 =	sld [smem:$0x3F83];
	_ =	swait.ge [sflag:s4], $0x0  }
0x19: {  	s7 =	sld [smem:$0x3F84]  }
0x1a: {  	s8 =	sadd.s32 $0xFFFFE003, lr  }
0x1b: {  	s9 =	sadd.s32 $0xFFFFFEF7, lr;
	s5 =	simm.s32 $0xFFFFFFFF;
	p2 =	slt.u32 s8, $0xFFFFF086  }
0x1c: {  	p1 =	slt.u32 s9, $0xF7A;
	s5 =	simm.s32 @!p2 $0x0  }
0x1d: {  	s5 =	simm.s32 @p1 $0x1;
	p0 =	seq.s32 s7, s2  }
0x1e: {  	s7 =	smul.u32 @!p0 $0xF7A, s2;
	p2 =	seq.s32 @!p0 s5, $0x0  }
0x1f: {  	s9 =	smul.u32 $0xF7A, s1;
	s8 =	simm.s32 @!p0 $0x1BF5;
	p2 =	por !p2, p0  }
0x20: {  	[sflag:s8] =	ssyncset.s32 @!p0 $0xFFFFF086;
	s6 =	sadd.s32 @!p0 s3, s7;
	s7 =	simm.s32 @!p0 $0x108  }
0x21: {  	s3 =	sadd.s32 s3, s9;
	s6 =	sadd.s32 @!p0 $0x88, s6;
	s7 =	simm.s32 @p2 $0x1082  }
0x22: {  	[simem:s7], [sflag:s8] =	dma.local @!p0 [hbm:s6], $0xF7A  }
0x23: {  	s9 =	sor.u32 $0xD0000000, s2;
	s6 =	simm.s32 $0x108;
	_ =	swait.ge @!p0 [sflag:s8], $0x0  }
0x24: {  	s3 =	sadd.s32 $0x88, s3;
	s6 =	simm.s32 @!p1 $0x1082;
	[sflag:s4] =	ssyncset.s32 $0xFFFFF086  }
0x25: {  	[simem:s6], [sflag:s4] =	dma.local [hbm:s3], $0xF7A  }
0x26: {  	[smem:$0x3F84] =	sst s1;
	(tag) =	ssettag s2;
	_ =	strace s9  }
0x27: {  	s1 =	sld [smem:$0x3F94]  }
0x28: {  	s2 =	sld [smem:$0x3F95]  }
0x29: {  	s4 =	sld [smem:$0x3F97]  }
0x2a: {  	p0 =	seq.s32 s5, $0x0;
	s5 =	sld [smem:$0x3F98]  }
0x2b: {  	s6 =	sld [smem:$0x3F99]  }
0x2c: {  	s7 =	sld [smem:$0x3F9A]  }
0x2d: {  	s3 =	simm.s32 $0x108;
	s8 =	sld [smem:$0x3F9B]  }
0x2e: {  	s3 =	simm.s32 @!p0 $0x1082;
	s9 =	sld [smem:$0x3F9C]  }
0x2f: {  	lr =	sadd.s32 s0, s3;
	s0 =	sld [smem:$0x3F93]  }
0x30: {  	s3 =	sld [smem:$0x3F96]  }
0x31: {  	[smem:$0x3F9F] =	sst s10  }
0x32: {  	s10 =	sld [smem:$0x3F9D];
	_ =	sdelay $0x3  }
0x33: {  	p0 =	seq.s32 s10, $0x1;
	s10 =	sld [smem:$0x3F9F];
	_ =	sdelay $0x3  }
0x34: {  	[smem:$0x3F9F] =	sst s10  }
0x35: {  	s10 =	sld [smem:$0x3F9E];
	_ =	sdelay $0x3  }
0x36: {  	p1 =	seq.s32 s10, $0x1;
	s10 =	sld [smem:$0x3F9F];
	_ =	sdelay $0x3  }
0x37: {  	[smem:$0x3F9F] =	sst s10  }
0x38: {  	s10 =	sld [smem:$0x3FA0]  }
0x39: {  	_ = 	snop;
	(pc) =	sbr.ind lr, $3  }
0x3a: {  	_ = 	snop  }
0x3b: {  	_ = 	snop  }
0x3c: {  	p2 =	seq.s32 s10, $0x1;
	s10 =	sld [smem:$0x3F9F]  }
0x3d: {  	_ =	shalt  }
0x3e: {  	_ =	shalt  }
0x3f: {  	_ =	shalt  }
0x40: {  	_ =	shalt  }
0x41: {  	_ =	shalt  }
0x42: {  	_ =	shalt  }
0x43: {  	_ =	shalt  }
0x44: {  	_ =	shalt  }
0x45: {  	_ =	shalt  }
0x46: {  	_ =	shalt  }
0x47: {  	_ =	shalt  }
0x48: {  	_ =	shalt  }
0x49: {  	_ =	shalt  }
0x4a: {  	_ =	shalt  }
0x4b: {  	_ =	shalt  }
0x4c: {  	_ =	shalt  }
0x4d: {  	_ =	shalt  }
0x4e: {  	_ =	shalt  }
0x4f: {  	_ =	shalt  }
0x50: {  	_ =	shalt  }
0x51: {  	_ =	shalt  }
0x52: {  	_ =	shalt  }
0x53: {  	_ =	shalt  }
0x54: {  	_ =	shalt  }
0x55: {  	_ =	shalt  }
0x56: {  	_ =	shalt  }
0x57: {  	_ =	shalt  }
0x58: {  	_ =	shalt  }
0x59: {  	_ =	shalt  }
0x5a: {  	_ =	shalt  }
0x5b: {  	_ =	shalt  }
0x5c: {  	_ =	shalt  }
0x5d: {  	_ =	shalt  }
0x5e: {  	_ =	shalt  }
0x5f: {  	_ =	shalt  }
0x60: {  	_ =	shalt  }
0x61: {  	_ =	shalt  }
0x62: {  	_ =	shalt  }
0x63: {  	_ =	shalt  }
0x64: {  	_ =	shalt  }
0x65: {  	_ =	shalt  }
0x66: {  	_ =	shalt  }
0x67: {  	_ =	shalt  }
0x68: {  	_ =	shalt  }
0x69: {  	_ =	shalt  }
0x6a: {  	_ =	shalt  }
0x6b: {  	_ =	shalt  }
0x6c: {  	_ =	shalt  }
0x6d: {  	_ =	shalt  }
0x6e: {  	_ =	shalt  }
0x6f: {  	_ =	shalt  }
0x70: {  	_ =	shalt  }
0x71: {  	_ =	shalt  }
0x72: {  	_ =	shalt  }
0x73: {  	_ =	shalt  }
0x74: {  	_ =	shalt  }
0x75: {  	_ =	shalt  }
0x76: {  	_ =	shalt  }
0x77: {  	_ =	shalt  }
0x78: {  	_ =	shalt  }
0x79: {  	_ =	shalt  }
0x7a: {  	_ =	shalt  }
0x7b: {  	_ =	shalt  }
0x7c: {  	_ =	shalt  }
0x7d: {  	_ =	shalt  }
0x7e: {  	_ =	shalt  }
0x7f: {  	_ =	shalt  }
0x80: {  	_ =	shalt  }
0x81: {  	_ =	shalt  }
0x82: {  	_ =	shalt  }
0x83: {  	_ =	shalt  }
0x84: {  	_ =	shalt  }
0x85: {  	_ =	shalt  }
0x86: {  	_ =	shalt  }
0x87: {  	_ =	shalt  }
.Lfunc_end0:
.L_simem_size_0:
called_computation.1_lowered:
.L_overlay_start_0:
0x88: {  	s2 =	sld [smem:$0x3FD9]  }
0x89: {  	s3 =	sld [smem:$0x3FFE];
	_ =	sdelay $0x1  }
0x8a: {  	s1 =	srdreg.scid  }
0x8b: {  	s0 =	sand.u32 $0x1, s1  }
0x8c: {  	s17 =	sshll.u32 s0, $0xA;
	s2 =	sadd.s32 s3, s2  }
0x8d: {  	s2 =	sadd.s32 s2, s17  }
0x8e: {  	[smem:$0x3FAB] =	sst s2  }
0x8f: {  	_ = 	snop  }
0x90: {  	s2 =	sld [smem:$0x3FD0];
	(tm) =	ssettm $0x1  }
0x91: {  	s18 =	sld [smem:$0x3FFB];
	_ =	sdelay $0x3  }
0x92: {  	_ =	strace s18  }
0x93: {  	s3 =	sld [smem:$0x3FFC];
	_ =	sdelay $0x3  }
0x94: {  	_ =	strace s3  }
0x95: {  	s3 =	sld [smem:$0x3FFD];
	_ =	sdelay $0x3  }
0x96: {  	_ =	strace s3  }
0x97: {  	_ =	strace $0x8FFFFFFF  }
0x98: {  	s19 =	sld [smem:$0x3FDB];
	_ =	sdelay $0x1  }
0x99: {  	s4 =	simm.s32 $_scs_section_size  }
0x9a: {  	s5 =	simm.s32 $_size__tile_overlayer_lowered;
	s6 =	simm.s32 $_tile_overlayer_lowered  }
0x9b: {  	s22 =	simm.s32 $0x1BFF;
	s21 =	sshll.u32 s6, $0x1;
	s3 =	sadd.s32 s4, s19  }
0x9c: {  	s7 =	simm.s32 $0x0;
	s20 =	sshll.u32 s5, $0x1;
	s5 =	sadd.s32 s21, s3  }
0x9d: {  	[timem:s7], [sflag:s22] =	dma.local [hbm:s5], s20  }
0x9e: {  	_ =	swait.ge [sflag:s22], s20  }
0x9f: {  	s4 =	ssub.s32 $0x0, s20;
	[sflag:s22] =	ssyncset.done $0x0  }
0xa0: {  	[sflag:s22] =	ssyncadd.s32 s4;
	_ =	sdelay $0x1  }
0xa1: {  	s23 =	simm.s32 $0x1B8B  }
0xa2: {  	_ =	swait.ge [sflag:s23], $0x1  }
0xa3: {  	[sflag:s23] =	ssyncset.done $0x0  }
0xa4: {  	s25 =	simm.s32 $0x1B8E;
	s24 =	sld [smem:$0x3FFE];
	[sflag:s23] =	ssyncadd.s32 $0xFFFFFFFF  }
0xa5: {  	s26 =	simm.s32 $execute0_lowered;
	[smem:$0x3FD2] =	sst s25  }
0xa6: {  	s5 =	sshll.u32 s26, $0x1;
	_ =	strace $0x80000049;
	[dreg:$0x1] =	wrdreg $0xFFFFFFFF  }
0xa7: {  	s28 =	simm.s32 $_size_execute0_lowered;
	s3 =	sadd.s32 s3, s5;
	[dreg:$0x0] =	wrdreg $0x0  }
0xa8: {  	s5 =	sshll.u32 s28, $0x1;
	[dreg:$0x2] =	wrdreg s3  }
0xa9: {  	[dreg:$0x3] =	wrdreg s5  }
0xaa: {  	[dreg:$0x4] =	wrdreg $0xC0  }
0xab: {  	_ =	task [dreg:s7], $0x5FFFF  }
0xac: {  	[dreg:$0x1] =	wrdreg $0xFFFFFFFF  }
0xad: {  	[dreg:$0x0] =	wrdreg $0x60  }
0xae: {  	[dreg:$0x2] =	wrdreg s24  }
0xaf: {  	[dreg:$0x3] =	wrdreg s2  }
0xb0: {  	[dreg:$0x4] =	wrdreg $0x41000  }
0xb1: {  	[dreg:$0x5] =	wrdreg $0x9  }
0xb2: {  	_ =	task.clear_ibuf [dreg:s7], $0x6FFFF;
	_ =	strace $0x90000049  }
0xb3: {  	s29 =	simm.s32 $0x9;
	_ =	strace $0x8000004B  }
0xb4: {  	_ =	swait.ge [sflag:s29], $0x1  }
0xb5: {  	[sflag:s29] =	ssyncadd.s32 $0xFFFFFFFF  }
0xb6: {  	_ =	strace $0x9000004B  }
0xb7: {  	_ =	sfence  }
0xb8: {  	s30 =	sld [smem:$0x0];
	_ =	sdelay $0x2  }
0xb9: {  	s31 =	sshll.u32 s1, $0xD;
	s1 =	sshrl.u32 s1, $0x2  }
0xba: {  	s3 =	sand.u32 $0x4000, s31;
	s1 =	sadd.s32 s1, s30  }
0xbb: {  	s0 =	sor.u32 s3, s0;
	s1 =	sshll.u32 s1, $0x11  }
0xbc: {  	s0 =	sor.u32 s1, s0  }
0xbd: {  	s0 =	sadd.s32 $0x8F2B, s0  }
0xbe: {  	[sflag:s0] =	ssyncadd.remote.s32 $0x1  }
0xbf: {  	_ =	sfence.sel $0xFFFF  }
0xc0: {  	[dreg:$0x0] =	wrdreg $0xFFFFFFFF;
	(pc) =	sbr.abs _section_cstart, $3  }
0xc1: {  	[dreg:$0x1] =	wrdreg $0xFFFFFFFF  }
0xc2: {  	_ =	task.clear_ibuf [dreg:s7], $0x2FFFF;
	_ =	strace $0x9FFFFFFF  }
0xc3: {  	(tm) =	ssettm $0x7FFFFFFF  }
tec
execute0_lowered:
.L_overlay_start_1:
0x0: {  	(tag) =	ssettag $0x1  }
0x1: {  	s4 =	rddreg [dreg:$0x0]  }
0x2: {  	s10 =	rddreg [dreg:$0x1]  }
0x3: {  	s1 =	rddreg [dreg:$0x2]  }
0x4: {  	s3 =	simm.s32 $0x0;
	s2 =	stileid.u32;
	s18 =	sadd.s32 $0xCE2C00, s4  }
0x5: {  	s7 =	srdreg.scid;
	s5 =	smul.u32 $0x278, s2;
	s21 =	sadd.s32 $0xF53C00, s4  }
0x6: {  	[smem:$0x7FF] =	sst s3;
	s6 =	smul.u32 $0x140, s2;
	s20 =	sadd.s32 $0x11C4C00, s4  }
0x7: {  	s19 =	sadd.s32 $0xC600, s4;
	s23 =	sand.u32 $0x1, s7;
	s28 =	sshll.u32 s2, $0x7  }
0x8: {  	s17 =	sshll.u32 s2, $0x6;
	s22 =	sshll.u32 s2, $0xB;
	p1 =	sgt.u32 s2, $0x1  }
0x9: {  	p2 =	slt.u32 s2, $0x2;
	_ =	strace $0x8000004A;
	s9 =	ssub.s32 $0x2, s23  }
0xa: {  	s25 =	smul.u32 $0x1388, s23;
	p0 =	seq.s32 s23, $0x1;
	s29 =	sor.u32 $0x27000, s28  }
0xb: {  	s17 =	sor.u32 $0x1C01, s17;
	s23 =	sshll.u32 s2, $0x4;
	s5 =	smin.u32 s5, $0x2498  }
0xc: {  	s8 =	smin.u32 s6, $0x1250;
	s26 =	sshrl.u32 s9, $0x1;
	s30 =	sshrl.u32 s29, $0x3  }
0xd: {  	s13 =	sshll.u32 s29, $0x4;
	s24 =	sshll.u32 s5, $0x4;
	s11 =	sshll.u32 s8, $0x4  }
0xe: {  	s16 =	ssub.s32 s9, s26;
	s5 =	sshll.u32 s5, $0x7;
	s6 =	sadd.s32 s19, s30  }
0xf: {  	s31 =	sshll.u32 s8, $0x7;
	s7 =	sadd.s32 s18, s13;
	s18 =	sadd.s32 s22, s18  }
0x10: {  	s19 =	sadd.s32 s23, s19;
	s23 =	simm.s32 $0x100;
	v0 =	vmov s25;
	s25 =	simm.s32 $0x0  }
0x11: {  	s14 =	sadd.s32 s24, s4;
	s15 =	sadd.s32 s11, s4;
	s4 =	sadd.s32 s5, s1  }
.Ltmp0:
0x12: {  	s5 =	sadd.s32 s10, s24;
	s9 =	sadd.s32 s31, s1;
	(pc) =	sbr.rel .LBB2_1-.Ltmp0, $4  }
0x13: {  	s10 =	sadd.s32 s10, s11;
	s11 =	sadd.s32 s20, s13;
	s13 =	sadd.s32 s21, s13  }
0x14: {  	s16 =	smax.u32 s16, $0x1;
	s20 =	sadd.s32 s22, s20;
	s21 =	sadd.s32 s22, s21  }
0x15: {  	s22 =	simm.s32 $0x1;
	s24 =	simm.s32 $0x80;
	s8 =	sadd.s32 $0xD4C00, s14  }
0x16: {  	s12 =	sadd.s32 $0xADA00, s15;
	s14 =	sadd.s32 $0xFBD00, s14;
	s15 =	sadd.s32 $0xC1300, s15  }
.LBB2_12:
0x17: {  	[tilespmem:s3], [sflag:$0x1] =	stream.linear.gather [hbm4b:s6+s3], $0x80, $0x38;
	[tilespmem:$0x17980] =	vst v63  }
0x18: {  	_ =	swait.ge [sflag:s22], $0x80  }
0x19: {  	[sflag:s22] =	ssyncset.done $0x0  }
0x1a: {  	[sflag:s22] =	ssyncadd.s32 $0xFFFFFF80  }
0x1b: {  	v1 =	vld [tilespmem:$0x0]  }
0x1c: {  	v2 =	vld [tilespmem:$0x10]  }
0x1d: {  	v3 =	vld [tilespmem:$0x20]  }
0x1e: {  	v4 =	vld [tilespmem:$0x30]  }
0x1f: {  	v5 =	vld [tilespmem:$0x40]  }
0x20: {  	v6 =	vld [tilespmem:$0x50];
	v1 =	vsub.s32 v1, v0  }
0x21: {  	v7 =	vld [tilespmem:$0x60];
	v2 =	vsub.s32 v2, v0;
	v1 =	vmin.u32 v1, $0x1388  }
0x22: {  	[tilespmem:$0x80] =	vst v1;
	v1 =	vmin.u32 v2, $0x1388;
	v2 =	vsub.s32 v3, v0;
	v3 =	vld [tilespmem:$0x70]  }
0x23: {  	[tilespmem:$0x90] =	vst v1;
	v1 =	vmin.u32 v2, $0x1388;
	v2 =	vsub.s32 v4, v0  }
0x24: {  	[tilespmem:$0xA0] =	vst v1;
	v1 =	vmin.u32 v2, $0x1388;
	v2 =	vsub.s32 v5, v0  }
0x25: {  	[tilespmem:$0xB0] =	vst v1;
	v1 =	vmin.u32 v2, $0x1388;
	v2 =	vsub.s32 v6, v0  }
0x26: {  	[tilespmem:$0xC0] =	vst v1;
	v1 =	vmin.u32 v2, $0x1388;
	v2 =	vsub.s32 v7, v0  }
0x27: {  	[tilespmem:$0xD0] =	vst v1;
	v1 =	vmin.u32 v2, $0x1388;
	v2 =	vsub.s32 v3, v0  }
0x28: {  	[tilespmem:$0xE0] =	vst v1;
	v1 =	vmin.u32 v2, $0x1388  }
0x29: {  	[tilespmem:$0xF0] =	vst v1  }
0x2a: {  	[tilespmem:s23], [sflag:$0x1] =	stream.linear.gather [hbm4b:s11+s3], $0x4000, $0x38;
	[tilespmem:$0x17980] =	vst v63  }
0x2b: {  	_ =	swait.ge [sflag:s22], $0x4000  }
0x2c: {  	[sflag:s22] =	ssyncset.done $0x0  }
0x2d: {  	[sflag:s22] =	ssyncadd.s32 $0xFFFFC000  }
0x2e: {  	[spmem:s1] =	stream.indirect.scatter.add.f32 [tilespmem:s23], [sflag:$0x1], $0x80, s24, s24, $0xb8;
	[tilespmem:$0x17980] =	vst v63  }
0x2f: {  	_ =	swait.ge [sflag:s22], $0x4000  }
0x30: {  	[sflag:s22] =	ssyncset.done $0x0  }
0x31: {  	[sflag:s22] =	ssyncadd.s32 $0xFFFFC000  }
.LBB2_13:
0x32: {  	s25 =	sadd.s32 $0x1, s25  }
0x33: {  	p3 =	sne.s32 s25, s16  }
.Ltmp1:
0x34: {  	[bflag:$0x0] =	sbarrier.arrive $0xFFFF;
	s0 =	sshrl.u32 s9, $0x3;
	(pc) =	sbr.rel @!p3 .LBB2_14-.Ltmp1, $4  }
0x35: {  	[hbm:s26], [sflag:s17] =	dma.local [spmem:s0], $0x1400  }
0x36: {  	_ =	swait.ge [sflag:s22], $0x1400  }
0x37: {  	[sflag:s22] =	ssyncset.done $0x0  }
0x38: {  	[sflag:s22] =	ssyncadd.s32 $0xFFFFEC00  }
.LBB2_1:
0x39: {  	s26 =	sshrl.u32 s4, $0x3  }
0x3a: {  	[spmem:s26], [sflag:s17] =	dma.local [hbm:s5], $0x2780  }
.Ltmp2:
0x3b: {  	_ =	swait.ge [sflag:s22], $0x2780;
	(pc) =	sbr.rel @!p0 .LBB2_2-.Ltmp2, $3  }
0x3c: {  	[sflag:s22] =	ssyncset.done $0x0  }
0x3d: {  	[sflag:s22] =	ssyncadd.s32 $0xFFFFD880  }
0x3e: {  	[bflag:$0x0] =	sbarrier.arrive $0xFFFF;
	_ =	sdelay $0x1  }
0x3f: {  	s0 =	sadd.s32 $0x0, s19  }
0x40: {  	[tilespmem:s3], [sflag:$0x1] =	stream.linear.gather [hbm4b:s0+s3], $0x80, $0x38;
	[tilespmem:$0x17980] =	vst v63  }
0x41: {  	_ =	swait.ge [sflag:s22], $0x80  }
0x42: {  	[sflag:s22] =	ssyncset.done $0x0  }
0x43: {  	[sflag:s22] =	ssyncadd.s32 $0xFFFFFF80  }
0x44: {  	[tilespmem:s23], [sflag:$0x1] =	stream.linear.gather [hbm4b:s21+s3], $0x4000, $0x38;
	[tilespmem:$0x17980] =	vst v63  }
0x45: {  	_ =	swait.ge [sflag:s22], $0x4000  }
0x46: {  	[sflag:s22] =	ssyncset.done $0x0  }
0x47: {  	[sflag:s22] =	ssyncadd.s32 $0xFFFFC000  }
0x48: {  	[spmem:s1] =	stream.indirect.scatter.add.f32 [tilespmem:s23], [sflag:$0x1], $0x80, s3, s24, $0xb8;
	[tilespmem:$0x17980] =	vst v63  }
0x49: {  	s29 =	simm.s32 $0x100;
	_ =	swait.ge [sflag:s22], $0x4000  }
0x4a: {  	s30 =	simm.s32 $0x200;
	s28 =	sadd.s32 $0x8000, s21;
	[sflag:s22] =	ssyncset.done $0x0  }
.LBB2_8:
0x4b: {  	s0 =	sadd.s32 s29, s19  }
0x4c: {  	[sflag:s22] =	ssyncadd.s32 $0xFFFFC000;
	s29 =	smov.u32 s30;
	s31 =	sadd.s32 $0x100, s30  }
0x4d: {  	[tilespmem:s3], [sflag:$0x1] =	stream.linear.gather [hbm4b:s0+s3], $0x80, $0x38;
	[tilespmem:$0x17980] =	vst v63  }
0x4e: {  	p3 =	sne.s32 s30, $0x4D00;
	_ =	swait.ge [sflag:s22], $0x80  }
0x4f: {  	[sflag:s22] =	ssyncset.done $0x0  }
0x50: {  	[sflag:s22] =	ssyncadd.s32 $0xFFFFFF80  }
0x51: {  	[tilespmem:s23], [sflag:$0x1] =	stream.linear.gather [hbm4b:s28+s3], $0x4000, $0x38;
	[tilespmem:$0x17980] =	vst v63  }
0x52: {  	_ =	swait.ge [sflag:s22], $0x4000  }
.Ltmp3:
0x53: {  	[sflag:s22] =	ssyncset.done $0x0;
	(pc) =	sbr.rel @p3 .LBB2_8-.Ltmp3, $4  }
0x54: {  	[sflag:s22] =	ssyncadd.s32 $0xFFFFC000  }
0x55: {  	[spmem:s1] =	stream.indirect.scatter.add.f32 [tilespmem:s23], [sflag:$0x1], $0x80, s3, s24, $0xb8;
	[tilespmem:$0x17980] =	vst v63  }
0x56: {  	_ =	swait.ge [sflag:s22], $0x4000  }
0x57: {  	s30 =	smov.u32 s31;
	s28 =	sadd.s32 $0x8000, s28;
	[sflag:s22] =	ssyncset.done $0x0  }
0x58: {  	s0 =	sadd.s32 s29, s19;
	[sflag:s22] =	ssyncadd.s32 $0xFFFFC000  }
0x59: {  	[tilespmem:s3], [sflag:$0x1] =	stream.linear.gather [hbm4b:s0+s3], $0x80, $0x38;
	[tilespmem:$0x17980] =	vst v63  }
0x5a: {  	_ =	swait.ge [sflag:s22], $0x80  }
0x5b: {  	[sflag:s22] =	ssyncset.done $0x0  }
0x5c: {  	[sflag:s22] =	ssyncadd.s32 $0xFFFFFF80  }
0x5d: {  	[tilespmem:s23], [sflag:$0x1] =	stream.linear.gather [hbm4b:s28+s3], $0x4000, $0x38;
	[tilespmem:$0x17980] =	vst v63  }
0x5e: {  	_ =	swait.ge [sflag:s22], $0x4000  }
0x5f: {  	[sflag:s22] =	ssyncset.done $0x0  }
0x60: {  	[sflag:s22] =	ssyncadd.s32 $0xFFFFC000  }
0x61: {  	[spmem:s1] =	stream.indirect.scatter.add.f32 [tilespmem:s23], [sflag:$0x1], $0x80, s3, s24, $0xb8;
	[tilespmem:$0x17980] =	vst v63  }
0x62: {  	_ =	swait.ge [sflag:s22], $0x4000  }
0x63: {  	[sflag:s22] =	ssyncset.done $0x0  }
0x64: {  	s0 =	simm.s32 @!p1 $0x0;
	s28 =	simm.s32 @!p1 $0x1;
	[sflag:s22] =	ssyncadd.s32 $0xFFFFC000  }
0x65: {  	[tilespmem:s0], [sflag:$0x1] =	stream.linear.gather @!p1 [hbm4b:s6+s0], $0x80, $0x38;
	[tilespmem:$0x17980] =	vst v63  }
0x66: {  	_ =	swait.ge @!p1 [sflag:s28], $0x80  }
0x67: {  	[sflag:s28] =	ssyncset.done @!p1 $0x0  }
0x68: {  	s29 =	simm.s32 @!p1 $0x100;
	[sflag:s28] =	ssyncadd.s32 @!p1 $0xFFFFFF80  }
0x69: {  	[tilespmem:s29], [sflag:$0x1] =	stream.linear.gather @!p1 [hbm4b:s13+s0], $0x4000, $0x38;
	[tilespmem:$0x17980] =	vst v63  }
0x6a: {  	_ =	swait.ge @!p1 [sflag:s28], $0x4000  }
0x6b: {  	[sflag:s28] =	ssyncset.done @!p1 $0x0  }
0x6c: {  	s30 =	simm.s32 @!p1 $0x80;
	[sflag:s28] =	ssyncadd.s32 @!p1 $0xFFFFC000  }
0x6d: {  	[spmem:s1] =	stream.indirect.scatter.add.f32 @!p1 [tilespmem:s29], [sflag:$0x1], $0x80, s0, s30, $0xb8;
	[tilespmem:$0x17980] =	vst v63  }
0x6e: {  	_ =	swait.ge @!p1 [sflag:s28], $0x4000  }
0x6f: {  	[sflag:s28] =	ssyncset.done @!p1 $0x0  }
0x70: {  	[sflag:s28] =	ssyncadd.s32 @!p1 $0xFFFFC000  }
0x71: {  	[bflag:$0x0] =	sbarrier.arrive $0xFFFF  }
0x72: {  	[hbm:s14], [sflag:s17] =	dma.local [spmem:s26], $0x2780  }
0x73: {  	_ =	swait.ge [sflag:s22], $0x2780  }
0x74: {  	[sflag:s22] =	ssyncset.done $0x0  }
0x75: {  	[sflag:s22] =	ssyncadd.s32 $0xFFFFD880  }
0x76: {  	s30 =	sshrl.u32 s9, $0x3;
	[bflag:$0x0] =	sbarrier.arrive $0xFFFF  }
0x77: {  	[spmem:s30], [sflag:s17] =	dma.local [hbm:s10], $0x1400  }
0x78: {  	_ =	swait.ge [sflag:s22], $0x1400  }
0x79: {  	[sflag:s22] =	ssyncset.done $0x0  }
0x7a: {  	[sflag:s22] =	ssyncadd.s32 $0xFFFFEC00  }
0x7b: {  	s31 =	sadd.s32 $0x0, s19;
	[bflag:$0x0] =	sbarrier.arrive $0xFFFF  }
0x7c: {  	[tilespmem:s3], [sflag:$0x1] =	stream.linear.gather [hbm4b:s31+s3], $0x80, $0x38;
	[tilespmem:$0x17980] =	vst v63  }
0x7d: {  	_ =	swait.ge [sflag:s22], $0x80  }
0x7e: {  	[sflag:s22] =	ssyncset.done $0x0  }
0x7f: {  	[sflag:s22] =	ssyncadd.s32 $0xFFFFFF80  }
0x80: {  	v1 =	vld [tilespmem:$0x50]  }
0x81: {  	v2 =	vld [tilespmem:$0x30]  }
0x82: {  	v3 =	vld [tilespmem:$0x20]  }
0x83: {  	v4 =	vld [tilespmem:$0x10]  }
0x84: {  	v5 =	vld [tilespmem:$0x40]  }
0x85: {  	v6 =	vld [tilespmem:$0x0];
	v1 =	vsub.s32 v1, v0  }
0x86: {  	v7 =	vld [tilespmem:$0x60];
	v2 =	vsub.s32 v2, v0;
	v1 =	vmin.u32 v1, $0x1388  }
0x87: {  	v8 =	vld [tilespmem:$0x70];
	v3 =	vsub.s32 v3, v0;
	v2 =	vmin.u32 v2, $0x1388;
	[tilespmem:$0xD0] =	vst v1  }
0x88: {  	v3 =	vmin.u32 v3, $0x1388;
	v1 =	vsub.s32 v4, v0;
	[tilespmem:$0xB0] =	vst v2  }
0x89: {  	[tilespmem:$0xA0] =	vst v3;
	v2 =	vsub.s32 v5, v0;
	v1 =	vmin.u32 v1, $0x1388  }
0x8a: {  	v3 =	vsub.s32 v6, v0;
	[tilespmem:$0x90] =	vst v1;
	v1 =	vmin.u32 v2, $0x1388  }
0x8b: {  	v2 =	vmin.u32 v3, $0x1388;
	[tilespmem:$0xC0] =	vst v1;
	v1 =	vsub.s32 v7, v0  }
0x8c: {  	s29 =	smov.u32 s20;
	s28 =	smov.u32 s20;
	s26 =	simm.s32 $0x100;
	[tilespmem:$0x80] =	vst v2;
	v2 =	vsub.s32 v8, v0;
	v1 =	vmin.u32 v1, $0x1388  }
.LBB2_10:
0x8d: {  	p3 =	sne.s32 s26, $0x4D00  }
0x8e: {  	[tilespmem:$0xE0] =	vst v1;
	v1 =	vmin.u32 v2, $0x1388;
	s29 =	sadd.s32 $0x8000, s29;
	s0 =	smov.u32 s26;
	s26 =	sadd.s32 $0x100, s26  }
0x8f: {  	[tilespmem:$0xF0] =	vst v1  }
0x90: {  	[tilespmem:s23], [sflag:$0x1] =	stream.linear.gather [hbm4b:s28+s3], $0x4000, $0x38;
	[tilespmem:$0x17980] =	vst v63  }
0x91: {  	s28 =	smov.u32 s29;
	_ =	swait.ge [sflag:s22], $0x4000  }
0x92: {  	[sflag:s22] =	ssyncset.done $0x0  }
0x93: {  	[sflag:s22] =	ssyncadd.s32 $0xFFFFC000  }
0x94: {  	[spmem:s1] =	stream.indirect.scatter.add.f32 [tilespmem:s23], [sflag:$0x1], $0x80, s24, s24, $0xb8;
	[tilespmem:$0x17980] =	vst v63  }
0x95: {  	s0 =	sadd.s32 s0, s19;
	_ =	swait.ge [sflag:s22], $0x4000  }
0x96: {  	[sflag:s22] =	ssyncset.done $0x0  }
0x97: {  	[sflag:s22] =	ssyncadd.s32 $0xFFFFC000  }
0x98: {  	[tilespmem:s3], [sflag:$0x1] =	stream.linear.gather [hbm4b:s0+s3], $0x80, $0x38;
	[tilespmem:$0x17980] =	vst v63  }
0x99: {  	_ =	swait.ge [sflag:s22], $0x80  }
0x9a: {  	[sflag:s22] =	ssyncset.done $0x0  }
0x9b: {  	[sflag:s22] =	ssyncadd.s32 $0xFFFFFF80  }
0x9c: {  	v1 =	vld [tilespmem:$0x50]  }
0x9d: {  	v2 =	vld [tilespmem:$0x30]  }
0x9e: {  	v3 =	vld [tilespmem:$0x20]  }
0x9f: {  	v4 =	vld [tilespmem:$0x10]  }
0xa0: {  	v5 =	vld [tilespmem:$0x40]  }
0xa1: {  	v6 =	vld [tilespmem:$0x0];
	v1 =	vsub.s32 v1, v0  }
0xa2: {  	v2 =	vsub.s32 v2, v0;
	v1 =	vmin.u32 v1, $0x1388;
	v7 =	vld [tilespmem:$0x60]  }
0xa3: {  	v3 =	vsub.s32 v3, v0;
	v2 =	vmin.u32 v2, $0x1388;
	[tilespmem:$0xD0] =	vst v1;
	v8 =	vld [tilespmem:$0x70]  }
.Ltmp4:
0xa4: {  	v1 =	vsub.s32 v4, v0;
	v3 =	vmin.u32 v3, $0x1388;
	[tilespmem:$0xB0] =	vst v2;
	(pc) =	sbr.rel @p3 .LBB2_10-.Ltmp4, $4  }
0xa5: {  	v1 =	vmin.u32 v1, $0x1388;
	[tilespmem:$0xA0] =	vst v3;
	v2 =	vsub.s32 v5, v0  }
0xa6: {  	v3 =	vsub.s32 v6, v0;
	[tilespmem:$0x90] =	vst v1;
	v1 =	vmin.u32 v2, $0x1388  }
0xa7: {  	v2 =	vmin.u32 v3, $0x1388;
	[tilespmem:$0xC0] =	vst v1;
	v1 =	vsub.s32 v7, v0  }
0xa8: {  	[tilespmem:$0x80] =	vst v2;
	v1 =	vmin.u32 v1, $0x1388;
	v2 =	vsub.s32 v8, v0  }
0xa9: {  	[tilespmem:$0xE0] =	vst v1;
	v1 =	vmin.u32 v2, $0x1388  }
0xaa: {  	[tilespmem:$0xF0] =	vst v1  }
0xab: {  	[tilespmem:s23], [sflag:$0x1] =	stream.linear.gather [hbm4b:s28+s3], $0x4000, $0x38;
	[tilespmem:$0x17980] =	vst v63  }
0xac: {  	_ =	swait.ge [sflag:s22], $0x4000  }
0xad: {  	[sflag:s22] =	ssyncset.done $0x0  }
0xae: {  	[sflag:s22] =	ssyncadd.s32 $0xFFFFC000  }
0xaf: {  	[spmem:s1] =	stream.indirect.scatter.add.f32 [tilespmem:s23], [sflag:$0x1], $0x80, s24, s24, $0xb8;
	[tilespmem:$0x17980] =	vst v63  }
.Ltmp5:
0xb0: {  	_ = 	snop;
	(pc) =	sbr.rel @p1 .LBB2_13-.Ltmp5, $4  }
.Ltmp6:
0xb1: {  	_ = 	snop;
	(pc) =	sbr.rel @!p1 .LBB2_12-.Ltmp6, $4  }
0xb2: {  	_ =	swait.ge [sflag:s22], $0x4000  }
0xb3: {  	[sflag:s22] =	ssyncset.done $0x0  }
0xb4: {  	s26 =	smov.u32 s15;
	[sflag:s22] =	ssyncadd.s32 $0xFFFFC000  }
0xb5: {  	_ = 	snop  }
.LBB2_2:
0xb6: {  	s28 =	sadd.s32 $0x0, s19  }
0xb7: {  	[tilespmem:s3], [sflag:$0x1] =	stream.linear.gather [hbm4b:s28+s3], $0x80, $0x38;
	[tilespmem:$0x17980] =	vst v63  }
0xb8: {  	_ =	swait.ge [sflag:s22], $0x80  }
0xb9: {  	[sflag:s22] =	ssyncset.done $0x0  }
0xba: {  	[sflag:s22] =	ssyncadd.s32 $0xFFFFFF80  }
0xbb: {  	[tilespmem:s23], [sflag:$0x1] =	stream.linear.gather [hbm4b:s18+s3], $0x4000, $0x38;
	[tilespmem:$0x17980] =	vst v63  }
0xbc: {  	_ =	swait.ge [sflag:s22], $0x4000  }
0xbd: {  	[sflag:s22] =	ssyncset.done $0x0  }
0xbe: {  	[sflag:s22] =	ssyncadd.s32 $0xFFFFC000  }
0xbf: {  	[spmem:s1] =	stream.indirect.scatter.add.f32 [tilespmem:s23], [sflag:$0x1], $0x80, s3, s24, $0xb8;
	[tilespmem:$0x17980] =	vst v63  }
0xc0: {  	s29 =	simm.s32 $0x100;
	_ =	swait.ge [sflag:s22], $0x4000  }
0xc1: {  	s30 =	simm.s32 $0x200;
	s28 =	sadd.s32 $0x8000, s18;
	[sflag:s22] =	ssyncset.done $0x0  }
.LBB2_3:
0xc2: {  	s31 =	sadd.s32 s29, s19  }
0xc3: {  	[sflag:s22] =	ssyncadd.s32 $0xFFFFC000;
	s29 =	smov.u32 s30;
	s0 =	sadd.s32 $0x100, s30  }
0xc4: {  	[tilespmem:s3], [sflag:$0x1] =	stream.linear.gather [hbm4b:s31+s3], $0x80, $0x38;
	[tilespmem:$0x17980] =	vst v63  }
0xc5: {  	p3 =	sne.s32 s30, $0x4D00;
	_ =	swait.ge [sflag:s22], $0x80  }
0xc6: {  	[sflag:s22] =	ssyncset.done $0x0  }
0xc7: {  	[sflag:s22] =	ssyncadd.s32 $0xFFFFFF80  }
0xc8: {  	[tilespmem:s23], [sflag:$0x1] =	stream.linear.gather [hbm4b:s28+s3], $0x4000, $0x38;
	[tilespmem:$0x17980] =	vst v63  }
0xc9: {  	_ =	swait.ge [sflag:s22], $0x4000  }
.Ltmp7:
0xca: {  	[sflag:s22] =	ssyncset.done $0x0;
	(pc) =	sbr.rel @p3 .LBB2_3-.Ltmp7, $4  }
0xcb: {  	[sflag:s22] =	ssyncadd.s32 $0xFFFFC000  }
0xcc: {  	[spmem:s1] =	stream.indirect.scatter.add.f32 [tilespmem:s23], [sflag:$0x1], $0x80, s3, s24, $0xb8;
	[tilespmem:$0x17980] =	vst v63  }
0xcd: {  	_ =	swait.ge [sflag:s22], $0x4000  }
0xce: {  	s30 =	smov.u32 s0;
	s28 =	sadd.s32 $0x8000, s28;
	[sflag:s22] =	ssyncset.done $0x0  }
0xcf: {  	s0 =	sadd.s32 s29, s19;
	[sflag:s22] =	ssyncadd.s32 $0xFFFFC000  }
0xd0: {  	[tilespmem:s3], [sflag:$0x1] =	stream.linear.gather [hbm4b:s0+s3], $0x80, $0x38;
	[tilespmem:$0x17980] =	vst v63  }
0xd1: {  	_ =	swait.ge [sflag:s22], $0x80  }
0xd2: {  	[sflag:s22] =	ssyncset.done $0x0  }
0xd3: {  	[sflag:s22] =	ssyncadd.s32 $0xFFFFFF80  }
0xd4: {  	[tilespmem:s23], [sflag:$0x1] =	stream.linear.gather [hbm4b:s28+s3], $0x4000, $0x38;
	[tilespmem:$0x17980] =	vst v63  }
0xd5: {  	_ =	swait.ge [sflag:s22], $0x4000  }
0xd6: {  	[sflag:s22] =	ssyncset.done $0x0  }
0xd7: {  	[sflag:s22] =	ssyncadd.s32 $0xFFFFC000  }
0xd8: {  	[spmem:s1] =	stream.indirect.scatter.add.f32 [tilespmem:s23], [sflag:$0x1], $0x80, s3, s24, $0xb8;
	[tilespmem:$0x17980] =	vst v63  }
0xd9: {  	_ =	swait.ge [sflag:s22], $0x4000  }
0xda: {  	[sflag:s22] =	ssyncset.done $0x0  }
0xdb: {  	s0 =	simm.s32 @!p1 $0x0;
	s28 =	simm.s32 @!p1 $0x1;
	[sflag:s22] =	ssyncadd.s32 $0xFFFFC000  }
0xdc: {  	[tilespmem:s0], [sflag:$0x1] =	stream.linear.gather @!p1 [hbm4b:s6+s0], $0x80, $0x38;
	[tilespmem:$0x17980] =	vst v63  }
0xdd: {  	_ =	swait.ge @!p1 [sflag:s28], $0x80  }
0xde: {  	[sflag:s28] =	ssyncset.done @!p1 $0x0  }
0xdf: {  	s29 =	simm.s32 @!p1 $0x100;
	[sflag:s28] =	ssyncadd.s32 @!p1 $0xFFFFFF80  }
0xe0: {  	[tilespmem:s29], [sflag:$0x1] =	stream.linear.gather @!p1 [hbm4b:s7+s0], $0x4000, $0x38;
	[tilespmem:$0x17980] =	vst v63  }
0xe1: {  	_ =	swait.ge @!p1 [sflag:s28], $0x4000  }
0xe2: {  	[sflag:s28] =	ssyncset.done @!p1 $0x0  }
0xe3: {  	s30 =	simm.s32 @!p1 $0x80;
	[sflag:s28] =	ssyncadd.s32 @!p1 $0xFFFFC000  }
0xe4: {  	[spmem:s1] =	stream.indirect.scatter.add.f32 @!p1 [tilespmem:s29], [sflag:$0x1], $0x80, s0, s30, $0xb8;
	[tilespmem:$0x17980] =	vst v63  }
0xe5: {  	_ =	swait.ge @!p1 [sflag:s28], $0x4000  }
0xe6: {  	[sflag:s28] =	ssyncset.done @!p1 $0x0  }
0xe7: {  	[sflag:s28] =	ssyncadd.s32 @!p1 $0xFFFFC000  }
0xe8: {  	[bflag:$0x0] =	sbarrier.arrive $0xFFFF  }
0xe9: {  	[hbm:s8], [sflag:s17] =	dma.local [spmem:s26], $0x2780  }
0xea: {  	_ =	swait.ge [sflag:s22], $0x2780  }
0xeb: {  	[sflag:s22] =	ssyncset.done $0x0  }
0xec: {  	[sflag:s22] =	ssyncadd.s32 $0xFFFFD880  }
0xed: {  	s30 =	sshrl.u32 s9, $0x3;
	[bflag:$0x0] =	sbarrier.arrive $0xFFFF  }
0xee: {  	[spmem:s30], [sflag:s17] =	dma.local [hbm:s10], $0x1400  }
0xef: {  	_ =	swait.ge [sflag:s22], $0x1400  }
0xf0: {  	[sflag:s22] =	ssyncset.done $0x0  }
0xf1: {  	[sflag:s22] =	ssyncadd.s32 $0xFFFFEC00  }
0xf2: {  	s31 =	sadd.s32 $0x0, s19;
	[bflag:$0x0] =	sbarrier.arrive $0xFFFF  }
0xf3: {  	[tilespmem:s3], [sflag:$0x1] =	stream.linear.gather [hbm4b:s31+s3], $0x80, $0x38;
	[tilespmem:$0x17980] =	vst v63  }
0xf4: {  	_ =	swait.ge [sflag:s22], $0x80  }
0xf5: {  	[sflag:s22] =	ssyncset.done $0x0  }
0xf6: {  	[sflag:s22] =	ssyncadd.s32 $0xFFFFFF80  }
0xf7: {  	v1 =	vld [tilespmem:$0x50]  }
0xf8: {  	v2 =	vld [tilespmem:$0x30]  }
0xf9: {  	v3 =	vld [tilespmem:$0x20]  }
0xfa: {  	v4 =	vld [tilespmem:$0x10]  }
0xfb: {  	v5 =	vld [tilespmem:$0x40]  }
0xfc: {  	v6 =	vld [tilespmem:$0x0];
	v1 =	vsub.s32 v1, v0  }
0xfd: {  	v7 =	vld [tilespmem:$0x60];
	v2 =	vsub.s32 v2, v0;
	v1 =	vmin.u32 v1, $0x1388  }
0xfe: {  	v8 =	vld [tilespmem:$0x70];
	v3 =	vsub.s32 v3, v0;
	v2 =	vmin.u32 v2, $0x1388;
	[tilespmem:$0xD0] =	vst v1  }
0xff: {  	v3 =	vmin.u32 v3, $0x1388;
	v1 =	vsub.s32 v4, v0;
	[tilespmem:$0xB0] =	vst v2  }
0x100: {  	[tilespmem:$0xA0] =	vst v3;
	v2 =	vsub.s32 v5, v0;
	v1 =	vmin.u32 v1, $0x1388  }
0x101: {  	v3 =	vsub.s32 v6, v0;
	[tilespmem:$0x90] =	vst v1;
	v1 =	vmin.u32 v2, $0x1388  }
0x102: {  	v2 =	vmin.u32 v3, $0x1388;
	[tilespmem:$0xC0] =	vst v1;
	v1 =	vsub.s32 v7, v0  }
0x103: {  	s29 =	smov.u32 s20;
	s28 =	smov.u32 s20;
	s26 =	simm.s32 $0x100;
	[tilespmem:$0x80] =	vst v2;
	v2 =	vsub.s32 v8, v0;
	v1 =	vmin.u32 v1, $0x1388  }
.LBB2_5:
0x104: {  	p3 =	sne.s32 s26, $0x4D00  }
0x105: {  	[tilespmem:$0xE0] =	vst v1;
	v1 =	vmin.u32 v2, $0x1388;
	s29 =	sadd.s32 $0x8000, s29;
	s0 =	smov.u32 s26;
	s26 =	sadd.s32 $0x100, s26  }
0x106: {  	[tilespmem:$0xF0] =	vst v1  }
0x107: {  	[tilespmem:s23], [sflag:$0x1] =	stream.linear.gather [hbm4b:s28+s3], $0x4000, $0x38;
	[tilespmem:$0x17980] =	vst v63  }
0x108: {  	s28 =	smov.u32 s29;
	_ =	swait.ge [sflag:s22], $0x4000  }
0x109: {  	[sflag:s22] =	ssyncset.done $0x0  }
0x10a: {  	[sflag:s22] =	ssyncadd.s32 $0xFFFFC000  }
0x10b: {  	[spmem:s1] =	stream.indirect.scatter.add.f32 [tilespmem:s23], [sflag:$0x1], $0x80, s24, s24, $0xb8;
	[tilespmem:$0x17980] =	vst v63  }
0x10c: {  	s0 =	sadd.s32 s0, s19;
	_ =	swait.ge [sflag:s22], $0x4000  }
0x10d: {  	[sflag:s22] =	ssyncset.done $0x0  }
0x10e: {  	[sflag:s22] =	ssyncadd.s32 $0xFFFFC000  }
0x10f: {  	[tilespmem:s3], [sflag:$0x1] =	stream.linear.gather [hbm4b:s0+s3], $0x80, $0x38;
	[tilespmem:$0x17980] =	vst v63  }
0x110: {  	_ =	swait.ge [sflag:s22], $0x80  }
0x111: {  	[sflag:s22] =	ssyncset.done $0x0  }
0x112: {  	[sflag:s22] =	ssyncadd.s32 $0xFFFFFF80  }
0x113: {  	v1 =	vld [tilespmem:$0x50]  }
0x114: {  	v2 =	vld [tilespmem:$0x30]  }
0x115: {  	v3 =	vld [tilespmem:$0x20]  }
0x116: {  	v4 =	vld [tilespmem:$0x10]  }
0x117: {  	v5 =	vld [tilespmem:$0x40]  }
0x118: {  	v6 =	vld [tilespmem:$0x0];
	v1 =	vsub.s32 v1, v0  }
0x119: {  	v2 =	vsub.s32 v2, v0;
	v1 =	vmin.u32 v1, $0x1388;
	v7 =	vld [tilespmem:$0x60]  }
0x11a: {  	v3 =	vsub.s32 v3, v0;
	v2 =	vmin.u32 v2, $0x1388;
	[tilespmem:$0xD0] =	vst v1;
	v8 =	vld [tilespmem:$0x70]  }
.Ltmp8:
0x11b: {  	v1 =	vsub.s32 v4, v0;
	v3 =	vmin.u32 v3, $0x1388;
	[tilespmem:$0xB0] =	vst v2;
	(pc) =	sbr.rel @p3 .LBB2_5-.Ltmp8, $4  }
0x11c: {  	v1 =	vmin.u32 v1, $0x1388;
	[tilespmem:$0xA0] =	vst v3;
	v2 =	vsub.s32 v5, v0  }
0x11d: {  	v3 =	vsub.s32 v6, v0;
	[tilespmem:$0x90] =	vst v1;
	v1 =	vmin.u32 v2, $0x1388  }
0x11e: {  	v2 =	vmin.u32 v3, $0x1388;
	[tilespmem:$0xC0] =	vst v1;
	v1 =	vsub.s32 v7, v0  }
0x11f: {  	[tilespmem:$0x80] =	vst v2;
	v1 =	vmin.u32 v1, $0x1388;
	v2 =	vsub.s32 v8, v0  }
0x120: {  	[tilespmem:$0xE0] =	vst v1;
	v1 =	vmin.u32 v2, $0x1388  }
0x121: {  	[tilespmem:$0xF0] =	vst v1  }
0x122: {  	[tilespmem:s23], [sflag:$0x1] =	stream.linear.gather [hbm4b:s28+s3], $0x4000, $0x38;
	[tilespmem:$0x17980] =	vst v63  }
0x123: {  	_ =	swait.ge [sflag:s22], $0x4000  }
0x124: {  	[sflag:s22] =	ssyncset.done $0x0  }
0x125: {  	[sflag:s22] =	ssyncadd.s32 $0xFFFFC000  }
0x126: {  	[spmem:s1] =	stream.indirect.scatter.add.f32 [tilespmem:s23], [sflag:$0x1], $0x80, s24, s24, $0xb8;
	[tilespmem:$0x17980] =	vst v63  }
.Ltmp9:
0x127: {  	_ = 	snop;
	(pc) =	sbr.rel @p2 .LBB2_12-.Ltmp9, $4  }
.Ltmp10:
0x128: {  	_ = 	snop;
	(pc) =	sbr.rel @!p2 .LBB2_13-.Ltmp10, $4  }
0x129: {  	_ =	swait.ge [sflag:s22], $0x4000  }
0x12a: {  	[sflag:s22] =	ssyncset.done $0x0  }
0x12b: {  	s26 =	smov.u32 s12;
	[sflag:s22] =	ssyncadd.s32 $0xFFFFC000  }
0x12c: {  	_ = 	snop  }
.LBB2_14:
0x12d: {  	_ =	sfence.sel $0x180000  }
0x12e: {  	[bflag:$0x0] =	sbarrier.arrive $0xFFFF  }
0x12f: {  	_ =	strace $0x9000004A  }
0x130: {  	[bflag:$0x2] =	sbarrier.arrive $0xFFFF  }
0x131: {  	p0 =	sne.s32 s2, $0x0;
	s0 =	rddreg [dreg:$0x3]  }
0x132: {  	s0 =	sadd.s32 @!p0 $0x100000, s0  }
0x133: {  	[sflag:s0] =	ssyncadd.tile.s32 @!p0 $0x1;
	_ =	shalt  }
.Lfunc_end2:
_tile_overlayer_lowered:
.L_overlay_start_2:
0x134: {  	(tag) =	ssettag $0x2  }
0x135: {  	s0 =	rddreg [dreg:$0x0];
	s2 =	stileid.u32  }
0x136: {  	s1 =	rddreg [dreg:$0x1];
	p0 =	sne.s32 s2, $0x0  }
0x137: {  	s3 =	rddreg [dreg:$0x2];
	[bflag:$0x3] =	sbarrier.arrive $0xFFFF;
	s2 =	simm.s32 @!p0 $0x1C01  }
0x138: {  	[timem:s3], [sflag:s2] =	dma.local @!p0 [hbm:s0], s1  }
0x139: {  	s0 =	simm.s32 @!p0 $0x1  }
0x13a: {  	_ =	swait.ge @!p0 [sflag:s0], s1  }
0x13b: {  	s1 =	ssub.s32 @!p0 $0x0, s1;
	[sflag:s0] =	ssyncset.done @!p0 $0x0  }
0x13c: {  	[sflag:s0] =	ssyncadd.s32 @!p0 s1  }
0x13d: {  	[bflag:$0x3] =	sbarrier.arrive $0xFFFF  }
0x13e: {  	_ =	shalt  }

// kernel: kernel.20.cloned.1.call-start
scs
__scs_entry_jumppad:
0x0: {  	(pc) =	sbr.rel $0x88, $3  }
0x1: {  	(tag) =	ssettag $0x0;
	lr =	simm.s32 $0x1  }
0x2: {  	[smem:$0x3F84] =	sst lr;
	_ =	strace $0xD0000000  }
0x3: {  	_ = 	snop  }
0x4: {  	_ = 	snop  }
0x5: {  	_ = 	snop  }
0x6: {  	_ = 	snop  }
0x7: {  	_ = 	snop  }
__scs_overlays_trampoline_lowered:
0x8: {  	[smem:$0x3F93] =	sst s0  }
0x9: {  	[smem:$0x3F94] =	sst s1  }
0xa: {  	[smem:$0x3F95] =	sst s2  }
0xb: {  	[smem:$0x3F96] =	sst s3  }
0xc: {  	[smem:$0x3F97] =	sst s4  }
0xd: {  	[smem:$0x3F98] =	sst s5  }
0xe: {  	[smem:$0x3F99] =	sst s6  }
0xf: {  	[smem:$0x3F9A] =	sst s7  }
0x10: {  	[smem:$0x3F9B] =	sst s8  }
0x11: {  	[smem:$0x3F9C] =	sst s9;
	s0 =	simm.s32 @!p0 $0x0  }
0x12: {  	s1 =	sld [smem:$0x3F82];
	s0 =	simm.s32 @p0 $0x1  }
0x13: {  	[smem:$0x3F9D] =	sst s0;
	s0 =	simm.s32 @!p1 $0x0  }
0x14: {  	s2 =	sld [smem:$0x3F81];
	s0 =	simm.s32 @p1 $0x1  }
0x15: {  	[smem:$0x3F9E] =	sst s0;
	s0 =	simm.s32 @!p2 $0x0  }
0x16: {  	s3 =	sld [smem:$0x3FDB];
	s0 =	simm.s32 @p2 $0x1  }
0x17: {  	s4 =	simm.s32 $0x1BF5;
	[smem:$0x3FA0] =	sst s0  }
0x18: {  	s0 =	sld [smem:$0x3F83];
	_ =	swait.ge [sflag:s4], $0x0  }
0x19: {  	s7 =	sld [smem:$0x3F84]  }
0x1a: {  	s8 =	sadd.s32 $0xFFFFE003, lr  }
0x1b: {  	s9 =	sadd.s32 $0xFFFFFEF7, lr;
	s5 =	simm.s32 $0xFFFFFFFF;
	p2 =	slt.u32 s8, $0xFFFFF086  }
0x1c: {  	p1 =	slt.u32 s9, $0xF7A;
	s5 =	simm.s32 @!p2 $0x0  }
0x1d: {  	s5 =	simm.s32 @p1 $0x1;
	p0 =	seq.s32 s7, s2  }
0x1e: {  	s7 =	smul.u32 @!p0 $0xF7A, s2;
	p2 =	seq.s32 @!p0 s5, $0x0  }
0x1f: {  	s9 =	smul.u32 $0xF7A, s1;
	s8 =	simm.s32 @!p0 $0x1BF5;
	p2 =	por !p2, p0  }
0x20: {  	[sflag:s8] =	ssyncset.s32 @!p0 $0xFFFFF086;
	s6 =	sadd.s32 @!p0 s3, s7;
	s7 =	simm.s32 @!p0 $0x108  }
0x21: {  	s3 =	sadd.s32 s3, s9;
	s6 =	sadd.s32 @!p0 $0x88, s6;
	s7 =	simm.s32 @p2 $0x1082  }
0x22: {  	[simem:s7], [sflag:s8] =	dma.local @!p0 [hbm:s6], $0xF7A  }
0x23: {  	s9 =	sor.u32 $0xD0000000, s2;
	s6 =	simm.s32 $0x108;
	_ =	swait.ge @!p0 [sflag:s8], $0x0  }
0x24: {  	s3 =	sadd.s32 $0x88, s3;
	s6 =	simm.s32 @!p1 $0x1082;
	[sflag:s4] =	ssyncset.s32 $0xFFFFF086  }
0x25: {  	[simem:s6], [sflag:s4] =	dma.local [hbm:s3], $0xF7A  }
0x26: {  	[smem:$0x3F84] =	sst s1;
	(tag) =	ssettag s2;
	_ =	strace s9  }
0x27: {  	s1 =	sld [smem:$0x3F94]  }
0x28: {  	s2 =	sld [smem:$0x3F95]  }
0x29: {  	s4 =	sld [smem:$0x3F97]  }
0x2a: {  	p0 =	seq.s32 s5, $0x0;
	s5 =	sld [smem:$0x3F98]  }
0x2b: {  	s6 =	sld [smem:$0x3F99]  }
0x2c: {  	s7 =	sld [smem:$0x3F9A]  }
0x2d: {  	s3 =	simm.s32 $0x108;
	s8 =	sld [smem:$0x3F9B]  }
0x2e: {  	s3 =	simm.s32 @!p0 $0x1082;
	s9 =	sld [smem:$0x3F9C]  }
0x2f: {  	lr =	sadd.s32 s0, s3;
	s0 =	sld [smem:$0x3F93]  }
0x30: {  	s3 =	sld [smem:$0x3F96]  }
0x31: {  	[smem:$0x3F9F] =	sst s10  }
0x32: {  	s10 =	sld [smem:$0x3F9D];
	_ =	sdelay $0x3  }
0x33: {  	p0 =	seq.s32 s10, $0x1;
	s10 =	sld [smem:$0x3F9F];
	_ =	sdelay $0x3  }
0x34: {  	[smem:$0x3F9F] =	sst s10  }
0x35: {  	s10 =	sld [smem:$0x3F9E];
	_ =	sdelay $0x3  }
0x36: {  	p1 =	seq.s32 s10, $0x1;
	s10 =	sld [smem:$0x3F9F];
	_ =	sdelay $0x3  }
0x37: {  	[smem:$0x3F9F] =	sst s10  }
0x38: {  	s10 =	sld [smem:$0x3FA0]  }
0x39: {  	_ = 	snop;
	(pc) =	sbr.ind lr, $3  }
0x3a: {  	_ = 	snop  }
0x3b: {  	_ = 	snop  }
0x3c: {  	p2 =	seq.s32 s10, $0x1;
	s10 =	sld [smem:$0x3F9F]  }
0x3d: {  	_ =	shalt  }
0x3e: {  	_ =	shalt  }
0x3f: {  	_ =	shalt  }
0x40: {  	_ =	shalt  }
0x41: {  	_ =	shalt  }
0x42: {  	_ =	shalt  }
0x43: {  	_ =	shalt  }
0x44: {  	_ =	shalt  }
0x45: {  	_ =	shalt  }
0x46: {  	_ =	shalt  }
0x47: {  	_ =	shalt  }
0x48: {  	_ =	shalt  }
0x49: {  	_ =	shalt  }
0x4a: {  	_ =	shalt  }
0x4b: {  	_ =	shalt  }
0x4c: {  	_ =	shalt  }
0x4d: {  	_ =	shalt  }
0x4e: {  	_ =	shalt  }
0x4f: {  	_ =	shalt  }
0x50: {  	_ =	shalt  }
0x51: {  	_ =	shalt  }
0x52: {  	_ =	shalt  }
0x53: {  	_ =	shalt  }
0x54: {  	_ =	shalt  }
0x55: {  	_ =	shalt  }
0x56: {  	_ =	shalt  }
0x57: {  	_ =	shalt  }
0x58: {  	_ =	shalt  }
0x59: {  	_ =	shalt  }
0x5a: {  	_ =	shalt  }
0x5b: {  	_ =	shalt  }
0x5c: {  	_ =	shalt  }
0x5d: {  	_ =	shalt  }
0x5e: {  	_ =	shalt  }
0x5f: {  	_ =	shalt  }
0x60: {  	_ =	shalt  }
0x61: {  	_ =	shalt  }
0x62: {  	_ =	shalt  }
0x63: {  	_ =	shalt  }
0x64: {  	_ =	shalt  }
0x65: {  	_ =	shalt  }
0x66: {  	_ =	shalt  }
0x67: {  	_ =	shalt  }
0x68: {  	_ =	shalt  }
0x69: {  	_ =	shalt  }
0x6a: {  	_ =	shalt  }
0x6b: {  	_ =	shalt  }
0x6c: {  	_ =	shalt  }
0x6d: {  	_ =	shalt  }
0x6e: {  	_ =	shalt  }
0x6f: {  	_ =	shalt  }
0x70: {  	_ =	shalt  }
0x71: {  	_ =	shalt  }
0x72: {  	_ =	shalt  }
0x73: {  	_ =	shalt  }
0x74: {  	_ =	shalt  }
0x75: {  	_ =	shalt  }
0x76: {  	_ =	shalt  }
0x77: {  	_ =	shalt  }
0x78: {  	_ =	shalt  }
0x79: {  	_ =	shalt  }
0x7a: {  	_ =	shalt  }
0x7b: {  	_ =	shalt  }
0x7c: {  	_ =	shalt  }
0x7d: {  	_ =	shalt  }
0x7e: {  	_ =	shalt  }
0x7f: {  	_ =	shalt  }
0x80: {  	_ =	shalt  }
0x81: {  	_ =	shalt  }
0x82: {  	_ =	shalt  }
0x83: {  	_ =	shalt  }
0x84: {  	_ =	shalt  }
0x85: {  	_ =	shalt  }
0x86: {  	_ =	shalt  }
0x87: {  	_ =	shalt  }
.Lfunc_end0:
.L_simem_size_0:
called_computation.2_lowered:
.L_overlay_start_0:
0x88: {  	s2 =	sld [smem:$0x3FD9]  }
0x89: {  	s3 =	sld [smem:$0x3FFE];
	_ =	sdelay $0x1  }
0x8a: {  	s1 =	srdreg.scid  }
0x8b: {  	s0 =	sand.u32 $0x1, s1  }
0x8c: {  	s16 =	sshll.u32 s0, $0xA;
	s2 =	sadd.s32 s3, s2  }
0x8d: {  	s2 =	sadd.s32 s2, s16  }
0x8e: {  	[smem:$0x3FAB] =	sst s2  }
0x8f: {  	_ = 	snop  }
0x90: {  	(tm) =	ssettm $0x1  }
0x91: {  	s17 =	sld [smem:$0x3FFB];
	_ =	sdelay $0x3  }
0x92: {  	_ =	strace s17  }
0x93: {  	s2 =	sld [smem:$0x3FFC];
	_ =	sdelay $0x3  }
0x94: {  	_ =	strace s2  }
0x95: {  	s2 =	sld [smem:$0x3FFD];
	_ =	sdelay $0x3  }
0x96: {  	_ =	strace s2  }
0x97: {  	_ =	strace $0x8FFFFFFF  }
0x98: {  	s18 =	sld [smem:$0x3FDB];
	_ =	sdelay $0x1  }
0x99: {  	s19 =	simm.s32 $_scs_section_size  }
0x9a: {  	s4 =	simm.s32 $_size__tile_overlayer_lowered;
	s5 =	simm.s32 $_tile_overlayer_lowered  }
0x9b: {  	s22 =	simm.s32 $0x1BFF;
	s21 =	sshll.u32 s5, $0x1;
	s2 =	sadd.s32 s19, s18  }
0x9c: {  	s6 =	simm.s32 $0x0;
	s20 =	sshll.u32 s4, $0x1;
	s4 =	sadd.s32 s21, s2  }
0x9d: {  	[timem:s6], [sflag:s22] =	dma.local [hbm:s4], s20  }
0x9e: {  	_ =	swait.ge [sflag:s22], s20  }
0x9f: {  	s3 =	ssub.s32 $0x0, s20;
	[sflag:s22] =	ssyncset.done $0x0  }
0xa0: {  	[sflag:s22] =	ssyncadd.s32 s3;
	_ =	sdelay $0x1  }
0xa1: {  	s23 =	simm.s32 $0x1B8B  }
0xa2: {  	_ =	swait.ge [sflag:s23], $0x1  }
0xa3: {  	[sflag:s23] =	ssyncset.done $0x0  }
0xa4: {  	s25 =	simm.s32 $0x1B8E;
	s24 =	sld [smem:$0x3FFE];
	[sflag:s23] =	ssyncadd.s32 $0xFFFFFFFF  }
0xa5: {  	s26 =	simm.s32 $execute0_lowered;
	[smem:$0x3FD2] =	sst s25  }
0xa6: {  	s4 =	sshll.u32 s26, $0x1;
	_ =	strace $0x8000004C;
	[dreg:$0x1] =	wrdreg $0xFFFFFFFF  }
0xa7: {  	s28 =	simm.s32 $_size_execute0_lowered;
	s2 =	sadd.s32 s2, s4;
	[dreg:$0x0] =	wrdreg $0x0  }
0xa8: {  	s4 =	sshll.u32 s28, $0x1;
	[dreg:$0x2] =	wrdreg s2  }
0xa9: {  	[dreg:$0x3] =	wrdreg s4  }
0xaa: {  	[dreg:$0x4] =	wrdreg $0xC0  }
0xab: {  	_ =	task [dreg:s6], $0x5FFFF  }
0xac: {  	[dreg:$0x1] =	wrdreg $0xFFFFFFFF  }
0xad: {  	[dreg:$0x0] =	wrdreg $0x60  }
0xae: {  	[dreg:$0x2] =	wrdreg s24  }
0xaf: {  	[dreg:$0x3] =	wrdreg $0x9  }
0xb0: {  	_ =	task.clear_ibuf [dreg:s6], $0x4FFFF;
	_ =	strace $0x9000004C  }
0xb1: {  	s29 =	simm.s32 $0x9;
	_ =	strace $0x8000004E  }
0xb2: {  	_ =	swait.ge [sflag:s29], $0x1  }
0xb3: {  	[sflag:s29] =	ssyncadd.s32 $0xFFFFFFFF  }
0xb4: {  	_ =	strace $0x9000004E  }
0xb5: {  	_ =	sfence  }
0xb6: {  	s30 =	sld [smem:$0x0];
	_ =	sdelay $0x2  }
0xb7: {  	s31 =	sshll.u32 s1, $0xD;
	s1 =	sshrl.u32 s1, $0x2  }
0xb8: {  	s3 =	sand.u32 $0x4000, s31;
	s1 =	sadd.s32 s1, s30  }
0xb9: {  	s0 =	sor.u32 s3, s0;
	s1 =	sshll.u32 s1, $0x11  }
0xba: {  	s0 =	sor.u32 s1, s0  }
0xbb: {  	s0 =	sadd.s32 $0x8F2B, s0  }
0xbc: {  	[sflag:s0] =	ssyncadd.remote.s32 $0x1  }
0xbd: {  	_ =	sfence.sel $0xFFFF  }
0xbe: {  	[dreg:$0x0] =	wrdreg $0xFFFFFFFF;
	(pc) =	sbr.abs _section_cstart, $3  }
0xbf: {  	[dreg:$0x1] =	wrdreg $0xFFFFFFFF  }
0xc0: {  	_ =	task.clear_ibuf [dreg:s6], $0x2FFFF;
	_ =	strace $0x9FFFFFFF  }
0xc1: {  	(tm) =	ssettm $0x7FFFFFFF  }
tec
execute0_lowered:
.L_overlay_start_1:
0x0: {  	(tag) =	ssettag $0x1  }
0x1: {  	s0 =	rddreg [dreg:$0x0]  }
0x2: {  	s1 =	simm.s32 $0x0;
	s4 =	srdreg.scid;
	s25 =	stileid.u32  }
0x3: {  	s14 =	simm.s32 $0x80;
	s15 =	simm.s32 $0x880;
	s16 =	simm.s32 $0x1080  }
0x4: {  	s17 =	simm.s32 $0x1880;
	s18 =	simm.s32 $0x2080;
	s19 =	simm.s32 $0x2880  }
0x5: {  	s20 =	simm.s32 $0x3080;
	s21 =	simm.s32 $0x3880;
	s28 =	simm.s32 $0x6880  }
0x6: {  	s29 =	simm.s32 $0x7080;
	s30 =	simm.s32 $0x7880;
	s31 =	simm.s32 $0x1  }
0x7: {  	[smem:$0x7FF] =	sst s1;
	s2 =	sadd.s32 $0x11600, s0;
	s3 =	sadd.s32 $0x5F800, s0  }
0x8: {  	s6 =	sadd.s32 $0x7600, s0;
	s9 =	sadd.s32 $0xC600, s0;
	s5 =	sadd.s32 $0xADA00, s0  }
0x9: {  	s4 =	sand.u32 $0x1, s4;
	s0 =	sadd.s32 $0x58FA00, s0;
	s12 =	sshll.u32 s25, $0x8  }
0xa: {  	s26 =	sshll.u32 s25, $0xD;
	p0 =	sne.s32 s25, $0x0;
	s25 =	simm.s32 $0x5880  }
0xb: {  	_ =	strace $0x8000004D;
	s7 =	ssub.s32 $0x2, s4;
	s10 =	sshll.u32 s4, $0x7  }
0xc: {  	s4 =	sshll.u32 s4, $0xC;
	s8 =	sshrl.u32 s7, $0x1;
	s11 =	sor.u32 $0x27000, s10  }
0xd: {  	s10 =	sor.u32 s10, s12;
	s8 =	ssub.s32 s7, s8;
	s22 =	sshrl.u32 s11, $0x3  }
0xe: {  	s11 =	sshll.u32 s11, $0x5;
	s10 =	sshrl.u32 s10, $0x3;
	s13 =	sadd.s32 s6, s22  }
0xf: {  	s23 =	sadd.s32 s5, s11;
	s7 =	sadd.s32 s9, s22;
	s24 =	sadd.s32 s0, s11  }
0x10: {  	s8 =	smax.u32 s8, $0x1;
	s5 =	sadd.s32 s26, s5;
	[dreg:$0x2] =	wrdreg s13  }
.Ltmp0:
0x11: {  	s0 =	sadd.s32 s26, s0;
	[dreg:$0x3] =	wrdreg s23;
	(pc) =	sbr.rel .LBB2_1-.Ltmp0, $4  }
0x12: {  	s11 =	sadd.s32 s10, s9;
	s12 =	sadd.s32 s10, s6;
	[dreg:$0x4] =	wrdreg s7  }
0x13: {  	v2 =	vlaneseq.u32;
	s22 =	simm.s32 $0x4080;
	s26 =	simm.s32 $0x6080;
	[dreg:$0x5] =	wrdreg s24  }
0x14: {  	vm0 =	vmmov $0xffff;
	v1 =	vshrl.u32 v2, $0x3;
	s5 =	sadd.s32 s4, s5;
	s4 =	sadd.s32 s4, s0;
	s13 =	simm.s32 $0x2  }
0x15: {  	v0 =	vand.u32 $0x7, v2;
	v2 =	vor.u32 $0x8, v2;
	v1 =	vmul.u32 $0x8, v1;
	s23 =	simm.s32 $0x4880;
	s24 =	simm.s32 $0x5080;
	s0 =	simm.s32 $0x0  }
.LBB2_5:
0x16: {  	s0 =	sadd.s32 $0x1, s0  }
0x17: {  	p1 =	sne.s32 s0, s8  }
.Ltmp1:
0x18: {  	_ = 	snop;
	(pc) =	sbr.rel @!p1 .LBB2_6-.Ltmp1, $1  }
0x19: {  	_ =	sdelay $0x3  }
.LBB2_1:
0x1a: {  	s10 =	smov.u32 s4;
	s9 =	smov.u32 s5;
	s6 =	simm.s32 $0x0  }
.LBB2_2:
0x1b: {  	s7 =	sadd.s32 s6, s12  }
0x1c: {  	[tilespmem:s1], [sflag:$0x2] =	stream.linear.gather [hbm4b:s7+s1], $0x80, $0x38;
	[tilespmem:$0x8080] =	vst v63  }
0x1d: {  	_ =	swait.ge [sflag:s13], $0x80  }
0x1e: {  	[sflag:s13] =	ssyncset.done $0x0  }
0x1f: {  	[sflag:s13] =	ssyncadd.s32 $0xFFFFFF80  }
0x20: {  	v3 =	vld [tilespmem:$0x0];
	_ =	sdelay $0x4  }
0x21: {  	v4 =	vshll.u32 v3, $0x1  }
0x22: {  	v3 =	vand.u32 $0x7, v3;
	v4 =	vand.u32 $0xFFFFFFF0, v4  }
0x23: {  	v3 =	vor.u32 v3, v4  }
0x24: {  	v4 =	vperm.xlane v3, v0;
	_ =	sdelay $0x1  }
0x25: {  	v3 =	vperm.xlane v3, v2;
	v4 =	vadd.s32 v1, v4;
	_ =	sdelay $0x1  }
0x26: {  	v3 =	vadd.s32 v1, v3;
	_ =	sdelay $0x2  }
0x27: {  	[tilespmem:s14], [sflag:$0x1] =	stream.indirect_vreg.gather [hbm4b:s2+s1], $0x80, v4, vm0, $0xb8;
	[tilespmem:$0x8080] =	vst v63  }
0x28: {  	_ = 	snop  }
0x29: {  	[tilespmem:s15], [sflag:$0x1] =	stream.indirect_vreg.gather [hbm4b:s2+s1], $0x80, v3, vm0, $0xb8;
	[tilespmem:$0x8080] =	vst v63  }
0x2a: {  	v3 =	vld [tilespmem:$0x10];
	_ =	sdelay $0x4  }
0x2b: {  	v49 =	vshll.u32 v3, $0x1  }
0x2c: {  	v3 =	vand.u32 $0x7, v3;
	v4 =	vand.u32 $0xFFFFFFF0, v49  }
0x2d: {  	v3 =	vor.u32 v3, v4  }
0x2e: {  	v4 =	vperm.xlane v3, v0;
	_ =	sdelay $0x1  }
0x2f: {  	v3 =	vperm.xlane v3, v2;
	v4 =	vadd.s32 v1, v4;
	_ =	sdelay $0x1  }
0x30: {  	v3 =	vadd.s32 v1, v3;
	_ =	sdelay $0x2  }
0x31: {  	[tilespmem:s16], [sflag:$0x1] =	stream.indirect_vreg.gather [hbm4b:s2+s1], $0x80, v4, vm0, $0xb8;
	[tilespmem:$0x8080] =	vst v63  }
0x32: {  	_ = 	snop  }
0x33: {  	[tilespmem:s17], [sflag:$0x1] =	stream.indirect_vreg.gather [hbm4b:s2+s1], $0x80, v3, vm0, $0xb8;
	[tilespmem:$0x8080] =	vst v63  }
0x34: {  	v3 =	vld [tilespmem:$0x20];
	_ =	sdelay $0x4  }
0x35: {  	v50 =	vshll.u32 v3, $0x1  }
0x36: {  	v3 =	vand.u32 $0x7, v3;
	v4 =	vand.u32 $0xFFFFFFF0, v50  }
0x37: {  	v3 =	vor.u32 v3, v4  }
0x38: {  	v4 =	vperm.xlane v3, v0;
	_ =	sdelay $0x1  }
0x39: {  	v3 =	vperm.xlane v3, v2;
	v4 =	vadd.s32 v1, v4;
	_ =	sdelay $0x1  }
0x3a: {  	v3 =	vadd.s32 v1, v3;
	_ =	sdelay $0x2  }
0x3b: {  	[tilespmem:s18], [sflag:$0x1] =	stream.indirect_vreg.gather [hbm4b:s2+s1], $0x80, v4, vm0, $0xb8;
	[tilespmem:$0x8080] =	vst v63  }
0x3c: {  	_ = 	snop  }
0x3d: {  	[tilespmem:s19], [sflag:$0x1] =	stream.indirect_vreg.gather [hbm4b:s2+s1], $0x80, v3, vm0, $0xb8;
	[tilespmem:$0x8080] =	vst v63  }
0x3e: {  	v3 =	vld [tilespmem:$0x30];
	_ =	sdelay $0x4  }
0x3f: {  	v51 =	vshll.u32 v3, $0x1  }
0x40: {  	v3 =	vand.u32 $0x7, v3;
	v4 =	vand.u32 $0xFFFFFFF0, v51  }
0x41: {  	v3 =	vor.u32 v3, v4  }
0x42: {  	v4 =	vperm.xlane v3, v0;
	_ =	sdelay $0x1  }
0x43: {  	v3 =	vperm.xlane v3, v2;
	v4 =	vadd.s32 v1, v4;
	_ =	sdelay $0x1  }
0x44: {  	v3 =	vadd.s32 v1, v3;
	_ =	sdelay $0x2  }
0x45: {  	[tilespmem:s20], [sflag:$0x1] =	stream.indirect_vreg.gather [hbm4b:s2+s1], $0x80, v4, vm0, $0xb8;
	[tilespmem:$0x8080] =	vst v63  }
0x46: {  	_ = 	snop  }
0x47: {  	[tilespmem:s21], [sflag:$0x1] =	stream.indirect_vreg.gather [hbm4b:s2+s1], $0x80, v3, vm0, $0xb8;
	[tilespmem:$0x8080] =	vst v63  }
0x48: {  	v3 =	vld [tilespmem:$0x40];
	_ =	sdelay $0x4  }
0x49: {  	v52 =	vshll.u32 v3, $0x1  }
0x4a: {  	v3 =	vand.u32 $0x7, v3;
	v4 =	vand.u32 $0xFFFFFFF0, v52  }
0x4b: {  	v3 =	vor.u32 v3, v4  }
0x4c: {  	v4 =	vperm.xlane v3, v0;
	_ =	sdelay $0x1  }
0x4d: {  	v3 =	vperm.xlane v3, v2;
	v4 =	vadd.s32 v1, v4;
	_ =	sdelay $0x1  }
0x4e: {  	v3 =	vadd.s32 v1, v3;
	_ =	sdelay $0x2  }
0x4f: {  	[tilespmem:s22], [sflag:$0x1] =	stream.indirect_vreg.gather [hbm4b:s2+s1], $0x80, v4, vm0, $0xb8;
	[tilespmem:$0x8080] =	vst v63  }
0x50: {  	_ = 	snop  }
0x51: {  	[tilespmem:s23], [sflag:$0x1] =	stream.indirect_vreg.gather [hbm4b:s2+s1], $0x80, v3, vm0, $0xb8;
	[tilespmem:$0x8080] =	vst v63  }
0x52: {  	v3 =	vld [tilespmem:$0x50];
	_ =	sdelay $0x4  }
0x53: {  	v53 =	vshll.u32 v3, $0x1  }
0x54: {  	v3 =	vand.u32 $0x7, v3;
	v4 =	vand.u32 $0xFFFFFFF0, v53  }
0x55: {  	v3 =	vor.u32 v3, v4  }
0x56: {  	v4 =	vperm.xlane v3, v0;
	_ =	sdelay $0x1  }
0x57: {  	v3 =	vperm.xlane v3, v2;
	v4 =	vadd.s32 v1, v4;
	_ =	sdelay $0x1  }
0x58: {  	v3 =	vadd.s32 v1, v3;
	_ =	sdelay $0x2  }
0x59: {  	[tilespmem:s24], [sflag:$0x1] =	stream.indirect_vreg.gather [hbm4b:s2+s1], $0x80, v4, vm0, $0xb8;
	[tilespmem:$0x8080] =	vst v63  }
0x5a: {  	_ = 	snop  }
0x5b: {  	[tilespmem:s25], [sflag:$0x1] =	stream.indirect_vreg.gather [hbm4b:s2+s1], $0x80, v3, vm0, $0xb8;
	[tilespmem:$0x8080] =	vst v63  }
0x5c: {  	v3 =	vld [tilespmem:$0x60];
	_ =	sdelay $0x4  }
0x5d: {  	v54 =	vshll.u32 v3, $0x1  }
0x5e: {  	v3 =	vand.u32 $0x7, v3;
	v4 =	vand.u32 $0xFFFFFFF0, v54  }
0x5f: {  	v3 =	vor.u32 v3, v4  }
0x60: {  	v4 =	vperm.xlane v3, v0;
	_ =	sdelay $0x1  }
0x61: {  	v3 =	vperm.xlane v3, v2;
	v4 =	vadd.s32 v1, v4;
	_ =	sdelay $0x1  }
0x62: {  	v3 =	vadd.s32 v1, v3;
	_ =	sdelay $0x2  }
0x63: {  	[tilespmem:s26], [sflag:$0x1] =	stream.indirect_vreg.gather [hbm4b:s2+s1], $0x80, v4, vm0, $0xb8;
	[tilespmem:$0x8080] =	vst v63  }
0x64: {  	_ = 	snop  }
0x65: {  	[tilespmem:s28], [sflag:$0x1] =	stream.indirect_vreg.gather [hbm4b:s2+s1], $0x80, v3, vm0, $0xb8;
	[tilespmem:$0x8080] =	vst v63  }
0x66: {  	v3 =	vld [tilespmem:$0x70];
	_ =	sdelay $0x4  }
0x67: {  	v55 =	vshll.u32 v3, $0x1  }
0x68: {  	v3 =	vand.u32 $0x7, v3;
	v4 =	vand.u32 $0xFFFFFFF0, v55  }
0x69: {  	v3 =	vor.u32 v3, v4  }
0x6a: {  	v4 =	vperm.xlane v3, v0;
	_ =	sdelay $0x1  }
0x6b: {  	v3 =	vperm.xlane v3, v2;
	v4 =	vadd.s32 v1, v4;
	_ =	sdelay $0x1  }
0x6c: {  	v3 =	vadd.s32 v1, v3;
	_ =	sdelay $0x2  }
0x6d: {  	[tilespmem:s29], [sflag:$0x1] =	stream.indirect_vreg.gather [hbm4b:s2+s1], $0x80, v4, vm0, $0xb8;
	[tilespmem:$0x8080] =	vst v63  }
0x6e: {  	_ = 	snop  }
0x6f: {  	[tilespmem:s30], [sflag:$0x1] =	stream.indirect_vreg.gather [hbm4b:s2+s1], $0x80, v3, vm0, $0xb8;
	[tilespmem:$0x8080] =	vst v63  }
0x70: {  	_ =	swait.ge [sflag:s31], $0x8000  }
0x71: {  	[sflag:s31] =	ssyncset.done $0x0  }
0x72: {  	[sflag:s31] =	ssyncadd.s32 $0xFFFF8000  }
0x73: {  	[hbm4b:s9+s1] =	stream.linear.scatter [tilespmem:s14], [sflag:$0x2], $0x8000, $0x38;
	[tilespmem:$0x8080] =	vst v63  }
0x74: {  	_ =	swait.ge [sflag:s13], $0x8000  }
0x75: {  	[sflag:s13] =	ssyncset.done $0x0  }
0x76: {  	s7 =	sadd.s32 s6, s11;
	[sflag:s13] =	ssyncadd.s32 $0xFFFF8000  }
0x77: {  	[tilespmem:s1], [sflag:$0x2] =	stream.linear.gather [hbm4b:s7+s1], $0x80, $0x38;
	[tilespmem:$0x8080] =	vst v63  }
0x78: {  	_ =	swait.ge [sflag:s13], $0x80  }
0x79: {  	[sflag:s13] =	ssyncset.done $0x0  }
0x7a: {  	[sflag:s13] =	ssyncadd.s32 $0xFFFFFF80  }
0x7b: {  	v3 =	vld [tilespmem:$0x0];
	_ =	sdelay $0x4  }
0x7c: {  	v56 =	vshll.u32 v3, $0x1  }
0x7d: {  	v3 =	vand.u32 $0x7, v3;
	v4 =	vand.u32 $0xFFFFFFF0, v56  }
0x7e: {  	v3 =	vor.u32 v3, v4  }
0x7f: {  	v4 =	vperm.xlane v3, v0;
	_ =	sdelay $0x1  }
0x80: {  	v3 =	vperm.xlane v3, v2;
	v4 =	vadd.s32 v1, v4;
	_ =	sdelay $0x1  }
0x81: {  	v3 =	vadd.s32 v1, v3;
	_ =	sdelay $0x2  }
0x82: {  	[tilespmem:s14], [sflag:$0x1] =	stream.indirect_vreg.gather [hbm4b:s3+s1], $0x80, v4, vm0, $0xb8;
	[tilespmem:$0x8080] =	vst v63  }
0x83: {  	_ = 	snop  }
0x84: {  	[tilespmem:s15], [sflag:$0x1] =	stream.indirect_vreg.gather [hbm4b:s3+s1], $0x80, v3, vm0, $0xb8;
	[tilespmem:$0x8080] =	vst v63  }
0x85: {  	v3 =	vld [tilespmem:$0x10];
	_ =	sdelay $0x4  }
0x86: {  	v57 =	vshll.u32 v3, $0x1  }
0x87: {  	v3 =	vand.u32 $0x7, v3;
	v4 =	vand.u32 $0xFFFFFFF0, v57  }
0x88: {  	v3 =	vor.u32 v3, v4  }
0x89: {  	v4 =	vperm.xlane v3, v0;
	_ =	sdelay $0x1  }
0x8a: {  	v3 =	vperm.xlane v3, v2;
	v4 =	vadd.s32 v1, v4;
	_ =	sdelay $0x1  }
0x8b: {  	v3 =	vadd.s32 v1, v3;
	_ =	sdelay $0x2  }
0x8c: {  	[tilespmem:s16], [sflag:$0x1] =	stream.indirect_vreg.gather [hbm4b:s3+s1], $0x80, v4, vm0, $0xb8;
	[tilespmem:$0x8080] =	vst v63  }
0x8d: {  	_ = 	snop  }
0x8e: {  	[tilespmem:s17], [sflag:$0x1] =	stream.indirect_vreg.gather [hbm4b:s3+s1], $0x80, v3, vm0, $0xb8;
	[tilespmem:$0x8080] =	vst v63  }
0x8f: {  	v3 =	vld [tilespmem:$0x20];
	_ =	sdelay $0x4  }
0x90: {  	v58 =	vshll.u32 v3, $0x1  }
0x91: {  	v3 =	vand.u32 $0x7, v3;
	v4 =	vand.u32 $0xFFFFFFF0, v58  }
0x92: {  	v3 =	vor.u32 v3, v4  }
0x93: {  	v4 =	vperm.xlane v3, v0;
	_ =	sdelay $0x1  }
0x94: {  	v3 =	vperm.xlane v3, v2;
	v4 =	vadd.s32 v1, v4;
	_ =	sdelay $0x1  }
0x95: {  	v3 =	vadd.s32 v1, v3;
	_ =	sdelay $0x2  }
0x96: {  	[tilespmem:s18], [sflag:$0x1] =	stream.indirect_vreg.gather [hbm4b:s3+s1], $0x80, v4, vm0, $0xb8;
	[tilespmem:$0x8080] =	vst v63  }
0x97: {  	_ = 	snop  }
0x98: {  	[tilespmem:s19], [sflag:$0x1] =	stream.indirect_vreg.gather [hbm4b:s3+s1], $0x80, v3, vm0, $0xb8;
	[tilespmem:$0x8080] =	vst v63  }
0x99: {  	v3 =	vld [tilespmem:$0x30];
	_ =	sdelay $0x4  }
0x9a: {  	v59 =	vshll.u32 v3, $0x1  }
0x9b: {  	v3 =	vand.u32 $0x7, v3;
	v4 =	vand.u32 $0xFFFFFFF0, v59  }
0x9c: {  	v3 =	vor.u32 v3, v4  }
0x9d: {  	v4 =	vperm.xlane v3, v0;
	_ =	sdelay $0x1  }
0x9e: {  	v3 =	vperm.xlane v3, v2;
	v4 =	vadd.s32 v1, v4;
	_ =	sdelay $0x1  }
0x9f: {  	v3 =	vadd.s32 v1, v3;
	_ =	sdelay $0x2  }
0xa0: {  	[tilespmem:s20], [sflag:$0x1] =	stream.indirect_vreg.gather [hbm4b:s3+s1], $0x80, v4, vm0, $0xb8;
	[tilespmem:$0x8080] =	vst v63  }
0xa1: {  	_ = 	snop  }
0xa2: {  	[tilespmem:s21], [sflag:$0x1] =	stream.indirect_vreg.gather [hbm4b:s3+s1], $0x80, v3, vm0, $0xb8;
	[tilespmem:$0x8080] =	vst v63  }
0xa3: {  	v3 =	vld [tilespmem:$0x40];
	_ =	sdelay $0x4  }
0xa4: {  	v60 =	vshll.u32 v3, $0x1  }
0xa5: {  	v3 =	vand.u32 $0x7, v3;
	v4 =	vand.u32 $0xFFFFFFF0, v60  }
0xa6: {  	v3 =	vor.u32 v3, v4  }
0xa7: {  	v4 =	vperm.xlane v3, v0;
	_ =	sdelay $0x1  }
0xa8: {  	v3 =	vperm.xlane v3, v2;
	v4 =	vadd.s32 v1, v4;
	_ =	sdelay $0x1  }
0xa9: {  	v3 =	vadd.s32 v1, v3;
	_ =	sdelay $0x2  }
0xaa: {  	[tilespmem:s22], [sflag:$0x1] =	stream.indirect_vreg.gather [hbm4b:s3+s1], $0x80, v4, vm0, $0xb8;
	[tilespmem:$0x8080] =	vst v63  }
0xab: {  	_ = 	snop  }
0xac: {  	[tilespmem:s23], [sflag:$0x1] =	stream.indirect_vreg.gather [hbm4b:s3+s1], $0x80, v3, vm0, $0xb8;
	[tilespmem:$0x8080] =	vst v63  }
0xad: {  	v3 =	vld [tilespmem:$0x50];
	_ =	sdelay $0x4  }
0xae: {  	v61 =	vshll.u32 v3, $0x1  }
0xaf: {  	v3 =	vand.u32 $0x7, v3;
	v4 =	vand.u32 $0xFFFFFFF0, v61  }
0xb0: {  	v3 =	vor.u32 v3, v4  }
0xb1: {  	v4 =	vperm.xlane v3, v0;
	_ =	sdelay $0x1  }
0xb2: {  	v3 =	vperm.xlane v3, v2;
	v4 =	vadd.s32 v1, v4;
	_ =	sdelay $0x1  }
0xb3: {  	v3 =	vadd.s32 v1, v3;
	_ =	sdelay $0x2  }
0xb4: {  	[tilespmem:s24], [sflag:$0x1] =	stream.indirect_vreg.gather [hbm4b:s3+s1], $0x80, v4, vm0, $0xb8;
	[tilespmem:$0x8080] =	vst v63  }
0xb5: {  	_ = 	snop  }
0xb6: {  	[tilespmem:s25], [sflag:$0x1] =	stream.indirect_vreg.gather [hbm4b:s3+s1], $0x80, v3, vm0, $0xb8;
	[tilespmem:$0x8080] =	vst v63  }
0xb7: {  	v3 =	vld [tilespmem:$0x60];
	_ =	sdelay $0x4  }
0xb8: {  	v62 =	vshll.u32 v3, $0x1  }
0xb9: {  	v3 =	vand.u32 $0x7, v3;
	v4 =	vand.u32 $0xFFFFFFF0, v62  }
0xba: {  	v3 =	vor.u32 v3, v4  }
0xbb: {  	v4 =	vperm.xlane v3, v0;
	_ =	sdelay $0x1  }
0xbc: {  	v3 =	vperm.xlane v3, v2;
	v4 =	vadd.s32 v1, v4;
	_ =	sdelay $0x1  }
0xbd: {  	v3 =	vadd.s32 v1, v3;
	_ =	sdelay $0x2  }
0xbe: {  	[tilespmem:s26], [sflag:$0x1] =	stream.indirect_vreg.gather [hbm4b:s3+s1], $0x80, v4, vm0, $0xb8;
	[tilespmem:$0x8080] =	vst v63  }
0xbf: {  	_ = 	snop  }
0xc0: {  	[tilespmem:s28], [sflag:$0x1] =	stream.indirect_vreg.gather [hbm4b:s3+s1], $0x80, v3, vm0, $0xb8;
	[tilespmem:$0x8080] =	vst v63  }
0xc1: {  	v3 =	vld [tilespmem:$0x70];
	_ =	sdelay $0x4  }
0xc2: {  	v63 =	vshll.u32 v3, $0x1  }
0xc3: {  	v3 =	vand.u32 $0x7, v3;
	v4 =	vand.u32 $0xFFFFFFF0, v63  }
0xc4: {  	v3 =	vor.u32 v3, v4  }
0xc5: {  	v4 =	vperm.xlane v3, v0;
	_ =	sdelay $0x1  }
0xc6: {  	v3 =	vperm.xlane v3, v2;
	v4 =	vadd.s32 v1, v4;
	_ =	sdelay $0x1  }
0xc7: {  	v3 =	vadd.s32 v1, v3;
	_ =	sdelay $0x2  }
0xc8: {  	[tilespmem:s29], [sflag:$0x1] =	stream.indirect_vreg.gather [hbm4b:s3+s1], $0x80, v4, vm0, $0xb8;
	[tilespmem:$0x8080] =	vst v63  }
0xc9: {  	_ = 	snop  }
0xca: {  	[tilespmem:s30], [sflag:$0x1] =	stream.indirect_vreg.gather [hbm4b:s3+s1], $0x80, v3, vm0, $0xb8;
	[tilespmem:$0x8080] =	vst v63  }
0xcb: {  	_ =	swait.ge [sflag:s31], $0x8000  }
0xcc: {  	p1 =	sne.s32 s6, $0x4C00;
	[sflag:s31] =	ssyncset.done $0x0  }
.Ltmp2:
0xcd: {  	[sflag:s31] =	ssyncadd.s32 $0xFFFF8000;
	(pc) =	sbr.rel @p1 .LBB2_2-.Ltmp2, $4  }
0xce: {  	[hbm4b:s10+s1] =	stream.linear.scatter [tilespmem:s14], [sflag:$0x2], $0x8000, $0x38;
	[tilespmem:$0x8080] =	vst v63  }
0xcf: {  	_ =	swait.ge [sflag:s13], $0x8000  }
0xd0: {  	s6 =	sadd.s32 $0x200, s6;
	[sflag:s13] =	ssyncset.done $0x0  }
0xd1: {  	s9 =	sadd.s32 $0x20000, s9;
	s10 =	sadd.s32 $0x20000, s10;
	[sflag:s13] =	ssyncadd.s32 $0xFFFF8000  }
.Ltmp3:
0xd2: {  	(pc) =	sbr.rel @p0 .LBB2_5-.Ltmp3, $1  }
0xd3: {  	_ =	sdelay $0x3  }
0xd4: {  	s6 =	rddreg [dreg:$0x2]  }
0xd5: {  	[tilespmem:s1], [sflag:$0x2] =	stream.linear.gather [hbm4b:s6+s1], $0x80, $0x38;
	[tilespmem:$0x8080] =	vst v63  }
0xd6: {  	_ =	swait.ge [sflag:s13], $0x80  }
0xd7: {  	[sflag:s13] =	ssyncset.done $0x0  }
0xd8: {  	[sflag:s13] =	ssyncadd.s32 $0xFFFFFF80  }
0xd9: {  	v3 =	vld [tilespmem:$0x0];
	_ =	sdelay $0x4  }
0xda: {  	v4 =	vshll.u32 v3, $0x1  }
0xdb: {  	v3 =	vand.u32 $0x7, v3;
	v4 =	vand.u32 $0xFFFFFFF0, v4  }
0xdc: {  	v3 =	vor.u32 v3, v4  }
0xdd: {  	v4 =	vperm.xlane v3, v0;
	_ =	sdelay $0x1  }
0xde: {  	v3 =	vperm.xlane v3, v2;
	v4 =	vadd.s32 v1, v4;
	_ =	sdelay $0x1  }
0xdf: {  	v3 =	vadd.s32 v1, v3;
	_ =	sdelay $0x2  }
0xe0: {  	[tilespmem:s14], [sflag:$0x1] =	stream.indirect_vreg.gather [hbm4b:s2+s1], $0x80, v4, vm0, $0xb8;
	[tilespmem:$0x8080] =	vst v63  }
0xe1: {  	_ = 	snop  }
0xe2: {  	[tilespmem:s15], [sflag:$0x1] =	stream.indirect_vreg.gather [hbm4b:s2+s1], $0x80, v3, vm0, $0xb8;
	[tilespmem:$0x8080] =	vst v63  }
0xe3: {  	v3 =	vld [tilespmem:$0x10];
	_ =	sdelay $0x4  }
0xe4: {  	v49 =	vshll.u32 v3, $0x1  }
0xe5: {  	v3 =	vand.u32 $0x7, v3;
	v4 =	vand.u32 $0xFFFFFFF0, v49  }
0xe6: {  	v3 =	vor.u32 v3, v4  }
0xe7: {  	v4 =	vperm.xlane v3, v0;
	_ =	sdelay $0x1  }
0xe8: {  	v3 =	vperm.xlane v3, v2;
	v4 =	vadd.s32 v1, v4;
	_ =	sdelay $0x1  }
0xe9: {  	v3 =	vadd.s32 v1, v3;
	_ =	sdelay $0x2  }
0xea: {  	[tilespmem:s16], [sflag:$0x1] =	stream.indirect_vreg.gather [hbm4b:s2+s1], $0x80, v4, vm0, $0xb8;
	[tilespmem:$0x8080] =	vst v63  }
0xeb: {  	_ = 	snop  }
0xec: {  	[tilespmem:s17], [sflag:$0x1] =	stream.indirect_vreg.gather [hbm4b:s2+s1], $0x80, v3, vm0, $0xb8;
	[tilespmem:$0x8080] =	vst v63  }
0xed: {  	v3 =	vld [tilespmem:$0x20];
	_ =	sdelay $0x4  }
0xee: {  	v50 =	vshll.u32 v3, $0x1  }
0xef: {  	v3 =	vand.u32 $0x7, v3;
	v4 =	vand.u32 $0xFFFFFFF0, v50  }
0xf0: {  	v3 =	vor.u32 v3, v4  }
0xf1: {  	v4 =	vperm.xlane v3, v0;
	_ =	sdelay $0x1  }
0xf2: {  	v3 =	vperm.xlane v3, v2;
	v4 =	vadd.s32 v1, v4;
	_ =	sdelay $0x1  }
0xf3: {  	v3 =	vadd.s32 v1, v3;
	_ =	sdelay $0x2  }
0xf4: {  	[tilespmem:s18], [sflag:$0x1] =	stream.indirect_vreg.gather [hbm4b:s2+s1], $0x80, v4, vm0, $0xb8;
	[tilespmem:$0x8080] =	vst v63  }
0xf5: {  	_ = 	snop  }
0xf6: {  	[tilespmem:s19], [sflag:$0x1] =	stream.indirect_vreg.gather [hbm4b:s2+s1], $0x80, v3, vm0, $0xb8;
	[tilespmem:$0x8080] =	vst v63  }
0xf7: {  	v3 =	vld [tilespmem:$0x30];
	_ =	sdelay $0x4  }
0xf8: {  	v51 =	vshll.u32 v3, $0x1  }
0xf9: {  	v3 =	vand.u32 $0x7, v3;
	v4 =	vand.u32 $0xFFFFFFF0, v51  }
0xfa: {  	v3 =	vor.u32 v3, v4  }
0xfb: {  	v4 =	vperm.xlane v3, v0;
	_ =	sdelay $0x1  }
0xfc: {  	v3 =	vperm.xlane v3, v2;
	v4 =	vadd.s32 v1, v4;
	_ =	sdelay $0x1  }
0xfd: {  	v3 =	vadd.s32 v1, v3;
	_ =	sdelay $0x2  }
0xfe: {  	[tilespmem:s20], [sflag:$0x1] =	stream.indirect_vreg.gather [hbm4b:s2+s1], $0x80, v4, vm0, $0xb8;
	[tilespmem:$0x8080] =	vst v63  }
0xff: {  	_ = 	snop  }
0x100: {  	[tilespmem:s21], [sflag:$0x1] =	stream.indirect_vreg.gather [hbm4b:s2+s1], $0x80, v3, vm0, $0xb8;
	[tilespmem:$0x8080] =	vst v63  }
0x101: {  	v3 =	vld [tilespmem:$0x40];
	_ =	sdelay $0x4  }
0x102: {  	v52 =	vshll.u32 v3, $0x1  }
0x103: {  	v3 =	vand.u32 $0x7, v3;
	v4 =	vand.u32 $0xFFFFFFF0, v52  }
0x104: {  	v3 =	vor.u32 v3, v4  }
0x105: {  	v4 =	vperm.xlane v3, v0;
	_ =	sdelay $0x1  }
0x106: {  	v3 =	vperm.xlane v3, v2;
	v4 =	vadd.s32 v1, v4;
	_ =	sdelay $0x1  }
0x107: {  	v3 =	vadd.s32 v1, v3;
	_ =	sdelay $0x2  }
0x108: {  	[tilespmem:s22], [sflag:$0x1] =	stream.indirect_vreg.gather [hbm4b:s2+s1], $0x80, v4, vm0, $0xb8;
	[tilespmem:$0x8080] =	vst v63  }
0x109: {  	_ = 	snop  }
0x10a: {  	[tilespmem:s23], [sflag:$0x1] =	stream.indirect_vreg.gather [hbm4b:s2+s1], $0x80, v3, vm0, $0xb8;
	[tilespmem:$0x8080] =	vst v63  }
0x10b: {  	v3 =	vld [tilespmem:$0x50];
	_ =	sdelay $0x4  }
0x10c: {  	v53 =	vshll.u32 v3, $0x1  }
0x10d: {  	v3 =	vand.u32 $0x7, v3;
	v4 =	vand.u32 $0xFFFFFFF0, v53  }
0x10e: {  	v3 =	vor.u32 v3, v4  }
0x10f: {  	v4 =	vperm.xlane v3, v0;
	_ =	sdelay $0x1  }
0x110: {  	v3 =	vperm.xlane v3, v2;
	v4 =	vadd.s32 v1, v4;
	_ =	sdelay $0x1  }
0x111: {  	v3 =	vadd.s32 v1, v3;
	_ =	sdelay $0x2  }
0x112: {  	[tilespmem:s24], [sflag:$0x1] =	stream.indirect_vreg.gather [hbm4b:s2+s1], $0x80, v4, vm0, $0xb8;
	[tilespmem:$0x8080] =	vst v63  }
0x113: {  	_ = 	snop  }
0x114: {  	[tilespmem:s25], [sflag:$0x1] =	stream.indirect_vreg.gather [hbm4b:s2+s1], $0x80, v3, vm0, $0xb8;
	[tilespmem:$0x8080] =	vst v63  }
0x115: {  	v3 =	vld [tilespmem:$0x60];
	_ =	sdelay $0x4  }
0x116: {  	v54 =	vshll.u32 v3, $0x1  }
0x117: {  	v3 =	vand.u32 $0x7, v3;
	v4 =	vand.u32 $0xFFFFFFF0, v54  }
0x118: {  	v3 =	vor.u32 v3, v4  }
0x119: {  	v4 =	vperm.xlane v3, v0;
	_ =	sdelay $0x1  }
0x11a: {  	v3 =	vperm.xlane v3, v2;
	v4 =	vadd.s32 v1, v4;
	_ =	sdelay $0x1  }
0x11b: {  	v3 =	vadd.s32 v1, v3;
	_ =	sdelay $0x2  }
0x11c: {  	[tilespmem:s26], [sflag:$0x1] =	stream.indirect_vreg.gather [hbm4b:s2+s1], $0x80, v4, vm0, $0xb8;
	[tilespmem:$0x8080] =	vst v63  }
0x11d: {  	_ = 	snop  }
0x11e: {  	[tilespmem:s28], [sflag:$0x1] =	stream.indirect_vreg.gather [hbm4b:s2+s1], $0x80, v3, vm0, $0xb8;
	[tilespmem:$0x8080] =	vst v63  }
0x11f: {  	v3 =	vld [tilespmem:$0x70];
	_ =	sdelay $0x4  }
0x120: {  	v55 =	vshll.u32 v3, $0x1  }
0x121: {  	v3 =	vand.u32 $0x7, v3;
	v4 =	vand.u32 $0xFFFFFFF0, v55  }
0x122: {  	v3 =	vor.u32 v3, v4  }
0x123: {  	v4 =	vperm.xlane v3, v0;
	_ =	sdelay $0x1  }
0x124: {  	v3 =	vperm.xlane v3, v2;
	v4 =	vadd.s32 v1, v4;
	_ =	sdelay $0x1  }
0x125: {  	v3 =	vadd.s32 v1, v3;
	_ =	sdelay $0x2  }
0x126: {  	[tilespmem:s29], [sflag:$0x1] =	stream.indirect_vreg.gather [hbm4b:s2+s1], $0x80, v4, vm0, $0xb8;
	[tilespmem:$0x8080] =	vst v63  }
0x127: {  	_ = 	snop  }
0x128: {  	[tilespmem:s30], [sflag:$0x1] =	stream.indirect_vreg.gather [hbm4b:s2+s1], $0x80, v3, vm0, $0xb8;
	[tilespmem:$0x8080] =	vst v63  }
0x129: {  	_ =	swait.ge [sflag:s31], $0x8000  }
0x12a: {  	[sflag:s31] =	ssyncset.done $0x0  }
0x12b: {  	s7 =	rddreg [dreg:$0x3];
	[sflag:s31] =	ssyncadd.s32 $0xFFFF8000  }
0x12c: {  	[hbm4b:s7+s1] =	stream.linear.scatter [tilespmem:s14], [sflag:$0x2], $0x8000, $0x38;
	[tilespmem:$0x8080] =	vst v63  }
0x12d: {  	_ =	swait.ge [sflag:s13], $0x8000  }
0x12e: {  	[sflag:s13] =	ssyncset.done $0x0  }
0x12f: {  	s9 =	rddreg [dreg:$0x4];
	[sflag:s13] =	ssyncadd.s32 $0xFFFF8000  }
0x130: {  	[tilespmem:s1], [sflag:$0x2] =	stream.linear.gather [hbm4b:s9+s1], $0x80, $0x38;
	[tilespmem:$0x8080] =	vst v63  }
0x131: {  	_ =	swait.ge [sflag:s13], $0x80  }
0x132: {  	[sflag:s13] =	ssyncset.done $0x0  }
0x133: {  	[sflag:s13] =	ssyncadd.s32 $0xFFFFFF80  }
0x134: {  	v3 =	vld [tilespmem:$0x0];
	_ =	sdelay $0x4  }
0x135: {  	v56 =	vshll.u32 v3, $0x1  }
0x136: {  	v3 =	vand.u32 $0x7, v3;
	v4 =	vand.u32 $0xFFFFFFF0, v56  }
0x137: {  	v3 =	vor.u32 v3, v4  }
0x138: {  	v4 =	vperm.xlane v3, v0;
	_ =	sdelay $0x1  }
0x139: {  	v3 =	vperm.xlane v3, v2;
	v4 =	vadd.s32 v1, v4;
	_ =	sdelay $0x1  }
0x13a: {  	v3 =	vadd.s32 v1, v3;
	_ =	sdelay $0x2  }
0x13b: {  	[tilespmem:s14], [sflag:$0x1] =	stream.indirect_vreg.gather [hbm4b:s3+s1], $0x80, v4, vm0, $0xb8;
	[tilespmem:$0x8080] =	vst v63  }
0x13c: {  	_ = 	snop  }
0x13d: {  	[tilespmem:s15], [sflag:$0x1] =	stream.indirect_vreg.gather [hbm4b:s3+s1], $0x80, v3, vm0, $0xb8;
	[tilespmem:$0x8080] =	vst v63  }
0x13e: {  	v3 =	vld [tilespmem:$0x10];
	_ =	sdelay $0x4  }
0x13f: {  	v57 =	vshll.u32 v3, $0x1  }
0x140: {  	v3 =	vand.u32 $0x7, v3;
	v4 =	vand.u32 $0xFFFFFFF0, v57  }
0x141: {  	v3 =	vor.u32 v3, v4  }
0x142: {  	v4 =	vperm.xlane v3, v0;
	_ =	sdelay $0x1  }
0x143: {  	v3 =	vperm.xlane v3, v2;
	v4 =	vadd.s32 v1, v4;
	_ =	sdelay $0x1  }
0x144: {  	v3 =	vadd.s32 v1, v3;
	_ =	sdelay $0x2  }
0x145: {  	[tilespmem:s16], [sflag:$0x1] =	stream.indirect_vreg.gather [hbm4b:s3+s1], $0x80, v4, vm0, $0xb8;
	[tilespmem:$0x8080] =	vst v63  }
0x146: {  	_ = 	snop  }
0x147: {  	[tilespmem:s17], [sflag:$0x1] =	stream.indirect_vreg.gather [hbm4b:s3+s1], $0x80, v3, vm0, $0xb8;
	[tilespmem:$0x8080] =	vst v63  }
0x148: {  	v3 =	vld [tilespmem:$0x20];
	_ =	sdelay $0x4  }
0x149: {  	v58 =	vshll.u32 v3, $0x1  }
0x14a: {  	v3 =	vand.u32 $0x7, v3;
	v4 =	vand.u32 $0xFFFFFFF0, v58  }
0x14b: {  	v3 =	vor.u32 v3, v4  }
0x14c: {  	v4 =	vperm.xlane v3, v0;
	_ =	sdelay $0x1  }
0x14d: {  	v3 =	vperm.xlane v3, v2;
	v4 =	vadd.s32 v1, v4;
	_ =	sdelay $0x1  }
0x14e: {  	v3 =	vadd.s32 v1, v3;
	_ =	sdelay $0x2  }
0x14f: {  	[tilespmem:s18], [sflag:$0x1] =	stream.indirect_vreg.gather [hbm4b:s3+s1], $0x80, v4, vm0, $0xb8;
	[tilespmem:$0x8080] =	vst v63  }
0x150: {  	_ = 	snop  }
0x151: {  	[tilespmem:s19], [sflag:$0x1] =	stream.indirect_vreg.gather [hbm4b:s3+s1], $0x80, v3, vm0, $0xb8;
	[tilespmem:$0x8080] =	vst v63  }
0x152: {  	v3 =	vld [tilespmem:$0x30];
	_ =	sdelay $0x4  }
0x153: {  	v59 =	vshll.u32 v3, $0x1  }
0x154: {  	v3 =	vand.u32 $0x7, v3;
	v4 =	vand.u32 $0xFFFFFFF0, v59  }
0x155: {  	v3 =	vor.u32 v3, v4  }
0x156: {  	v4 =	vperm.xlane v3, v0;
	_ =	sdelay $0x1  }
0x157: {  	v3 =	vperm.xlane v3, v2;
	v4 =	vadd.s32 v1, v4;
	_ =	sdelay $0x1  }
0x158: {  	v3 =	vadd.s32 v1, v3;
	_ =	sdelay $0x2  }
0x159: {  	[tilespmem:s20], [sflag:$0x1] =	stream.indirect_vreg.gather [hbm4b:s3+s1], $0x80, v4, vm0, $0xb8;
	[tilespmem:$0x8080] =	vst v63  }
0x15a: {  	_ = 	snop  }
0x15b: {  	[tilespmem:s21], [sflag:$0x1] =	stream.indirect_vreg.gather [hbm4b:s3+s1], $0x80, v3, vm0, $0xb8;
	[tilespmem:$0x8080] =	vst v63  }
0x15c: {  	v3 =	vld [tilespmem:$0x40];
	_ =	sdelay $0x4  }
0x15d: {  	v60 =	vshll.u32 v3, $0x1  }
0x15e: {  	v3 =	vand.u32 $0x7, v3;
	v4 =	vand.u32 $0xFFFFFFF0, v60  }
0x15f: {  	v3 =	vor.u32 v3, v4  }
0x160: {  	v4 =	vperm.xlane v3, v0;
	_ =	sdelay $0x1  }
0x161: {  	v3 =	vperm.xlane v3, v2;
	v4 =	vadd.s32 v1, v4;
	_ =	sdelay $0x1  }
0x162: {  	v3 =	vadd.s32 v1, v3;
	_ =	sdelay $0x2  }
0x163: {  	[tilespmem:s22], [sflag:$0x1] =	stream.indirect_vreg.gather [hbm4b:s3+s1], $0x80, v4, vm0, $0xb8;
	[tilespmem:$0x8080] =	vst v63  }
0x164: {  	_ = 	snop  }
0x165: {  	[tilespmem:s23], [sflag:$0x1] =	stream.indirect_vreg.gather [hbm4b:s3+s1], $0x80, v3, vm0, $0xb8;
	[tilespmem:$0x8080] =	vst v63  }
0x166: {  	v3 =	vld [tilespmem:$0x50];
	_ =	sdelay $0x4  }
0x167: {  	v61 =	vshll.u32 v3, $0x1  }
0x168: {  	v3 =	vand.u32 $0x7, v3;
	v4 =	vand.u32 $0xFFFFFFF0, v61  }
0x169: {  	v3 =	vor.u32 v3, v4  }
0x16a: {  	v4 =	vperm.xlane v3, v0;
	_ =	sdelay $0x1  }
0x16b: {  	v3 =	vperm.xlane v3, v2;
	v4 =	vadd.s32 v1, v4;
	_ =	sdelay $0x1  }
0x16c: {  	v3 =	vadd.s32 v1, v3;
	_ =	sdelay $0x2  }
0x16d: {  	[tilespmem:s24], [sflag:$0x1] =	stream.indirect_vreg.gather [hbm4b:s3+s1], $0x80, v4, vm0, $0xb8;
	[tilespmem:$0x8080] =	vst v63  }
0x16e: {  	_ = 	snop  }
0x16f: {  	[tilespmem:s25], [sflag:$0x1] =	stream.indirect_vreg.gather [hbm4b:s3+s1], $0x80, v3, vm0, $0xb8;
	[tilespmem:$0x8080] =	vst v63  }
0x170: {  	v3 =	vld [tilespmem:$0x60];
	_ =	sdelay $0x4  }
0x171: {  	v62 =	vshll.u32 v3, $0x1  }
0x172: {  	v3 =	vand.u32 $0x7, v3;
	v4 =	vand.u32 $0xFFFFFFF0, v62  }
0x173: {  	v3 =	vor.u32 v3, v4  }
0x174: {  	v4 =	vperm.xlane v3, v0;
	_ =	sdelay $0x1  }
0x175: {  	v3 =	vperm.xlane v3, v2;
	v4 =	vadd.s32 v1, v4;
	_ =	sdelay $0x1  }
0x176: {  	v3 =	vadd.s32 v1, v3;
	_ =	sdelay $0x2  }
0x177: {  	[tilespmem:s26], [sflag:$0x1] =	stream.indirect_vreg.gather [hbm4b:s3+s1], $0x80, v4, vm0, $0xb8;
	[tilespmem:$0x8080] =	vst v63  }
0x178: {  	_ = 	snop  }
0x179: {  	[tilespmem:s28], [sflag:$0x1] =	stream.indirect_vreg.gather [hbm4b:s3+s1], $0x80, v3, vm0, $0xb8;
	[tilespmem:$0x8080] =	vst v63  }
0x17a: {  	v3 =	vld [tilespmem:$0x70];
	_ =	sdelay $0x4  }
0x17b: {  	v63 =	vshll.u32 v3, $0x1  }
0x17c: {  	v3 =	vand.u32 $0x7, v3;
	v4 =	vand.u32 $0xFFFFFFF0, v63  }
0x17d: {  	v3 =	vor.u32 v3, v4  }
0x17e: {  	v4 =	vperm.xlane v3, v0;
	_ =	sdelay $0x1  }
0x17f: {  	v3 =	vperm.xlane v3, v2;
	v4 =	vadd.s32 v1, v4;
	_ =	sdelay $0x1  }
0x180: {  	v3 =	vadd.s32 v1, v3;
	_ =	sdelay $0x2  }
0x181: {  	[tilespmem:s29], [sflag:$0x1] =	stream.indirect_vreg.gather [hbm4b:s3+s1], $0x80, v4, vm0, $0xb8;
	[tilespmem:$0x8080] =	vst v63  }
0x182: {  	_ = 	snop  }
0x183: {  	[tilespmem:s30], [sflag:$0x1] =	stream.indirect_vreg.gather [hbm4b:s3+s1], $0x80, v3, vm0, $0xb8;
	[tilespmem:$0x8080] =	vst v63  }
0x184: {  	_ =	swait.ge [sflag:s31], $0x8000  }
0x185: {  	[sflag:s31] =	ssyncset.done $0x0  }
.Ltmp4:
0x186: {  	s10 =	rddreg [dreg:$0x5];
	[sflag:s31] =	ssyncadd.s32 $0xFFFF8000;
	(pc) =	sbr.rel .LBB2_5-.Ltmp4, $4  }
0x187: {  	[hbm4b:s10+s1] =	stream.linear.scatter [tilespmem:s14], [sflag:$0x2], $0x8000, $0x38;
	[tilespmem:$0x8080] =	vst v63  }
0x188: {  	_ =	swait.ge [sflag:s13], $0x8000  }
0x189: {  	[sflag:s13] =	ssyncset.done $0x0  }
0x18a: {  	[sflag:s13] =	ssyncadd.s32 $0xFFFF8000  }
.LBB2_6:
0x18b: {  	_ =	sfence.sel $0x180000  }
0x18c: {  	[bflag:$0x0] =	sbarrier.arrive $0xFFFF  }
0x18d: {  	_ =	strace $0x9000004D  }
0x18e: {  	[bflag:$0x2] =	sbarrier.arrive $0xFFFF  }
0x18f: {  	s0 =	rddreg [dreg:$0x1]  }
0x190: {  	s0 =	sadd.s32 @!p0 $0x100000, s0  }
0x191: {  	[sflag:s0] =	ssyncadd.tile.s32 @!p0 $0x1;
	_ =	shalt  }
.Lfunc_end2:
_tile_overlayer_lowered:
.L_overlay_start_2:
0x192: {  	(tag) =	ssettag $0x2  }
0x193: {  	s0 =	rddreg [dreg:$0x0];
	s2 =	stileid.u32  }
0x194: {  	s1 =	rddreg [dreg:$0x1];
	p0 =	sne.s32 s2, $0x0  }
0x195: {  	s3 =	rddreg [dreg:$0x2];
	[bflag:$0x3] =	sbarrier.arrive $0xFFFF;
	s2 =	simm.s32 @!p0 $0x1C02  }
0x196: {  	[timem:s3], [sflag:s2] =	dma.local @!p0 [hbm:s0], s1  }
0x197: {  	s0 =	simm.s32 @!p0 $0x2  }
0x198: {  	_ =	swait.ge @!p0 [sflag:s0], s1  }
0x199: {  	s1 =	ssub.s32 @!p0 $0x0, s1;
	[sflag:s0] =	ssyncset.done @!p0 $0x0  }
0x19a: {  	[sflag:s0] =	ssyncadd.s32 @!p0 s1  }
0x19b: {  	[bflag:$0x3] =	sbarrier.arrive $0xFFFF  }
0x19c: {  	_ =	shalt  }

// kernel: kernel.23.cloned.1.call-start
scs
__scs_entry_jumppad:
0x0: {  	(pc) =	sbr.rel $0x88, $3  }
0x1: {  	(tag) =	ssettag $0x0;
	lr =	simm.s32 $0x1  }
0x2: {  	[smem:$0x3F84] =	sst lr;
	_ =	strace $0xD0000000  }
0x3: {  	_ = 	snop  }
0x4: {  	_ = 	snop  }
0x5: {  	_ = 	snop  }
0x6: {  	_ = 	snop  }
0x7: {  	_ = 	snop  }
__scs_overlays_trampoline_lowered:
0x8: {  	[smem:$0x3F93] =	sst s0  }
0x9: {  	[smem:$0x3F94] =	sst s1  }
0xa: {  	[smem:$0x3F95] =	sst s2  }
0xb: {  	[smem:$0x3F96] =	sst s3  }
0xc: {  	[smem:$0x3F97] =	sst s4  }
0xd: {  	[smem:$0x3F98] =	sst s5  }
0xe: {  	[smem:$0x3F99] =	sst s6  }
0xf: {  	[smem:$0x3F9A] =	sst s7  }
0x10: {  	[smem:$0x3F9B] =	sst s8  }
0x11: {  	[smem:$0x3F9C] =	sst s9;
	s0 =	simm.s32 @!p0 $0x0  }
0x12: {  	s1 =	sld [smem:$0x3F82];
	s0 =	simm.s32 @p0 $0x1  }
0x13: {  	[smem:$0x3F9D] =	sst s0;
	s0 =	simm.s32 @!p1 $0x0  }
0x14: {  	s2 =	sld [smem:$0x3F81];
	s0 =	simm.s32 @p1 $0x1  }
0x15: {  	[smem:$0x3F9E] =	sst s0;
	s0 =	simm.s32 @!p2 $0x0  }
0x16: {  	s3 =	sld [smem:$0x3FDB];
	s0 =	simm.s32 @p2 $0x1  }
0x17: {  	s4 =	simm.s32 $0x1BF5;
	[smem:$0x3FA0] =	sst s0  }
0x18: {  	s0 =	sld [smem:$0x3F83];
	_ =	swait.ge [sflag:s4], $0x0  }
0x19: {  	s7 =	sld [smem:$0x3F84]  }
0x1a: {  	s8 =	sadd.s32 $0xFFFFE003, lr  }
0x1b: {  	s9 =	sadd.s32 $0xFFFFFEF7, lr;
	s5 =	simm.s32 $0xFFFFFFFF;
	p2 =	slt.u32 s8, $0xFFFFF086  }
0x1c: {  	p1 =	slt.u32 s9, $0xF7A;
	s5 =	simm.s32 @!p2 $0x0  }
0x1d: {  	s5 =	simm.s32 @p1 $0x1;
	p0 =	seq.s32 s7, s2  }
0x1e: {  	s7 =	smul.u32 @!p0 $0xF7A, s2;
	p2 =	seq.s32 @!p0 s5, $0x0  }
0x1f: {  	s9 =	smul.u32 $0xF7A, s1;
	s8 =	simm.s32 @!p0 $0x1BF5;
	p2 =	por !p2, p0  }
0x20: {  	[sflag:s8] =	ssyncset.s32 @!p0 $0xFFFFF086;
	s6 =	sadd.s32 @!p0 s3, s7;
	s7 =	simm.s32 @!p0 $0x108  }
0x21: {  	s3 =	sadd.s32 s3, s9;
	s6 =	sadd.s32 @!p0 $0x88, s6;
	s7 =	simm.s32 @p2 $0x1082  }
0x22: {  	[simem:s7], [sflag:s8] =	dma.local @!p0 [hbm:s6], $0xF7A  }
0x23: {  	s9 =	sor.u32 $0xD0000000, s2;
	s6 =	simm.s32 $0x108;
	_ =	swait.ge @!p0 [sflag:s8], $0x0  }
0x24: {  	s3 =	sadd.s32 $0x88, s3;
	s6 =	simm.s32 @!p1 $0x1082;
	[sflag:s4] =	ssyncset.s32 $0xFFFFF086  }
0x25: {  	[simem:s6], [sflag:s4] =	dma.local [hbm:s3], $0xF7A  }
0x26: {  	[smem:$0x3F84] =	sst s1;
	(tag) =	ssettag s2;
	_ =	strace s9  }
0x27: {  	s1 =	sld [smem:$0x3F94]  }
0x28: {  	s2 =	sld [smem:$0x3F95]  }
0x29: {  	s4 =	sld [smem:$0x3F97]  }
0x2a: {  	p0 =	seq.s32 s5, $0x0;
	s5 =	sld [smem:$0x3F98]  }
0x2b: {  	s6 =	sld [smem:$0x3F99]  }
0x2c: {  	s7 =	sld [smem:$0x3F9A]  }
0x2d: {  	s3 =	simm.s32 $0x108;
	s8 =	sld [smem:$0x3F9B]  }
0x2e: {  	s3 =	simm.s32 @!p0 $0x1082;
	s9 =	sld [smem:$0x3F9C]  }
0x2f: {  	lr =	sadd.s32 s0, s3;
	s0 =	sld [smem:$0x3F93]  }
0x30: {  	s3 =	sld [smem:$0x3F96]  }
0x31: {  	[smem:$0x3F9F] =	sst s10  }
0x32: {  	s10 =	sld [smem:$0x3F9D];
	_ =	sdelay $0x3  }
0x33: {  	p0 =	seq.s32 s10, $0x1;
	s10 =	sld [smem:$0x3F9F];
	_ =	sdelay $0x3  }
0x34: {  	[smem:$0x3F9F] =	sst s10  }
0x35: {  	s10 =	sld [smem:$0x3F9E];
	_ =	sdelay $0x3  }
0x36: {  	p1 =	seq.s32 s10, $0x1;
	s10 =	sld [smem:$0x3F9F];
	_ =	sdelay $0x3  }
0x37: {  	[smem:$0x3F9F] =	sst s10  }
0x38: {  	s10 =	sld [smem:$0x3FA0]  }
0x39: {  	_ = 	snop;
	(pc) =	sbr.ind lr, $3  }
0x3a: {  	_ = 	snop  }
0x3b: {  	_ = 	snop  }
0x3c: {  	p2 =	seq.s32 s10, $0x1;
	s10 =	sld [smem:$0x3F9F]  }
0x3d: {  	_ =	shalt  }
0x3e: {  	_ =	shalt  }
0x3f: {  	_ =	shalt  }
0x40: {  	_ =	shalt  }
0x41: {  	_ =	shalt  }
0x42: {  	_ =	shalt  }
0x43: {  	_ =	shalt  }
0x44: {  	_ =	shalt  }
0x45: {  	_ =	shalt  }
0x46: {  	_ =	shalt  }
0x47: {  	_ =	shalt  }
0x48: {  	_ =	shalt  }
0x49: {  	_ =	shalt  }
0x4a: {  	_ =	shalt  }
0x4b: {  	_ =	shalt  }
0x4c: {  	_ =	shalt  }
0x4d: {  	_ =	shalt  }
0x4e: {  	_ =	shalt  }
0x4f: {  	_ =	shalt  }
0x50: {  	_ =	shalt  }
0x51: {  	_ =	shalt  }
0x52: {  	_ =	shalt  }
0x53: {  	_ =	shalt  }
0x54: {  	_ =	shalt  }
0x55: {  	_ =	shalt  }
0x56: {  	_ =	shalt  }
0x57: {  	_ =	shalt  }
0x58: {  	_ =	shalt  }
0x59: {  	_ =	shalt  }
0x5a: {  	_ =	shalt  }
0x5b: {  	_ =	shalt  }
0x5c: {  	_ =	shalt  }
0x5d: {  	_ =	shalt  }
0x5e: {  	_ =	shalt  }
0x5f: {  	_ =	shalt  }
0x60: {  	_ =	shalt  }
0x61: {  	_ =	shalt  }
0x62: {  	_ =	shalt  }
0x63: {  	_ =	shalt  }
0x64: {  	_ =	shalt  }
0x65: {  	_ =	shalt  }
0x66: {  	_ =	shalt  }
0x67: {  	_ =	shalt  }
0x68: {  	_ =	shalt  }
0x69: {  	_ =	shalt  }
0x6a: {  	_ =	shalt  }
0x6b: {  	_ =	shalt  }
0x6c: {  	_ =	shalt  }
0x6d: {  	_ =	shalt  }
0x6e: {  	_ =	shalt  }
0x6f: {  	_ =	shalt  }
0x70: {  	_ =	shalt  }
0x71: {  	_ =	shalt  }
0x72: {  	_ =	shalt  }
0x73: {  	_ =	shalt  }
0x74: {  	_ =	shalt  }
0x75: {  	_ =	shalt  }
0x76: {  	_ =	shalt  }
0x77: {  	_ =	shalt  }
0x78: {  	_ =	shalt  }
0x79: {  	_ =	shalt  }
0x7a: {  	_ =	shalt  }
0x7b: {  	_ =	shalt  }
0x7c: {  	_ =	shalt  }
0x7d: {  	_ =	shalt  }
0x7e: {  	_ =	shalt  }
0x7f: {  	_ =	shalt  }
0x80: {  	_ =	shalt  }
0x81: {  	_ =	shalt  }
0x82: {  	_ =	shalt  }
0x83: {  	_ =	shalt  }
0x84: {  	_ =	shalt  }
0x85: {  	_ =	shalt  }
0x86: {  	_ =	shalt  }
0x87: {  	_ =	shalt  }
.Lfunc_end0:
.L_simem_size_0:
called_computation.3_lowered:
.L_overlay_start_0:
0x88: {  	s2 =	sld [smem:$0x3FD9]  }
0x89: {  	s3 =	sld [smem:$0x3FFE];
	_ =	sdelay $0x1  }
0x8a: {  	s1 =	srdreg.scid  }
0x8b: {  	s0 =	sand.u32 $0x1, s1  }
0x8c: {  	s17 =	sshll.u32 s0, $0xA;
	s2 =	sadd.s32 s3, s2  }
0x8d: {  	s2 =	sadd.s32 s2, s17  }
0x8e: {  	[smem:$0x3FAB] =	sst s2  }
0x8f: {  	_ = 	snop  }
0x90: {  	s2 =	sld [smem:$0x3FD0];
	(tm) =	ssettm $0x1  }
0x91: {  	s18 =	sld [smem:$0x3FFB];
	_ =	sdelay $0x3  }
0x92: {  	_ =	strace s18  }
0x93: {  	s3 =	sld [smem:$0x3FFC];
	_ =	sdelay $0x3  }
0x94: {  	_ =	strace s3  }
0x95: {  	s3 =	sld [smem:$0x3FFD];
	_ =	sdelay $0x3  }
0x96: {  	_ =	strace s3  }
0x97: {  	_ =	strace $0x8FFFFFFF  }
0x98: {  	s19 =	sld [smem:$0x3FDB];
	_ =	sdelay $0x1  }
0x99: {  	s4 =	simm.s32 $_scs_section_size  }
0x9a: {  	s5 =	simm.s32 $_size__tile_overlayer_lowered;
	s6 =	simm.s32 $_tile_overlayer_lowered  }
0x9b: {  	s22 =	simm.s32 $0x1BFF;
	s21 =	sshll.u32 s6, $0x1;
	s3 =	sadd.s32 s4, s19  }
0x9c: {  	s7 =	simm.s32 $0x0;
	s20 =	sshll.u32 s5, $0x1;
	s5 =	sadd.s32 s21, s3  }
0x9d: {  	[timem:s7], [sflag:s22] =	dma.local [hbm:s5], s20  }
0x9e: {  	_ =	swait.ge [sflag:s22], s20  }
0x9f: {  	s4 =	ssub.s32 $0x0, s20;
	[sflag:s22] =	ssyncset.done $0x0  }
0xa0: {  	[sflag:s22] =	ssyncadd.s32 s4;
	_ =	sdelay $0x1  }
0xa1: {  	s23 =	simm.s32 $0x1B8B  }
0xa2: {  	_ =	swait.ge [sflag:s23], $0x1  }
0xa3: {  	[sflag:s23] =	ssyncset.done $0x0  }
0xa4: {  	s25 =	simm.s32 $0x1B8E;
	s24 =	sld [smem:$0x3FFE];
	[sflag:s23] =	ssyncadd.s32 $0xFFFFFFFF  }
0xa5: {  	s26 =	simm.s32 $execute0_lowered;
	[smem:$0x3FD2] =	sst s25  }
0xa6: {  	s5 =	sshll.u32 s26, $0x1;
	_ =	strace $0x8000004F;
	[dreg:$0x1] =	wrdreg $0xFFFFFFFF  }
0xa7: {  	s28 =	simm.s32 $_size_execute0_lowered;
	s3 =	sadd.s32 s3, s5;
	[dreg:$0x0] =	wrdreg $0x0  }
0xa8: {  	s5 =	sshll.u32 s28, $0x1;
	[dreg:$0x2] =	wrdreg s3  }
0xa9: {  	[dreg:$0x3] =	wrdreg s5  }
0xaa: {  	[dreg:$0x4] =	wrdreg $0xC0  }
0xab: {  	_ =	task [dreg:s7], $0x5FFFF  }
0xac: {  	[dreg:$0x1] =	wrdreg $0xFFFFFFFF  }
0xad: {  	[dreg:$0x0] =	wrdreg $0x60  }
0xae: {  	[dreg:$0x2] =	wrdreg s24  }
0xaf: {  	[dreg:$0x3] =	wrdreg s2  }
0xb0: {  	[dreg:$0x4] =	wrdreg $0x41000  }
0xb1: {  	[dreg:$0x5] =	wrdreg $0x9  }
0xb2: {  	_ =	task.clear_ibuf [dreg:s7], $0x6FFFF;
	_ =	strace $0x9000004F  }
0xb3: {  	s29 =	simm.s32 $0x9;
	_ =	strace $0x80000051  }
0xb4: {  	_ =	swait.ge [sflag:s29], $0x1  }
0xb5: {  	[sflag:s29] =	ssyncadd.s32 $0xFFFFFFFF  }
0xb6: {  	_ =	strace $0x90000051  }
0xb7: {  	_ =	sfence  }
0xb8: {  	s30 =	sld [smem:$0x0];
	_ =	sdelay $0x2  }
0xb9: {  	s31 =	sshll.u32 s1, $0xD;
	s1 =	sshrl.u32 s1, $0x2  }
0xba: {  	s3 =	sand.u32 $0x4000, s31;
	s1 =	sadd.s32 s1, s30  }
0xbb: {  	s0 =	sor.u32 s3, s0;
	s1 =	sshll.u32 s1, $0x11  }
0xbc: {  	s0 =	sor.u32 s1, s0  }
0xbd: {  	s0 =	sadd.s32 $0x8F2B, s0  }
0xbe: {  	[sflag:s0] =	ssyncadd.remote.s32 $0x1  }
0xbf: {  	_ =	sfence.sel $0xFFFF  }
0xc0: {  	[dreg:$0x0] =	wrdreg $0xFFFFFFFF;
	(pc) =	sbr.abs _section_cstart, $3  }
0xc1: {  	[dreg:$0x1] =	wrdreg $0xFFFFFFFF  }
0xc2: {  	_ =	task.clear_ibuf [dreg:s7], $0x2FFFF;
	_ =	strace $0x9FFFFFFF  }
0xc3: {  	(tm) =	ssettm $0x7FFFFFFF  }
tec
execute0_lowered:
.L_overlay_start_1:
0x0: {  	(tag) =	ssettag $0x1  }
0x1: {  	s4 =	rddreg [dreg:$0x0]  }
0x2: {  	s10 =	rddreg [dreg:$0x1]  }
0x3: {  	s1 =	rddreg [dreg:$0x2]  }
0x4: {  	s3 =	simm.s32 $0x0;
	s2 =	stileid.u32;
	s18 =	sadd.s32 $0xCE2C00, s4  }
0x5: {  	s7 =	srdreg.scid;
	s5 =	smul.u32 $0x278, s2;
	s21 =	sadd.s32 $0xF53C00, s4  }
0x6: {  	[smem:$0x7FF] =	sst s3;
	s6 =	smul.u32 $0x140, s2;
	s20 =	sadd.s32 $0x11C4C00, s4  }
0x7: {  	s19 =	sadd.s32 $0xC600, s4;
	s23 =	sand.u32 $0x1, s7;
	s28 =	sshll.u32 s2, $0x7  }
0x8: {  	s17 =	sshll.u32 s2, $0x6;
	s22 =	sshll.u32 s2, $0xB;
	p1 =	sgt.u32 s2, $0x1  }
0x9: {  	p2 =	slt.u32 s2, $0x2;
	_ =	strace $0x80000050;
	s9 =	ssub.s32 $0x2, s23  }
0xa: {  	s25 =	smul.u32 $0x1388, s23;
	p0 =	seq.s32 s23, $0x1;
	s29 =	sor.u32 $0x27000, s28  }
0xb: {  	s17 =	sor.u32 $0x1C01, s17;
	s23 =	sshll.u32 s2, $0x4;
	s5 =	smin.u32 s5, $0x2498  }
0xc: {  	s8 =	smin.u32 s6, $0x1250;
	s26 =	sshrl.u32 s9, $0x1;
	s30 =	sshrl.u32 s29, $0x3  }
0xd: {  	s13 =	sshll.u32 s29, $0x4;
	s24 =	sshll.u32 s5, $0x4;
	s11 =	sshll.u32 s8, $0x4  }
0xe: {  	s16 =	ssub.s32 s9, s26;
	s5 =	sshll.u32 s5, $0x7;
	s6 =	sadd.s32 s19, s30  }
0xf: {  	s31 =	sshll.u32 s8, $0x7;
	s7 =	sadd.s32 s18, s13;
	s18 =	sadd.s32 s22, s18  }
0x10: {  	s19 =	sadd.s32 s23, s19;
	s23 =	simm.s32 $0x100;
	v0 =	vmov s25;
	s25 =	simm.s32 $0x0  }
0x11: {  	s14 =	sadd.s32 s24, s4;
	s15 =	sadd.s32 s11, s4;
	s4 =	sadd.s32 s5, s1  }
.Ltmp0:
0x12: {  	s5 =	sadd.s32 s10, s24;
	s9 =	sadd.s32 s31, s1;
	(pc) =	sbr.rel .LBB2_1-.Ltmp0, $4  }
0x13: {  	s10 =	sadd.s32 s10, s11;
	s11 =	sadd.s32 s20, s13;
	s13 =	sadd.s32 s21, s13  }
0x14: {  	s16 =	smax.u32 s16, $0x1;
	s20 =	sadd.s32 s22, s20;
	s21 =	sadd.s32 s22, s21  }
0x15: {  	s22 =	simm.s32 $0x1;
	s24 =	simm.s32 $0x80;
	s8 =	sadd.s32 $0xD4C00, s14  }
0x16: {  	s12 =	sadd.s32 $0xADA00, s15;
	s14 =	sadd.s32 $0xFBD00, s14;
	s15 =	sadd.s32 $0xC1300, s15  }
.LBB2_12:
0x17: {  	[tilespmem:s3], [sflag:$0x1] =	stream.linear.gather [hbm4b:s6+s3], $0x80, $0x38;
	[tilespmem:$0x17980] =	vst v63  }
0x18: {  	_ =	swait.ge [sflag:s22], $0x80  }
0x19: {  	[sflag:s22] =	ssyncset.done $0x0  }
0x1a: {  	[sflag:s22] =	ssyncadd.s32 $0xFFFFFF80  }
0x1b: {  	v1 =	vld [tilespmem:$0x0]  }
0x1c: {  	v2 =	vld [tilespmem:$0x10]  }
0x1d: {  	v3 =	vld [tilespmem:$0x20]  }
0x1e: {  	v4 =	vld [tilespmem:$0x30]  }
0x1f: {  	v5 =	vld [tilespmem:$0x40]  }
0x20: {  	v6 =	vld [tilespmem:$0x50];
	v1 =	vsub.s32 v1, v0  }
0x21: {  	v7 =	vld [tilespmem:$0x60];
	v2 =	vsub.s32 v2, v0;
	v1 =	vmin.u32 v1, $0x1388  }
0x22: {  	[tilespmem:$0x80] =	vst v1;
	v1 =	vmin.u32 v2, $0x1388;
	v2 =	vsub.s32 v3, v0;
	v3 =	vld [tilespmem:$0x70]  }
0x23: {  	[tilespmem:$0x90] =	vst v1;
	v1 =	vmin.u32 v2, $0x1388;
	v2 =	vsub.s32 v4, v0  }
0x24: {  	[tilespmem:$0xA0] =	vst v1;
	v1 =	vmin.u32 v2, $0x1388;
	v2 =	vsub.s32 v5, v0  }
0x25: {  	[tilespmem:$0xB0] =	vst v1;
	v1 =	vmin.u32 v2, $0x1388;
	v2 =	vsub.s32 v6, v0  }
0x26: {  	[tilespmem:$0xC0] =	vst v1;
	v1 =	vmin.u32 v2, $0x1388;
	v2 =	vsub.s32 v7, v0  }
0x27: {  	[tilespmem:$0xD0] =	vst v1;
	v1 =	vmin.u32 v2, $0x1388;
	v2 =	vsub.s32 v3, v0  }
0x28: {  	[tilespmem:$0xE0] =	vst v1;
	v1 =	vmin.u32 v2, $0x1388  }
0x29: {  	[tilespmem:$0xF0] =	vst v1  }
0x2a: {  	[tilespmem:s23], [sflag:$0x1] =	stream.linear.gather [hbm4b:s11+s3], $0x4000, $0x38;
	[tilespmem:$0x17980] =	vst v63  }
0x2b: {  	_ =	swait.ge [sflag:s22], $0x4000  }
0x2c: {  	[sflag:s22] =	ssyncset.done $0x0  }
0x2d: {  	[sflag:s22] =	ssyncadd.s32 $0xFFFFC000  }
0x2e: {  	[spmem:s1] =	stream.indirect.scatter.add.f32 [tilespmem:s23], [sflag:$0x1], $0x80, s24, s24, $0xb8;
	[tilespmem:$0x17980] =	vst v63  }
0x2f: {  	_ =	swait.ge [sflag:s22], $0x4000  }
0x30: {  	[sflag:s22] =	ssyncset.done $0x0  }
0x31: {  	[sflag:s22] =	ssyncadd.s32 $0xFFFFC000  }
.LBB2_13:
0x32: {  	s25 =	sadd.s32 $0x1, s25  }
0x33: {  	p3 =	sne.s32 s25, s16  }
.Ltmp1:
0x34: {  	[bflag:$0x0] =	sbarrier.arrive $0xFFFF;
	s0 =	sshrl.u32 s9, $0x3;
	(pc) =	sbr.rel @!p3 .LBB2_14-.Ltmp1, $4  }
0x35: {  	[hbm:s26], [sflag:s17] =	dma.local [spmem:s0], $0x1400  }
0x36: {  	_ =	swait.ge [sflag:s22], $0x1400  }
0x37: {  	[sflag:s22] =	ssyncset.done $0x0  }
0x38: {  	[sflag:s22] =	ssyncadd.s32 $0xFFFFEC00  }
.LBB2_1:
0x39: {  	s26 =	sshrl.u32 s4, $0x3  }
0x3a: {  	[spmem:s26], [sflag:s17] =	dma.local [hbm:s5], $0x2780  }
.Ltmp2:
0x3b: {  	_ =	swait.ge [sflag:s22], $0x2780;
	(pc) =	sbr.rel @!p0 .LBB2_2-.Ltmp2, $3  }
0x3c: {  	[sflag:s22] =	ssyncset.done $0x0  }
0x3d: {  	[sflag:s22] =	ssyncadd.s32 $0xFFFFD880  }
0x3e: {  	[bflag:$0x0] =	sbarrier.arrive $0xFFFF;
	_ =	sdelay $0x1  }
0x3f: {  	s0 =	sadd.s32 $0x0, s19  }
0x40: {  	[tilespmem:s3], [sflag:$0x1] =	stream.linear.gather [hbm4b:s0+s3], $0x80, $0x38;
	[tilespmem:$0x17980] =	vst v63  }
0x41: {  	_ =	swait.ge [sflag:s22], $0x80  }
0x42: {  	[sflag:s22] =	ssyncset.done $0x0  }
0x43: {  	[sflag:s22] =	ssyncadd.s32 $0xFFFFFF80  }
0x44: {  	[tilespmem:s23], [sflag:$0x1] =	stream.linear.gather [hbm4b:s21+s3], $0x4000, $0x38;
	[tilespmem:$0x17980] =	vst v63  }
0x45: {  	_ =	swait.ge [sflag:s22], $0x4000  }
0x46: {  	[sflag:s22] =	ssyncset.done $0x0  }
0x47: {  	[sflag:s22] =	ssyncadd.s32 $0xFFFFC000  }
0x48: {  	[spmem:s1] =	stream.indirect.scatter.add.f32 [tilespmem:s23], [sflag:$0x1], $0x80, s3, s24, $0xb8;
	[tilespmem:$0x17980] =	vst v63  }
0x49: {  	s29 =	simm.s32 $0x100;
	_ =	swait.ge [sflag:s22], $0x4000  }
0x4a: {  	s30 =	simm.s32 $0x200;
	s28 =	sadd.s32 $0x8000, s21;
	[sflag:s22] =	ssyncset.done $0x0  }
.LBB2_8:
0x4b: {  	s0 =	sadd.s32 s29, s19  }
0x4c: {  	[sflag:s22] =	ssyncadd.s32 $0xFFFFC000;
	s29 =	smov.u32 s30;
	s31 =	sadd.s32 $0x100, s30  }
0x4d: {  	[tilespmem:s3], [sflag:$0x1] =	stream.linear.gather [hbm4b:s0+s3], $0x80, $0x38;
	[tilespmem:$0x17980] =	vst v63  }
0x4e: {  	p3 =	sne.s32 s30, $0x4D00;
	_ =	swait.ge [sflag:s22], $0x80  }
0x4f: {  	[sflag:s22] =	ssyncset.done $0x0  }
0x50: {  	[sflag:s22] =	ssyncadd.s32 $0xFFFFFF80  }
0x51: {  	[tilespmem:s23], [sflag:$0x1] =	stream.linear.gather [hbm4b:s28+s3], $0x4000, $0x38;
	[tilespmem:$0x17980] =	vst v63  }
0x52: {  	_ =	swait.ge [sflag:s22], $0x4000  }
.Ltmp3:
0x53: {  	[sflag:s22] =	ssyncset.done $0x0;
	(pc) =	sbr.rel @p3 .LBB2_8-.Ltmp3, $4  }
0x54: {  	[sflag:s22] =	ssyncadd.s32 $0xFFFFC000  }
0x55: {  	[spmem:s1] =	stream.indirect.scatter.add.f32 [tilespmem:s23], [sflag:$0x1], $0x80, s3, s24, $0xb8;
	[tilespmem:$0x17980] =	vst v63  }
0x56: {  	_ =	swait.ge [sflag:s22], $0x4000  }
0x57: {  	s30 =	smov.u32 s31;
	s28 =	sadd.s32 $0x8000, s28;
	[sflag:s22] =	ssyncset.done $0x0  }
0x58: {  	s0 =	sadd.s32 s29, s19;
	[sflag:s22] =	ssyncadd.s32 $0xFFFFC000  }
0x59: {  	[tilespmem:s3], [sflag:$0x1] =	stream.linear.gather [hbm4b:s0+s3], $0x80, $0x38;
	[tilespmem:$0x17980] =	vst v63  }
0x5a: {  	_ =	swait.ge [sflag:s22], $0x80  }
0x5b: {  	[sflag:s22] =	ssyncset.done $0x0  }
0x5c: {  	[sflag:s22] =	ssyncadd.s32 $0xFFFFFF80  }
0x5d: {  	[tilespmem:s23], [sflag:$0x1] =	stream.linear.gather [hbm4b:s28+s3], $0x4000, $0x38;
	[tilespmem:$0x17980] =	vst v63  }
0x5e: {  	_ =	swait.ge [sflag:s22], $0x4000  }
0x5f: {  	[sflag:s22] =	ssyncset.done $0x0  }
0x60: {  	[sflag:s22] =	ssyncadd.s32 $0xFFFFC000  }
0x61: {  	[spmem:s1] =	stream.indirect.scatter.add.f32 [tilespmem:s23], [sflag:$0x1], $0x80, s3, s24, $0xb8;
	[tilespmem:$0x17980] =	vst v63  }
0x62: {  	_ =	swait.ge [sflag:s22], $0x4000  }
0x63: {  	[sflag:s22] =	ssyncset.done $0x0  }
0x64: {  	s0 =	simm.s32 @!p1 $0x0;
	s28 =	simm.s32 @!p1 $0x1;
	[sflag:s22] =	ssyncadd.s32 $0xFFFFC000  }
0x65: {  	[tilespmem:s0], [sflag:$0x1] =	stream.linear.gather @!p1 [hbm4b:s6+s0], $0x80, $0x38;
	[tilespmem:$0x17980] =	vst v63  }
0x66: {  	_ =	swait.ge @!p1 [sflag:s28], $0x80  }
0x67: {  	[sflag:s28] =	ssyncset.done @!p1 $0x0  }
0x68: {  	s29 =	simm.s32 @!p1 $0x100;
	[sflag:s28] =	ssyncadd.s32 @!p1 $0xFFFFFF80  }
0x69: {  	[tilespmem:s29], [sflag:$0x1] =	stream.linear.gather @!p1 [hbm4b:s13+s0], $0x4000, $0x38;
	[tilespmem:$0x17980] =	vst v63  }
0x6a: {  	_ =	swait.ge @!p1 [sflag:s28], $0x4000  }
0x6b: {  	[sflag:s28] =	ssyncset.done @!p1 $0x0  }
0x6c: {  	s30 =	simm.s32 @!p1 $0x80;
	[sflag:s28] =	ssyncadd.s32 @!p1 $0xFFFFC000  }
0x6d: {  	[spmem:s1] =	stream.indirect.scatter.add.f32 @!p1 [tilespmem:s29], [sflag:$0x1], $0x80, s0, s30, $0xb8;
	[tilespmem:$0x17980] =	vst v63  }
0x6e: {  	_ =	swait.ge @!p1 [sflag:s28], $0x4000  }
0x6f: {  	[sflag:s28] =	ssyncset.done @!p1 $0x0  }
0x70: {  	[sflag:s28] =	ssyncadd.s32 @!p1 $0xFFFFC000  }
0x71: {  	[bflag:$0x0] =	sbarrier.arrive $0xFFFF  }
0x72: {  	[hbm:s14], [sflag:s17] =	dma.local [spmem:s26], $0x2780  }
0x73: {  	_ =	swait.ge [sflag:s22], $0x2780  }
0x74: {  	[sflag:s22] =	ssyncset.done $0x0  }
0x75: {  	[sflag:s22] =	ssyncadd.s32 $0xFFFFD880  }
0x76: {  	s30 =	sshrl.u32 s9, $0x3;
	[bflag:$0x0] =	sbarrier.arrive $0xFFFF  }
0x77: {  	[spmem:s30], [sflag:s17] =	dma.local [hbm:s10], $0x1400  }
0x78: {  	_ =	swait.ge [sflag:s22], $0x1400  }
0x79: {  	[sflag:s22] =	ssyncset.done $0x0  }
0x7a: {  	[sflag:s22] =	ssyncadd.s32 $0xFFFFEC00  }
0x7b: {  	s31 =	sadd.s32 $0x0, s19;
	[bflag:$0x0] =	sbarrier.arrive $0xFFFF  }
0x7c: {  	[tilespmem:s3], [sflag:$0x1] =	stream.linear.gather [hbm4b:s31+s3], $0x80, $0x38;
	[tilespmem:$0x17980] =	vst v63  }
0x7d: {  	_ =	swait.ge [sflag:s22], $0x80  }
0x7e: {  	[sflag:s22] =	ssyncset.done $0x0  }
0x7f: {  	[sflag:s22] =	ssyncadd.s32 $0xFFFFFF80  }
0x80: {  	v1 =	vld [tilespmem:$0x50]  }
0x81: {  	v2 =	vld [tilespmem:$0x30]  }
0x82: {  	v3 =	vld [tilespmem:$0x20]  }
0x83: {  	v4 =	vld [tilespmem:$0x10]  }
0x84: {  	v5 =	vld [tilespmem:$0x40]  }
0x85: {  	v6 =	vld [tilespmem:$0x0];
	v1 =	vsub.s32 v1, v0  }
0x86: {  	v7 =	vld [tilespmem:$0x60];
	v2 =	vsub.s32 v2, v0;
	v1 =	vmin.u32 v1, $0x1388  }
0x87: {  	v8 =	vld [tilespmem:$0x70];
	v3 =	vsub.s32 v3, v0;
	v2 =	vmin.u32 v2, $0x1388;
	[tilespmem:$0xD0] =	vst v1  }
0x88: {  	v3 =	vmin.u32 v3, $0x1388;
	v1 =	vsub.s32 v4, v0;
	[tilespmem:$0xB0] =	vst v2  }
0x89: {  	[tilespmem:$0xA0] =	vst v3;
	v2 =	vsub.s32 v5, v0;
	v1 =	vmin.u32 v1, $0x1388  }
0x8a: {  	v3 =	vsub.s32 v6, v0;
	[tilespmem:$0x90] =	vst v1;
	v1 =	vmin.u32 v2, $0x1388  }
0x8b: {  	v2 =	vmin.u32 v3, $0x1388;
	[tilespmem:$0xC0] =	vst v1;
	v1 =	vsub.s32 v7, v0  }
0x8c: {  	s29 =	smov.u32 s20;
	s28 =	smov.u32 s20;
	s26 =	simm.s32 $0x100;
	[tilespmem:$0x80] =	vst v2;
	v2 =	vsub.s32 v8, v0;
	v1 =	vmin.u32 v1, $0x1388  }
.LBB2_10:
0x8d: {  	p3 =	sne.s32 s26, $0x4D00  }
0x8e: {  	[tilespmem:$0xE0] =	vst v1;
	v1 =	vmin.u32 v2, $0x1388;
	s29 =	sadd.s32 $0x8000, s29;
	s0 =	smov.u32 s26;
	s26 =	sadd.s32 $0x100, s26  }
0x8f: {  	[tilespmem:$0xF0] =	vst v1  }
0x90: {  	[tilespmem:s23], [sflag:$0x1] =	stream.linear.gather [hbm4b:s28+s3], $0x4000, $0x38;
	[tilespmem:$0x17980] =	vst v63  }
0x91: {  	s28 =	smov.u32 s29;
	_ =	swait.ge [sflag:s22], $0x4000  }
0x92: {  	[sflag:s22] =	ssyncset.done $0x0  }
0x93: {  	[sflag:s22] =	ssyncadd.s32 $0xFFFFC000  }
0x94: {  	[spmem:s1] =	stream.indirect.scatter.add.f32 [tilespmem:s23], [sflag:$0x1], $0x80, s24, s24, $0xb8;
	[tilespmem:$0x17980] =	vst v63  }
0x95: {  	s0 =	sadd.s32 s0, s19;
	_ =	swait.ge [sflag:s22], $0x4000  }
0x96: {  	[sflag:s22] =	ssyncset.done $0x0  }
0x97: {  	[sflag:s22] =	ssyncadd.s32 $0xFFFFC000  }
0x98: {  	[tilespmem:s3], [sflag:$0x1] =	stream.linear.gather [hbm4b:s0+s3], $0x80, $0x38;
	[tilespmem:$0x17980] =	vst v63  }
0x99: {  	_ =	swait.ge [sflag:s22], $0x80  }
0x9a: {  	[sflag:s22] =	ssyncset.done $0x0  }
0x9b: {  	[sflag:s22] =	ssyncadd.s32 $0xFFFFFF80  }
0x9c: {  	v1 =	vld [tilespmem:$0x50]  }
0x9d: {  	v2 =	vld [tilespmem:$0x30]  }
0x9e: {  	v3 =	vld [tilespmem:$0x20]  }
0x9f: {  	v4 =	vld [tilespmem:$0x10]  }
0xa0: {  	v5 =	vld [tilespmem:$0x40]  }
0xa1: {  	v6 =	vld [tilespmem:$0x0];
	v1 =	vsub.s32 v1, v0  }
0xa2: {  	v2 =	vsub.s32 v2, v0;
	v1 =	vmin.u32 v1, $0x1388;
	v7 =	vld [tilespmem:$0x60]  }
0xa3: {  	v3 =	vsub.s32 v3, v0;
	v2 =	vmin.u32 v2, $0x1388;
	[tilespmem:$0xD0] =	vst v1;
	v8 =	vld [tilespmem:$0x70]  }
.Ltmp4:
0xa4: {  	v1 =	vsub.s32 v4, v0;
	v3 =	vmin.u32 v3, $0x1388;
	[tilespmem:$0xB0] =	vst v2;
	(pc) =	sbr.rel @p3 .LBB2_10-.Ltmp4, $4  }
0xa5: {  	v1 =	vmin.u32 v1, $0x1388;
	[tilespmem:$0xA0] =	vst v3;
	v2 =	vsub.s32 v5, v0  }
0xa6: {  	v3 =	vsub.s32 v6, v0;
	[tilespmem:$0x90] =	vst v1;
	v1 =	vmin.u32 v2, $0x1388  }
0xa7: {  	v2 =	vmin.u32 v3, $0x1388;
	[tilespmem:$0xC0] =	vst v1;
	v1 =	vsub.s32 v7, v0  }
0xa8: {  	[tilespmem:$0x80] =	vst v2;
	v1 =	vmin.u32 v1, $0x1388;
	v2 =	vsub.s32 v8, v0  }
0xa9: {  	[tilespmem:$0xE0] =	vst v1;
	v1 =	vmin.u32 v2, $0x1388  }
0xaa: {  	[tilespmem:$0xF0] =	vst v1  }
0xab: {  	[tilespmem:s23], [sflag:$0x1] =	stream.linear.gather [hbm4b:s28+s3], $0x4000, $0x38;
	[tilespmem:$0x17980] =	vst v63  }
0xac: {  	_ =	swait.ge [sflag:s22], $0x4000  }
0xad: {  	[sflag:s22] =	ssyncset.done $0x0  }
0xae: {  	[sflag:s22] =	ssyncadd.s32 $0xFFFFC000  }
0xaf: {  	[spmem:s1] =	stream.indirect.scatter.add.f32 [tilespmem:s23], [sflag:$0x1], $0x80, s24, s24, $0xb8;
	[tilespmem:$0x17980] =	vst v63  }
.Ltmp5:
0xb0: {  	_ = 	snop;
	(pc) =	sbr.rel @p1 .LBB2_13-.Ltmp5, $4  }
.Ltmp6:
0xb1: {  	_ = 	snop;
	(pc) =	sbr.rel @!p1 .LBB2_12-.Ltmp6, $4  }
0xb2: {  	_ =	swait.ge [sflag:s22], $0x4000  }
0xb3: {  	[sflag:s22] =	ssyncset.done $0x0  }
0xb4: {  	s26 =	smov.u32 s15;
	[sflag:s22] =	ssyncadd.s32 $0xFFFFC000  }
0xb5: {  	_ = 	snop  }
.LBB2_2:
0xb6: {  	s28 =	sadd.s32 $0x0, s19  }
0xb7: {  	[tilespmem:s3], [sflag:$0x1] =	stream.linear.gather [hbm4b:s28+s3], $0x80, $0x38;
	[tilespmem:$0x17980] =	vst v63  }
0xb8: {  	_ =	swait.ge [sflag:s22], $0x80  }
0xb9: {  	[sflag:s22] =	ssyncset.done $0x0  }
0xba: {  	[sflag:s22] =	ssyncadd.s32 $0xFFFFFF80  }
0xbb: {  	[tilespmem:s23], [sflag:$0x1] =	stream.linear.gather [hbm4b:s18+s3], $0x4000, $0x38;
	[tilespmem:$0x17980] =	vst v63  }
0xbc: {  	_ =	swait.ge [sflag:s22], $0x4000  }
0xbd: {  	[sflag:s22] =	ssyncset.done $0x0  }
0xbe: {  	[sflag:s22] =	ssyncadd.s32 $0xFFFFC000  }
0xbf: {  	[spmem:s1] =	stream.indirect.scatter.add.f32 [tilespmem:s23], [sflag:$0x1], $0x80, s3, s24, $0xb8;
	[tilespmem:$0x17980] =	vst v63  }
0xc0: {  	s29 =	simm.s32 $0x100;
	_ =	swait.ge [sflag:s22], $0x4000  }
0xc1: {  	s30 =	simm.s32 $0x200;
	s28 =	sadd.s32 $0x8000, s18;
	[sflag:s22] =	ssyncset.done $0x0  }
.LBB2_3:
0xc2: {  	s31 =	sadd.s32 s29, s19  }
0xc3: {  	[sflag:s22] =	ssyncadd.s32 $0xFFFFC000;
	s29 =	smov.u32 s30;
	s0 =	sadd.s32 $0x100, s30  }
0xc4: {  	[tilespmem:s3], [sflag:$0x1] =	stream.linear.gather [hbm4b:s31+s3], $0x80, $0x38;
	[tilespmem:$0x17980] =	vst v63  }
0xc5: {  	p3 =	sne.s32 s30, $0x4D00;
	_ =	swait.ge [sflag:s22], $0x80  }
0xc6: {  	[sflag:s22] =	ssyncset.done $0x0  }
0xc7: {  	[sflag:s22] =	ssyncadd.s32 $0xFFFFFF80  }
0xc8: {  	[tilespmem:s23], [sflag:$0x1] =	stream.linear.gather [hbm4b:s28+s3], $0x4000, $0x38;
	[tilespmem:$0x17980] =	vst v63  }
0xc9: {  	_ =	swait.ge [sflag:s22], $0x4000  }
.Ltmp7:
0xca: {  	[sflag:s22] =	ssyncset.done $0x0;
	(pc) =	sbr.rel @p3 .LBB2_3-.Ltmp7, $4  }
0xcb: {  	[sflag:s22] =	ssyncadd.s32 $0xFFFFC000  }
0xcc: {  	[spmem:s1] =	stream.indirect.scatter.add.f32 [tilespmem:s23], [sflag:$0x1], $0x80, s3, s24, $0xb8;
	[tilespmem:$0x17980] =	vst v63  }
0xcd: {  	_ =	swait.ge [sflag:s22], $0x4000  }
0xce: {  	s30 =	smov.u32 s0;
	s28 =	sadd.s32 $0x8000, s28;
	[sflag:s22] =	ssyncset.done $0x0  }
0xcf: {  	s0 =	sadd.s32 s29, s19;
	[sflag:s22] =	ssyncadd.s32 $0xFFFFC000  }
0xd0: {  	[tilespmem:s3], [sflag:$0x1] =	stream.linear.gather [hbm4b:s0+s3], $0x80, $0x38;
	[tilespmem:$0x17980] =	vst v63  }
0xd1: {  	_ =	swait.ge [sflag:s22], $0x80  }
0xd2: {  	[sflag:s22] =	ssyncset.done $0x0  }
0xd3: {  	[sflag:s22] =	ssyncadd.s32 $0xFFFFFF80  }
0xd4: {  	[tilespmem:s23], [sflag:$0x1] =	stream.linear.gather [hbm4b:s28+s3], $0x4000, $0x38;
	[tilespmem:$0x17980] =	vst v63  }
0xd5: {  	_ =	swait.ge [sflag:s22], $0x4000  }
0xd6: {  	[sflag:s22] =	ssyncset.done $0x0  }
0xd7: {  	[sflag:s22] =	ssyncadd.s32 $0xFFFFC000  }
0xd8: {  	[spmem:s1] =	stream.indirect.scatter.add.f32 [tilespmem:s23], [sflag:$0x1], $0x80, s3, s24, $0xb8;
	[tilespmem:$0x17980] =	vst v63  }
0xd9: {  	_ =	swait.ge [sflag:s22], $0x4000  }
0xda: {  	[sflag:s22] =	ssyncset.done $0x0  }
0xdb: {  	s0 =	simm.s32 @!p1 $0x0;
	s28 =	simm.s32 @!p1 $0x1;
	[sflag:s22] =	ssyncadd.s32 $0xFFFFC000  }
0xdc: {  	[tilespmem:s0], [sflag:$0x1] =	stream.linear.gather @!p1 [hbm4b:s6+s0], $0x80, $0x38;
	[tilespmem:$0x17980] =	vst v63  }
0xdd: {  	_ =	swait.ge @!p1 [sflag:s28], $0x80  }
0xde: {  	[sflag:s28] =	ssyncset.done @!p1 $0x0  }
0xdf: {  	s29 =	simm.s32 @!p1 $0x100;
	[sflag:s28] =	ssyncadd.s32 @!p1 $0xFFFFFF80  }
0xe0: {  	[tilespmem:s29], [sflag:$0x1] =	stream.linear.gather @!p1 [hbm4b:s7+s0], $0x4000, $0x38;
	[tilespmem:$0x17980] =	vst v63  }
0xe1: {  	_ =	swait.ge @!p1 [sflag:s28], $0x4000  }
0xe2: {  	[sflag:s28] =	ssyncset.done @!p1 $0x0  }
0xe3: {  	s30 =	simm.s32 @!p1 $0x80;
	[sflag:s28] =	ssyncadd.s32 @!p1 $0xFFFFC000  }
0xe4: {  	[spmem:s1] =	stream.indirect.scatter.add.f32 @!p1 [tilespmem:s29], [sflag:$0x1], $0x80, s0, s30, $0xb8;
	[tilespmem:$0x17980] =	vst v63  }
0xe5: {  	_ =	swait.ge @!p1 [sflag:s28], $0x4000  }
0xe6: {  	[sflag:s28] =	ssyncset.done @!p1 $0x0  }
0xe7: {  	[sflag:s28] =	ssyncadd.s32 @!p1 $0xFFFFC000  }
0xe8: {  	[bflag:$0x0] =	sbarrier.arrive $0xFFFF  }
0xe9: {  	[hbm:s8], [sflag:s17] =	dma.local [spmem:s26], $0x2780  }
0xea: {  	_ =	swait.ge [sflag:s22], $0x2780  }
0xeb: {  	[sflag:s22] =	ssyncset.done $0x0  }
0xec: {  	[sflag:s22] =	ssyncadd.s32 $0xFFFFD880  }
0xed: {  	s30 =	sshrl.u32 s9, $0x3;
	[bflag:$0x0] =	sbarrier.arrive $0xFFFF  }
0xee: {  	[spmem:s30], [sflag:s17] =	dma.local [hbm:s10], $0x1400  }
0xef: {  	_ =	swait.ge [sflag:s22], $0x1400  }
0xf0: {  	[sflag:s22] =	ssyncset.done $0x0  }
0xf1: {  	[sflag:s22] =	ssyncadd.s32 $0xFFFFEC00  }
0xf2: {  	s31 =	sadd.s32 $0x0, s19;
	[bflag:$0x0] =	sbarrier.arrive $0xFFFF  }
0xf3: {  	[tilespmem:s3], [sflag:$0x1] =	stream.linear.gather [hbm4b:s31+s3], $0x80, $0x38;
	[tilespmem:$0x17980] =	vst v63  }
0xf4: {  	_ =	swait.ge [sflag:s22], $0x80  }
0xf5: {  	[sflag:s22] =	ssyncset.done $0x0  }
0xf6: {  	[sflag:s22] =	ssyncadd.s32 $0xFFFFFF80  }
0xf7: {  	v1 =	vld [tilespmem:$0x50]  }
0xf8: {  	v2 =	vld [tilespmem:$0x30]  }
0xf9: {  	v3 =	vld [tilespmem:$0x20]  }
0xfa: {  	v4 =	vld [tilespmem:$0x10]  }
0xfb: {  	v5 =	vld [tilespmem:$0x40]  }
0xfc: {  	v6 =	vld [tilespmem:$0x0];
	v1 =	vsub.s32 v1, v0  }
0xfd: {  	v7 =	vld [tilespmem:$0x60];
	v2 =	vsub.s32 v2, v0;
	v1 =	vmin.u32 v1, $0x1388  }
0xfe: {  	v8 =	vld [tilespmem:$0x70];
	v3 =	vsub.s32 v3, v0;
	v2 =	vmin.u32 v2, $0x1388;
	[tilespmem:$0xD0] =	vst v1  }
0xff: {  	v3 =	vmin.u32 v3, $0x1388;
	v1 =	vsub.s32 v4, v0;
	[tilespmem:$0xB0] =	vst v2  }
0x100: {  	[tilespmem:$0xA0] =	vst v3;
	v2 =	vsub.s32 v5, v0;
	v1 =	vmin.u32 v1, $0x1388  }
0x101: {  	v3 =	vsub.s32 v6, v0;
	[tilespmem:$0x90] =	vst v1;
	v1 =	vmin.u32 v2, $0x1388  }
0x102: {  	v2 =	vmin.u32 v3, $0x1388;
	[tilespmem:$0xC0] =	vst v1;
	v1 =	vsub.s32 v7, v0  }
0x103: {  	s29 =	smov.u32 s20;
	s28 =	smov.u32 s20;
	s26 =	simm.s32 $0x100;
	[tilespmem:$0x80] =	vst v2;
	v2 =	vsub.s32 v8, v0;
	v1 =	vmin.u32 v1, $0x1388  }
.LBB2_5:
0x104: {  	p3 =	sne.s32 s26, $0x4D00  }
0x105: {  	[tilespmem:$0xE0] =	vst v1;
	v1 =	vmin.u32 v2, $0x1388;
	s29 =	sadd.s32 $0x8000, s29;
	s0 =	smov.u32 s26;
	s26 =	sadd.s32 $0x100, s26  }
0x106: {  	[tilespmem:$0xF0] =	vst v1  }
0x107: {  	[tilespmem:s23], [sflag:$0x1] =	stream.linear.gather [hbm4b:s28+s3], $0x4000, $0x38;
	[tilespmem:$0x17980] =	vst v63  }
0x108: {  	s28 =	smov.u32 s29;
	_ =	swait.ge [sflag:s22], $0x4000  }
0x109: {  	[sflag:s22] =	ssyncset.done $0x0  }
0x10a: {  	[sflag:s22] =	ssyncadd.s32 $0xFFFFC000  }
0x10b: {  	[spmem:s1] =	stream.indirect.scatter.add.f32 [tilespmem:s23], [sflag:$0x1], $0x80, s24, s24, $0xb8;
	[tilespmem:$0x17980] =	vst v63  }
0x10c: {  	s0 =	sadd.s32 s0, s19;
	_ =	swait.ge [sflag:s22], $0x4000  }
0x10d: {  	[sflag:s22] =	ssyncset.done $0x0  }
0x10e: {  	[sflag:s22] =	ssyncadd.s32 $0xFFFFC000  }
0x10f: {  	[tilespmem:s3], [sflag:$0x1] =	stream.linear.gather [hbm4b:s0+s3], $0x80, $0x38;
	[tilespmem:$0x17980] =	vst v63  }
0x110: {  	_ =	swait.ge [sflag:s22], $0x80  }
0x111: {  	[sflag:s22] =	ssyncset.done $0x0  }
0x112: {  	[sflag:s22] =	ssyncadd.s32 $0xFFFFFF80  }
0x113: {  	v1 =	vld [tilespmem:$0x50]  }
0x114: {  	v2 =	vld [tilespmem:$0x30]  }
0x115: {  	v3 =	vld [tilespmem:$0x20]  }
0x116: {  	v4 =	vld [tilespmem:$0x10]  }
0x117: {  	v5 =	vld [tilespmem:$0x40]  }
0x118: {  	v6 =	vld [tilespmem:$0x0];
	v1 =	vsub.s32 v1, v0  }
0x119: {  	v2 =	vsub.s32 v2, v0;
	v1 =	vmin.u32 v1, $0x1388;
	v7 =	vld [tilespmem:$0x60]  }
0x11a: {  	v3 =	vsub.s32 v3, v0;
	v2 =	vmin.u32 v2, $0x1388;
	[tilespmem:$0xD0] =	vst v1;
	v8 =	vld [tilespmem:$0x70]  }
.Ltmp8:
0x11b: {  	v1 =	vsub.s32 v4, v0;
	v3 =	vmin.u32 v3, $0x1388;
	[tilespmem:$0xB0] =	vst v2;
	(pc) =	sbr.rel @p3 .LBB2_5-.Ltmp8, $4  }
0x11c: {  	v1 =	vmin.u32 v1, $0x1388;
	[tilespmem:$0xA0] =	vst v3;
	v2 =	vsub.s32 v5, v0  }
0x11d: {  	v3 =	vsub.s32 v6, v0;
	[tilespmem:$0x90] =	vst v1;
	v1 =	vmin.u32 v2, $0x1388  }
0x11e: {  	v2 =	vmin.u32 v3, $0x1388;
	[tilespmem:$0xC0] =	vst v1;
	v1 =	vsub.s32 v7, v0  }
0x11f: {  	[tilespmem:$0x80] =	vst v2;
	v1 =	vmin.u32 v1, $0x1388;
	v2 =	vsub.s32 v8, v0  }
0x120: {  	[tilespmem:$0xE0] =	vst v1;
	v1 =	vmin.u32 v2, $0x1388  }
0x121: {  	[tilespmem:$0xF0] =	vst v1  }
0x122: {  	[tilespmem:s23], [sflag:$0x1] =	stream.linear.gather [hbm4b:s28+s3], $0x4000, $0x38;
	[tilespmem:$0x17980] =	vst v63  }
0x123: {  	_ =	swait.ge [sflag:s22], $0x4000  }
0x124: {  	[sflag:s22] =	ssyncset.done $0x0  }
0x125: {  	[sflag:s22] =	ssyncadd.s32 $0xFFFFC000  }
0x126: {  	[spmem:s1] =	stream.indirect.scatter.add.f32 [tilespmem:s23], [sflag:$0x1], $0x80, s24, s24, $0xb8;
	[tilespmem:$0x17980] =	vst v63  }
.Ltmp9:
0x127: {  	_ = 	snop;
	(pc) =	sbr.rel @p2 .LBB2_12-.Ltmp9, $4  }
.Ltmp10:
0x128: {  	_ = 	snop;
	(pc) =	sbr.rel @!p2 .LBB2_13-.Ltmp10, $4  }
0x129: {  	_ =	swait.ge [sflag:s22], $0x4000  }
0x12a: {  	[sflag:s22] =	ssyncset.done $0x0  }
0x12b: {  	s26 =	smov.u32 s12;
	[sflag:s22] =	ssyncadd.s32 $0xFFFFC000  }
0x12c: {  	_ = 	snop  }
.LBB2_14:
0x12d: {  	_ =	sfence.sel $0x180000  }
0x12e: {  	[bflag:$0x0] =	sbarrier.arrive $0xFFFF  }
0x12f: {  	_ =	strace $0x90000050  }
0x130: {  	[bflag:$0x2] =	sbarrier.arrive $0xFFFF  }
0x131: {  	p0 =	sne.s32 s2, $0x0;
	s0 =	rddreg [dreg:$0x3]  }
0x132: {  	s0 =	sadd.s32 @!p0 $0x100000, s0  }
0x133: {  	[sflag:s0] =	ssyncadd.tile.s32 @!p0 $0x1;
	_ =	shalt  }
.Lfunc_end2:
_tile_overlayer_lowered:
.L_overlay_start_2:
0x134: {  	(tag) =	ssettag $0x2  }
0x135: {  	s0 =	rddreg [dreg:$0x0];
	s2 =	stileid.u32  }
0x136: {  	s1 =	rddreg [dreg:$0x1];
	p0 =	sne.s32 s2, $0x0  }
0x137: {  	s3 =	rddreg [dreg:$0x2];
	[bflag:$0x3] =	sbarrier.arrive $0xFFFF;
	s2 =	simm.s32 @!p0 $0x1C01  }
0x138: {  	[timem:s3], [sflag:s2] =	dma.local @!p0 [hbm:s0], s1  }
0x139: {  	s0 =	simm.s32 @!p0 $0x1  }
0x13a: {  	_ =	swait.ge @!p0 [sflag:s0], s1  }
0x13b: {  	s1 =	ssub.s32 @!p0 $0x0, s1;
	[sflag:s0] =	ssyncset.done @!p0 $0x0  }
0x13c: {  	[sflag:s0] =	ssyncadd.s32 @!p0 s1  }
0x13d: {  	[bflag:$0x3] =	sbarrier.arrive $0xFFFF  }
0x13e: {  	_ =	shalt  }

</sc_bundles>
